<compile_context>
chip_gen: v7x
topology: tpu7x:2x2x1
jax: 0.10.2.dev20260603
libtpu: 0.0.44.dev20260713+nightly
codegen_flags: <defaults>
</compile_context>

<pallas_src>
import functools

import jax
import jax.numpy as jnp
from jax import lax
from jax.experimental import pallas as pl
from jax.experimental.pallas import tpu as pltpu
from jax.experimental.pallas import tpu_sc as plsc

BATCH = 16384
DIM = 32
NW = 32
BPW = BATCH // NW
NCHUNK = 4
CHUNK = BPW // NCHUNK

NROWS = 1000000
RCH = 1024
NPAN = NROWS // RCH + 1
TAIL = NROWS - (NPAN - 1) * RCH
KMAX = -(-NPAN // NW)


def _repack_body(Ut_h, It_h, Urm_h, Irm_h, stag, rows2, sem):
    cid = lax.axis_index("c")
    sid = lax.axis_index("s")
    wid = sid * 2 + cid

    lanes = lax.iota(jnp.int32, 16)

    def transpose_groups(ngrp):
        def g_body(g, _):
            row = g * 16 + lanes
            for d in range(DIM):
                vals = stag[d, pl.ds(g * 16, 16)]
                col = (lanes + d) & (DIM - 1)
                plsc.store_scatter(rows2, [row, col], vals)
            return 0

        lax.fori_loop(0, ngrp, g_body, 0)

    for src_h, dst_h in ((Ut_h, Urm_h), (It_h, Irm_h)):

        def k_body(k, _):
            c = wid + k * NW
            off = c * RCH

            @pl.when(c < NPAN - 1)
            def _full():
                pltpu.sync_copy(src_h.at[:, pl.ds(off, RCH)], stag)
                transpose_groups(RCH // 16)
                pltpu.sync_copy(rows2, dst_h.at[pl.ds(off, RCH)])

            @pl.when(c == NPAN - 1)
            def _tail():
                pltpu.sync_copy(src_h.at[:, pl.ds(off, TAIL)],
                                stag.at[:, pl.ds(0, TAIL)])
                transpose_groups(TAIL // 16)
                pltpu.sync_copy(rows2.at[pl.ds(0, TAIL)],
                                dst_h.at[pl.ds(off, TAIL)])

            return 0

        lax.fori_loop(0, KMAX, k_body, 0)


def _bpr_body(user_h, item_i_h, item_j_h, ulane_h, ilane_h, jlane_h,
              U_h, I_h, out_h,
              uidx, iidx, jidx, ulane, ilane, jlane,
              urows, iirows, ijrows, outv, sem):
    cid = lax.axis_index("c")
    sid = lax.axis_index("s")
    wid = sid * 2 + cid
    base = wid * BPW

    pltpu.sync_copy(user_h.at[wid], uidx)
    pltpu.sync_copy(item_i_h.at[wid], iidx)
    pltpu.sync_copy(item_j_h.at[wid], jidx)
    pltpu.sync_copy(ulane_h.at[wid], ulane)
    pltpu.sync_copy(ilane_h.at[wid], ilane)
    pltpu.sync_copy(jlane_h.at[wid], jlane)

    copies = []
    for ch in range(NCHUNK):
        dst = pl.ds(ch * CHUNK, CHUNK)
        copies.append(pltpu.async_copy(U_h.at[uidx.at[ch]], urows.at[dst], sem))
        copies.append(pltpu.async_copy(I_h.at[iidx.at[ch]], iirows.at[dst], sem))
        copies.append(pltpu.async_copy(I_h.at[jidx.at[ch]], ijrows.at[dst], sem))
    for c in copies:
        c.wait()

    lanes = lax.iota(jnp.int32, 16)

    def group_body(g, _):
        row = g * 16 + lanes
        b16 = pl.ds(g * 16, 16)
        ul = ulane[b16]
        il = ilane[b16]
        jl = jlane[b16]

        def d_step(d, acc):
            u = plsc.load_gather(urows, [row, (ul + d) & (DIM - 1)])
            ei = plsc.load_gather(iirows, [row, (il + d) & (DIM - 1)])
            ej = plsc.load_gather(ijrows, [row, (jl + d) & (DIM - 1)])
            return acc + u * (ei - ej)

        acc = lax.fori_loop(0, DIM, d_step, jnp.zeros((16,), jnp.float32))
        outv[pl.ds(g * 16, 16)] = acc
        return 0

    lax.fori_loop(0, BPW // 16, group_body, 0)

    pltpu.sync_copy(outv, out_h.at[pl.ds(base, BPW)])


_SC_PARAMS = pltpu.CompilerParams(
    needs_layout_passes=False, use_tc_tiling_on_sc=False
)


@jax.jit
def kernel(user, item_i, item_j, U, I):
    user = user.astype(jnp.int32)
    item_i = item_i.astype(jnp.int32)
    item_j = item_j.astype(jnp.int32)
    user3 = user.reshape(NW, NCHUNK, CHUNK)
    item_i3 = item_i.reshape(NW, NCHUNK, CHUNK)
    item_j3 = item_j.reshape(NW, NCHUNK, CHUNK)
    ulane2 = (user & 15).reshape(NW, BPW)
    ilane2 = (item_i & 15).reshape(NW, BPW)
    jlane2 = (item_j & 15).reshape(NW, BPW)

    mesh = plsc.VectorSubcoreMesh(core_axis_name="c", subcore_axis_name="s")

    repack = functools.partial(
        pl.kernel,
        out_type=(
            jax.ShapeDtypeStruct((NROWS, DIM), jnp.float32),
            jax.ShapeDtypeStruct((NROWS, DIM), jnp.float32),
        ),
        mesh=mesh,
        compiler_params=_SC_PARAMS,
        scratch_types=[
            pltpu.VMEM((DIM, RCH), jnp.float32),
            pltpu.VMEM((RCH, DIM), jnp.float32),
            pltpu.SemaphoreType.DMA,
        ],
    )(_repack_body)
    Urm, Irm = repack(U.T, I.T)

    gather = functools.partial(
        pl.kernel,
        out_type=jax.ShapeDtypeStruct((BATCH,), jnp.float32),
        mesh=mesh,
        compiler_params=_SC_PARAMS,
        scratch_types=[
            pltpu.VMEM((NCHUNK, CHUNK), jnp.int32),
            pltpu.VMEM((NCHUNK, CHUNK), jnp.int32),
            pltpu.VMEM((NCHUNK, CHUNK), jnp.int32),
            pltpu.VMEM((BPW,), jnp.int32),
            pltpu.VMEM((BPW,), jnp.int32),
            pltpu.VMEM((BPW,), jnp.int32),
            pltpu.VMEM((BPW, DIM), jnp.float32),
            pltpu.VMEM((BPW, DIM), jnp.float32),
            pltpu.VMEM((BPW, DIM), jnp.float32),
            pltpu.VMEM((BPW,), jnp.float32),
            pltpu.SemaphoreType.DMA,
        ],
    )(_bpr_body)
    return gather(user3, item_i3, item_j3, ulane2, ilane2, jlane2, Urm, Irm)

# --- scband reference (transcript-rebuilt; emitter-appended) ---
"""Pipeline reference for scband-bpr-52106543235728 (READ-ONLY COPY).

The authoritative reference and input builder live on the scoring server;
editing this copy changes nothing except your own understanding.
"""

import jax, jax.numpy as jnp
import numpy as np

NUM_USERS = 1000000
NUM_ITEMS = 1000000
LATENT_DIM = 32
BATCH = 16384


def setup_inputs(seed: int = 0) -> dict:
    key = jax.random.key(seed)
    k1, k2, k3, k4, k5 = jax.random.split(key, 5)
    user = jax.random.randint(k1, (BATCH,), 0, NUM_USERS, dtype=jnp.int64 if jax.config.jax_enable_x64 else jnp.int32)
    item_i = jax.random.randint(k2, (BATCH,), 0, NUM_ITEMS, dtype=jnp.int64 if jax.config.jax_enable_x64 else jnp.int32)
    item_j = jax.random.randint(k3, (BATCH,), 0, NUM_ITEMS, dtype=jnp.int64 if jax.config.jax_enable_x64 else jnp.int32)
    U = jax.random.normal(k4, (NUM_USERS, LATENT_DIM), dtype=jnp.float32)
    I = jax.random.normal(k5, (NUM_ITEMS, LATENT_DIM), dtype=jnp.float32)
    return {"user": user, "item_i": item_i, "item_j": item_j, "U": U, "I": I}


def reference(user, item_i, item_j, U, I):
    user_embedding = jnp.take(U, user, axis=0)
    item_i_embedding = jnp.take(I, item_i, axis=0)
    item_j_embedding = jnp.take(I, item_j, axis=0)
    x_uij = jnp.sum(user_embedding * item_i_embedding, axis=1) - jnp.sum(user_embedding * item_j_embedding, axis=1)
    return x_uij

if __name__ == "__main__":
    import jax
    _d = setup_inputs()
    print(jax.jit(kernel)(*tuple(_d.values())))

</pallas_src>

<mosaic_0001>
#map = affine_map<(d0, d1) -> (0, 0)>
module attributes {stable_mosaic.version = 14 : i64} {
  func.func @_repack_body(%arg0: i32, %arg1: i32, %arg2: memref<32x1000000xf32, #tpu.memory_space<hbm>>, %arg3: memref<32x1000000xf32, #tpu.memory_space<hbm>>, %arg4: memref<1000000x32xf32, #tpu.memory_space<hbm>>, %arg5: memref<1000000x32xf32, #tpu.memory_space<hbm>>, %arg6: memref<32x1024xf32, #tpu.memory_space<vmem>>, %arg7: memref<1024x32xf32, #tpu.memory_space<vmem>>, %arg8: memref<!tpu.dma_semaphore, #tpu.memory_space<semaphore_mem>>) attributes {dimension_semantics = [#tpu.dimension_semantics<core_parallel>, #tpu.dimension_semantics<subcore_parallel>], iteration_bounds = array<i64: 2, 16>, scalar_prefetch = 0 : i64, scratch_operands = 3 : i64, tpu.core_type = #tpu.core_type<sc_vector_subcore>, window_params = [{transform_indices = #map}, {transform_indices = #map}, {transform_indices = #map}, {transform_indices = #map}]} {
    %mul3A = arith.constant 2 : i32
    %mul3A_0 = arith.muli %arg1, %mul3A : i32
    %add3A = arith.addi %mul3A_0, %arg0 : i32
    %iota3A = tpu.iota {dimensions = array<i32: 0>} : vector<16xi32>
    %scan3A = arith.constant 0 : i32
    %scan3A_1 = arith.constant 0 : i32
    %scan3A_2 = arith.constant 31 : i32
    %scan3A_3 = arith.addi %scan3A_1, %scan3A_2 : i32
    %scan3A_4 = arith.constant 1 : i32
    %scan3A_5 = scf.for %scan3A_14 = %scan3A_1 to %scan3A_3 step %scan3A_4 iter_args(%scan3A_15 = %scan3A) -> (i32)  : i32 {
      %mul3A_16 = arith.constant 32 : i32
      %mul3A_17 = arith.muli %scan3A_14, %mul3A_16 : i32
      %add3A_18 = arith.addi %add3A, %mul3A_17 : i32
      %mul3A_19 = arith.constant 1024 : i32
      %mul3A_20 = arith.muli %add3A_18, %mul3A_19 : i32
      %lt3A = arith.constant 976 : i32
      %lt3A_21 = arith.cmpi slt, %add3A_18, %lt3A : i32
      %convert_element_type3A = arith.extui %lt3A_21 : i1 to i32
      %cond3A = arith.constant 0 : i32
      %cond3A_22 = arith.cmpi ne, %convert_element_type3A, %cond3A : i32
      scf.if %cond3A_22 {
        "tpu.region"() ({
          %run_scoped3A = tpu.sem_alloc : memref<!tpu.dma_semaphore, #tpu.memory_space<semaphore_mem>>
          %dma_start3A = arith.constant 0 : i32
          %dma_start3A_35 = tpu.memref_slice %arg2[%dma_start3A, %mul3A_20] : memref<32x1000000xf32, #tpu.memory_space<hbm>> -> memref<32x1024xf32, #tpu.memory_space<hbm>>
          %dma_start3A_36 = arith.constant 0 : i32
          %dma_start3A_37 = tpu.memref_slice %arg2[%dma_start3A_36, %mul3A_20] : memref<32x1000000xf32, #tpu.memory_space<hbm>> -> memref<32x1024xf32, #tpu.memory_space<hbm>>
          tpu.enqueue_dma source(%dma_start3A_37 : memref<32x1024xf32, #tpu.memory_space<hbm>>) target(%arg6 : memref<32x1024xf32, #tpu.memory_space<vmem>>) target_semaphore(%run_scoped3A : memref<!tpu.dma_semaphore, #tpu.memory_space<semaphore_mem>>)
          %dma_wait3A = arith.constant 0 : i32
          %dma_wait3A_38 = tpu.memref_slice %arg2[%dma_wait3A, %mul3A_20] : memref<32x1000000xf32, #tpu.memory_space<hbm>> -> memref<32x1024xf32, #tpu.memory_space<hbm>>
          %dma_wait3A_39 = arith.constant 0 : i32
          %dma_wait3A_40 = tpu.memref_slice %arg2[%dma_wait3A_39, %mul3A_20] : memref<32x1000000xf32, #tpu.memory_space<hbm>> -> memref<32x1024xf32, #tpu.memory_space<hbm>>
          tpu.wait_dma2 semaphore(%run_scoped3A : memref<!tpu.dma_semaphore, #tpu.memory_space<semaphore_mem>>) src(%dma_wait3A_40 : memref<32x1024xf32, #tpu.memory_space<hbm>>) dst(%arg6 : memref<32x1024xf32, #tpu.memory_space<vmem>>)
          tpu.yield
        }) : () -> ()
        %scan3A_28 = arith.constant 0 : i32
        %scan3A_29 = arith.constant 0 : i32
        %scan3A_30 = arith.constant 64 : i32
        %scan3A_31 = arith.addi %scan3A_29, %scan3A_30 : i32
        %scan3A_32 = arith.constant 1 : i32
        %scan3A_33 = scf.for %scan3A_35 = %scan3A_29 to %scan3A_31 step %scan3A_32 iter_args(%scan3A_36 = %scan3A_28) -> (i32)  : i32 {
          %mul3A_37 = arith.constant 16 : i32
          %mul3A_38 = arith.muli %scan3A_35, %mul3A_37 : i32
          %add3A_39 = vector.broadcast %mul3A_38 : i32 to vector<16xi32>
          %add3A_40 = arith.addi %add3A_39, %iota3A : vector<16xi32>
          %mul3A_41 = arith.constant 16 : i32
          %mul3A_42 = arith.muli %scan3A_35, %mul3A_41 : i32
          %get3A = arith.constant 0 : i32
          %get3A_43 = arith.index_cast %get3A : i32 to index
          %get3A_44 = arith.index_cast %mul3A_42 : i32 to index
          %get3A_45 = tpu.vector_load %arg6[%get3A_43, %get3A_44] {strides = array<i32>} : memref<32x1024xf32, #tpu.memory_space<vmem>>, vector<16xf32>,
          %add3A_46 = arith.constant 0 : i32
          %add3A_47 = vector.broadcast %add3A_46 : i32 to vector<16xi32>
          %add3A_48 = arith.addi %iota3A, %add3A_47 : vector<16xi32>
          %and3A = arith.constant 31 : i32
          %and3A_49 = vector.broadcast %and3A : i32 to vector<16xi32>
          %and3A_50 = arith.andi %add3A_48, %and3A_49 : vector<16xi32>
          tpu.vector_store_idx %arg7[%add3A_40, %and3A_50], %get3A_45 : memref<1024x32xf32, #tpu.memory_space<vmem>>[vector<16xi32>, vector<16xi32>], vector<16xf32>,
          %mul3A_51 = arith.constant 16 : i32
          %mul3A_52 = arith.muli %scan3A_35, %mul3A_51 : i32
          %get3A_53 = arith.constant 1 : i32
          %get3A_54 = arith.index_cast %get3A_53 : i32 to index
          %get3A_55 = arith.index_cast %mul3A_52 : i32 to index
          %get3A_56 = tpu.vector_load %arg6[%get3A_54, %get3A_55] {strides = array<i32>} : memref<32x1024xf32, #tpu.memory_space<vmem>>, vector<16xf32>,
          %add3A_57 = arith.constant 1 : i32
          %add3A_58 = vector.broadcast %add3A_57 : i32 to vector<16xi32>
          %add3A_59 = arith.addi %iota3A, %add3A_58 : vector<16xi32>
          %and3A_60 = arith.constant 31 : i32
          %and3A_61 = vector.broadcast %and3A_60 : i32 to vector<16xi32>
          %and3A_62 = arith.andi %add3A_59, %and3A_61 : vector<16xi32>
          tpu.vector_store_idx %arg7[%add3A_40, %and3A_62], %get3A_56 : memref<1024x32xf32, #tpu.memory_space<vmem>>[vector<16xi32>, vector<16xi32>], vector<16xf32>,
          %mul3A_63 = arith.constant 16 : i32
          %mul3A_64 = arith.muli %scan3A_35, %mul3A_63 : i32
          %get3A_65 = arith.constant 2 : i32
          %get3A_66 = arith.index_cast %get3A_65 : i32 to index
          %get3A_67 = arith.index_cast %mul3A_64 : i32 to index
          %get3A_68 = tpu.vector_load %arg6[%get3A_66, %get3A_67] {strides = array<i32>} : memref<32x1024xf32, #tpu.memory_space<vmem>>, vector<16xf32>,
          %add3A_69 = arith.constant 2 : i32
          %add3A_70 = vector.broadcast %add3A_69 : i32 to vector<16xi32>
          %add3A_71 = arith.addi %iota3A, %add3A_70 : vector<16xi32>
          %and3A_72 = arith.constant 31 : i32
          %and3A_73 = vector.broadcast %and3A_72 : i32 to vector<16xi32>
          %and3A_74 = arith.andi %add3A_71, %and3A_73 : vector<16xi32>
          tpu.vector_store_idx %arg7[%add3A_40, %and3A_74], %get3A_68 : memref<1024x32xf32, #tpu.memory_space<vmem>>[vector<16xi32>, vector<16xi32>], vector<16xf32>,
          %mul3A_75 = arith.constant 16 : i32
          %mul3A_76 = arith.muli %scan3A_35, %mul3A_75 : i32
          %get3A_77 = arith.constant 3 : i32
          %get3A_78 = arith.index_cast %get3A_77 : i32 to index
          %get3A_79 = arith.index_cast %mul3A_76 : i32 to index
          %get3A_80 = tpu.vector_load %arg6[%get3A_78, %get3A_79] {strides = array<i32>} : memref<32x1024xf32, #tpu.memory_space<vmem>>, vector<16xf32>,
          %add3A_81 = arith.constant 3 : i32
          %add3A_82 = vector.broadcast %add3A_81 : i32 to vector<16xi32>
          %add3A_83 = arith.addi %iota3A, %add3A_82 : vector<16xi32>
          %and3A_84 = arith.constant 31 : i32
          %and3A_85 = vector.broadcast %and3A_84 : i32 to vector<16xi32>
          %and3A_86 = arith.andi %add3A_83, %and3A_85 : vector<16xi32>
          tpu.vector_store_idx %arg7[%add3A_40, %and3A_86], %get3A_80 : memref<1024x32xf32, #tpu.memory_space<vmem>>[vector<16xi32>, vector<16xi32>], vector<16xf32>,
          %mul3A_87 = arith.constant 16 : i32
          %mul3A_88 = arith.muli %scan3A_35, %mul3A_87 : i32
          %get3A_89 = arith.constant 4 : i32
          %get3A_90 = arith.index_cast %get3A_89 : i32 to index
          %get3A_91 = arith.index_cast %mul3A_88 : i32 to index
          %get3A_92 = tpu.vector_load %arg6[%get3A_90, %get3A_91] {strides = array<i32>} : memref<32x1024xf32, #tpu.memory_space<vmem>>, vector<16xf32>,
          %add3A_93 = arith.constant 4 : i32
          %add3A_94 = vector.broadcast %add3A_93 : i32 to vector<16xi32>
          %add3A_95 = arith.addi %iota3A, %add3A_94 : vector<16xi32>
          %and3A_96 = arith.constant 31 : i32
          %and3A_97 = vector.broadcast %and3A_96 : i32 to vector<16xi32>
          %and3A_98 = arith.andi %add3A_95, %and3A_97 : vector<16xi32>
          tpu.vector_store_idx %arg7[%add3A_40, %and3A_98], %get3A_92 : memref<1024x32xf32, #tpu.memory_space<vmem>>[vector<16xi32>, vector<16xi32>], vector<16xf32>,
          %mul3A_99 = arith.constant 16 : i32
          %mul3A_100 = arith.muli %scan3A_35, %mul3A_99 : i32
          %get3A_101 = arith.constant 5 : i32
          %get3A_102 = arith.index_cast %get3A_101 : i32 to index
          %get3A_103 = arith.index_cast %mul3A_100 : i32 to index
          %get3A_104 = tpu.vector_load %arg6[%get3A_102, %get3A_103] {strides = array<i32>} : memref<32x1024xf32, #tpu.memory_space<vmem>>, vector<16xf32>,
          %add3A_105 = arith.constant 5 : i32
          %add3A_106 = vector.broadcast %add3A_105 : i32 to vector<16xi32>
          %add3A_107 = arith.addi %iota3A, %add3A_106 : vector<16xi32>
          %and3A_108 = arith.constant 31 : i32
          %and3A_109 = vector.broadcast %and3A_108 : i32 to vector<16xi32>
          %and3A_110 = arith.andi %add3A_107, %and3A_109 : vector<16xi32>
          tpu.vector_store_idx %arg7[%add3A_40, %and3A_110], %get3A_104 : memref<1024x32xf32, #tpu.memory_space<vmem>>[vector<16xi32>, vector<16xi32>], vector<16xf32>,
          %mul3A_111 = arith.constant 16 : i32
          %mul3A_112 = arith.muli %scan3A_35, %mul3A_111 : i32
          %get3A_113 = arith.constant 6 : i32
          %get3A_114 = arith.index_cast %get3A_113 : i32 to index
          %get3A_115 = arith.index_cast %mul3A_112 : i32 to index
          %get3A_116 = tpu.vector_load %arg6[%get3A_114, %get3A_115] {strides = array<i32>} : memref<32x1024xf32, #tpu.memory_space<vmem>>, vector<16xf32>,
          %add3A_117 = arith.constant 6 : i32
          %add3A_118 = vector.broadcast %add3A_117 : i32 to vector<16xi32>
          %add3A_119 = arith.addi %iota3A, %add3A_118 : vector<16xi32>
          %and3A_120 = arith.constant 31 : i32
          %and3A_121 = vector.broadcast %and3A_120 : i32 to vector<16xi32>
          %and3A_122 = arith.andi %add3A_119, %and3A_121 : vector<16xi32>
          tpu.vector_store_idx %arg7[%add3A_40, %and3A_122], %get3A_116 : memref<1024x32xf32, #tpu.memory_space<vmem>>[vector<16xi32>, vector<16xi32>], vector<16xf32>,
          %mul3A_123 = arith.constant 16 : i32
          %mul3A_124 = arith.muli %scan3A_35, %mul3A_123 : i32
          %get3A_125 = arith.constant 7 : i32
          %get3A_126 = arith.index_cast %get3A_125 : i32 to index
          %get3A_127 = arith.index_cast %mul3A_124 : i32 to index
          %get3A_128 = tpu.vector_load %arg6[%get3A_126, %get3A_127] {strides = array<i32>} : memref<32x1024xf32, #tpu.memory_space<vmem>>, vector<16xf32>,
          %add3A_129 = arith.constant 7 : i32
          %add3A_130 = vector.broadcast %add3A_129 : i32 to vector<16xi32>
          %add3A_131 = arith.addi %iota3A, %add3A_130 : vector<16xi32>
          %and3A_132 = arith.constant 31 : i32
          %and3A_133 = vector.broadcast %and3A_132 : i32 to vector<16xi32>
          %and3A_134 = arith.andi %add3A_131, %and3A_133 : vector<16xi32>
          tpu.vector_store_idx %arg7[%add3A_40, %and3A_134], %get3A_128 : memref<1024x32xf32, #tpu.memory_space<vmem>>[vector<16xi32>, vector<16xi32>], vector<16xf32>,
          %mul3A_135 = arith.constant 16 : i32
          %mul3A_136 = arith.muli %scan3A_35, %mul3A_135 : i32
          %get3A_137 = arith.constant 8 : i32
          %get3A_138 = arith.index_cast %get3A_137 : i32 to index
          %get3A_139 = arith.index_cast %mul3A_136 : i32 to index
          %get3A_140 = tpu.vector_load %arg6[%get3A_138, %get3A_139] {strides = array<i32>} : memref<32x1024xf32, #tpu.memory_space<vmem>>, vector<16xf32>,
          %add3A_141 = arith.constant 8 : i32
          %add3A_142 = vector.broadcast %add3A_141 : i32 to vector<16xi32>
          %add3A_143 = arith.addi %iota3A, %add3A_142 : vector<16xi32>
          %and3A_144 = arith.constant 31 : i32
          %and3A_145 = vector.broadcast %and3A_144 : i32 to vector<16xi32>
          %and3A_146 = arith.andi %add3A_143, %and3A_145 : vector<16xi32>
          tpu.vector_store_idx %arg7[%add3A_40, %and3A_146], %get3A_140 : memref<1024x32xf32, #tpu.memory_space<vmem>>[vector<16xi32>, vector<16xi32>], vector<16xf32>,
          %mul3A_147 = arith.constant 16 : i32
          %mul3A_148 = arith.muli %scan3A_35, %mul3A_147 : i32
          %get3A_149 = arith.constant 9 : i32
          %get3A_150 = arith.index_cast %get3A_149 : i32 to index
          %get3A_151 = arith.index_cast %mul3A_148 : i32 to index
          %get3A_152 = tpu.vector_load %arg6[%get3A_150, %get3A_151] {strides = array<i32>} : memref<32x1024xf32, #tpu.memory_space<vmem>>, vector<16xf32>,
          %add3A_153 = arith.constant 9 : i32
          %add3A_154 = vector.broadcast %add3A_153 : i32 to vector<16xi32>
          %add3A_155 = arith.addi %iota3A, %add3A_154 : vector<16xi32>
          %and3A_156 = arith.constant 31 : i32
          %and3A_157 = vector.broadcast %and3A_156 : i32 to vector<16xi32>
          %and3A_158 = arith.andi %add3A_155, %and3A_157 : vector<16xi32>
          tpu.vector_store_idx %arg7[%add3A_40, %and3A_158], %get3A_152 : memref<1024x32xf32, #tpu.memory_space<vmem>>[vector<16xi32>, vector<16xi32>], vector<16xf32>,
          %mul3A_159 = arith.constant 16 : i32
          %mul3A_160 = arith.muli %scan3A_35, %mul3A_159 : i32
          %get3A_161 = arith.constant 10 : i32
          %get3A_162 = arith.index_cast %get3A_161 : i32 to index
          %get3A_163 = arith.index_cast %mul3A_160 : i32 to index
          %get3A_164 = tpu.vector_load %arg6[%get3A_162, %get3A_163] {strides = array<i32>} : memref<32x1024xf32, #tpu.memory_space<vmem>>, vector<16xf32>,
          %add3A_165 = arith.constant 10 : i32
          %add3A_166 = vector.broadcast %add3A_165 : i32 to vector<16xi32>
          %add3A_167 = arith.addi %iota3A, %add3A_166 : vector<16xi32>
          %and3A_168 = arith.constant 31 : i32
          %and3A_169 = vector.broadcast %and3A_168 : i32 to vector<16xi32>
          %and3A_170 = arith.andi %add3A_167, %and3A_169 : vector<16xi32>
          tpu.vector_store_idx %arg7[%add3A_40, %and3A_170], %get3A_164 : memref<1024x32xf32, #tpu.memory_space<vmem>>[vector<16xi32>, vector<16xi32>], vector<16xf32>,
          %mul3A_171 = arith.constant 16 : i32
          %mul3A_172 = arith.muli %scan3A_35, %mul3A_171 : i32
          %get3A_173 = arith.constant 11 : i32
          %get3A_174 = arith.index_cast %get3A_173 : i32 to index
          %get3A_175 = arith.index_cast %mul3A_172 : i32 to index
          %get3A_176 = tpu.vector_load %arg6[%get3A_174, %get3A_175] {strides = array<i32>} : memref<32x1024xf32, #tpu.memory_space<vmem>>, vector<16xf32>,
          %add3A_177 = arith.constant 11 : i32
          %add3A_178 = vector.broadcast %add3A_177 : i32 to vector<16xi32>
          %add3A_179 = arith.addi %iota3A, %add3A_178 : vector<16xi32>
          %and3A_180 = arith.constant 31 : i32
          %and3A_181 = vector.broadcast %and3A_180 : i32 to vector<16xi32>
          %and3A_182 = arith.andi %add3A_179, %and3A_181 : vector<16xi32>
          tpu.vector_store_idx %arg7[%add3A_40, %and3A_182], %get3A_176 : memref<1024x32xf32, #tpu.memory_space<vmem>>[vector<16xi32>, vector<16xi32>], vector<16xf32>,
          %mul3A_183 = arith.constant 16 : i32
          %mul3A_184 = arith.muli %scan3A_35, %mul3A_183 : i32
          %get3A_185 = arith.constant 12 : i32
          %get3A_186 = arith.index_cast %get3A_185 : i32 to index
          %get3A_187 = arith.index_cast %mul3A_184 : i32 to index
          %get3A_188 = tpu.vector_load %arg6[%get3A_186, %get3A_187] {strides = array<i32>} : memref<32x1024xf32, #tpu.memory_space<vmem>>, vector<16xf32>,
          %add3A_189 = arith.constant 12 : i32
          %add3A_190 = vector.broadcast %add3A_189 : i32 to vector<16xi32>
          %add3A_191 = arith.addi %iota3A, %add3A_190 : vector<16xi32>
          %and3A_192 = arith.constant 31 : i32
          %and3A_193 = vector.broadcast %and3A_192 : i32 to vector<16xi32>
          %and3A_194 = arith.andi %add3A_191, %and3A_193 : vector<16xi32>
          tpu.vector_store_idx %arg7[%add3A_40, %and3A_194], %get3A_188 : memref<1024x32xf32, #tpu.memory_space<vmem>>[vector<16xi32>, vector<16xi32>], vector<16xf32>,
          %mul3A_195 = arith.constant 16 : i32
          %mul3A_196 = arith.muli %scan3A_35, %mul3A_195 : i32
          %get3A_197 = arith.constant 13 : i32
          %get3A_198 = arith.index_cast %get3A_197 : i32 to index
          %get3A_199 = arith.index_cast %mul3A_196 : i32 to index
          %get3A_200 = tpu.vector_load %arg6[%get3A_198, %get3A_199] {strides = array<i32>} : memref<32x1024xf32, #tpu.memory_space<vmem>>, vector<16xf32>,
          %add3A_201 = arith.constant 13 : i32
          %add3A_202 = vector.broadcast %add3A_201 : i32 to vector<16xi32>
          %add3A_203 = arith.addi %iota3A, %add3A_202 : vector<16xi32>
          %and3A_204 = arith.constant 31 : i32
          %and3A_205 = vector.broadcast %and3A_204 : i32 to vector<16xi32>
          %and3A_206 = arith.andi %add3A_203, %and3A_205 : vector<16xi32>
          tpu.vector_store_idx %arg7[%add3A_40, %and3A_206], %get3A_200 : memref<1024x32xf32, #tpu.memory_space<vmem>>[vector<16xi32>, vector<16xi32>], vector<16xf32>,
          %mul3A_207 = arith.constant 16 : i32
          %mul3A_208 = arith.muli %scan3A_35, %mul3A_207 : i32
          %get3A_209 = arith.constant 14 : i32
          %get3A_210 = arith.index_cast %get3A_209 : i32 to index
          %get3A_211 = arith.index_cast %mul3A_208 : i32 to index
          %get3A_212 = tpu.vector_load %arg6[%get3A_210, %get3A_211] {strides = array<i32>} : memref<32x1024xf32, #tpu.memory_space<vmem>>, vector<16xf32>,
          %add3A_213 = arith.constant 14 : i32
          %add3A_214 = vector.broadcast %add3A_213 : i32 to vector<16xi32>
          %add3A_215 = arith.addi %iota3A, %add3A_214 : vector<16xi32>
          %and3A_216 = arith.constant 31 : i32
          %and3A_217 = vector.broadcast %and3A_216 : i32 to vector<16xi32>
          %and3A_218 = arith.andi %add3A_215, %and3A_217 : vector<16xi32>
          tpu.vector_store_idx %arg7[%add3A_40, %and3A_218], %get3A_212 : memref<1024x32xf32, #tpu.memory_space<vmem>>[vector<16xi32>, vector<16xi32>], vector<16xf32>,
          %mul3A_219 = arith.constant 16 : i32
          %mul3A_220 = arith.muli %scan3A_35, %mul3A_219 : i32
          %get3A_221 = arith.constant 15 : i32
          %get3A_222 = arith.index_cast %get3A_221 : i32 to index
          %get3A_223 = arith.index_cast %mul3A_220 : i32 to index
          %get3A_224 = tpu.vector_load %arg6[%get3A_222, %get3A_223] {strides = array<i32>} : memref<32x1024xf32, #tpu.memory_space<vmem>>, vector<16xf32>,
          %add3A_225 = arith.constant 15 : i32
          %add3A_226 = vector.broadcast %add3A_225 : i32 to vector<16xi32>
          %add3A_227 = arith.addi %iota3A, %add3A_226 : vector<16xi32>
          %and3A_228 = arith.constant 31 : i32
          %and3A_229 = vector.broadcast %and3A_228 : i32 to vector<16xi32>
          %and3A_230 = arith.andi %add3A_227, %and3A_229 : vector<16xi32>
          tpu.vector_store_idx %arg7[%add3A_40, %and3A_230], %get3A_224 : memref<1024x32xf32, #tpu.memory_space<vmem>>[vector<16xi32>, vector<16xi32>], vector<16xf32>,
          %mul3A_231 = arith.constant 16 : i32
          %mul3A_232 = arith.muli %scan3A_35, %mul3A_231 : i32
          %get3A_233 = arith.constant 16 : i32
          %get3A_234 = arith.index_cast %get3A_233 : i32 to index
          %get3A_235 = arith.index_cast %mul3A_232 : i32 to index
          %get3A_236 = tpu.vector_load %arg6[%get3A_234, %get3A_235] {strides = array<i32>} : memref<32x1024xf32, #tpu.memory_space<vmem>>, vector<16xf32>,
          %add3A_237 = arith.constant 16 : i32
          %add3A_238 = vector.broadcast %add3A_237 : i32 to vector<16xi32>
          %add3A_239 = arith.addi %iota3A, %add3A_238 : vector<16xi32>
          %and3A_240 = arith.constant 31 : i32
          %and3A_241 = vector.broadcast %and3A_240 : i32 to vector<16xi32>
          %and3A_242 = arith.andi %add3A_239, %and3A_241 : vector<16xi32>
          tpu.vector_store_idx %arg7[%add3A_40, %and3A_242], %get3A_236 : memref<1024x32xf32, #tpu.memory_space<vmem>>[vector<16xi32>, vector<16xi32>], vector<16xf32>,
          %mul3A_243 = arith.constant 16 : i32
          %mul3A_244 = arith.muli %scan3A_35, %mul3A_243 : i32
          %get3A_245 = arith.constant 17 : i32
          %get3A_246 = arith.index_cast %get3A_245 : i32 to index
          %get3A_247 = arith.index_cast %mul3A_244 : i32 to index
          %get3A_248 = tpu.vector_load %arg6[%get3A_246, %get3A_247] {strides = array<i32>} : memref<32x1024xf32, #tpu.memory_space<vmem>>, vector<16xf32>,
          %add3A_249 = arith.constant 17 : i32
          %add3A_250 = vector.broadcast %add3A_249 : i32 to vector<16xi32>
          %add3A_251 = arith.addi %iota3A, %add3A_250 : vector<16xi32>
          %and3A_252 = arith.constant 31 : i32
          %and3A_253 = vector.broadcast %and3A_252 : i32 to vector<16xi32>
          %and3A_254 = arith.andi %add3A_251, %and3A_253 : vector<16xi32>
          tpu.vector_store_idx %arg7[%add3A_40, %and3A_254], %get3A_248 : memref<1024x32xf32, #tpu.memory_space<vmem>>[vector<16xi32>, vector<16xi32>], vector<16xf32>,
          %mul3A_255 = arith.constant 16 : i32
          %mul3A_256 = arith.muli %scan3A_35, %mul3A_255 : i32
          %get3A_257 = arith.constant 18 : i32
          %get3A_258 = arith.index_cast %get3A_257 : i32 to index
          %get3A_259 = arith.index_cast %mul3A_256 : i32 to index
          %get3A_260 = tpu.vector_load %arg6[%get3A_258, %get3A_259] {strides = array<i32>} : memref<32x1024xf32, #tpu.memory_space<vmem>>, vector<16xf32>,
          %add3A_261 = arith.constant 18 : i32
          %add3A_262 = vector.broadcast %add3A_261 : i32 to vector<16xi32>
          %add3A_263 = arith.addi %iota3A, %add3A_262 : vector<16xi32>
          %and3A_264 = arith.constant 31 : i32
          %and3A_265 = vector.broadcast %and3A_264 : i32 to vector<16xi32>
          %and3A_266 = arith.andi %add3A_263, %and3A_265 : vector<16xi32>
          tpu.vector_store_idx %arg7[%add3A_40, %and3A_266], %get3A_260 : memref<1024x32xf32, #tpu.memory_space<vmem>>[vector<16xi32>, vector<16xi32>], vector<16xf32>,
          %mul3A_267 = arith.constant 16 : i32
          %mul3A_268 = arith.muli %scan3A_35, %mul3A_267 : i32
          %get3A_269 = arith.constant 19 : i32
          %get3A_270 = arith.index_cast %get3A_269 : i32 to index
          %get3A_271 = arith.index_cast %mul3A_268 : i32 to index
          %get3A_272 = tpu.vector_load %arg6[%get3A_270, %get3A_271] {strides = array<i32>} : memref<32x1024xf32, #tpu.memory_space<vmem>>, vector<16xf32>,
          %add3A_273 = arith.constant 19 : i32
          %add3A_274 = vector.broadcast %add3A_273 : i32 to vector<16xi32>
          %add3A_275 = arith.addi %iota3A, %add3A_274 : vector<16xi32>
          %and3A_276 = arith.constant 31 : i32
          %and3A_277 = vector.broadcast %and3A_276 : i32 to vector<16xi32>
          %and3A_278 = arith.andi %add3A_275, %and3A_277 : vector<16xi32>
          tpu.vector_store_idx %arg7[%add3A_40, %and3A_278], %get3A_272 : memref<1024x32xf32, #tpu.memory_space<vmem>>[vector<16xi32>, vector<16xi32>], vector<16xf32>,
          %mul3A_279 = arith.constant 16 : i32
          %mul3A_280 = arith.muli %scan3A_35, %mul3A_279 : i32
          %get3A_281 = arith.constant 20 : i32
          %get3A_282 = arith.index_cast %get3A_281 : i32 to index
          %get3A_283 = arith.index_cast %mul3A_280 : i32 to index
          %get3A_284 = tpu.vector_load %arg6[%get3A_282, %get3A_283] {strides = array<i32>} : memref<32x1024xf32, #tpu.memory_space<vmem>>, vector<16xf32>,
          %add3A_285 = arith.constant 20 : i32
          %add3A_286 = vector.broadcast %add3A_285 : i32 to vector<16xi32>
          %add3A_287 = arith.addi %iota3A, %add3A_286 : vector<16xi32>
          %and3A_288 = arith.constant 31 : i32
          %and3A_289 = vector.broadcast %and3A_288 : i32 to vector<16xi32>
          %and3A_290 = arith.andi %add3A_287, %and3A_289 : vector<16xi32>
          tpu.vector_store_idx %arg7[%add3A_40, %and3A_290], %get3A_284 : memref<1024x32xf32, #tpu.memory_space<vmem>>[vector<16xi32>, vector<16xi32>], vector<16xf32>,
          %mul3A_291 = arith.constant 16 : i32
          %mul3A_292 = arith.muli %scan3A_35, %mul3A_291 : i32
          %get3A_293 = arith.constant 21 : i32
          %get3A_294 = arith.index_cast %get3A_293 : i32 to index
          %get3A_295 = arith.index_cast %mul3A_292 : i32 to index
          %get3A_296 = tpu.vector_load %arg6[%get3A_294, %get3A_295] {strides = array<i32>} : memref<32x1024xf32, #tpu.memory_space<vmem>>, vector<16xf32>,
          %add3A_297 = arith.constant 21 : i32
          %add3A_298 = vector.broadcast %add3A_297 : i32 to vector<16xi32>
          %add3A_299 = arith.addi %iota3A, %add3A_298 : vector<16xi32>
          %and3A_300 = arith.constant 31 : i32
          %and3A_301 = vector.broadcast %and3A_300 : i32 to vector<16xi32>
          %and3A_302 = arith.andi %add3A_299, %and3A_301 : vector<16xi32>
          tpu.vector_store_idx %arg7[%add3A_40, %and3A_302], %get3A_296 : memref<1024x32xf32, #tpu.memory_space<vmem>>[vector<16xi32>, vector<16xi32>], vector<16xf32>,
          %mul3A_303 = arith.constant 16 : i32
          %mul3A_304 = arith.muli %scan3A_35, %mul3A_303 : i32
          %get3A_305 = arith.constant 22 : i32
          %get3A_306 = arith.index_cast %get3A_305 : i32 to index
          %get3A_307 = arith.index_cast %mul3A_304 : i32 to index
          %get3A_308 = tpu.vector_load %arg6[%get3A_306, %get3A_307] {strides = array<i32>} : memref<32x1024xf32, #tpu.memory_space<vmem>>, vector<16xf32>,
          %add3A_309 = arith.constant 22 : i32
          %add3A_310 = vector.broadcast %add3A_309 : i32 to vector<16xi32>
          %add3A_311 = arith.addi %iota3A, %add3A_310 : vector<16xi32>
          %and3A_312 = arith.constant 31 : i32
          %and3A_313 = vector.broadcast %and3A_312 : i32 to vector<16xi32>
          %and3A_314 = arith.andi %add3A_311, %and3A_313 : vector<16xi32>
          tpu.vector_store_idx %arg7[%add3A_40, %and3A_314], %get3A_308 : memref<1024x32xf32, #tpu.memory_space<vmem>>[vector<16xi32>, vector<16xi32>], vector<16xf32>,
          %mul3A_315 = arith.constant 16 : i32
          %mul3A_316 = arith.muli %scan3A_35, %mul3A_315 : i32
          %get3A_317 = arith.constant 23 : i32
          %get3A_318 = arith.index_cast %get3A_317 : i32 to index
          %get3A_319 = arith.index_cast %mul3A_316 : i32 to index
          %get3A_320 = tpu.vector_load %arg6[%get3A_318, %get3A_319] {strides = array<i32>} : memref<32x1024xf32, #tpu.memory_space<vmem>>, vector<16xf32>,
          %add3A_321 = arith.constant 23 : i32
          %add3A_322 = vector.broadcast %add3A_321 : i32 to vector<16xi32>
          %add3A_323 = arith.addi %iota3A, %add3A_322 : vector<16xi32>
          %and3A_324 = arith.constant 31 : i32
          %and3A_325 = vector.broadcast %and3A_324 : i32 to vector<16xi32>
          %and3A_326 = arith.andi %add3A_323, %and3A_325 : vector<16xi32>
          tpu.vector_store_idx %arg7[%add3A_40, %and3A_326], %get3A_320 : memref<1024x32xf32, #tpu.memory_space<vmem>>[vector<16xi32>, vector<16xi32>], vector<16xf32>,
          %mul3A_327 = arith.constant 16 : i32
          %mul3A_328 = arith.muli %scan3A_35, %mul3A_327 : i32
          %get3A_329 = arith.constant 24 : i32
          %get3A_330 = arith.index_cast %get3A_329 : i32 to index
          %get3A_331 = arith.index_cast %mul3A_328 : i32 to index
          %get3A_332 = tpu.vector_load %arg6[%get3A_330, %get3A_331] {strides = array<i32>} : memref<32x1024xf32, #tpu.memory_space<vmem>>, vector<16xf32>,
          %add3A_333 = arith.constant 24 : i32
          %add3A_334 = vector.broadcast %add3A_333 : i32 to vector<16xi32>
          %add3A_335 = arith.addi %iota3A, %add3A_334 : vector<16xi32>
          %and3A_336 = arith.constant 31 : i32
          %and3A_337 = vector.broadcast %and3A_336 : i32 to vector<16xi32>
          %and3A_338 = arith.andi %add3A_335, %and3A_337 : vector<16xi32>
          tpu.vector_store_idx %arg7[%add3A_40, %and3A_338], %get3A_332 : memref<1024x32xf32, #tpu.memory_space<vmem>>[vector<16xi32>, vector<16xi32>], vector<16xf32>,
          %mul3A_339 = arith.constant 16 : i32
          %mul3A_340 = arith.muli %scan3A_35, %mul3A_339 : i32
          %get3A_341 = arith.constant 25 : i32
          %get3A_342 = arith.index_cast %get3A_341 : i32 to index
          %get3A_343 = arith.index_cast %mul3A_340 : i32 to index
          %get3A_344 = tpu.vector_load %arg6[%get3A_342, %get3A_343] {strides = array<i32>} : memref<32x1024xf32, #tpu.memory_space<vmem>>, vector<16xf32>,
          %add3A_345 = arith.constant 25 : i32
          %add3A_346 = vector.broadcast %add3A_345 : i32 to vector<16xi32>
          %add3A_347 = arith.addi %iota3A, %add3A_346 : vector<16xi32>
          %and3A_348 = arith.constant 31 : i32
          %and3A_349 = vector.broadcast %and3A_348 : i32 to vector<16xi32>
          %and3A_350 = arith.andi %add3A_347, %and3A_349 : vector<16xi32>
          tpu.vector_store_idx %arg7[%add3A_40, %and3A_350], %get3A_344 : memref<1024x32xf32, #tpu.memory_space<vmem>>[vector<16xi32>, vector<16xi32>], vector<16xf32>,
          %mul3A_351 = arith.constant 16 : i32
          %mul3A_352 = arith.muli %scan3A_35, %mul3A_351 : i32
          %get3A_353 = arith.constant 26 : i32
          %get3A_354 = arith.index_cast %get3A_353 : i32 to index
          %get3A_355 = arith.index_cast %mul3A_352 : i32 to index
          %get3A_356 = tpu.vector_load %arg6[%get3A_354, %get3A_355] {strides = array<i32>} : memref<32x1024xf32, #tpu.memory_space<vmem>>, vector<16xf32>,
          %add3A_357 = arith.constant 26 : i32
          %add3A_358 = vector.broadcast %add3A_357 : i32 to vector<16xi32>
          %add3A_359 = arith.addi %iota3A, %add3A_358 : vector<16xi32>
          %and3A_360 = arith.constant 31 : i32
          %and3A_361 = vector.broadcast %and3A_360 : i32 to vector<16xi32>
          %and3A_362 = arith.andi %add3A_359, %and3A_361 : vector<16xi32>
          tpu.vector_store_idx %arg7[%add3A_40, %and3A_362], %get3A_356 : memref<1024x32xf32, #tpu.memory_space<vmem>>[vector<16xi32>, vector<16xi32>], vector<16xf32>,
          %mul3A_363 = arith.constant 16 : i32
          %mul3A_364 = arith.muli %scan3A_35, %mul3A_363 : i32
          %get3A_365 = arith.constant 27 : i32
          %get3A_366 = arith.index_cast %get3A_365 : i32 to index
          %get3A_367 = arith.index_cast %mul3A_364 : i32 to index
          %get3A_368 = tpu.vector_load %arg6[%get3A_366, %get3A_367] {strides = array<i32>} : memref<32x1024xf32, #tpu.memory_space<vmem>>, vector<16xf32>,
          %add3A_369 = arith.constant 27 : i32
          %add3A_370 = vector.broadcast %add3A_369 : i32 to vector<16xi32>
          %add3A_371 = arith.addi %iota3A, %add3A_370 : vector<16xi32>
          %and3A_372 = arith.constant 31 : i32
          %and3A_373 = vector.broadcast %and3A_372 : i32 to vector<16xi32>
          %and3A_374 = arith.andi %add3A_371, %and3A_373 : vector<16xi32>
          tpu.vector_store_idx %arg7[%add3A_40, %and3A_374], %get3A_368 : memref<1024x32xf32, #tpu.memory_space<vmem>>[vector<16xi32>, vector<16xi32>], vector<16xf32>,
          %mul3A_375 = arith.constant 16 : i32
          %mul3A_376 = arith.muli %scan3A_35, %mul3A_375 : i32
          %get3A_377 = arith.constant 28 : i32
          %get3A_378 = arith.index_cast %get3A_377 : i32 to index
          %get3A_379 = arith.index_cast %mul3A_376 : i32 to index
          %get3A_380 = tpu.vector_load %arg6[%get3A_378, %get3A_379] {strides = array<i32>} : memref<32x1024xf32, #tpu.memory_space<vmem>>, vector<16xf32>,
          %add3A_381 = arith.constant 28 : i32
          %add3A_382 = vector.broadcast %add3A_381 : i32 to vector<16xi32>
          %add3A_383 = arith.addi %iota3A, %add3A_382 : vector<16xi32>
          %and3A_384 = arith.constant 31 : i32
          %and3A_385 = vector.broadcast %and3A_384 : i32 to vector<16xi32>
          %and3A_386 = arith.andi %add3A_383, %and3A_385 : vector<16xi32>
          tpu.vector_store_idx %arg7[%add3A_40, %and3A_386], %get3A_380 : memref<1024x32xf32, #tpu.memory_space<vmem>>[vector<16xi32>, vector<16xi32>], vector<16xf32>,
          %mul3A_387 = arith.constant 16 : i32
          %mul3A_388 = arith.muli %scan3A_35, %mul3A_387 : i32
          %get3A_389 = arith.constant 29 : i32
          %get3A_390 = arith.index_cast %get3A_389 : i32 to index
          %get3A_391 = arith.index_cast %mul3A_388 : i32 to index
          %get3A_392 = tpu.vector_load %arg6[%get3A_390, %get3A_391] {strides = array<i32>} : memref<32x1024xf32, #tpu.memory_space<vmem>>, vector<16xf32>,
          %add3A_393 = arith.constant 29 : i32
          %add3A_394 = vector.broadcast %add3A_393 : i32 to vector<16xi32>
          %add3A_395 = arith.addi %iota3A, %add3A_394 : vector<16xi32>
          %and3A_396 = arith.constant 31 : i32
          %and3A_397 = vector.broadcast %and3A_396 : i32 to vector<16xi32>
          %and3A_398 = arith.andi %add3A_395, %and3A_397 : vector<16xi32>
          tpu.vector_store_idx %arg7[%add3A_40, %and3A_398], %get3A_392 : memref<1024x32xf32, #tpu.memory_space<vmem>>[vector<16xi32>, vector<16xi32>], vector<16xf32>,
          %mul3A_399 = arith.constant 16 : i32
          %mul3A_400 = arith.muli %scan3A_35, %mul3A_399 : i32
          %get3A_401 = arith.constant 30 : i32
          %get3A_402 = arith.index_cast %get3A_401 : i32 to index
          %get3A_403 = arith.index_cast %mul3A_400 : i32 to index
          %get3A_404 = tpu.vector_load %arg6[%get3A_402, %get3A_403] {strides = array<i32>} : memref<32x1024xf32, #tpu.memory_space<vmem>>, vector<16xf32>,
          %add3A_405 = arith.constant 30 : i32
          %add3A_406 = vector.broadcast %add3A_405 : i32 to vector<16xi32>
          %add3A_407 = arith.addi %iota3A, %add3A_406 : vector<16xi32>
          %and3A_408 = arith.constant 31 : i32
          %and3A_409 = vector.broadcast %and3A_408 : i32 to vector<16xi32>
          %and3A_410 = arith.andi %add3A_407, %and3A_409 : vector<16xi32>
          tpu.vector_store_idx %arg7[%add3A_40, %and3A_410], %get3A_404 : memref<1024x32xf32, #tpu.memory_space<vmem>>[vector<16xi32>, vector<16xi32>], vector<16xf32>,
          %mul3A_411 = arith.constant 16 : i32
          %mul3A_412 = arith.muli %scan3A_35, %mul3A_411 : i32
          %get3A_413 = arith.constant 31 : i32
          %get3A_414 = arith.index_cast %get3A_413 : i32 to index
          %get3A_415 = arith.index_cast %mul3A_412 : i32 to index
          %get3A_416 = tpu.vector_load %arg6[%get3A_414, %get3A_415] {strides = array<i32>} : memref<32x1024xf32, #tpu.memory_space<vmem>>, vector<16xf32>,
          %add3A_417 = arith.constant 31 : i32
          %add3A_418 = vector.broadcast %add3A_417 : i32 to vector<16xi32>
          %add3A_419 = arith.addi %iota3A, %add3A_418 : vector<16xi32>
          %and3A_420 = arith.constant 31 : i32
          %and3A_421 = vector.broadcast %and3A_420 : i32 to vector<16xi32>
          %and3A_422 = arith.andi %add3A_419, %and3A_421 : vector<16xi32>
          tpu.vector_store_idx %arg7[%add3A_40, %and3A_422], %get3A_416 : memref<1024x32xf32, #tpu.memory_space<vmem>>[vector<16xi32>, vector<16xi32>], vector<16xf32>,
          %scan3A_423 = arith.constant 0 : i32
          scf.yield %scan3A_423 : i32
        }
        %scan3A_34 = arith.constant 64 : i32
        "tpu.region"() ({
          %run_scoped3A = tpu.sem_alloc : memref<!tpu.dma_semaphore, #tpu.memory_space<semaphore_mem>>
          %dma_start3A = arith.constant 0 : i32
          %dma_start3A_35 = tpu.memref_slice %arg4[%mul3A_20, %dma_start3A] : memref<1000000x32xf32, #tpu.memory_space<hbm>> -> memref<1024x32xf32, #tpu.memory_space<hbm>>
          %dma_start3A_36 = arith.constant 0 : i32
          %dma_start3A_37 = tpu.memref_slice %arg4[%mul3A_20, %dma_start3A_36] : memref<1000000x32xf32, #tpu.memory_space<hbm>> -> memref<1024x32xf32, #tpu.memory_space<hbm>>
          tpu.enqueue_dma source(%arg7 : memref<1024x32xf32, #tpu.memory_space<vmem>>) target(%dma_start3A_37 : memref<1024x32xf32, #tpu.memory_space<hbm>>) target_semaphore(%run_scoped3A : memref<!tpu.dma_semaphore, #tpu.memory_space<semaphore_mem>>)
          %dma_wait3A = arith.constant 0 : i32
          %dma_wait3A_38 = tpu.memref_slice %arg4[%mul3A_20, %dma_wait3A] : memref<1000000x32xf32, #tpu.memory_space<hbm>> -> memref<1024x32xf32, #tpu.memory_space<hbm>>
          %dma_wait3A_39 = arith.constant 0 : i32
          %dma_wait3A_40 = tpu.memref_slice %arg4[%mul3A_20, %dma_wait3A_39] : memref<1000000x32xf32, #tpu.memory_space<hbm>> -> memref<1024x32xf32, #tpu.memory_space<hbm>>
          tpu.wait_dma2 semaphore(%run_scoped3A : memref<!tpu.dma_semaphore, #tpu.memory_space<semaphore_mem>>) src(%arg7 : memref<1024x32xf32, #tpu.memory_space<vmem>>) dst(%dma_wait3A_40 : memref<1024x32xf32, #tpu.memory_space<hbm>>)
          tpu.yield
        }) : () -> ()
      } else {
      }
      %eq3A = arith.constant 976 : i32
      %eq3A_23 = arith.cmpi eq, %add3A_18, %eq3A : i32
      %convert_element_type3A_24 = arith.extui %eq3A_23 : i1 to i32
      %cond3A_25 = arith.constant 0 : i32
      %cond3A_26 = arith.cmpi ne, %convert_element_type3A_24, %cond3A_25 : i32
      scf.if %cond3A_26 {
        "tpu.region"() ({
          %run_scoped3A = tpu.sem_alloc : memref<!tpu.dma_semaphore, #tpu.memory_space<semaphore_mem>>
          %dma_start3A = arith.constant 0 : i32
          %dma_start3A_35 = arith.constant 0 : i32
          %dma_start3A_36 = tpu.memref_slice %arg6[%dma_start3A, %dma_start3A_35] : memref<32x1024xf32, #tpu.memory_space<vmem>> -> memref<32x576xf32, #tpu.memory_space<vmem>>
          %dma_start3A_37 = arith.constant 0 : i32
          %dma_start3A_38 = tpu.memref_slice %arg2[%dma_start3A_37, %mul3A_20] : memref<32x1000000xf32, #tpu.memory_space<hbm>> -> memref<32x576xf32, #tpu.memory_space<hbm>>
          %dma_start3A_39 = arith.constant 0 : i32
          %dma_start3A_40 = arith.constant 0 : i32
          %dma_start3A_41 = tpu.memref_slice %arg6[%dma_start3A_39, %dma_start3A_40] : memref<32x1024xf32, #tpu.memory_space<vmem>> -> memref<32x576xf32, #tpu.memory_space<vmem>>
          %dma_start3A_42 = arith.constant 0 : i32
          %dma_start3A_43 = tpu.memref_slice %arg2[%dma_start3A_42, %mul3A_20] : memref<32x1000000xf32, #tpu.memory_space<hbm>> -> memref<32x576xf32, #tpu.memory_space<hbm>>
          tpu.enqueue_dma source(%dma_start3A_43 : memref<32x576xf32, #tpu.memory_space<hbm>>) target(%dma_start3A_41 : memref<32x576xf32, #tpu.memory_space<vmem>>) target_semaphore(%run_scoped3A : memref<!tpu.dma_semaphore, #tpu.memory_space<semaphore_mem>>)
          %dma_wait3A = arith.constant 0 : i32
          %dma_wait3A_44 = arith.constant 0 : i32
          %dma_wait3A_45 = tpu.memref_slice %arg6[%dma_wait3A, %dma_wait3A_44] : memref<32x1024xf32, #tpu.memory_space<vmem>> -> memref<32x576xf32, #tpu.memory_space<vmem>>
          %dma_wait3A_46 = arith.constant 0 : i32
          %dma_wait3A_47 = tpu.memref_slice %arg2[%dma_wait3A_46, %mul3A_20] : memref<32x1000000xf32, #tpu.memory_space<hbm>> -> memref<32x576xf32, #tpu.memory_space<hbm>>
          %dma_wait3A_48 = arith.constant 0 : i32
          %dma_wait3A_49 = arith.constant 0 : i32
          %dma_wait3A_50 = tpu.memref_slice %arg6[%dma_wait3A_48, %dma_wait3A_49] : memref<32x1024xf32, #tpu.memory_space<vmem>> -> memref<32x576xf32, #tpu.memory_space<vmem>>
          %dma_wait3A_51 = arith.constant 0 : i32
          %dma_wait3A_52 = tpu.memref_slice %arg2[%dma_wait3A_51, %mul3A_20] : memref<32x1000000xf32, #tpu.memory_space<hbm>> -> memref<32x576xf32, #tpu.memory_space<hbm>>
          tpu.wait_dma2 semaphore(%run_scoped3A : memref<!tpu.dma_semaphore, #tpu.memory_space<semaphore_mem>>) src(%dma_wait3A_52 : memref<32x576xf32, #tpu.memory_space<hbm>>) dst(%dma_wait3A_50 : memref<32x576xf32, #tpu.memory_space<vmem>>)
          tpu.yield
        }) : () -> ()
        %scan3A_28 = arith.constant 0 : i32
        %scan3A_29 = arith.constant 0 : i32
        %scan3A_30 = arith.constant 36 : i32
        %scan3A_31 = arith.addi %scan3A_29, %scan3A_30 : i32
        %scan3A_32 = arith.constant 1 : i32
        %scan3A_33 = scf.for %scan3A_35 = %scan3A_29 to %scan3A_31 step %scan3A_32 iter_args(%scan3A_36 = %scan3A_28) -> (i32)  : i32 {
          %mul3A_37 = arith.constant 16 : i32
          %mul3A_38 = arith.muli %scan3A_35, %mul3A_37 : i32
          %add3A_39 = vector.broadcast %mul3A_38 : i32 to vector<16xi32>
          %add3A_40 = arith.addi %add3A_39, %iota3A : vector<16xi32>
          %mul3A_41 = arith.constant 16 : i32
          %mul3A_42 = arith.muli %scan3A_35, %mul3A_41 : i32
          %get3A = arith.constant 0 : i32
          %get3A_43 = arith.index_cast %get3A : i32 to index
          %get3A_44 = arith.index_cast %mul3A_42 : i32 to index
          %get3A_45 = tpu.vector_load %arg6[%get3A_43, %get3A_44] {strides = array<i32>} : memref<32x1024xf32, #tpu.memory_space<vmem>>, vector<16xf32>,
          %add3A_46 = arith.constant 0 : i32
          %add3A_47 = vector.broadcast %add3A_46 : i32 to vector<16xi32>
          %add3A_48 = arith.addi %iota3A, %add3A_47 : vector<16xi32>
          %and3A = arith.constant 31 : i32
          %and3A_49 = vector.broadcast %and3A : i32 to vector<16xi32>
          %and3A_50 = arith.andi %add3A_48, %and3A_49 : vector<16xi32>
          tpu.vector_store_idx %arg7[%add3A_40, %and3A_50], %get3A_45 : memref<1024x32xf32, #tpu.memory_space<vmem>>[vector<16xi32>, vector<16xi32>], vector<16xf32>,
          %mul3A_51 = arith.constant 16 : i32
          %mul3A_52 = arith.muli %scan3A_35, %mul3A_51 : i32
          %get3A_53 = arith.constant 1 : i32
          %get3A_54 = arith.index_cast %get3A_53 : i32 to index
          %get3A_55 = arith.index_cast %mul3A_52 : i32 to index
          %get3A_56 = tpu.vector_load %arg6[%get3A_54, %get3A_55] {strides = array<i32>} : memref<32x1024xf32, #tpu.memory_space<vmem>>, vector<16xf32>,
          %add3A_57 = arith.constant 1 : i32
          %add3A_58 = vector.broadcast %add3A_57 : i32 to vector<16xi32>
          %add3A_59 = arith.addi %iota3A, %add3A_58 : vector<16xi32>
          %and3A_60 = arith.constant 31 : i32
          %and3A_61 = vector.broadcast %and3A_60 : i32 to vector<16xi32>
          %and3A_62 = arith.andi %add3A_59, %and3A_61 : vector<16xi32>
          tpu.vector_store_idx %arg7[%add3A_40, %and3A_62], %get3A_56 : memref<1024x32xf32, #tpu.memory_space<vmem>>[vector<16xi32>, vector<16xi32>], vector<16xf32>,
          %mul3A_63 = arith.constant 16 : i32
          %mul3A_64 = arith.muli %scan3A_35, %mul3A_63 : i32
          %get3A_65 = arith.constant 2 : i32
          %get3A_66 = arith.index_cast %get3A_65 : i32 to index
          %get3A_67 = arith.index_cast %mul3A_64 : i32 to index
          %get3A_68 = tpu.vector_load %arg6[%get3A_66, %get3A_67] {strides = array<i32>} : memref<32x1024xf32, #tpu.memory_space<vmem>>, vector<16xf32>,
          %add3A_69 = arith.constant 2 : i32
          %add3A_70 = vector.broadcast %add3A_69 : i32 to vector<16xi32>
          %add3A_71 = arith.addi %iota3A, %add3A_70 : vector<16xi32>
          %and3A_72 = arith.constant 31 : i32
          %and3A_73 = vector.broadcast %and3A_72 : i32 to vector<16xi32>
          %and3A_74 = arith.andi %add3A_71, %and3A_73 : vector<16xi32>
          tpu.vector_store_idx %arg7[%add3A_40, %and3A_74], %get3A_68 : memref<1024x32xf32, #tpu.memory_space<vmem>>[vector<16xi32>, vector<16xi32>], vector<16xf32>,
          %mul3A_75 = arith.constant 16 : i32
          %mul3A_76 = arith.muli %scan3A_35, %mul3A_75 : i32
          %get3A_77 = arith.constant 3 : i32
          %get3A_78 = arith.index_cast %get3A_77 : i32 to index
          %get3A_79 = arith.index_cast %mul3A_76 : i32 to index
          %get3A_80 = tpu.vector_load %arg6[%get3A_78, %get3A_79] {strides = array<i32>} : memref<32x1024xf32, #tpu.memory_space<vmem>>, vector<16xf32>,
          %add3A_81 = arith.constant 3 : i32
          %add3A_82 = vector.broadcast %add3A_81 : i32 to vector<16xi32>
          %add3A_83 = arith.addi %iota3A, %add3A_82 : vector<16xi32>
          %and3A_84 = arith.constant 31 : i32
          %and3A_85 = vector.broadcast %and3A_84 : i32 to vector<16xi32>
          %and3A_86 = arith.andi %add3A_83, %and3A_85 : vector<16xi32>
          tpu.vector_store_idx %arg7[%add3A_40, %and3A_86], %get3A_80 : memref<1024x32xf32, #tpu.memory_space<vmem>>[vector<16xi32>, vector<16xi32>], vector<16xf32>,
          %mul3A_87 = arith.constant 16 : i32
          %mul3A_88 = arith.muli %scan3A_35, %mul3A_87 : i32
          %get3A_89 = arith.constant 4 : i32
          %get3A_90 = arith.index_cast %get3A_89 : i32 to index
          %get3A_91 = arith.index_cast %mul3A_88 : i32 to index
          %get3A_92 = tpu.vector_load %arg6[%get3A_90, %get3A_91] {strides = array<i32>} : memref<32x1024xf32, #tpu.memory_space<vmem>>, vector<16xf32>,
          %add3A_93 = arith.constant 4 : i32
          %add3A_94 = vector.broadcast %add3A_93 : i32 to vector<16xi32>
          %add3A_95 = arith.addi %iota3A, %add3A_94 : vector<16xi32>
          %and3A_96 = arith.constant 31 : i32
          %and3A_97 = vector.broadcast %and3A_96 : i32 to vector<16xi32>
          %and3A_98 = arith.andi %add3A_95, %and3A_97 : vector<16xi32>
          tpu.vector_store_idx %arg7[%add3A_40, %and3A_98], %get3A_92 : memref<1024x32xf32, #tpu.memory_space<vmem>>[vector<16xi32>, vector<16xi32>], vector<16xf32>,
          %mul3A_99 = arith.constant 16 : i32
          %mul3A_100 = arith.muli %scan3A_35, %mul3A_99 : i32
          %get3A_101 = arith.constant 5 : i32
          %get3A_102 = arith.index_cast %get3A_101 : i32 to index
          %get3A_103 = arith.index_cast %mul3A_100 : i32 to index
          %get3A_104 = tpu.vector_load %arg6[%get3A_102, %get3A_103] {strides = array<i32>} : memref<32x1024xf32, #tpu.memory_space<vmem>>, vector<16xf32>,
          %add3A_105 = arith.constant 5 : i32
          %add3A_106 = vector.broadcast %add3A_105 : i32 to vector<16xi32>
          %add3A_107 = arith.addi %iota3A, %add3A_106 : vector<16xi32>
          %and3A_108 = arith.constant 31 : i32
          %and3A_109 = vector.broadcast %and3A_108 : i32 to vector<16xi32>
          %and3A_110 = arith.andi %add3A_107, %and3A_109 : vector<16xi32>
          tpu.vector_store_idx %arg7[%add3A_40, %and3A_110], %get3A_104 : memref<1024x32xf32, #tpu.memory_space<vmem>>[vector<16xi32>, vector<16xi32>], vector<16xf32>,
          %mul3A_111 = arith.constant 16 : i32
          %mul3A_112 = arith.muli %scan3A_35, %mul3A_111 : i32
          %get3A_113 = arith.constant 6 : i32
          %get3A_114 = arith.index_cast %get3A_113 : i32 to index
          %get3A_115 = arith.index_cast %mul3A_112 : i32 to index
          %get3A_116 = tpu.vector_load %arg6[%get3A_114, %get3A_115] {strides = array<i32>} : memref<32x1024xf32, #tpu.memory_space<vmem>>, vector<16xf32>,
          %add3A_117 = arith.constant 6 : i32
          %add3A_118 = vector.broadcast %add3A_117 : i32 to vector<16xi32>
          %add3A_119 = arith.addi %iota3A, %add3A_118 : vector<16xi32>
          %and3A_120 = arith.constant 31 : i32
          %and3A_121 = vector.broadcast %and3A_120 : i32 to vector<16xi32>
          %and3A_122 = arith.andi %add3A_119, %and3A_121 : vector<16xi32>
          tpu.vector_store_idx %arg7[%add3A_40, %and3A_122], %get3A_116 : memref<1024x32xf32, #tpu.memory_space<vmem>>[vector<16xi32>, vector<16xi32>], vector<16xf32>,
          %mul3A_123 = arith.constant 16 : i32
          %mul3A_124 = arith.muli %scan3A_35, %mul3A_123 : i32
          %get3A_125 = arith.constant 7 : i32
          %get3A_126 = arith.index_cast %get3A_125 : i32 to index
          %get3A_127 = arith.index_cast %mul3A_124 : i32 to index
          %get3A_128 = tpu.vector_load %arg6[%get3A_126, %get3A_127] {strides = array<i32>} : memref<32x1024xf32, #tpu.memory_space<vmem>>, vector<16xf32>,
          %add3A_129 = arith.constant 7 : i32
          %add3A_130 = vector.broadcast %add3A_129 : i32 to vector<16xi32>
          %add3A_131 = arith.addi %iota3A, %add3A_130 : vector<16xi32>
          %and3A_132 = arith.constant 31 : i32
          %and3A_133 = vector.broadcast %and3A_132 : i32 to vector<16xi32>
          %and3A_134 = arith.andi %add3A_131, %and3A_133 : vector<16xi32>
          tpu.vector_store_idx %arg7[%add3A_40, %and3A_134], %get3A_128 : memref<1024x32xf32, #tpu.memory_space<vmem>>[vector<16xi32>, vector<16xi32>], vector<16xf32>,
          %mul3A_135 = arith.constant 16 : i32
          %mul3A_136 = arith.muli %scan3A_35, %mul3A_135 : i32
          %get3A_137 = arith.constant 8 : i32
          %get3A_138 = arith.index_cast %get3A_137 : i32 to index
          %get3A_139 = arith.index_cast %mul3A_136 : i32 to index
          %get3A_140 = tpu.vector_load %arg6[%get3A_138, %get3A_139] {strides = array<i32>} : memref<32x1024xf32, #tpu.memory_space<vmem>>, vector<16xf32>,
          %add3A_141 = arith.constant 8 : i32
          %add3A_142 = vector.broadcast %add3A_141 : i32 to vector<16xi32>
          %add3A_143 = arith.addi %iota3A, %add3A_142 : vector<16xi32>
          %and3A_144 = arith.constant 31 : i32
          %and3A_145 = vector.broadcast %and3A_144 : i32 to vector<16xi32>
          %and3A_146 = arith.andi %add3A_143, %and3A_145 : vector<16xi32>
          tpu.vector_store_idx %arg7[%add3A_40, %and3A_146], %get3A_140 : memref<1024x32xf32, #tpu.memory_space<vmem>>[vector<16xi32>, vector<16xi32>], vector<16xf32>,
          %mul3A_147 = arith.constant 16 : i32
          %mul3A_148 = arith.muli %scan3A_35, %mul3A_147 : i32
          %get3A_149 = arith.constant 9 : i32
          %get3A_150 = arith.index_cast %get3A_149 : i32 to index
          %get3A_151 = arith.index_cast %mul3A_148 : i32 to index
          %get3A_152 = tpu.vector_load %arg6[%get3A_150, %get3A_151] {strides = array<i32>} : memref<32x1024xf32, #tpu.memory_space<vmem>>, vector<16xf32>,
          %add3A_153 = arith.constant 9 : i32
          %add3A_154 = vector.broadcast %add3A_153 : i32 to vector<16xi32>
          %add3A_155 = arith.addi %iota3A, %add3A_154 : vector<16xi32>
          %and3A_156 = arith.constant 31 : i32
          %and3A_157 = vector.broadcast %and3A_156 : i32 to vector<16xi32>
          %and3A_158 = arith.andi %add3A_155, %and3A_157 : vector<16xi32>
          tpu.vector_store_idx %arg7[%add3A_40, %and3A_158], %get3A_152 : memref<1024x32xf32, #tpu.memory_space<vmem>>[vector<16xi32>, vector<16xi32>], vector<16xf32>,
          %mul3A_159 = arith.constant 16 : i32
          %mul3A_160 = arith.muli %scan3A_35, %mul3A_159 : i32
          %get3A_161 = arith.constant 10 : i32
          %get3A_162 = arith.index_cast %get3A_161 : i32 to index
          %get3A_163 = arith.index_cast %mul3A_160 : i32 to index
          %get3A_164 = tpu.vector_load %arg6[%get3A_162, %get3A_163] {strides = array<i32>} : memref<32x1024xf32, #tpu.memory_space<vmem>>, vector<16xf32>,
          %add3A_165 = arith.constant 10 : i32
          %add3A_166 = vector.broadcast %add3A_165 : i32 to vector<16xi32>
          %add3A_167 = arith.addi %iota3A, %add3A_166 : vector<16xi32>
          %and3A_168 = arith.constant 31 : i32
          %and3A_169 = vector.broadcast %and3A_168 : i32 to vector<16xi32>
          %and3A_170 = arith.andi %add3A_167, %and3A_169 : vector<16xi32>
          tpu.vector_store_idx %arg7[%add3A_40, %and3A_170], %get3A_164 : memref<1024x32xf32, #tpu.memory_space<vmem>>[vector<16xi32>, vector<16xi32>], vector<16xf32>,
          %mul3A_171 = arith.constant 16 : i32
          %mul3A_172 = arith.muli %scan3A_35, %mul3A_171 : i32
          %get3A_173 = arith.constant 11 : i32
          %get3A_174 = arith.index_cast %get3A_173 : i32 to index
          %get3A_175 = arith.index_cast %mul3A_172 : i32 to index
          %get3A_176 = tpu.vector_load %arg6[%get3A_174, %get3A_175] {strides = array<i32>} : memref<32x1024xf32, #tpu.memory_space<vmem>>, vector<16xf32>,
          %add3A_177 = arith.constant 11 : i32
          %add3A_178 = vector.broadcast %add3A_177 : i32 to vector<16xi32>
          %add3A_179 = arith.addi %iota3A, %add3A_178 : vector<16xi32>
          %and3A_180 = arith.constant 31 : i32
          %and3A_181 = vector.broadcast %and3A_180 : i32 to vector<16xi32>
          %and3A_182 = arith.andi %add3A_179, %and3A_181 : vector<16xi32>
          tpu.vector_store_idx %arg7[%add3A_40, %and3A_182], %get3A_176 : memref<1024x32xf32, #tpu.memory_space<vmem>>[vector<16xi32>, vector<16xi32>], vector<16xf32>,
          %mul3A_183 = arith.constant 16 : i32
          %mul3A_184 = arith.muli %scan3A_35, %mul3A_183 : i32
          %get3A_185 = arith.constant 12 : i32
          %get3A_186 = arith.index_cast %get3A_185 : i32 to index
          %get3A_187 = arith.index_cast %mul3A_184 : i32 to index
          %get3A_188 = tpu.vector_load %arg6[%get3A_186, %get3A_187] {strides = array<i32>} : memref<32x1024xf32, #tpu.memory_space<vmem>>, vector<16xf32>,
          %add3A_189 = arith.constant 12 : i32
          %add3A_190 = vector.broadcast %add3A_189 : i32 to vector<16xi32>
          %add3A_191 = arith.addi %iota3A, %add3A_190 : vector<16xi32>
          %and3A_192 = arith.constant 31 : i32
          %and3A_193 = vector.broadcast %and3A_192 : i32 to vector<16xi32>
          %and3A_194 = arith.andi %add3A_191, %and3A_193 : vector<16xi32>
          tpu.vector_store_idx %arg7[%add3A_40, %and3A_194], %get3A_188 : memref<1024x32xf32, #tpu.memory_space<vmem>>[vector<16xi32>, vector<16xi32>], vector<16xf32>,
          %mul3A_195 = arith.constant 16 : i32
          %mul3A_196 = arith.muli %scan3A_35, %mul3A_195 : i32
          %get3A_197 = arith.constant 13 : i32
          %get3A_198 = arith.index_cast %get3A_197 : i32 to index
          %get3A_199 = arith.index_cast %mul3A_196 : i32 to index
          %get3A_200 = tpu.vector_load %arg6[%get3A_198, %get3A_199] {strides = array<i32>} : memref<32x1024xf32, #tpu.memory_space<vmem>>, vector<16xf32>,
          %add3A_201 = arith.constant 13 : i32
          %add3A_202 = vector.broadcast %add3A_201 : i32 to vector<16xi32>
          %add3A_203 = arith.addi %iota3A, %add3A_202 : vector<16xi32>
          %and3A_204 = arith.constant 31 : i32
          %and3A_205 = vector.broadcast %and3A_204 : i32 to vector<16xi32>
          %and3A_206 = arith.andi %add3A_203, %and3A_205 : vector<16xi32>
          tpu.vector_store_idx %arg7[%add3A_40, %and3A_206], %get3A_200 : memref<1024x32xf32, #tpu.memory_space<vmem>>[vector<16xi32>, vector<16xi32>], vector<16xf32>,
          %mul3A_207 = arith.constant 16 : i32
          %mul3A_208 = arith.muli %scan3A_35, %mul3A_207 : i32
          %get3A_209 = arith.constant 14 : i32
          %get3A_210 = arith.index_cast %get3A_209 : i32 to index
          %get3A_211 = arith.index_cast %mul3A_208 : i32 to index
          %get3A_212 = tpu.vector_load %arg6[%get3A_210, %get3A_211] {strides = array<i32>} : memref<32x1024xf32, #tpu.memory_space<vmem>>, vector<16xf32>,
          %add3A_213 = arith.constant 14 : i32
          %add3A_214 = vector.broadcast %add3A_213 : i32 to vector<16xi32>
          %add3A_215 = arith.addi %iota3A, %add3A_214 : vector<16xi32>
          %and3A_216 = arith.constant 31 : i32
          %and3A_217 = vector.broadcast %and3A_216 : i32 to vector<16xi32>
          %and3A_218 = arith.andi %add3A_215, %and3A_217 : vector<16xi32>
          tpu.vector_store_idx %arg7[%add3A_40, %and3A_218], %get3A_212 : memref<1024x32xf32, #tpu.memory_space<vmem>>[vector<16xi32>, vector<16xi32>], vector<16xf32>,
          %mul3A_219 = arith.constant 16 : i32
          %mul3A_220 = arith.muli %scan3A_35, %mul3A_219 : i32
          %get3A_221 = arith.constant 15 : i32
          %get3A_222 = arith.index_cast %get3A_221 : i32 to index
          %get3A_223 = arith.index_cast %mul3A_220 : i32 to index
          %get3A_224 = tpu.vector_load %arg6[%get3A_222, %get3A_223] {strides = array<i32>} : memref<32x1024xf32, #tpu.memory_space<vmem>>, vector<16xf32>,
          %add3A_225 = arith.constant 15 : i32
          %add3A_226 = vector.broadcast %add3A_225 : i32 to vector<16xi32>
          %add3A_227 = arith.addi %iota3A, %add3A_226 : vector<16xi32>
          %and3A_228 = arith.constant 31 : i32
          %and3A_229 = vector.broadcast %and3A_228 : i32 to vector<16xi32>
          %and3A_230 = arith.andi %add3A_227, %and3A_229 : vector<16xi32>
          tpu.vector_store_idx %arg7[%add3A_40, %and3A_230], %get3A_224 : memref<1024x32xf32, #tpu.memory_space<vmem>>[vector<16xi32>, vector<16xi32>], vector<16xf32>,
          %mul3A_231 = arith.constant 16 : i32
          %mul3A_232 = arith.muli %scan3A_35, %mul3A_231 : i32
          %get3A_233 = arith.constant 16 : i32
          %get3A_234 = arith.index_cast %get3A_233 : i32 to index
          %get3A_235 = arith.index_cast %mul3A_232 : i32 to index
          %get3A_236 = tpu.vector_load %arg6[%get3A_234, %get3A_235] {strides = array<i32>} : memref<32x1024xf32, #tpu.memory_space<vmem>>, vector<16xf32>,
          %add3A_237 = arith.constant 16 : i32
          %add3A_238 = vector.broadcast %add3A_237 : i32 to vector<16xi32>
          %add3A_239 = arith.addi %iota3A, %add3A_238 : vector<16xi32>
          %and3A_240 = arith.constant 31 : i32
          %and3A_241 = vector.broadcast %and3A_240 : i32 to vector<16xi32>
          %and3A_242 = arith.andi %add3A_239, %and3A_241 : vector<16xi32>
          tpu.vector_store_idx %arg7[%add3A_40, %and3A_242], %get3A_236 : memref<1024x32xf32, #tpu.memory_space<vmem>>[vector<16xi32>, vector<16xi32>], vector<16xf32>,
          %mul3A_243 = arith.constant 16 : i32
          %mul3A_244 = arith.muli %scan3A_35, %mul3A_243 : i32
          %get3A_245 = arith.constant 17 : i32
          %get3A_246 = arith.index_cast %get3A_245 : i32 to index
          %get3A_247 = arith.index_cast %mul3A_244 : i32 to index
          %get3A_248 = tpu.vector_load %arg6[%get3A_246, %get3A_247] {strides = array<i32>} : memref<32x1024xf32, #tpu.memory_space<vmem>>, vector<16xf32>,
          %add3A_249 = arith.constant 17 : i32
          %add3A_250 = vector.broadcast %add3A_249 : i32 to vector<16xi32>
          %add3A_251 = arith.addi %iota3A, %add3A_250 : vector<16xi32>
          %and3A_252 = arith.constant 31 : i32
          %and3A_253 = vector.broadcast %and3A_252 : i32 to vector<16xi32>
          %and3A_254 = arith.andi %add3A_251, %and3A_253 : vector<16xi32>
          tpu.vector_store_idx %arg7[%add3A_40, %and3A_254], %get3A_248 : memref<1024x32xf32, #tpu.memory_space<vmem>>[vector<16xi32>, vector<16xi32>], vector<16xf32>,
          %mul3A_255 = arith.constant 16 : i32
          %mul3A_256 = arith.muli %scan3A_35, %mul3A_255 : i32
          %get3A_257 = arith.constant 18 : i32
          %get3A_258 = arith.index_cast %get3A_257 : i32 to index
          %get3A_259 = arith.index_cast %mul3A_256 : i32 to index
          %get3A_260 = tpu.vector_load %arg6[%get3A_258, %get3A_259] {strides = array<i32>} : memref<32x1024xf32, #tpu.memory_space<vmem>>, vector<16xf32>,
          %add3A_261 = arith.constant 18 : i32
          %add3A_262 = vector.broadcast %add3A_261 : i32 to vector<16xi32>
          %add3A_263 = arith.addi %iota3A, %add3A_262 : vector<16xi32>
          %and3A_264 = arith.constant 31 : i32
          %and3A_265 = vector.broadcast %and3A_264 : i32 to vector<16xi32>
          %and3A_266 = arith.andi %add3A_263, %and3A_265 : vector<16xi32>
          tpu.vector_store_idx %arg7[%add3A_40, %and3A_266], %get3A_260 : memref<1024x32xf32, #tpu.memory_space<vmem>>[vector<16xi32>, vector<16xi32>], vector<16xf32>,
          %mul3A_267 = arith.constant 16 : i32
          %mul3A_268 = arith.muli %scan3A_35, %mul3A_267 : i32
          %get3A_269 = arith.constant 19 : i32
          %get3A_270 = arith.index_cast %get3A_269 : i32 to index
          %get3A_271 = arith.index_cast %mul3A_268 : i32 to index
          %get3A_272 = tpu.vector_load %arg6[%get3A_270, %get3A_271] {strides = array<i32>} : memref<32x1024xf32, #tpu.memory_space<vmem>>, vector<16xf32>,
          %add3A_273 = arith.constant 19 : i32
          %add3A_274 = vector.broadcast %add3A_273 : i32 to vector<16xi32>
          %add3A_275 = arith.addi %iota3A, %add3A_274 : vector<16xi32>
          %and3A_276 = arith.constant 31 : i32
          %and3A_277 = vector.broadcast %and3A_276 : i32 to vector<16xi32>
          %and3A_278 = arith.andi %add3A_275, %and3A_277 : vector<16xi32>
          tpu.vector_store_idx %arg7[%add3A_40, %and3A_278], %get3A_272 : memref<1024x32xf32, #tpu.memory_space<vmem>>[vector<16xi32>, vector<16xi32>], vector<16xf32>,
          %mul3A_279 = arith.constant 16 : i32
          %mul3A_280 = arith.muli %scan3A_35, %mul3A_279 : i32
          %get3A_281 = arith.constant 20 : i32
          %get3A_282 = arith.index_cast %get3A_281 : i32 to index
          %get3A_283 = arith.index_cast %mul3A_280 : i32 to index
          %get3A_284 = tpu.vector_load %arg6[%get3A_282, %get3A_283] {strides = array<i32>} : memref<32x1024xf32, #tpu.memory_space<vmem>>, vector<16xf32>,
          %add3A_285 = arith.constant 20 : i32
          %add3A_286 = vector.broadcast %add3A_285 : i32 to vector<16xi32>
          %add3A_287 = arith.addi %iota3A, %add3A_286 : vector<16xi32>
          %and3A_288 = arith.constant 31 : i32
          %and3A_289 = vector.broadcast %and3A_288 : i32 to vector<16xi32>
          %and3A_290 = arith.andi %add3A_287, %and3A_289 : vector<16xi32>
          tpu.vector_store_idx %arg7[%add3A_40, %and3A_290], %get3A_284 : memref<1024x32xf32, #tpu.memory_space<vmem>>[vector<16xi32>, vector<16xi32>], vector<16xf32>,
          %mul3A_291 = arith.constant 16 : i32
          %mul3A_292 = arith.muli %scan3A_35, %mul3A_291 : i32
          %get3A_293 = arith.constant 21 : i32
          %get3A_294 = arith.index_cast %get3A_293 : i32 to index
          %get3A_295 = arith.index_cast %mul3A_292 : i32 to index
          %get3A_296 = tpu.vector_load %arg6[%get3A_294, %get3A_295] {strides = array<i32>} : memref<32x1024xf32, #tpu.memory_space<vmem>>, vector<16xf32>,
          %add3A_297 = arith.constant 21 : i32
          %add3A_298 = vector.broadcast %add3A_297 : i32 to vector<16xi32>
          %add3A_299 = arith.addi %iota3A, %add3A_298 : vector<16xi32>
          %and3A_300 = arith.constant 31 : i32
          %and3A_301 = vector.broadcast %and3A_300 : i32 to vector<16xi32>
          %and3A_302 = arith.andi %add3A_299, %and3A_301 : vector<16xi32>
          tpu.vector_store_idx %arg7[%add3A_40, %and3A_302], %get3A_296 : memref<1024x32xf32, #tpu.memory_space<vmem>>[vector<16xi32>, vector<16xi32>], vector<16xf32>,
          %mul3A_303 = arith.constant 16 : i32
          %mul3A_304 = arith.muli %scan3A_35, %mul3A_303 : i32
          %get3A_305 = arith.constant 22 : i32
          %get3A_306 = arith.index_cast %get3A_305 : i32 to index
          %get3A_307 = arith.index_cast %mul3A_304 : i32 to index
          %get3A_308 = tpu.vector_load %arg6[%get3A_306, %get3A_307] {strides = array<i32>} : memref<32x1024xf32, #tpu.memory_space<vmem>>, vector<16xf32>,
          %add3A_309 = arith.constant 22 : i32
          %add3A_310 = vector.broadcast %add3A_309 : i32 to vector<16xi32>
          %add3A_311 = arith.addi %iota3A, %add3A_310 : vector<16xi32>
          %and3A_312 = arith.constant 31 : i32
          %and3A_313 = vector.broadcast %and3A_312 : i32 to vector<16xi32>
          %and3A_314 = arith.andi %add3A_311, %and3A_313 : vector<16xi32>
          tpu.vector_store_idx %arg7[%add3A_40, %and3A_314], %get3A_308 : memref<1024x32xf32, #tpu.memory_space<vmem>>[vector<16xi32>, vector<16xi32>], vector<16xf32>,
          %mul3A_315 = arith.constant 16 : i32
          %mul3A_316 = arith.muli %scan3A_35, %mul3A_315 : i32
          %get3A_317 = arith.constant 23 : i32
          %get3A_318 = arith.index_cast %get3A_317 : i32 to index
          %get3A_319 = arith.index_cast %mul3A_316 : i32 to index
          %get3A_320 = tpu.vector_load %arg6[%get3A_318, %get3A_319] {strides = array<i32>} : memref<32x1024xf32, #tpu.memory_space<vmem>>, vector<16xf32>,
          %add3A_321 = arith.constant 23 : i32
          %add3A_322 = vector.broadcast %add3A_321 : i32 to vector<16xi32>
          %add3A_323 = arith.addi %iota3A, %add3A_322 : vector<16xi32>
          %and3A_324 = arith.constant 31 : i32
          %and3A_325 = vector.broadcast %and3A_324 : i32 to vector<16xi32>
          %and3A_326 = arith.andi %add3A_323, %and3A_325 : vector<16xi32>
          tpu.vector_store_idx %arg7[%add3A_40, %and3A_326], %get3A_320 : memref<1024x32xf32, #tpu.memory_space<vmem>>[vector<16xi32>, vector<16xi32>], vector<16xf32>,
          %mul3A_327 = arith.constant 16 : i32
          %mul3A_328 = arith.muli %scan3A_35, %mul3A_327 : i32
          %get3A_329 = arith.constant 24 : i32
          %get3A_330 = arith.index_cast %get3A_329 : i32 to index
          %get3A_331 = arith.index_cast %mul3A_328 : i32 to index
          %get3A_332 = tpu.vector_load %arg6[%get3A_330, %get3A_331] {strides = array<i32>} : memref<32x1024xf32, #tpu.memory_space<vmem>>, vector<16xf32>,
          %add3A_333 = arith.constant 24 : i32
          %add3A_334 = vector.broadcast %add3A_333 : i32 to vector<16xi32>
          %add3A_335 = arith.addi %iota3A, %add3A_334 : vector<16xi32>
          %and3A_336 = arith.constant 31 : i32
          %and3A_337 = vector.broadcast %and3A_336 : i32 to vector<16xi32>
          %and3A_338 = arith.andi %add3A_335, %and3A_337 : vector<16xi32>
          tpu.vector_store_idx %arg7[%add3A_40, %and3A_338], %get3A_332 : memref<1024x32xf32, #tpu.memory_space<vmem>>[vector<16xi32>, vector<16xi32>], vector<16xf32>,
          %mul3A_339 = arith.constant 16 : i32
          %mul3A_340 = arith.muli %scan3A_35, %mul3A_339 : i32
          %get3A_341 = arith.constant 25 : i32
          %get3A_342 = arith.index_cast %get3A_341 : i32 to index
          %get3A_343 = arith.index_cast %mul3A_340 : i32 to index
          %get3A_344 = tpu.vector_load %arg6[%get3A_342, %get3A_343] {strides = array<i32>} : memref<32x1024xf32, #tpu.memory_space<vmem>>, vector<16xf32>,
          %add3A_345 = arith.constant 25 : i32
          %add3A_346 = vector.broadcast %add3A_345 : i32 to vector<16xi32>
          %add3A_347 = arith.addi %iota3A, %add3A_346 : vector<16xi32>
          %and3A_348 = arith.constant 31 : i32
          %and3A_349 = vector.broadcast %and3A_348 : i32 to vector<16xi32>
          %and3A_350 = arith.andi %add3A_347, %and3A_349 : vector<16xi32>
          tpu.vector_store_idx %arg7[%add3A_40, %and3A_350], %get3A_344 : memref<1024x32xf32, #tpu.memory_space<vmem>>[vector<16xi32>, vector<16xi32>], vector<16xf32>,
          %mul3A_351 = arith.constant 16 : i32
          %mul3A_352 = arith.muli %scan3A_35, %mul3A_351 : i32
          %get3A_353 = arith.constant 26 : i32
          %get3A_354 = arith.index_cast %get3A_353 : i32 to index
          %get3A_355 = arith.index_cast %mul3A_352 : i32 to index
          %get3A_356 = tpu.vector_load %arg6[%get3A_354, %get3A_355] {strides = array<i32>} : memref<32x1024xf32, #tpu.memory_space<vmem>>, vector<16xf32>,
          %add3A_357 = arith.constant 26 : i32
          %add3A_358 = vector.broadcast %add3A_357 : i32 to vector<16xi32>
          %add3A_359 = arith.addi %iota3A, %add3A_358 : vector<16xi32>
          %and3A_360 = arith.constant 31 : i32
          %and3A_361 = vector.broadcast %and3A_360 : i32 to vector<16xi32>
          %and3A_362 = arith.andi %add3A_359, %and3A_361 : vector<16xi32>
          tpu.vector_store_idx %arg7[%add3A_40, %and3A_362], %get3A_356 : memref<1024x32xf32, #tpu.memory_space<vmem>>[vector<16xi32>, vector<16xi32>], vector<16xf32>,
          %mul3A_363 = arith.constant 16 : i32
          %mul3A_364 = arith.muli %scan3A_35, %mul3A_363 : i32
          %get3A_365 = arith.constant 27 : i32
          %get3A_366 = arith.index_cast %get3A_365 : i32 to index
          %get3A_367 = arith.index_cast %mul3A_364 : i32 to index
          %get3A_368 = tpu.vector_load %arg6[%get3A_366, %get3A_367] {strides = array<i32>} : memref<32x1024xf32, #tpu.memory_space<vmem>>, vector<16xf32>,
          %add3A_369 = arith.constant 27 : i32
          %add3A_370 = vector.broadcast %add3A_369 : i32 to vector<16xi32>
          %add3A_371 = arith.addi %iota3A, %add3A_370 : vector<16xi32>
          %and3A_372 = arith.constant 31 : i32
          %and3A_373 = vector.broadcast %and3A_372 : i32 to vector<16xi32>
          %and3A_374 = arith.andi %add3A_371, %and3A_373 : vector<16xi32>
          tpu.vector_store_idx %arg7[%add3A_40, %and3A_374], %get3A_368 : memref<1024x32xf32, #tpu.memory_space<vmem>>[vector<16xi32>, vector<16xi32>], vector<16xf32>,
          %mul3A_375 = arith.constant 16 : i32
          %mul3A_376 = arith.muli %scan3A_35, %mul3A_375 : i32
          %get3A_377 = arith.constant 28 : i32
          %get3A_378 = arith.index_cast %get3A_377 : i32 to index
          %get3A_379 = arith.index_cast %mul3A_376 : i32 to index
          %get3A_380 = tpu.vector_load %arg6[%get3A_378, %get3A_379] {strides = array<i32>} : memref<32x1024xf32, #tpu.memory_space<vmem>>, vector<16xf32>,
          %add3A_381 = arith.constant 28 : i32
          %add3A_382 = vector.broadcast %add3A_381 : i32 to vector<16xi32>
          %add3A_383 = arith.addi %iota3A, %add3A_382 : vector<16xi32>
          %and3A_384 = arith.constant 31 : i32
          %and3A_385 = vector.broadcast %and3A_384 : i32 to vector<16xi32>
          %and3A_386 = arith.andi %add3A_383, %and3A_385 : vector<16xi32>
          tpu.vector_store_idx %arg7[%add3A_40, %and3A_386], %get3A_380 : memref<1024x32xf32, #tpu.memory_space<vmem>>[vector<16xi32>, vector<16xi32>], vector<16xf32>,
          %mul3A_387 = arith.constant 16 : i32
          %mul3A_388 = arith.muli %scan3A_35, %mul3A_387 : i32
          %get3A_389 = arith.constant 29 : i32
          %get3A_390 = arith.index_cast %get3A_389 : i32 to index
          %get3A_391 = arith.index_cast %mul3A_388 : i32 to index
          %get3A_392 = tpu.vector_load %arg6[%get3A_390, %get3A_391] {strides = array<i32>} : memref<32x1024xf32, #tpu.memory_space<vmem>>, vector<16xf32>,
          %add3A_393 = arith.constant 29 : i32
          %add3A_394 = vector.broadcast %add3A_393 : i32 to vector<16xi32>
          %add3A_395 = arith.addi %iota3A, %add3A_394 : vector<16xi32>
          %and3A_396 = arith.constant 31 : i32
          %and3A_397 = vector.broadcast %and3A_396 : i32 to vector<16xi32>
          %and3A_398 = arith.andi %add3A_395, %and3A_397 : vector<16xi32>
          tpu.vector_store_idx %arg7[%add3A_40, %and3A_398], %get3A_392 : memref<1024x32xf32, #tpu.memory_space<vmem>>[vector<16xi32>, vector<16xi32>], vector<16xf32>,
          %mul3A_399 = arith.constant 16 : i32
          %mul3A_400 = arith.muli %scan3A_35, %mul3A_399 : i32
          %get3A_401 = arith.constant 30 : i32
          %get3A_402 = arith.index_cast %get3A_401 : i32 to index
          %get3A_403 = arith.index_cast %mul3A_400 : i32 to index
          %get3A_404 = tpu.vector_load %arg6[%get3A_402, %get3A_403] {strides = array<i32>} : memref<32x1024xf32, #tpu.memory_space<vmem>>, vector<16xf32>,
          %add3A_405 = arith.constant 30 : i32
          %add3A_406 = vector.broadcast %add3A_405 : i32 to vector<16xi32>
          %add3A_407 = arith.addi %iota3A, %add3A_406 : vector<16xi32>
          %and3A_408 = arith.constant 31 : i32
          %and3A_409 = vector.broadcast %and3A_408 : i32 to vector<16xi32>
          %and3A_410 = arith.andi %add3A_407, %and3A_409 : vector<16xi32>
          tpu.vector_store_idx %arg7[%add3A_40, %and3A_410], %get3A_404 : memref<1024x32xf32, #tpu.memory_space<vmem>>[vector<16xi32>, vector<16xi32>], vector<16xf32>,
          %mul3A_411 = arith.constant 16 : i32
          %mul3A_412 = arith.muli %scan3A_35, %mul3A_411 : i32
          %get3A_413 = arith.constant 31 : i32
          %get3A_414 = arith.index_cast %get3A_413 : i32 to index
          %get3A_415 = arith.index_cast %mul3A_412 : i32 to index
          %get3A_416 = tpu.vector_load %arg6[%get3A_414, %get3A_415] {strides = array<i32>} : memref<32x1024xf32, #tpu.memory_space<vmem>>, vector<16xf32>,
          %add3A_417 = arith.constant 31 : i32
          %add3A_418 = vector.broadcast %add3A_417 : i32 to vector<16xi32>
          %add3A_419 = arith.addi %iota3A, %add3A_418 : vector<16xi32>
          %and3A_420 = arith.constant 31 : i32
          %and3A_421 = vector.broadcast %and3A_420 : i32 to vector<16xi32>
          %and3A_422 = arith.andi %add3A_419, %and3A_421 : vector<16xi32>
          tpu.vector_store_idx %arg7[%add3A_40, %and3A_422], %get3A_416 : memref<1024x32xf32, #tpu.memory_space<vmem>>[vector<16xi32>, vector<16xi32>], vector<16xf32>,
          %scan3A_423 = arith.constant 0 : i32
          scf.yield %scan3A_423 : i32
        }
        %scan3A_34 = arith.constant 36 : i32
        "tpu.region"() ({
          %run_scoped3A = tpu.sem_alloc : memref<!tpu.dma_semaphore, #tpu.memory_space<semaphore_mem>>
          %dma_start3A = arith.constant 0 : i32
          %dma_start3A_35 = arith.constant 0 : i32
          %dma_start3A_36 = tpu.memref_slice %arg7[%dma_start3A, %dma_start3A_35] : memref<1024x32xf32, #tpu.memory_space<vmem>> -> memref<576x32xf32, #tpu.memory_space<vmem>>
          %dma_start3A_37 = arith.constant 0 : i32
          %dma_start3A_38 = tpu.memref_slice %arg4[%mul3A_20, %dma_start3A_37] : memref<1000000x32xf32, #tpu.memory_space<hbm>> -> memref<576x32xf32, #tpu.memory_space<hbm>>
          %dma_start3A_39 = arith.constant 0 : i32
          %dma_start3A_40 = tpu.memref_slice %arg4[%mul3A_20, %dma_start3A_39] : memref<1000000x32xf32, #tpu.memory_space<hbm>> -> memref<576x32xf32, #tpu.memory_space<hbm>>
          %dma_start3A_41 = arith.constant 0 : i32
          %dma_start3A_42 = arith.constant 0 : i32
          %dma_start3A_43 = tpu.memref_slice %arg7[%dma_start3A_41, %dma_start3A_42] : memref<1024x32xf32, #tpu.memory_space<vmem>> -> memref<576x32xf32, #tpu.memory_space<vmem>>
          tpu.enqueue_dma source(%dma_start3A_43 : memref<576x32xf32, #tpu.memory_space<vmem>>) target(%dma_start3A_40 : memref<576x32xf32, #tpu.memory_space<hbm>>) target_semaphore(%run_scoped3A : memref<!tpu.dma_semaphore, #tpu.memory_space<semaphore_mem>>)
          %dma_wait3A = arith.constant 0 : i32
          %dma_wait3A_44 = arith.constant 0 : i32
          %dma_wait3A_45 = tpu.memref_slice %arg7[%dma_wait3A, %dma_wait3A_44] : memref<1024x32xf32, #tpu.memory_space<vmem>> -> memref<576x32xf32, #tpu.memory_space<vmem>>
          %dma_wait3A_46 = arith.constant 0 : i32
          %dma_wait3A_47 = tpu.memref_slice %arg4[%mul3A_20, %dma_wait3A_46] : memref<1000000x32xf32, #tpu.memory_space<hbm>> -> memref<576x32xf32, #tpu.memory_space<hbm>>
          %dma_wait3A_48 = arith.constant 0 : i32
          %dma_wait3A_49 = tpu.memref_slice %arg4[%mul3A_20, %dma_wait3A_48] : memref<1000000x32xf32, #tpu.memory_space<hbm>> -> memref<576x32xf32, #tpu.memory_space<hbm>>
          %dma_wait3A_50 = arith.constant 0 : i32
          %dma_wait3A_51 = arith.constant 0 : i32
          %dma_wait3A_52 = tpu.memref_slice %arg7[%dma_wait3A_50, %dma_wait3A_51] : memref<1024x32xf32, #tpu.memory_space<vmem>> -> memref<576x32xf32, #tpu.memory_space<vmem>>
          tpu.wait_dma2 semaphore(%run_scoped3A : memref<!tpu.dma_semaphore, #tpu.memory_space<semaphore_mem>>) src(%dma_wait3A_52 : memref<576x32xf32, #tpu.memory_space<vmem>>) dst(%dma_wait3A_49 : memref<576x32xf32, #tpu.memory_space<hbm>>)
          tpu.yield
        }) : () -> ()
      } else {
      }
      %scan3A_27 = arith.constant 0 : i32
      scf.yield %scan3A_27 : i32
    }
    %scan3A_6 = arith.constant 31 : i32
    %scan3A_7 = arith.constant 0 : i32
    %scan3A_8 = arith.constant 0 : i32
    %scan3A_9 = arith.constant 31 : i32
    %scan3A_10 = arith.addi %scan3A_8, %scan3A_9 : i32
    %scan3A_11 = arith.constant 1 : i32
    %scan3A_12 = scf.for %scan3A_14 = %scan3A_8 to %scan3A_10 step %scan3A_11 iter_args(%scan3A_15 = %scan3A_7) -> (i32)  : i32 {
      %mul3A_16 = arith.constant 32 : i32
      %mul3A_17 = arith.muli %scan3A_14, %mul3A_16 : i32
      %add3A_18 = arith.addi %add3A, %mul3A_17 : i32
      %mul3A_19 = arith.constant 1024 : i32
      %mul3A_20 = arith.muli %add3A_18, %mul3A_19 : i32
      %lt3A = arith.constant 976 : i32
      %lt3A_21 = arith.cmpi slt, %add3A_18, %lt3A : i32
      %convert_element_type3A = arith.extui %lt3A_21 : i1 to i32
      %cond3A = arith.constant 0 : i32
      %cond3A_22 = arith.cmpi ne, %convert_element_type3A, %cond3A : i32
      scf.if %cond3A_22 {
        "tpu.region"() ({
          %run_scoped3A = tpu.sem_alloc : memref<!tpu.dma_semaphore, #tpu.memory_space<semaphore_mem>>
          %dma_start3A = arith.constant 0 : i32
          %dma_start3A_35 = tpu.memref_slice %arg3[%dma_start3A, %mul3A_20] : memref<32x1000000xf32, #tpu.memory_space<hbm>> -> memref<32x1024xf32, #tpu.memory_space<hbm>>
          %dma_start3A_36 = arith.constant 0 : i32
          %dma_start3A_37 = tpu.memref_slice %arg3[%dma_start3A_36, %mul3A_20] : memref<32x1000000xf32, #tpu.memory_space<hbm>> -> memref<32x1024xf32, #tpu.memory_space<hbm>>
          tpu.enqueue_dma source(%dma_start3A_37 : memref<32x1024xf32, #tpu.memory_space<hbm>>) target(%arg6 : memref<32x1024xf32, #tpu.memory_space<vmem>>) target_semaphore(%run_scoped3A : memref<!tpu.dma_semaphore, #tpu.memory_space<semaphore_mem>>)
          %dma_wait3A = arith.constant 0 : i32
          %dma_wait3A_38 = tpu.memref_slice %arg3[%dma_wait3A, %mul3A_20] : memref<32x1000000xf32, #tpu.memory_space<hbm>> -> memref<32x1024xf32, #tpu.memory_space<hbm>>
          %dma_wait3A_39 = arith.constant 0 : i32
          %dma_wait3A_40 = tpu.memref_slice %arg3[%dma_wait3A_39, %mul3A_20] : memref<32x1000000xf32, #tpu.memory_space<hbm>> -> memref<32x1024xf32, #tpu.memory_space<hbm>>
          tpu.wait_dma2 semaphore(%run_scoped3A : memref<!tpu.dma_semaphore, #tpu.memory_space<semaphore_mem>>) src(%dma_wait3A_40 : memref<32x1024xf32, #tpu.memory_space<hbm>>) dst(%arg6 : memref<32x1024xf32, #tpu.memory_space<vmem>>)
          tpu.yield
        }) : () -> ()
        %scan3A_28 = arith.constant 0 : i32
        %scan3A_29 = arith.constant 0 : i32
        %scan3A_30 = arith.constant 64 : i32
        %scan3A_31 = arith.addi %scan3A_29, %scan3A_30 : i32
        %scan3A_32 = arith.constant 1 : i32
        %scan3A_33 = scf.for %scan3A_35 = %scan3A_29 to %scan3A_31 step %scan3A_32 iter_args(%scan3A_36 = %scan3A_28) -> (i32)  : i32 {
          %mul3A_37 = arith.constant 16 : i32
          %mul3A_38 = arith.muli %scan3A_35, %mul3A_37 : i32
          %add3A_39 = vector.broadcast %mul3A_38 : i32 to vector<16xi32>
          %add3A_40 = arith.addi %add3A_39, %iota3A : vector<16xi32>
          %mul3A_41 = arith.constant 16 : i32
          %mul3A_42 = arith.muli %scan3A_35, %mul3A_41 : i32
          %get3A = arith.constant 0 : i32
          %get3A_43 = arith.index_cast %get3A : i32 to index
          %get3A_44 = arith.index_cast %mul3A_42 : i32 to index
          %get3A_45 = tpu.vector_load %arg6[%get3A_43, %get3A_44] {strides = array<i32>} : memref<32x1024xf32, #tpu.memory_space<vmem>>, vector<16xf32>,
          %add3A_46 = arith.constant 0 : i32
          %add3A_47 = vector.broadcast %add3A_46 : i32 to vector<16xi32>
          %add3A_48 = arith.addi %iota3A, %add3A_47 : vector<16xi32>
          %and3A = arith.constant 31 : i32
          %and3A_49 = vector.broadcast %and3A : i32 to vector<16xi32>
          %and3A_50 = arith.andi %add3A_48, %and3A_49 : vector<16xi32>
          tpu.vector_store_idx %arg7[%add3A_40, %and3A_50], %get3A_45 : memref<1024x32xf32, #tpu.memory_space<vmem>>[vector<16xi32>, vector<16xi32>], vector<16xf32>,
          %mul3A_51 = arith.constant 16 : i32
          %mul3A_52 = arith.muli %scan3A_35, %mul3A_51 : i32
          %get3A_53 = arith.constant 1 : i32
          %get3A_54 = arith.index_cast %get3A_53 : i32 to index
          %get3A_55 = arith.index_cast %mul3A_52 : i32 to index
          %get3A_56 = tpu.vector_load %arg6[%get3A_54, %get3A_55] {strides = array<i32>} : memref<32x1024xf32, #tpu.memory_space<vmem>>, vector<16xf32>,
          %add3A_57 = arith.constant 1 : i32
          %add3A_58 = vector.broadcast %add3A_57 : i32 to vector<16xi32>
          %add3A_59 = arith.addi %iota3A, %add3A_58 : vector<16xi32>
          %and3A_60 = arith.constant 31 : i32
          %and3A_61 = vector.broadcast %and3A_60 : i32 to vector<16xi32>
          %and3A_62 = arith.andi %add3A_59, %and3A_61 : vector<16xi32>
          tpu.vector_store_idx %arg7[%add3A_40, %and3A_62], %get3A_56 : memref<1024x32xf32, #tpu.memory_space<vmem>>[vector<16xi32>, vector<16xi32>], vector<16xf32>,
          %mul3A_63 = arith.constant 16 : i32
          %mul3A_64 = arith.muli %scan3A_35, %mul3A_63 : i32
          %get3A_65 = arith.constant 2 : i32
          %get3A_66 = arith.index_cast %get3A_65 : i32 to index
          %get3A_67 = arith.index_cast %mul3A_64 : i32 to index
          %get3A_68 = tpu.vector_load %arg6[%get3A_66, %get3A_67] {strides = array<i32>} : memref<32x1024xf32, #tpu.memory_space<vmem>>, vector<16xf32>,
          %add3A_69 = arith.constant 2 : i32
          %add3A_70 = vector.broadcast %add3A_69 : i32 to vector<16xi32>
          %add3A_71 = arith.addi %iota3A, %add3A_70 : vector<16xi32>
          %and3A_72 = arith.constant 31 : i32
          %and3A_73 = vector.broadcast %and3A_72 : i32 to vector<16xi32>
          %and3A_74 = arith.andi %add3A_71, %and3A_73 : vector<16xi32>
          tpu.vector_store_idx %arg7[%add3A_40, %and3A_74], %get3A_68 : memref<1024x32xf32, #tpu.memory_space<vmem>>[vector<16xi32>, vector<16xi32>], vector<16xf32>,
          %mul3A_75 = arith.constant 16 : i32
          %mul3A_76 = arith.muli %scan3A_35, %mul3A_75 : i32
          %get3A_77 = arith.constant 3 : i32
          %get3A_78 = arith.index_cast %get3A_77 : i32 to index
          %get3A_79 = arith.index_cast %mul3A_76 : i32 to index
          %get3A_80 = tpu.vector_load %arg6[%get3A_78, %get3A_79] {strides = array<i32>} : memref<32x1024xf32, #tpu.memory_space<vmem>>, vector<16xf32>,
          %add3A_81 = arith.constant 3 : i32
          %add3A_82 = vector.broadcast %add3A_81 : i32 to vector<16xi32>
          %add3A_83 = arith.addi %iota3A, %add3A_82 : vector<16xi32>
          %and3A_84 = arith.constant 31 : i32
          %and3A_85 = vector.broadcast %and3A_84 : i32 to vector<16xi32>
          %and3A_86 = arith.andi %add3A_83, %and3A_85 : vector<16xi32>
          tpu.vector_store_idx %arg7[%add3A_40, %and3A_86], %get3A_80 : memref<1024x32xf32, #tpu.memory_space<vmem>>[vector<16xi32>, vector<16xi32>], vector<16xf32>,
          %mul3A_87 = arith.constant 16 : i32
          %mul3A_88 = arith.muli %scan3A_35, %mul3A_87 : i32
          %get3A_89 = arith.constant 4 : i32
          %get3A_90 = arith.index_cast %get3A_89 : i32 to index
          %get3A_91 = arith.index_cast %mul3A_88 : i32 to index
          %get3A_92 = tpu.vector_load %arg6[%get3A_90, %get3A_91] {strides = array<i32>} : memref<32x1024xf32, #tpu.memory_space<vmem>>, vector<16xf32>,
          %add3A_93 = arith.constant 4 : i32
          %add3A_94 = vector.broadcast %add3A_93 : i32 to vector<16xi32>
          %add3A_95 = arith.addi %iota3A, %add3A_94 : vector<16xi32>
          %and3A_96 = arith.constant 31 : i32
          %and3A_97 = vector.broadcast %and3A_96 : i32 to vector<16xi32>
          %and3A_98 = arith.andi %add3A_95, %and3A_97 : vector<16xi32>
          tpu.vector_store_idx %arg7[%add3A_40, %and3A_98], %get3A_92 : memref<1024x32xf32, #tpu.memory_space<vmem>>[vector<16xi32>, vector<16xi32>], vector<16xf32>,
          %mul3A_99 = arith.constant 16 : i32
          %mul3A_100 = arith.muli %scan3A_35, %mul3A_99 : i32
          %get3A_101 = arith.constant 5 : i32
          %get3A_102 = arith.index_cast %get3A_101 : i32 to index
          %get3A_103 = arith.index_cast %mul3A_100 : i32 to index
          %get3A_104 = tpu.vector_load %arg6[%get3A_102, %get3A_103] {strides = array<i32>} : memref<32x1024xf32, #tpu.memory_space<vmem>>, vector<16xf32>,
          %add3A_105 = arith.constant 5 : i32
          %add3A_106 = vector.broadcast %add3A_105 : i32 to vector<16xi32>
          %add3A_107 = arith.addi %iota3A, %add3A_106 : vector<16xi32>
          %and3A_108 = arith.constant 31 : i32
          %and3A_109 = vector.broadcast %and3A_108 : i32 to vector<16xi32>
          %and3A_110 = arith.andi %add3A_107, %and3A_109 : vector<16xi32>
          tpu.vector_store_idx %arg7[%add3A_40, %and3A_110], %get3A_104 : memref<1024x32xf32, #tpu.memory_space<vmem>>[vector<16xi32>, vector<16xi32>], vector<16xf32>,
          %mul3A_111 = arith.constant 16 : i32
          %mul3A_112 = arith.muli %scan3A_35, %mul3A_111 : i32
          %get3A_113 = arith.constant 6 : i32
          %get3A_114 = arith.index_cast %get3A_113 : i32 to index
          %get3A_115 = arith.index_cast %mul3A_112 : i32 to index
          %get3A_116 = tpu.vector_load %arg6[%get3A_114, %get3A_115] {strides = array<i32>} : memref<32x1024xf32, #tpu.memory_space<vmem>>, vector<16xf32>,
          %add3A_117 = arith.constant 6 : i32
          %add3A_118 = vector.broadcast %add3A_117 : i32 to vector<16xi32>
          %add3A_119 = arith.addi %iota3A, %add3A_118 : vector<16xi32>
          %and3A_120 = arith.constant 31 : i32
          %and3A_121 = vector.broadcast %and3A_120 : i32 to vector<16xi32>
          %and3A_122 = arith.andi %add3A_119, %and3A_121 : vector<16xi32>
          tpu.vector_store_idx %arg7[%add3A_40, %and3A_122], %get3A_116 : memref<1024x32xf32, #tpu.memory_space<vmem>>[vector<16xi32>, vector<16xi32>], vector<16xf32>,
          %mul3A_123 = arith.constant 16 : i32
          %mul3A_124 = arith.muli %scan3A_35, %mul3A_123 : i32
          %get3A_125 = arith.constant 7 : i32
          %get3A_126 = arith.index_cast %get3A_125 : i32 to index
          %get3A_127 = arith.index_cast %mul3A_124 : i32 to index
          %get3A_128 = tpu.vector_load %arg6[%get3A_126, %get3A_127] {strides = array<i32>} : memref<32x1024xf32, #tpu.memory_space<vmem>>, vector<16xf32>,
          %add3A_129 = arith.constant 7 : i32
          %add3A_130 = vector.broadcast %add3A_129 : i32 to vector<16xi32>
          %add3A_131 = arith.addi %iota3A, %add3A_130 : vector<16xi32>
          %and3A_132 = arith.constant 31 : i32
          %and3A_133 = vector.broadcast %and3A_132 : i32 to vector<16xi32>
          %and3A_134 = arith.andi %add3A_131, %and3A_133 : vector<16xi32>
          tpu.vector_store_idx %arg7[%add3A_40, %and3A_134], %get3A_128 : memref<1024x32xf32, #tpu.memory_space<vmem>>[vector<16xi32>, vector<16xi32>], vector<16xf32>,
          %mul3A_135 = arith.constant 16 : i32
          %mul3A_136 = arith.muli %scan3A_35, %mul3A_135 : i32
          %get3A_137 = arith.constant 8 : i32
          %get3A_138 = arith.index_cast %get3A_137 : i32 to index
          %get3A_139 = arith.index_cast %mul3A_136 : i32 to index
          %get3A_140 = tpu.vector_load %arg6[%get3A_138, %get3A_139] {strides = array<i32>} : memref<32x1024xf32, #tpu.memory_space<vmem>>, vector<16xf32>,
          %add3A_141 = arith.constant 8 : i32
          %add3A_142 = vector.broadcast %add3A_141 : i32 to vector<16xi32>
          %add3A_143 = arith.addi %iota3A, %add3A_142 : vector<16xi32>
          %and3A_144 = arith.constant 31 : i32
          %and3A_145 = vector.broadcast %and3A_144 : i32 to vector<16xi32>
          %and3A_146 = arith.andi %add3A_143, %and3A_145 : vector<16xi32>
          tpu.vector_store_idx %arg7[%add3A_40, %and3A_146], %get3A_140 : memref<1024x32xf32, #tpu.memory_space<vmem>>[vector<16xi32>, vector<16xi32>], vector<16xf32>,
          %mul3A_147 = arith.constant 16 : i32
          %mul3A_148 = arith.muli %scan3A_35, %mul3A_147 : i32
          %get3A_149 = arith.constant 9 : i32
          %get3A_150 = arith.index_cast %get3A_149 : i32 to index
          %get3A_151 = arith.index_cast %mul3A_148 : i32 to index
          %get3A_152 = tpu.vector_load %arg6[%get3A_150, %get3A_151] {strides = array<i32>} : memref<32x1024xf32, #tpu.memory_space<vmem>>, vector<16xf32>,
          %add3A_153 = arith.constant 9 : i32
          %add3A_154 = vector.broadcast %add3A_153 : i32 to vector<16xi32>
          %add3A_155 = arith.addi %iota3A, %add3A_154 : vector<16xi32>
          %and3A_156 = arith.constant 31 : i32
          %and3A_157 = vector.broadcast %and3A_156 : i32 to vector<16xi32>
          %and3A_158 = arith.andi %add3A_155, %and3A_157 : vector<16xi32>
          tpu.vector_store_idx %arg7[%add3A_40, %and3A_158], %get3A_152 : memref<1024x32xf32, #tpu.memory_space<vmem>>[vector<16xi32>, vector<16xi32>], vector<16xf32>,
          %mul3A_159 = arith.constant 16 : i32
          %mul3A_160 = arith.muli %scan3A_35, %mul3A_159 : i32
          %get3A_161 = arith.constant 10 : i32
          %get3A_162 = arith.index_cast %get3A_161 : i32 to index
          %get3A_163 = arith.index_cast %mul3A_160 : i32 to index
          %get3A_164 = tpu.vector_load %arg6[%get3A_162, %get3A_163] {strides = array<i32>} : memref<32x1024xf32, #tpu.memory_space<vmem>>, vector<16xf32>,
          %add3A_165 = arith.constant 10 : i32
          %add3A_166 = vector.broadcast %add3A_165 : i32 to vector<16xi32>
          %add3A_167 = arith.addi %iota3A, %add3A_166 : vector<16xi32>
          %and3A_168 = arith.constant 31 : i32
          %and3A_169 = vector.broadcast %and3A_168 : i32 to vector<16xi32>
          %and3A_170 = arith.andi %add3A_167, %and3A_169 : vector<16xi32>
          tpu.vector_store_idx %arg7[%add3A_40, %and3A_170], %get3A_164 : memref<1024x32xf32, #tpu.memory_space<vmem>>[vector<16xi32>, vector<16xi32>], vector<16xf32>,
          %mul3A_171 = arith.constant 16 : i32
          %mul3A_172 = arith.muli %scan3A_35, %mul3A_171 : i32
          %get3A_173 = arith.constant 11 : i32
          %get3A_174 = arith.index_cast %get3A_173 : i32 to index
          %get3A_175 = arith.index_cast %mul3A_172 : i32 to index
          %get3A_176 = tpu.vector_load %arg6[%get3A_174, %get3A_175] {strides = array<i32>} : memref<32x1024xf32, #tpu.memory_space<vmem>>, vector<16xf32>,
          %add3A_177 = arith.constant 11 : i32
          %add3A_178 = vector.broadcast %add3A_177 : i32 to vector<16xi32>
          %add3A_179 = arith.addi %iota3A, %add3A_178 : vector<16xi32>
          %and3A_180 = arith.constant 31 : i32
          %and3A_181 = vector.broadcast %and3A_180 : i32 to vector<16xi32>
          %and3A_182 = arith.andi %add3A_179, %and3A_181 : vector<16xi32>
          tpu.vector_store_idx %arg7[%add3A_40, %and3A_182], %get3A_176 : memref<1024x32xf32, #tpu.memory_space<vmem>>[vector<16xi32>, vector<16xi32>], vector<16xf32>,
          %mul3A_183 = arith.constant 16 : i32
          %mul3A_184 = arith.muli %scan3A_35, %mul3A_183 : i32
          %get3A_185 = arith.constant 12 : i32
          %get3A_186 = arith.index_cast %get3A_185 : i32 to index
          %get3A_187 = arith.index_cast %mul3A_184 : i32 to index
          %get3A_188 = tpu.vector_load %arg6[%get3A_186, %get3A_187] {strides = array<i32>} : memref<32x1024xf32, #tpu.memory_space<vmem>>, vector<16xf32>,
          %add3A_189 = arith.constant 12 : i32
          %add3A_190 = vector.broadcast %add3A_189 : i32 to vector<16xi32>
          %add3A_191 = arith.addi %iota3A, %add3A_190 : vector<16xi32>
          %and3A_192 = arith.constant 31 : i32
          %and3A_193 = vector.broadcast %and3A_192 : i32 to vector<16xi32>
          %and3A_194 = arith.andi %add3A_191, %and3A_193 : vector<16xi32>
          tpu.vector_store_idx %arg7[%add3A_40, %and3A_194], %get3A_188 : memref<1024x32xf32, #tpu.memory_space<vmem>>[vector<16xi32>, vector<16xi32>], vector<16xf32>,
          %mul3A_195 = arith.constant 16 : i32
          %mul3A_196 = arith.muli %scan3A_35, %mul3A_195 : i32
          %get3A_197 = arith.constant 13 : i32
          %get3A_198 = arith.index_cast %get3A_197 : i32 to index
          %get3A_199 = arith.index_cast %mul3A_196 : i32 to index
          %get3A_200 = tpu.vector_load %arg6[%get3A_198, %get3A_199] {strides = array<i32>} : memref<32x1024xf32, #tpu.memory_space<vmem>>, vector<16xf32>,
          %add3A_201 = arith.constant 13 : i32
          %add3A_202 = vector.broadcast %add3A_201 : i32 to vector<16xi32>
          %add3A_203 = arith.addi %iota3A, %add3A_202 : vector<16xi32>
          %and3A_204 = arith.constant 31 : i32
          %and3A_205 = vector.broadcast %and3A_204 : i32 to vector<16xi32>
          %and3A_206 = arith.andi %add3A_203, %and3A_205 : vector<16xi32>
          tpu.vector_store_idx %arg7[%add3A_40, %and3A_206], %get3A_200 : memref<1024x32xf32, #tpu.memory_space<vmem>>[vector<16xi32>, vector<16xi32>], vector<16xf32>,
          %mul3A_207 = arith.constant 16 : i32
          %mul3A_208 = arith.muli %scan3A_35, %mul3A_207 : i32
          %get3A_209 = arith.constant 14 : i32
          %get3A_210 = arith.index_cast %get3A_209 : i32 to index
          %get3A_211 = arith.index_cast %mul3A_208 : i32 to index
          %get3A_212 = tpu.vector_load %arg6[%get3A_210, %get3A_211] {strides = array<i32>} : memref<32x1024xf32, #tpu.memory_space<vmem>>, vector<16xf32>,
          %add3A_213 = arith.constant 14 : i32
          %add3A_214 = vector.broadcast %add3A_213 : i32 to vector<16xi32>
          %add3A_215 = arith.addi %iota3A, %add3A_214 : vector<16xi32>
          %and3A_216 = arith.constant 31 : i32
          %and3A_217 = vector.broadcast %and3A_216 : i32 to vector<16xi32>
          %and3A_218 = arith.andi %add3A_215, %and3A_217 : vector<16xi32>
          tpu.vector_store_idx %arg7[%add3A_40, %and3A_218], %get3A_212 : memref<1024x32xf32, #tpu.memory_space<vmem>>[vector<16xi32>, vector<16xi32>], vector<16xf32>,
          %mul3A_219 = arith.constant 16 : i32
          %mul3A_220 = arith.muli %scan3A_35, %mul3A_219 : i32
          %get3A_221 = arith.constant 15 : i32
          %get3A_222 = arith.index_cast %get3A_221 : i32 to index
          %get3A_223 = arith.index_cast %mul3A_220 : i32 to index
          %get3A_224 = tpu.vector_load %arg6[%get3A_222, %get3A_223] {strides = array<i32>} : memref<32x1024xf32, #tpu.memory_space<vmem>>, vector<16xf32>,
          %add3A_225 = arith.constant 15 : i32
          %add3A_226 = vector.broadcast %add3A_225 : i32 to vector<16xi32>
          %add3A_227 = arith.addi %iota3A, %add3A_226 : vector<16xi32>
          %and3A_228 = arith.constant 31 : i32
          %and3A_229 = vector.broadcast %and3A_228 : i32 to vector<16xi32>
          %and3A_230 = arith.andi %add3A_227, %and3A_229 : vector<16xi32>
          tpu.vector_store_idx %arg7[%add3A_40, %and3A_230], %get3A_224 : memref<1024x32xf32, #tpu.memory_space<vmem>>[vector<16xi32>, vector<16xi32>], vector<16xf32>,
          %mul3A_231 = arith.constant 16 : i32
          %mul3A_232 = arith.muli %scan3A_35, %mul3A_231 : i32
          %get3A_233 = arith.constant 16 : i32
          %get3A_234 = arith.index_cast %get3A_233 : i32 to index
          %get3A_235 = arith.index_cast %mul3A_232 : i32 to index
          %get3A_236 = tpu.vector_load %arg6[%get3A_234, %get3A_235] {strides = array<i32>} : memref<32x1024xf32, #tpu.memory_space<vmem>>, vector<16xf32>,
          %add3A_237 = arith.constant 16 : i32
          %add3A_238 = vector.broadcast %add3A_237 : i32 to vector<16xi32>
          %add3A_239 = arith.addi %iota3A, %add3A_238 : vector<16xi32>
          %and3A_240 = arith.constant 31 : i32
          %and3A_241 = vector.broadcast %and3A_240 : i32 to vector<16xi32>
          %and3A_242 = arith.andi %add3A_239, %and3A_241 : vector<16xi32>
          tpu.vector_store_idx %arg7[%add3A_40, %and3A_242], %get3A_236 : memref<1024x32xf32, #tpu.memory_space<vmem>>[vector<16xi32>, vector<16xi32>], vector<16xf32>,
          %mul3A_243 = arith.constant 16 : i32
          %mul3A_244 = arith.muli %scan3A_35, %mul3A_243 : i32
          %get3A_245 = arith.constant 17 : i32
          %get3A_246 = arith.index_cast %get3A_245 : i32 to index
          %get3A_247 = arith.index_cast %mul3A_244 : i32 to index
          %get3A_248 = tpu.vector_load %arg6[%get3A_246, %get3A_247] {strides = array<i32>} : memref<32x1024xf32, #tpu.memory_space<vmem>>, vector<16xf32>,
          %add3A_249 = arith.constant 17 : i32
          %add3A_250 = vector.broadcast %add3A_249 : i32 to vector<16xi32>
          %add3A_251 = arith.addi %iota3A, %add3A_250 : vector<16xi32>
          %and3A_252 = arith.constant 31 : i32
          %and3A_253 = vector.broadcast %and3A_252 : i32 to vector<16xi32>
          %and3A_254 = arith.andi %add3A_251, %and3A_253 : vector<16xi32>
          tpu.vector_store_idx %arg7[%add3A_40, %and3A_254], %get3A_248 : memref<1024x32xf32, #tpu.memory_space<vmem>>[vector<16xi32>, vector<16xi32>], vector<16xf32>,
          %mul3A_255 = arith.constant 16 : i32
          %mul3A_256 = arith.muli %scan3A_35, %mul3A_255 : i32
          %get3A_257 = arith.constant 18 : i32
          %get3A_258 = arith.index_cast %get3A_257 : i32 to index
          %get3A_259 = arith.index_cast %mul3A_256 : i32 to index
          %get3A_260 = tpu.vector_load %arg6[%get3A_258, %get3A_259] {strides = array<i32>} : memref<32x1024xf32, #tpu.memory_space<vmem>>, vector<16xf32>,
          %add3A_261 = arith.constant 18 : i32
          %add3A_262 = vector.broadcast %add3A_261 : i32 to vector<16xi32>
          %add3A_263 = arith.addi %iota3A, %add3A_262 : vector<16xi32>
          %and3A_264 = arith.constant 31 : i32
          %and3A_265 = vector.broadcast %and3A_264 : i32 to vector<16xi32>
          %and3A_266 = arith.andi %add3A_263, %and3A_265 : vector<16xi32>
          tpu.vector_store_idx %arg7[%add3A_40, %and3A_266], %get3A_260 : memref<1024x32xf32, #tpu.memory_space<vmem>>[vector<16xi32>, vector<16xi32>], vector<16xf32>,
          %mul3A_267 = arith.constant 16 : i32
          %mul3A_268 = arith.muli %scan3A_35, %mul3A_267 : i32
          %get3A_269 = arith.constant 19 : i32
          %get3A_270 = arith.index_cast %get3A_269 : i32 to index
          %get3A_271 = arith.index_cast %mul3A_268 : i32 to index
          %get3A_272 = tpu.vector_load %arg6[%get3A_270, %get3A_271] {strides = array<i32>} : memref<32x1024xf32, #tpu.memory_space<vmem>>, vector<16xf32>,
          %add3A_273 = arith.constant 19 : i32
          %add3A_274 = vector.broadcast %add3A_273 : i32 to vector<16xi32>
          %add3A_275 = arith.addi %iota3A, %add3A_274 : vector<16xi32>
          %and3A_276 = arith.constant 31 : i32
          %and3A_277 = vector.broadcast %and3A_276 : i32 to vector<16xi32>
          %and3A_278 = arith.andi %add3A_275, %and3A_277 : vector<16xi32>
          tpu.vector_store_idx %arg7[%add3A_40, %and3A_278], %get3A_272 : memref<1024x32xf32, #tpu.memory_space<vmem>>[vector<16xi32>, vector<16xi32>], vector<16xf32>,
          %mul3A_279 = arith.constant 16 : i32
          %mul3A_280 = arith.muli %scan3A_35, %mul3A_279 : i32
          %get3A_281 = arith.constant 20 : i32
          %get3A_282 = arith.index_cast %get3A_281 : i32 to index
          %get3A_283 = arith.index_cast %mul3A_280 : i32 to index
          %get3A_284 = tpu.vector_load %arg6[%get3A_282, %get3A_283] {strides = array<i32>} : memref<32x1024xf32, #tpu.memory_space<vmem>>, vector<16xf32>,
          %add3A_285 = arith.constant 20 : i32
          %add3A_286 = vector.broadcast %add3A_285 : i32 to vector<16xi32>
          %add3A_287 = arith.addi %iota3A, %add3A_286 : vector<16xi32>
          %and3A_288 = arith.constant 31 : i32
          %and3A_289 = vector.broadcast %and3A_288 : i32 to vector<16xi32>
          %and3A_290 = arith.andi %add3A_287, %and3A_289 : vector<16xi32>
          tpu.vector_store_idx %arg7[%add3A_40, %and3A_290], %get3A_284 : memref<1024x32xf32, #tpu.memory_space<vmem>>[vector<16xi32>, vector<16xi32>], vector<16xf32>,
          %mul3A_291 = arith.constant 16 : i32
          %mul3A_292 = arith.muli %scan3A_35, %mul3A_291 : i32
          %get3A_293 = arith.constant 21 : i32
          %get3A_294 = arith.index_cast %get3A_293 : i32 to index
          %get3A_295 = arith.index_cast %mul3A_292 : i32 to index
          %get3A_296 = tpu.vector_load %arg6[%get3A_294, %get3A_295] {strides = array<i32>} : memref<32x1024xf32, #tpu.memory_space<vmem>>, vector<16xf32>,
          %add3A_297 = arith.constant 21 : i32
          %add3A_298 = vector.broadcast %add3A_297 : i32 to vector<16xi32>
          %add3A_299 = arith.addi %iota3A, %add3A_298 : vector<16xi32>
          %and3A_300 = arith.constant 31 : i32
          %and3A_301 = vector.broadcast %and3A_300 : i32 to vector<16xi32>
          %and3A_302 = arith.andi %add3A_299, %and3A_301 : vector<16xi32>
          tpu.vector_store_idx %arg7[%add3A_40, %and3A_302], %get3A_296 : memref<1024x32xf32, #tpu.memory_space<vmem>>[vector<16xi32>, vector<16xi32>], vector<16xf32>,
          %mul3A_303 = arith.constant 16 : i32
          %mul3A_304 = arith.muli %scan3A_35, %mul3A_303 : i32
          %get3A_305 = arith.constant 22 : i32
          %get3A_306 = arith.index_cast %get3A_305 : i32 to index
          %get3A_307 = arith.index_cast %mul3A_304 : i32 to index
          %get3A_308 = tpu.vector_load %arg6[%get3A_306, %get3A_307] {strides = array<i32>} : memref<32x1024xf32, #tpu.memory_space<vmem>>, vector<16xf32>,
          %add3A_309 = arith.constant 22 : i32
          %add3A_310 = vector.broadcast %add3A_309 : i32 to vector<16xi32>
          %add3A_311 = arith.addi %iota3A, %add3A_310 : vector<16xi32>
          %and3A_312 = arith.constant 31 : i32
          %and3A_313 = vector.broadcast %and3A_312 : i32 to vector<16xi32>
          %and3A_314 = arith.andi %add3A_311, %and3A_313 : vector<16xi32>
          tpu.vector_store_idx %arg7[%add3A_40, %and3A_314], %get3A_308 : memref<1024x32xf32, #tpu.memory_space<vmem>>[vector<16xi32>, vector<16xi32>], vector<16xf32>,
          %mul3A_315 = arith.constant 16 : i32
          %mul3A_316 = arith.muli %scan3A_35, %mul3A_315 : i32
          %get3A_317 = arith.constant 23 : i32
          %get3A_318 = arith.index_cast %get3A_317 : i32 to index
          %get3A_319 = arith.index_cast %mul3A_316 : i32 to index
          %get3A_320 = tpu.vector_load %arg6[%get3A_318, %get3A_319] {strides = array<i32>} : memref<32x1024xf32, #tpu.memory_space<vmem>>, vector<16xf32>,
          %add3A_321 = arith.constant 23 : i32
          %add3A_322 = vector.broadcast %add3A_321 : i32 to vector<16xi32>
          %add3A_323 = arith.addi %iota3A, %add3A_322 : vector<16xi32>
          %and3A_324 = arith.constant 31 : i32
          %and3A_325 = vector.broadcast %and3A_324 : i32 to vector<16xi32>
          %and3A_326 = arith.andi %add3A_323, %and3A_325 : vector<16xi32>
          tpu.vector_store_idx %arg7[%add3A_40, %and3A_326], %get3A_320 : memref<1024x32xf32, #tpu.memory_space<vmem>>[vector<16xi32>, vector<16xi32>], vector<16xf32>,
          %mul3A_327 = arith.constant 16 : i32
          %mul3A_328 = arith.muli %scan3A_35, %mul3A_327 : i32
          %get3A_329 = arith.constant 24 : i32
          %get3A_330 = arith.index_cast %get3A_329 : i32 to index
          %get3A_331 = arith.index_cast %mul3A_328 : i32 to index
          %get3A_332 = tpu.vector_load %arg6[%get3A_330, %get3A_331] {strides = array<i32>} : memref<32x1024xf32, #tpu.memory_space<vmem>>, vector<16xf32>,
          %add3A_333 = arith.constant 24 : i32
          %add3A_334 = vector.broadcast %add3A_333 : i32 to vector<16xi32>
          %add3A_335 = arith.addi %iota3A, %add3A_334 : vector<16xi32>
          %and3A_336 = arith.constant 31 : i32
          %and3A_337 = vector.broadcast %and3A_336 : i32 to vector<16xi32>
          %and3A_338 = arith.andi %add3A_335, %and3A_337 : vector<16xi32>
          tpu.vector_store_idx %arg7[%add3A_40, %and3A_338], %get3A_332 : memref<1024x32xf32, #tpu.memory_space<vmem>>[vector<16xi32>, vector<16xi32>], vector<16xf32>,
          %mul3A_339 = arith.constant 16 : i32
          %mul3A_340 = arith.muli %scan3A_35, %mul3A_339 : i32
          %get3A_341 = arith.constant 25 : i32
          %get3A_342 = arith.index_cast %get3A_341 : i32 to index
          %get3A_343 = arith.index_cast %mul3A_340 : i32 to index
          %get3A_344 = tpu.vector_load %arg6[%get3A_342, %get3A_343] {strides = array<i32>} : memref<32x1024xf32, #tpu.memory_space<vmem>>, vector<16xf32>,
          %add3A_345 = arith.constant 25 : i32
          %add3A_346 = vector.broadcast %add3A_345 : i32 to vector<16xi32>
          %add3A_347 = arith.addi %iota3A, %add3A_346 : vector<16xi32>
          %and3A_348 = arith.constant 31 : i32
          %and3A_349 = vector.broadcast %and3A_348 : i32 to vector<16xi32>
          %and3A_350 = arith.andi %add3A_347, %and3A_349 : vector<16xi32>
          tpu.vector_store_idx %arg7[%add3A_40, %and3A_350], %get3A_344 : memref<1024x32xf32, #tpu.memory_space<vmem>>[vector<16xi32>, vector<16xi32>], vector<16xf32>,
          %mul3A_351 = arith.constant 16 : i32
          %mul3A_352 = arith.muli %scan3A_35, %mul3A_351 : i32
          %get3A_353 = arith.constant 26 : i32
          %get3A_354 = arith.index_cast %get3A_353 : i32 to index
          %get3A_355 = arith.index_cast %mul3A_352 : i32 to index
          %get3A_356 = tpu.vector_load %arg6[%get3A_354, %get3A_355] {strides = array<i32>} : memref<32x1024xf32, #tpu.memory_space<vmem>>, vector<16xf32>,
          %add3A_357 = arith.constant 26 : i32
          %add3A_358 = vector.broadcast %add3A_357 : i32 to vector<16xi32>
          %add3A_359 = arith.addi %iota3A, %add3A_358 : vector<16xi32>
          %and3A_360 = arith.constant 31 : i32
          %and3A_361 = vector.broadcast %and3A_360 : i32 to vector<16xi32>
          %and3A_362 = arith.andi %add3A_359, %and3A_361 : vector<16xi32>
          tpu.vector_store_idx %arg7[%add3A_40, %and3A_362], %get3A_356 : memref<1024x32xf32, #tpu.memory_space<vmem>>[vector<16xi32>, vector<16xi32>], vector<16xf32>,
          %mul3A_363 = arith.constant 16 : i32
          %mul3A_364 = arith.muli %scan3A_35, %mul3A_363 : i32
          %get3A_365 = arith.constant 27 : i32
          %get3A_366 = arith.index_cast %get3A_365 : i32 to index
          %get3A_367 = arith.index_cast %mul3A_364 : i32 to index
          %get3A_368 = tpu.vector_load %arg6[%get3A_366, %get3A_367] {strides = array<i32>} : memref<32x1024xf32, #tpu.memory_space<vmem>>, vector<16xf32>,
          %add3A_369 = arith.constant 27 : i32
          %add3A_370 = vector.broadcast %add3A_369 : i32 to vector<16xi32>
          %add3A_371 = arith.addi %iota3A, %add3A_370 : vector<16xi32>
          %and3A_372 = arith.constant 31 : i32
          %and3A_373 = vector.broadcast %and3A_372 : i32 to vector<16xi32>
          %and3A_374 = arith.andi %add3A_371, %and3A_373 : vector<16xi32>
          tpu.vector_store_idx %arg7[%add3A_40, %and3A_374], %get3A_368 : memref<1024x32xf32, #tpu.memory_space<vmem>>[vector<16xi32>, vector<16xi32>], vector<16xf32>,
          %mul3A_375 = arith.constant 16 : i32
          %mul3A_376 = arith.muli %scan3A_35, %mul3A_375 : i32
          %get3A_377 = arith.constant 28 : i32
          %get3A_378 = arith.index_cast %get3A_377 : i32 to index
          %get3A_379 = arith.index_cast %mul3A_376 : i32 to index
          %get3A_380 = tpu.vector_load %arg6[%get3A_378, %get3A_379] {strides = array<i32>} : memref<32x1024xf32, #tpu.memory_space<vmem>>, vector<16xf32>,
          %add3A_381 = arith.constant 28 : i32
          %add3A_382 = vector.broadcast %add3A_381 : i32 to vector<16xi32>
          %add3A_383 = arith.addi %iota3A, %add3A_382 : vector<16xi32>
          %and3A_384 = arith.constant 31 : i32
          %and3A_385 = vector.broadcast %and3A_384 : i32 to vector<16xi32>
          %and3A_386 = arith.andi %add3A_383, %and3A_385 : vector<16xi32>
          tpu.vector_store_idx %arg7[%add3A_40, %and3A_386], %get3A_380 : memref<1024x32xf32, #tpu.memory_space<vmem>>[vector<16xi32>, vector<16xi32>], vector<16xf32>,
          %mul3A_387 = arith.constant 16 : i32
          %mul3A_388 = arith.muli %scan3A_35, %mul3A_387 : i32
          %get3A_389 = arith.constant 29 : i32
          %get3A_390 = arith.index_cast %get3A_389 : i32 to index
          %get3A_391 = arith.index_cast %mul3A_388 : i32 to index
          %get3A_392 = tpu.vector_load %arg6[%get3A_390, %get3A_391] {strides = array<i32>} : memref<32x1024xf32, #tpu.memory_space<vmem>>, vector<16xf32>,
          %add3A_393 = arith.constant 29 : i32
          %add3A_394 = vector.broadcast %add3A_393 : i32 to vector<16xi32>
          %add3A_395 = arith.addi %iota3A, %add3A_394 : vector<16xi32>
          %and3A_396 = arith.constant 31 : i32
          %and3A_397 = vector.broadcast %and3A_396 : i32 to vector<16xi32>
          %and3A_398 = arith.andi %add3A_395, %and3A_397 : vector<16xi32>
          tpu.vector_store_idx %arg7[%add3A_40, %and3A_398], %get3A_392 : memref<1024x32xf32, #tpu.memory_space<vmem>>[vector<16xi32>, vector<16xi32>], vector<16xf32>,
          %mul3A_399 = arith.constant 16 : i32
          %mul3A_400 = arith.muli %scan3A_35, %mul3A_399 : i32
          %get3A_401 = arith.constant 30 : i32
          %get3A_402 = arith.index_cast %get3A_401 : i32 to index
          %get3A_403 = arith.index_cast %mul3A_400 : i32 to index
          %get3A_404 = tpu.vector_load %arg6[%get3A_402, %get3A_403] {strides = array<i32>} : memref<32x1024xf32, #tpu.memory_space<vmem>>, vector<16xf32>,
          %add3A_405 = arith.constant 30 : i32
          %add3A_406 = vector.broadcast %add3A_405 : i32 to vector<16xi32>
          %add3A_407 = arith.addi %iota3A, %add3A_406 : vector<16xi32>
          %and3A_408 = arith.constant 31 : i32
          %and3A_409 = vector.broadcast %and3A_408 : i32 to vector<16xi32>
          %and3A_410 = arith.andi %add3A_407, %and3A_409 : vector<16xi32>
          tpu.vector_store_idx %arg7[%add3A_40, %and3A_410], %get3A_404 : memref<1024x32xf32, #tpu.memory_space<vmem>>[vector<16xi32>, vector<16xi32>], vector<16xf32>,
          %mul3A_411 = arith.constant 16 : i32
          %mul3A_412 = arith.muli %scan3A_35, %mul3A_411 : i32
          %get3A_413 = arith.constant 31 : i32
          %get3A_414 = arith.index_cast %get3A_413 : i32 to index
          %get3A_415 = arith.index_cast %mul3A_412 : i32 to index
          %get3A_416 = tpu.vector_load %arg6[%get3A_414, %get3A_415] {strides = array<i32>} : memref<32x1024xf32, #tpu.memory_space<vmem>>, vector<16xf32>,
          %add3A_417 = arith.constant 31 : i32
          %add3A_418 = vector.broadcast %add3A_417 : i32 to vector<16xi32>
          %add3A_419 = arith.addi %iota3A, %add3A_418 : vector<16xi32>
          %and3A_420 = arith.constant 31 : i32
          %and3A_421 = vector.broadcast %and3A_420 : i32 to vector<16xi32>
          %and3A_422 = arith.andi %add3A_419, %and3A_421 : vector<16xi32>
          tpu.vector_store_idx %arg7[%add3A_40, %and3A_422], %get3A_416 : memref<1024x32xf32, #tpu.memory_space<vmem>>[vector<16xi32>, vector<16xi32>], vector<16xf32>,
          %scan3A_423 = arith.constant 0 : i32
          scf.yield %scan3A_423 : i32
        }
        %scan3A_34 = arith.constant 64 : i32
        "tpu.region"() ({
          %run_scoped3A = tpu.sem_alloc : memref<!tpu.dma_semaphore, #tpu.memory_space<semaphore_mem>>
          %dma_start3A = arith.constant 0 : i32
          %dma_start3A_35 = tpu.memref_slice %arg5[%mul3A_20, %dma_start3A] : memref<1000000x32xf32, #tpu.memory_space<hbm>> -> memref<1024x32xf32, #tpu.memory_space<hbm>>
          %dma_start3A_36 = arith.constant 0 : i32
          %dma_start3A_37 = tpu.memref_slice %arg5[%mul3A_20, %dma_start3A_36] : memref<1000000x32xf32, #tpu.memory_space<hbm>> -> memref<1024x32xf32, #tpu.memory_space<hbm>>
          tpu.enqueue_dma source(%arg7 : memref<1024x32xf32, #tpu.memory_space<vmem>>) target(%dma_start3A_37 : memref<1024x32xf32, #tpu.memory_space<hbm>>) target_semaphore(%run_scoped3A : memref<!tpu.dma_semaphore, #tpu.memory_space<semaphore_mem>>)
          %dma_wait3A = arith.constant 0 : i32
          %dma_wait3A_38 = tpu.memref_slice %arg5[%mul3A_20, %dma_wait3A] : memref<1000000x32xf32, #tpu.memory_space<hbm>> -> memref<1024x32xf32, #tpu.memory_space<hbm>>
          %dma_wait3A_39 = arith.constant 0 : i32
          %dma_wait3A_40 = tpu.memref_slice %arg5[%mul3A_20, %dma_wait3A_39] : memref<1000000x32xf32, #tpu.memory_space<hbm>> -> memref<1024x32xf32, #tpu.memory_space<hbm>>
          tpu.wait_dma2 semaphore(%run_scoped3A : memref<!tpu.dma_semaphore, #tpu.memory_space<semaphore_mem>>) src(%arg7 : memref<1024x32xf32, #tpu.memory_space<vmem>>) dst(%dma_wait3A_40 : memref<1024x32xf32, #tpu.memory_space<hbm>>)
          tpu.yield
        }) : () -> ()
      } else {
      }
      %eq3A = arith.constant 976 : i32
      %eq3A_23 = arith.cmpi eq, %add3A_18, %eq3A : i32
      %convert_element_type3A_24 = arith.extui %eq3A_23 : i1 to i32
      %cond3A_25 = arith.constant 0 : i32
      %cond3A_26 = arith.cmpi ne, %convert_element_type3A_24, %cond3A_25 : i32
      scf.if %cond3A_26 {
        "tpu.region"() ({
          %run_scoped3A = tpu.sem_alloc : memref<!tpu.dma_semaphore, #tpu.memory_space<semaphore_mem>>
          %dma_start3A = arith.constant 0 : i32
          %dma_start3A_35 = arith.constant 0 : i32
          %dma_start3A_36 = tpu.memref_slice %arg6[%dma_start3A, %dma_start3A_35] : memref<32x1024xf32, #tpu.memory_space<vmem>> -> memref<32x576xf32, #tpu.memory_space<vmem>>
          %dma_start3A_37 = arith.constant 0 : i32
          %dma_start3A_38 = tpu.memref_slice %arg3[%dma_start3A_37, %mul3A_20] : memref<32x1000000xf32, #tpu.memory_space<hbm>> -> memref<32x576xf32, #tpu.memory_space<hbm>>
          %dma_start3A_39 = arith.constant 0 : i32
          %dma_start3A_40 = arith.constant 0 : i32
          %dma_start3A_41 = tpu.memref_slice %arg6[%dma_start3A_39, %dma_start3A_40] : memref<32x1024xf32, #tpu.memory_space<vmem>> -> memref<32x576xf32, #tpu.memory_space<vmem>>
          %dma_start3A_42 = arith.constant 0 : i32
          %dma_start3A_43 = tpu.memref_slice %arg3[%dma_start3A_42, %mul3A_20] : memref<32x1000000xf32, #tpu.memory_space<hbm>> -> memref<32x576xf32, #tpu.memory_space<hbm>>
          tpu.enqueue_dma source(%dma_start3A_43 : memref<32x576xf32, #tpu.memory_space<hbm>>) target(%dma_start3A_41 : memref<32x576xf32, #tpu.memory_space<vmem>>) target_semaphore(%run_scoped3A : memref<!tpu.dma_semaphore, #tpu.memory_space<semaphore_mem>>)
          %dma_wait3A = arith.constant 0 : i32
          %dma_wait3A_44 = arith.constant 0 : i32
          %dma_wait3A_45 = tpu.memref_slice %arg6[%dma_wait3A, %dma_wait3A_44] : memref<32x1024xf32, #tpu.memory_space<vmem>> -> memref<32x576xf32, #tpu.memory_space<vmem>>
          %dma_wait3A_46 = arith.constant 0 : i32
          %dma_wait3A_47 = tpu.memref_slice %arg3[%dma_wait3A_46, %mul3A_20] : memref<32x1000000xf32, #tpu.memory_space<hbm>> -> memref<32x576xf32, #tpu.memory_space<hbm>>
          %dma_wait3A_48 = arith.constant 0 : i32
          %dma_wait3A_49 = arith.constant 0 : i32
          %dma_wait3A_50 = tpu.memref_slice %arg6[%dma_wait3A_48, %dma_wait3A_49] : memref<32x1024xf32, #tpu.memory_space<vmem>> -> memref<32x576xf32, #tpu.memory_space<vmem>>
          %dma_wait3A_51 = arith.constant 0 : i32
          %dma_wait3A_52 = tpu.memref_slice %arg3[%dma_wait3A_51, %mul3A_20] : memref<32x1000000xf32, #tpu.memory_space<hbm>> -> memref<32x576xf32, #tpu.memory_space<hbm>>
          tpu.wait_dma2 semaphore(%run_scoped3A : memref<!tpu.dma_semaphore, #tpu.memory_space<semaphore_mem>>) src(%dma_wait3A_52 : memref<32x576xf32, #tpu.memory_space<hbm>>) dst(%dma_wait3A_50 : memref<32x576xf32, #tpu.memory_space<vmem>>)
          tpu.yield
        }) : () -> ()
        %scan3A_28 = arith.constant 0 : i32
        %scan3A_29 = arith.constant 0 : i32
        %scan3A_30 = arith.constant 36 : i32
        %scan3A_31 = arith.addi %scan3A_29, %scan3A_30 : i32
        %scan3A_32 = arith.constant 1 : i32
        %scan3A_33 = scf.for %scan3A_35 = %scan3A_29 to %scan3A_31 step %scan3A_32 iter_args(%scan3A_36 = %scan3A_28) -> (i32)  : i32 {
          %mul3A_37 = arith.constant 16 : i32
          %mul3A_38 = arith.muli %scan3A_35, %mul3A_37 : i32
          %add3A_39 = vector.broadcast %mul3A_38 : i32 to vector<16xi32>
          %add3A_40 = arith.addi %add3A_39, %iota3A : vector<16xi32>
          %mul3A_41 = arith.constant 16 : i32
          %mul3A_42 = arith.muli %scan3A_35, %mul3A_41 : i32
          %get3A = arith.constant 0 : i32
          %get3A_43 = arith.index_cast %get3A : i32 to index
          %get3A_44 = arith.index_cast %mul3A_42 : i32 to index
          %get3A_45 = tpu.vector_load %arg6[%get3A_43, %get3A_44] {strides = array<i32>} : memref<32x1024xf32, #tpu.memory_space<vmem>>, vector<16xf32>,
          %add3A_46 = arith.constant 0 : i32
          %add3A_47 = vector.broadcast %add3A_46 : i32 to vector<16xi32>
          %add3A_48 = arith.addi %iota3A, %add3A_47 : vector<16xi32>
          %and3A = arith.constant 31 : i32
          %and3A_49 = vector.broadcast %and3A : i32 to vector<16xi32>
          %and3A_50 = arith.andi %add3A_48, %and3A_49 : vector<16xi32>
          tpu.vector_store_idx %arg7[%add3A_40, %and3A_50], %get3A_45 : memref<1024x32xf32, #tpu.memory_space<vmem>>[vector<16xi32>, vector<16xi32>], vector<16xf32>,
          %mul3A_51 = arith.constant 16 : i32
          %mul3A_52 = arith.muli %scan3A_35, %mul3A_51 : i32
          %get3A_53 = arith.constant 1 : i32
          %get3A_54 = arith.index_cast %get3A_53 : i32 to index
          %get3A_55 = arith.index_cast %mul3A_52 : i32 to index
          %get3A_56 = tpu.vector_load %arg6[%get3A_54, %get3A_55] {strides = array<i32>} : memref<32x1024xf32, #tpu.memory_space<vmem>>, vector<16xf32>,
          %add3A_57 = arith.constant 1 : i32
          %add3A_58 = vector.broadcast %add3A_57 : i32 to vector<16xi32>
          %add3A_59 = arith.addi %iota3A, %add3A_58 : vector<16xi32>
          %and3A_60 = arith.constant 31 : i32
          %and3A_61 = vector.broadcast %and3A_60 : i32 to vector<16xi32>
          %and3A_62 = arith.andi %add3A_59, %and3A_61 : vector<16xi32>
          tpu.vector_store_idx %arg7[%add3A_40, %and3A_62], %get3A_56 : memref<1024x32xf32, #tpu.memory_space<vmem>>[vector<16xi32>, vector<16xi32>], vector<16xf32>,
          %mul3A_63 = arith.constant 16 : i32
          %mul3A_64 = arith.muli %scan3A_35, %mul3A_63 : i32
          %get3A_65 = arith.constant 2 : i32
          %get3A_66 = arith.index_cast %get3A_65 : i32 to index
          %get3A_67 = arith.index_cast %mul3A_64 : i32 to index
          %get3A_68 = tpu.vector_load %arg6[%get3A_66, %get3A_67] {strides = array<i32>} : memref<32x1024xf32, #tpu.memory_space<vmem>>, vector<16xf32>,
          %add3A_69 = arith.constant 2 : i32
          %add3A_70 = vector.broadcast %add3A_69 : i32 to vector<16xi32>
          %add3A_71 = arith.addi %iota3A, %add3A_70 : vector<16xi32>
          %and3A_72 = arith.constant 31 : i32
          %and3A_73 = vector.broadcast %and3A_72 : i32 to vector<16xi32>
          %and3A_74 = arith.andi %add3A_71, %and3A_73 : vector<16xi32>
          tpu.vector_store_idx %arg7[%add3A_40, %and3A_74], %get3A_68 : memref<1024x32xf32, #tpu.memory_space<vmem>>[vector<16xi32>, vector<16xi32>], vector<16xf32>,
          %mul3A_75 = arith.constant 16 : i32
          %mul3A_76 = arith.muli %scan3A_35, %mul3A_75 : i32
          %get3A_77 = arith.constant 3 : i32
          %get3A_78 = arith.index_cast %get3A_77 : i32 to index
          %get3A_79 = arith.index_cast %mul3A_76 : i32 to index
          %get3A_80 = tpu.vector_load %arg6[%get3A_78, %get3A_79] {strides = array<i32>} : memref<32x1024xf32, #tpu.memory_space<vmem>>, vector<16xf32>,
          %add3A_81 = arith.constant 3 : i32
          %add3A_82 = vector.broadcast %add3A_81 : i32 to vector<16xi32>
          %add3A_83 = arith.addi %iota3A, %add3A_82 : vector<16xi32>
          %and3A_84 = arith.constant 31 : i32
          %and3A_85 = vector.broadcast %and3A_84 : i32 to vector<16xi32>
          %and3A_86 = arith.andi %add3A_83, %and3A_85 : vector<16xi32>
          tpu.vector_store_idx %arg7[%add3A_40, %and3A_86], %get3A_80 : memref<1024x32xf32, #tpu.memory_space<vmem>>[vector<16xi32>, vector<16xi32>], vector<16xf32>,
          %mul3A_87 = arith.constant 16 : i32
          %mul3A_88 = arith.muli %scan3A_35, %mul3A_87 : i32
          %get3A_89 = arith.constant 4 : i32
          %get3A_90 = arith.index_cast %get3A_89 : i32 to index
          %get3A_91 = arith.index_cast %mul3A_88 : i32 to index
          %get3A_92 = tpu.vector_load %arg6[%get3A_90, %get3A_91] {strides = array<i32>} : memref<32x1024xf32, #tpu.memory_space<vmem>>, vector<16xf32>,
          %add3A_93 = arith.constant 4 : i32
          %add3A_94 = vector.broadcast %add3A_93 : i32 to vector<16xi32>
          %add3A_95 = arith.addi %iota3A, %add3A_94 : vector<16xi32>
          %and3A_96 = arith.constant 31 : i32
          %and3A_97 = vector.broadcast %and3A_96 : i32 to vector<16xi32>
          %and3A_98 = arith.andi %add3A_95, %and3A_97 : vector<16xi32>
          tpu.vector_store_idx %arg7[%add3A_40, %and3A_98], %get3A_92 : memref<1024x32xf32, #tpu.memory_space<vmem>>[vector<16xi32>, vector<16xi32>], vector<16xf32>,
          %mul3A_99 = arith.constant 16 : i32
          %mul3A_100 = arith.muli %scan3A_35, %mul3A_99 : i32
          %get3A_101 = arith.constant 5 : i32
          %get3A_102 = arith.index_cast %get3A_101 : i32 to index
          %get3A_103 = arith.index_cast %mul3A_100 : i32 to index
          %get3A_104 = tpu.vector_load %arg6[%get3A_102, %get3A_103] {strides = array<i32>} : memref<32x1024xf32, #tpu.memory_space<vmem>>, vector<16xf32>,
          %add3A_105 = arith.constant 5 : i32
          %add3A_106 = vector.broadcast %add3A_105 : i32 to vector<16xi32>
          %add3A_107 = arith.addi %iota3A, %add3A_106 : vector<16xi32>
          %and3A_108 = arith.constant 31 : i32
          %and3A_109 = vector.broadcast %and3A_108 : i32 to vector<16xi32>
          %and3A_110 = arith.andi %add3A_107, %and3A_109 : vector<16xi32>
          tpu.vector_store_idx %arg7[%add3A_40, %and3A_110], %get3A_104 : memref<1024x32xf32, #tpu.memory_space<vmem>>[vector<16xi32>, vector<16xi32>], vector<16xf32>,
          %mul3A_111 = arith.constant 16 : i32
          %mul3A_112 = arith.muli %scan3A_35, %mul3A_111 : i32
          %get3A_113 = arith.constant 6 : i32
          %get3A_114 = arith.index_cast %get3A_113 : i32 to index
          %get3A_115 = arith.index_cast %mul3A_112 : i32 to index
          %get3A_116 = tpu.vector_load %arg6[%get3A_114, %get3A_115] {strides = array<i32>} : memref<32x1024xf32, #tpu.memory_space<vmem>>, vector<16xf32>,
          %add3A_117 = arith.constant 6 : i32
          %add3A_118 = vector.broadcast %add3A_117 : i32 to vector<16xi32>
          %add3A_119 = arith.addi %iota3A, %add3A_118 : vector<16xi32>
          %and3A_120 = arith.constant 31 : i32
          %and3A_121 = vector.broadcast %and3A_120 : i32 to vector<16xi32>
          %and3A_122 = arith.andi %add3A_119, %and3A_121 : vector<16xi32>
          tpu.vector_store_idx %arg7[%add3A_40, %and3A_122], %get3A_116 : memref<1024x32xf32, #tpu.memory_space<vmem>>[vector<16xi32>, vector<16xi32>], vector<16xf32>,
          %mul3A_123 = arith.constant 16 : i32
          %mul3A_124 = arith.muli %scan3A_35, %mul3A_123 : i32
          %get3A_125 = arith.constant 7 : i32
          %get3A_126 = arith.index_cast %get3A_125 : i32 to index
          %get3A_127 = arith.index_cast %mul3A_124 : i32 to index
          %get3A_128 = tpu.vector_load %arg6[%get3A_126, %get3A_127] {strides = array<i32>} : memref<32x1024xf32, #tpu.memory_space<vmem>>, vector<16xf32>,
          %add3A_129 = arith.constant 7 : i32
          %add3A_130 = vector.broadcast %add3A_129 : i32 to vector<16xi32>
          %add3A_131 = arith.addi %iota3A, %add3A_130 : vector<16xi32>
          %and3A_132 = arith.constant 31 : i32
          %and3A_133 = vector.broadcast %and3A_132 : i32 to vector<16xi32>
          %and3A_134 = arith.andi %add3A_131, %and3A_133 : vector<16xi32>
          tpu.vector_store_idx %arg7[%add3A_40, %and3A_134], %get3A_128 : memref<1024x32xf32, #tpu.memory_space<vmem>>[vector<16xi32>, vector<16xi32>], vector<16xf32>,
          %mul3A_135 = arith.constant 16 : i32
          %mul3A_136 = arith.muli %scan3A_35, %mul3A_135 : i32
          %get3A_137 = arith.constant 8 : i32
          %get3A_138 = arith.index_cast %get3A_137 : i32 to index
          %get3A_139 = arith.index_cast %mul3A_136 : i32 to index
          %get3A_140 = tpu.vector_load %arg6[%get3A_138, %get3A_139] {strides = array<i32>} : memref<32x1024xf32, #tpu.memory_space<vmem>>, vector<16xf32>,
          %add3A_141 = arith.constant 8 : i32
          %add3A_142 = vector.broadcast %add3A_141 : i32 to vector<16xi32>
          %add3A_143 = arith.addi %iota3A, %add3A_142 : vector<16xi32>
          %and3A_144 = arith.constant 31 : i32
          %and3A_145 = vector.broadcast %and3A_144 : i32 to vector<16xi32>
          %and3A_146 = arith.andi %add3A_143, %and3A_145 : vector<16xi32>
          tpu.vector_store_idx %arg7[%add3A_40, %and3A_146], %get3A_140 : memref<1024x32xf32, #tpu.memory_space<vmem>>[vector<16xi32>, vector<16xi32>], vector<16xf32>,
          %mul3A_147 = arith.constant 16 : i32
          %mul3A_148 = arith.muli %scan3A_35, %mul3A_147 : i32
          %get3A_149 = arith.constant 9 : i32
          %get3A_150 = arith.index_cast %get3A_149 : i32 to index
          %get3A_151 = arith.index_cast %mul3A_148 : i32 to index
          %get3A_152 = tpu.vector_load %arg6[%get3A_150, %get3A_151] {strides = array<i32>} : memref<32x1024xf32, #tpu.memory_space<vmem>>, vector<16xf32>,
          %add3A_153 = arith.constant 9 : i32
          %add3A_154 = vector.broadcast %add3A_153 : i32 to vector<16xi32>
          %add3A_155 = arith.addi %iota3A, %add3A_154 : vector<16xi32>
          %and3A_156 = arith.constant 31 : i32
          %and3A_157 = vector.broadcast %and3A_156 : i32 to vector<16xi32>
          %and3A_158 = arith.andi %add3A_155, %and3A_157 : vector<16xi32>
          tpu.vector_store_idx %arg7[%add3A_40, %and3A_158], %get3A_152 : memref<1024x32xf32, #tpu.memory_space<vmem>>[vector<16xi32>, vector<16xi32>], vector<16xf32>,
          %mul3A_159 = arith.constant 16 : i32
          %mul3A_160 = arith.muli %scan3A_35, %mul3A_159 : i32
          %get3A_161 = arith.constant 10 : i32
          %get3A_162 = arith.index_cast %get3A_161 : i32 to index
          %get3A_163 = arith.index_cast %mul3A_160 : i32 to index
          %get3A_164 = tpu.vector_load %arg6[%get3A_162, %get3A_163] {strides = array<i32>} : memref<32x1024xf32, #tpu.memory_space<vmem>>, vector<16xf32>,
          %add3A_165 = arith.constant 10 : i32
          %add3A_166 = vector.broadcast %add3A_165 : i32 to vector<16xi32>
          %add3A_167 = arith.addi %iota3A, %add3A_166 : vector<16xi32>
          %and3A_168 = arith.constant 31 : i32
          %and3A_169 = vector.broadcast %and3A_168 : i32 to vector<16xi32>
          %and3A_170 = arith.andi %add3A_167, %and3A_169 : vector<16xi32>
          tpu.vector_store_idx %arg7[%add3A_40, %and3A_170], %get3A_164 : memref<1024x32xf32, #tpu.memory_space<vmem>>[vector<16xi32>, vector<16xi32>], vector<16xf32>,
          %mul3A_171 = arith.constant 16 : i32
          %mul3A_172 = arith.muli %scan3A_35, %mul3A_171 : i32
          %get3A_173 = arith.constant 11 : i32
          %get3A_174 = arith.index_cast %get3A_173 : i32 to index
          %get3A_175 = arith.index_cast %mul3A_172 : i32 to index
          %get3A_176 = tpu.vector_load %arg6[%get3A_174, %get3A_175] {strides = array<i32>} : memref<32x1024xf32, #tpu.memory_space<vmem>>, vector<16xf32>,
          %add3A_177 = arith.constant 11 : i32
          %add3A_178 = vector.broadcast %add3A_177 : i32 to vector<16xi32>
          %add3A_179 = arith.addi %iota3A, %add3A_178 : vector<16xi32>
          %and3A_180 = arith.constant 31 : i32
          %and3A_181 = vector.broadcast %and3A_180 : i32 to vector<16xi32>
          %and3A_182 = arith.andi %add3A_179, %and3A_181 : vector<16xi32>
          tpu.vector_store_idx %arg7[%add3A_40, %and3A_182], %get3A_176 : memref<1024x32xf32, #tpu.memory_space<vmem>>[vector<16xi32>, vector<16xi32>], vector<16xf32>,
          %mul3A_183 = arith.constant 16 : i32
          %mul3A_184 = arith.muli %scan3A_35, %mul3A_183 : i32
          %get3A_185 = arith.constant 12 : i32
          %get3A_186 = arith.index_cast %get3A_185 : i32 to index
          %get3A_187 = arith.index_cast %mul3A_184 : i32 to index
          %get3A_188 = tpu.vector_load %arg6[%get3A_186, %get3A_187] {strides = array<i32>} : memref<32x1024xf32, #tpu.memory_space<vmem>>, vector<16xf32>,
          %add3A_189 = arith.constant 12 : i32
          %add3A_190 = vector.broadcast %add3A_189 : i32 to vector<16xi32>
          %add3A_191 = arith.addi %iota3A, %add3A_190 : vector<16xi32>
          %and3A_192 = arith.constant 31 : i32
          %and3A_193 = vector.broadcast %and3A_192 : i32 to vector<16xi32>
          %and3A_194 = arith.andi %add3A_191, %and3A_193 : vector<16xi32>
          tpu.vector_store_idx %arg7[%add3A_40, %and3A_194], %get3A_188 : memref<1024x32xf32, #tpu.memory_space<vmem>>[vector<16xi32>, vector<16xi32>], vector<16xf32>,
          %mul3A_195 = arith.constant 16 : i32
          %mul3A_196 = arith.muli %scan3A_35, %mul3A_195 : i32
          %get3A_197 = arith.constant 13 : i32
          %get3A_198 = arith.index_cast %get3A_197 : i32 to index
          %get3A_199 = arith.index_cast %mul3A_196 : i32 to index
          %get3A_200 = tpu.vector_load %arg6[%get3A_198, %get3A_199] {strides = array<i32>} : memref<32x1024xf32, #tpu.memory_space<vmem>>, vector<16xf32>,
          %add3A_201 = arith.constant 13 : i32
          %add3A_202 = vector.broadcast %add3A_201 : i32 to vector<16xi32>
          %add3A_203 = arith.addi %iota3A, %add3A_202 : vector<16xi32>
          %and3A_204 = arith.constant 31 : i32
          %and3A_205 = vector.broadcast %and3A_204 : i32 to vector<16xi32>
          %and3A_206 = arith.andi %add3A_203, %and3A_205 : vector<16xi32>
          tpu.vector_store_idx %arg7[%add3A_40, %and3A_206], %get3A_200 : memref<1024x32xf32, #tpu.memory_space<vmem>>[vector<16xi32>, vector<16xi32>], vector<16xf32>,
          %mul3A_207 = arith.constant 16 : i32
          %mul3A_208 = arith.muli %scan3A_35, %mul3A_207 : i32
          %get3A_209 = arith.constant 14 : i32
          %get3A_210 = arith.index_cast %get3A_209 : i32 to index
          %get3A_211 = arith.index_cast %mul3A_208 : i32 to index
          %get3A_212 = tpu.vector_load %arg6[%get3A_210, %get3A_211] {strides = array<i32>} : memref<32x1024xf32, #tpu.memory_space<vmem>>, vector<16xf32>,
          %add3A_213 = arith.constant 14 : i32
          %add3A_214 = vector.broadcast %add3A_213 : i32 to vector<16xi32>
          %add3A_215 = arith.addi %iota3A, %add3A_214 : vector<16xi32>
          %and3A_216 = arith.constant 31 : i32
          %and3A_217 = vector.broadcast %and3A_216 : i32 to vector<16xi32>
          %and3A_218 = arith.andi %add3A_215, %and3A_217 : vector<16xi32>
          tpu.vector_store_idx %arg7[%add3A_40, %and3A_218], %get3A_212 : memref<1024x32xf32, #tpu.memory_space<vmem>>[vector<16xi32>, vector<16xi32>], vector<16xf32>,
          %mul3A_219 = arith.constant 16 : i32
          %mul3A_220 = arith.muli %scan3A_35, %mul3A_219 : i32
          %get3A_221 = arith.constant 15 : i32
          %get3A_222 = arith.index_cast %get3A_221 : i32 to index
          %get3A_223 = arith.index_cast %mul3A_220 : i32 to index
          %get3A_224 = tpu.vector_load %arg6[%get3A_222, %get3A_223] {strides = array<i32>} : memref<32x1024xf32, #tpu.memory_space<vmem>>, vector<16xf32>,
          %add3A_225 = arith.constant 15 : i32
          %add3A_226 = vector.broadcast %add3A_225 : i32 to vector<16xi32>
          %add3A_227 = arith.addi %iota3A, %add3A_226 : vector<16xi32>
          %and3A_228 = arith.constant 31 : i32
          %and3A_229 = vector.broadcast %and3A_228 : i32 to vector<16xi32>
          %and3A_230 = arith.andi %add3A_227, %and3A_229 : vector<16xi32>
          tpu.vector_store_idx %arg7[%add3A_40, %and3A_230], %get3A_224 : memref<1024x32xf32, #tpu.memory_space<vmem>>[vector<16xi32>, vector<16xi32>], vector<16xf32>,
          %mul3A_231 = arith.constant 16 : i32
          %mul3A_232 = arith.muli %scan3A_35, %mul3A_231 : i32
          %get3A_233 = arith.constant 16 : i32
          %get3A_234 = arith.index_cast %get3A_233 : i32 to index
          %get3A_235 = arith.index_cast %mul3A_232 : i32 to index
          %get3A_236 = tpu.vector_load %arg6[%get3A_234, %get3A_235] {strides = array<i32>} : memref<32x1024xf32, #tpu.memory_space<vmem>>, vector<16xf32>,
          %add3A_237 = arith.constant 16 : i32
          %add3A_238 = vector.broadcast %add3A_237 : i32 to vector<16xi32>
          %add3A_239 = arith.addi %iota3A, %add3A_238 : vector<16xi32>
          %and3A_240 = arith.constant 31 : i32
          %and3A_241 = vector.broadcast %and3A_240 : i32 to vector<16xi32>
          %and3A_242 = arith.andi %add3A_239, %and3A_241 : vector<16xi32>
          tpu.vector_store_idx %arg7[%add3A_40, %and3A_242], %get3A_236 : memref<1024x32xf32, #tpu.memory_space<vmem>>[vector<16xi32>, vector<16xi32>], vector<16xf32>,
          %mul3A_243 = arith.constant 16 : i32
          %mul3A_244 = arith.muli %scan3A_35, %mul3A_243 : i32
          %get3A_245 = arith.constant 17 : i32
          %get3A_246 = arith.index_cast %get3A_245 : i32 to index
          %get3A_247 = arith.index_cast %mul3A_244 : i32 to index
          %get3A_248 = tpu.vector_load %arg6[%get3A_246, %get3A_247] {strides = array<i32>} : memref<32x1024xf32, #tpu.memory_space<vmem>>, vector<16xf32>,
          %add3A_249 = arith.constant 17 : i32
          %add3A_250 = vector.broadcast %add3A_249 : i32 to vector<16xi32>
          %add3A_251 = arith.addi %iota3A, %add3A_250 : vector<16xi32>
          %and3A_252 = arith.constant 31 : i32
          %and3A_253 = vector.broadcast %and3A_252 : i32 to vector<16xi32>
          %and3A_254 = arith.andi %add3A_251, %and3A_253 : vector<16xi32>
          tpu.vector_store_idx %arg7[%add3A_40, %and3A_254], %get3A_248 : memref<1024x32xf32, #tpu.memory_space<vmem>>[vector<16xi32>, vector<16xi32>], vector<16xf32>,
          %mul3A_255 = arith.constant 16 : i32
          %mul3A_256 = arith.muli %scan3A_35, %mul3A_255 : i32
          %get3A_257 = arith.constant 18 : i32
          %get3A_258 = arith.index_cast %get3A_257 : i32 to index
          %get3A_259 = arith.index_cast %mul3A_256 : i32 to index
          %get3A_260 = tpu.vector_load %arg6[%get3A_258, %get3A_259] {strides = array<i32>} : memref<32x1024xf32, #tpu.memory_space<vmem>>, vector<16xf32>,
          %add3A_261 = arith.constant 18 : i32
          %add3A_262 = vector.broadcast %add3A_261 : i32 to vector<16xi32>
          %add3A_263 = arith.addi %iota3A, %add3A_262 : vector<16xi32>
          %and3A_264 = arith.constant 31 : i32
          %and3A_265 = vector.broadcast %and3A_264 : i32 to vector<16xi32>
          %and3A_266 = arith.andi %add3A_263, %and3A_265 : vector<16xi32>
          tpu.vector_store_idx %arg7[%add3A_40, %and3A_266], %get3A_260 : memref<1024x32xf32, #tpu.memory_space<vmem>>[vector<16xi32>, vector<16xi32>], vector<16xf32>,
          %mul3A_267 = arith.constant 16 : i32
          %mul3A_268 = arith.muli %scan3A_35, %mul3A_267 : i32
          %get3A_269 = arith.constant 19 : i32
          %get3A_270 = arith.index_cast %get3A_269 : i32 to index
          %get3A_271 = arith.index_cast %mul3A_268 : i32 to index
          %get3A_272 = tpu.vector_load %arg6[%get3A_270, %get3A_271] {strides = array<i32>} : memref<32x1024xf32, #tpu.memory_space<vmem>>, vector<16xf32>,
          %add3A_273 = arith.constant 19 : i32
          %add3A_274 = vector.broadcast %add3A_273 : i32 to vector<16xi32>
          %add3A_275 = arith.addi %iota3A, %add3A_274 : vector<16xi32>
          %and3A_276 = arith.constant 31 : i32
          %and3A_277 = vector.broadcast %and3A_276 : i32 to vector<16xi32>
          %and3A_278 = arith.andi %add3A_275, %and3A_277 : vector<16xi32>
          tpu.vector_store_idx %arg7[%add3A_40, %and3A_278], %get3A_272 : memref<1024x32xf32, #tpu.memory_space<vmem>>[vector<16xi32>, vector<16xi32>], vector<16xf32>,
          %mul3A_279 = arith.constant 16 : i32
          %mul3A_280 = arith.muli %scan3A_35, %mul3A_279 : i32
          %get3A_281 = arith.constant 20 : i32
          %get3A_282 = arith.index_cast %get3A_281 : i32 to index
          %get3A_283 = arith.index_cast %mul3A_280 : i32 to index
          %get3A_284 = tpu.vector_load %arg6[%get3A_282, %get3A_283] {strides = array<i32>} : memref<32x1024xf32, #tpu.memory_space<vmem>>, vector<16xf32>,
          %add3A_285 = arith.constant 20 : i32
          %add3A_286 = vector.broadcast %add3A_285 : i32 to vector<16xi32>
          %add3A_287 = arith.addi %iota3A, %add3A_286 : vector<16xi32>
          %and3A_288 = arith.constant 31 : i32
          %and3A_289 = vector.broadcast %and3A_288 : i32 to vector<16xi32>
          %and3A_290 = arith.andi %add3A_287, %and3A_289 : vector<16xi32>
          tpu.vector_store_idx %arg7[%add3A_40, %and3A_290], %get3A_284 : memref<1024x32xf32, #tpu.memory_space<vmem>>[vector<16xi32>, vector<16xi32>], vector<16xf32>,
          %mul3A_291 = arith.constant 16 : i32
          %mul3A_292 = arith.muli %scan3A_35, %mul3A_291 : i32
          %get3A_293 = arith.constant 21 : i32
          %get3A_294 = arith.index_cast %get3A_293 : i32 to index
          %get3A_295 = arith.index_cast %mul3A_292 : i32 to index
          %get3A_296 = tpu.vector_load %arg6[%get3A_294, %get3A_295] {strides = array<i32>} : memref<32x1024xf32, #tpu.memory_space<vmem>>, vector<16xf32>,
          %add3A_297 = arith.constant 21 : i32
          %add3A_298 = vector.broadcast %add3A_297 : i32 to vector<16xi32>
          %add3A_299 = arith.addi %iota3A, %add3A_298 : vector<16xi32>
          %and3A_300 = arith.constant 31 : i32
          %and3A_301 = vector.broadcast %and3A_300 : i32 to vector<16xi32>
          %and3A_302 = arith.andi %add3A_299, %and3A_301 : vector<16xi32>
          tpu.vector_store_idx %arg7[%add3A_40, %and3A_302], %get3A_296 : memref<1024x32xf32, #tpu.memory_space<vmem>>[vector<16xi32>, vector<16xi32>], vector<16xf32>,
          %mul3A_303 = arith.constant 16 : i32
          %mul3A_304 = arith.muli %scan3A_35, %mul3A_303 : i32
          %get3A_305 = arith.constant 22 : i32
          %get3A_306 = arith.index_cast %get3A_305 : i32 to index
          %get3A_307 = arith.index_cast %mul3A_304 : i32 to index
          %get3A_308 = tpu.vector_load %arg6[%get3A_306, %get3A_307] {strides = array<i32>} : memref<32x1024xf32, #tpu.memory_space<vmem>>, vector<16xf32>,
          %add3A_309 = arith.constant 22 : i32
          %add3A_310 = vector.broadcast %add3A_309 : i32 to vector<16xi32>
          %add3A_311 = arith.addi %iota3A, %add3A_310 : vector<16xi32>
          %and3A_312 = arith.constant 31 : i32
          %and3A_313 = vector.broadcast %and3A_312 : i32 to vector<16xi32>
          %and3A_314 = arith.andi %add3A_311, %and3A_313 : vector<16xi32>
          tpu.vector_store_idx %arg7[%add3A_40, %and3A_314], %get3A_308 : memref<1024x32xf32, #tpu.memory_space<vmem>>[vector<16xi32>, vector<16xi32>], vector<16xf32>,
          %mul3A_315 = arith.constant 16 : i32
          %mul3A_316 = arith.muli %scan3A_35, %mul3A_315 : i32
          %get3A_317 = arith.constant 23 : i32
          %get3A_318 = arith.index_cast %get3A_317 : i32 to index
          %get3A_319 = arith.index_cast %mul3A_316 : i32 to index
          %get3A_320 = tpu.vector_load %arg6[%get3A_318, %get3A_319] {strides = array<i32>} : memref<32x1024xf32, #tpu.memory_space<vmem>>, vector<16xf32>,
          %add3A_321 = arith.constant 23 : i32
          %add3A_322 = vector.broadcast %add3A_321 : i32 to vector<16xi32>
          %add3A_323 = arith.addi %iota3A, %add3A_322 : vector<16xi32>
          %and3A_324 = arith.constant 31 : i32
          %and3A_325 = vector.broadcast %and3A_324 : i32 to vector<16xi32>
          %and3A_326 = arith.andi %add3A_323, %and3A_325 : vector<16xi32>
          tpu.vector_store_idx %arg7[%add3A_40, %and3A_326], %get3A_320 : memref<1024x32xf32, #tpu.memory_space<vmem>>[vector<16xi32>, vector<16xi32>], vector<16xf32>,
          %mul3A_327 = arith.constant 16 : i32
          %mul3A_328 = arith.muli %scan3A_35, %mul3A_327 : i32
          %get3A_329 = arith.constant 24 : i32
          %get3A_330 = arith.index_cast %get3A_329 : i32 to index
          %get3A_331 = arith.index_cast %mul3A_328 : i32 to index
          %get3A_332 = tpu.vector_load %arg6[%get3A_330, %get3A_331] {strides = array<i32>} : memref<32x1024xf32, #tpu.memory_space<vmem>>, vector<16xf32>,
          %add3A_333 = arith.constant 24 : i32
          %add3A_334 = vector.broadcast %add3A_333 : i32 to vector<16xi32>
          %add3A_335 = arith.addi %iota3A, %add3A_334 : vector<16xi32>
          %and3A_336 = arith.constant 31 : i32
          %and3A_337 = vector.broadcast %and3A_336 : i32 to vector<16xi32>
          %and3A_338 = arith.andi %add3A_335, %and3A_337 : vector<16xi32>
          tpu.vector_store_idx %arg7[%add3A_40, %and3A_338], %get3A_332 : memref<1024x32xf32, #tpu.memory_space<vmem>>[vector<16xi32>, vector<16xi32>], vector<16xf32>,
          %mul3A_339 = arith.constant 16 : i32
          %mul3A_340 = arith.muli %scan3A_35, %mul3A_339 : i32
          %get3A_341 = arith.constant 25 : i32
          %get3A_342 = arith.index_cast %get3A_341 : i32 to index
          %get3A_343 = arith.index_cast %mul3A_340 : i32 to index
          %get3A_344 = tpu.vector_load %arg6[%get3A_342, %get3A_343] {strides = array<i32>} : memref<32x1024xf32, #tpu.memory_space<vmem>>, vector<16xf32>,
          %add3A_345 = arith.constant 25 : i32
          %add3A_346 = vector.broadcast %add3A_345 : i32 to vector<16xi32>
          %add3A_347 = arith.addi %iota3A, %add3A_346 : vector<16xi32>
          %and3A_348 = arith.constant 31 : i32
          %and3A_349 = vector.broadcast %and3A_348 : i32 to vector<16xi32>
          %and3A_350 = arith.andi %add3A_347, %and3A_349 : vector<16xi32>
          tpu.vector_store_idx %arg7[%add3A_40, %and3A_350], %get3A_344 : memref<1024x32xf32, #tpu.memory_space<vmem>>[vector<16xi32>, vector<16xi32>], vector<16xf32>,
          %mul3A_351 = arith.constant 16 : i32
          %mul3A_352 = arith.muli %scan3A_35, %mul3A_351 : i32
          %get3A_353 = arith.constant 26 : i32
          %get3A_354 = arith.index_cast %get3A_353 : i32 to index
          %get3A_355 = arith.index_cast %mul3A_352 : i32 to index
          %get3A_356 = tpu.vector_load %arg6[%get3A_354, %get3A_355] {strides = array<i32>} : memref<32x1024xf32, #tpu.memory_space<vmem>>, vector<16xf32>,
          %add3A_357 = arith.constant 26 : i32
          %add3A_358 = vector.broadcast %add3A_357 : i32 to vector<16xi32>
          %add3A_359 = arith.addi %iota3A, %add3A_358 : vector<16xi32>
          %and3A_360 = arith.constant 31 : i32
          %and3A_361 = vector.broadcast %and3A_360 : i32 to vector<16xi32>
          %and3A_362 = arith.andi %add3A_359, %and3A_361 : vector<16xi32>
          tpu.vector_store_idx %arg7[%add3A_40, %and3A_362], %get3A_356 : memref<1024x32xf32, #tpu.memory_space<vmem>>[vector<16xi32>, vector<16xi32>], vector<16xf32>,
          %mul3A_363 = arith.constant 16 : i32
          %mul3A_364 = arith.muli %scan3A_35, %mul3A_363 : i32
          %get3A_365 = arith.constant 27 : i32
          %get3A_366 = arith.index_cast %get3A_365 : i32 to index
          %get3A_367 = arith.index_cast %mul3A_364 : i32 to index
          %get3A_368 = tpu.vector_load %arg6[%get3A_366, %get3A_367] {strides = array<i32>} : memref<32x1024xf32, #tpu.memory_space<vmem>>, vector<16xf32>,
          %add3A_369 = arith.constant 27 : i32
          %add3A_370 = vector.broadcast %add3A_369 : i32 to vector<16xi32>
          %add3A_371 = arith.addi %iota3A, %add3A_370 : vector<16xi32>
          %and3A_372 = arith.constant 31 : i32
          %and3A_373 = vector.broadcast %and3A_372 : i32 to vector<16xi32>
          %and3A_374 = arith.andi %add3A_371, %and3A_373 : vector<16xi32>
          tpu.vector_store_idx %arg7[%add3A_40, %and3A_374], %get3A_368 : memref<1024x32xf32, #tpu.memory_space<vmem>>[vector<16xi32>, vector<16xi32>], vector<16xf32>,
          %mul3A_375 = arith.constant 16 : i32
          %mul3A_376 = arith.muli %scan3A_35, %mul3A_375 : i32
          %get3A_377 = arith.constant 28 : i32
          %get3A_378 = arith.index_cast %get3A_377 : i32 to index
          %get3A_379 = arith.index_cast %mul3A_376 : i32 to index
          %get3A_380 = tpu.vector_load %arg6[%get3A_378, %get3A_379] {strides = array<i32>} : memref<32x1024xf32, #tpu.memory_space<vmem>>, vector<16xf32>,
          %add3A_381 = arith.constant 28 : i32
          %add3A_382 = vector.broadcast %add3A_381 : i32 to vector<16xi32>
          %add3A_383 = arith.addi %iota3A, %add3A_382 : vector<16xi32>
          %and3A_384 = arith.constant 31 : i32
          %and3A_385 = vector.broadcast %and3A_384 : i32 to vector<16xi32>
          %and3A_386 = arith.andi %add3A_383, %and3A_385 : vector<16xi32>
          tpu.vector_store_idx %arg7[%add3A_40, %and3A_386], %get3A_380 : memref<1024x32xf32, #tpu.memory_space<vmem>>[vector<16xi32>, vector<16xi32>], vector<16xf32>,
          %mul3A_387 = arith.constant 16 : i32
          %mul3A_388 = arith.muli %scan3A_35, %mul3A_387 : i32
          %get3A_389 = arith.constant 29 : i32
          %get3A_390 = arith.index_cast %get3A_389 : i32 to index
          %get3A_391 = arith.index_cast %mul3A_388 : i32 to index
          %get3A_392 = tpu.vector_load %arg6[%get3A_390, %get3A_391] {strides = array<i32>} : memref<32x1024xf32, #tpu.memory_space<vmem>>, vector<16xf32>,
          %add3A_393 = arith.constant 29 : i32
          %add3A_394 = vector.broadcast %add3A_393 : i32 to vector<16xi32>
          %add3A_395 = arith.addi %iota3A, %add3A_394 : vector<16xi32>
          %and3A_396 = arith.constant 31 : i32
          %and3A_397 = vector.broadcast %and3A_396 : i32 to vector<16xi32>
          %and3A_398 = arith.andi %add3A_395, %and3A_397 : vector<16xi32>
          tpu.vector_store_idx %arg7[%add3A_40, %and3A_398], %get3A_392 : memref<1024x32xf32, #tpu.memory_space<vmem>>[vector<16xi32>, vector<16xi32>], vector<16xf32>,
          %mul3A_399 = arith.constant 16 : i32
          %mul3A_400 = arith.muli %scan3A_35, %mul3A_399 : i32
          %get3A_401 = arith.constant 30 : i32
          %get3A_402 = arith.index_cast %get3A_401 : i32 to index
          %get3A_403 = arith.index_cast %mul3A_400 : i32 to index
          %get3A_404 = tpu.vector_load %arg6[%get3A_402, %get3A_403] {strides = array<i32>} : memref<32x1024xf32, #tpu.memory_space<vmem>>, vector<16xf32>,
          %add3A_405 = arith.constant 30 : i32
          %add3A_406 = vector.broadcast %add3A_405 : i32 to vector<16xi32>
          %add3A_407 = arith.addi %iota3A, %add3A_406 : vector<16xi32>
          %and3A_408 = arith.constant 31 : i32
          %and3A_409 = vector.broadcast %and3A_408 : i32 to vector<16xi32>
          %and3A_410 = arith.andi %add3A_407, %and3A_409 : vector<16xi32>
          tpu.vector_store_idx %arg7[%add3A_40, %and3A_410], %get3A_404 : memref<1024x32xf32, #tpu.memory_space<vmem>>[vector<16xi32>, vector<16xi32>], vector<16xf32>,
          %mul3A_411 = arith.constant 16 : i32
          %mul3A_412 = arith.muli %scan3A_35, %mul3A_411 : i32
          %get3A_413 = arith.constant 31 : i32
          %get3A_414 = arith.index_cast %get3A_413 : i32 to index
          %get3A_415 = arith.index_cast %mul3A_412 : i32 to index
          %get3A_416 = tpu.vector_load %arg6[%get3A_414, %get3A_415] {strides = array<i32>} : memref<32x1024xf32, #tpu.memory_space<vmem>>, vector<16xf32>,
          %add3A_417 = arith.constant 31 : i32
          %add3A_418 = vector.broadcast %add3A_417 : i32 to vector<16xi32>
          %add3A_419 = arith.addi %iota3A, %add3A_418 : vector<16xi32>
          %and3A_420 = arith.constant 31 : i32
          %and3A_421 = vector.broadcast %and3A_420 : i32 to vector<16xi32>
          %and3A_422 = arith.andi %add3A_419, %and3A_421 : vector<16xi32>
          tpu.vector_store_idx %arg7[%add3A_40, %and3A_422], %get3A_416 : memref<1024x32xf32, #tpu.memory_space<vmem>>[vector<16xi32>, vector<16xi32>], vector<16xf32>,
          %scan3A_423 = arith.constant 0 : i32
          scf.yield %scan3A_423 : i32
        }
        %scan3A_34 = arith.constant 36 : i32
        "tpu.region"() ({
          %run_scoped3A = tpu.sem_alloc : memref<!tpu.dma_semaphore, #tpu.memory_space<semaphore_mem>>
          %dma_start3A = arith.constant 0 : i32
          %dma_start3A_35 = arith.constant 0 : i32
          %dma_start3A_36 = tpu.memref_slice %arg7[%dma_start3A, %dma_start3A_35] : memref<1024x32xf32, #tpu.memory_space<vmem>> -> memref<576x32xf32, #tpu.memory_space<vmem>>
          %dma_start3A_37 = arith.constant 0 : i32
          %dma_start3A_38 = tpu.memref_slice %arg5[%mul3A_20, %dma_start3A_37] : memref<1000000x32xf32, #tpu.memory_space<hbm>> -> memref<576x32xf32, #tpu.memory_space<hbm>>
          %dma_start3A_39 = arith.constant 0 : i32
          %dma_start3A_40 = tpu.memref_slice %arg5[%mul3A_20, %dma_start3A_39] : memref<1000000x32xf32, #tpu.memory_space<hbm>> -> memref<576x32xf32, #tpu.memory_space<hbm>>
          %dma_start3A_41 = arith.constant 0 : i32
          %dma_start3A_42 = arith.constant 0 : i32
          %dma_start3A_43 = tpu.memref_slice %arg7[%dma_start3A_41, %dma_start3A_42] : memref<1024x32xf32, #tpu.memory_space<vmem>> -> memref<576x32xf32, #tpu.memory_space<vmem>>
          tpu.enqueue_dma source(%dma_start3A_43 : memref<576x32xf32, #tpu.memory_space<vmem>>) target(%dma_start3A_40 : memref<576x32xf32, #tpu.memory_space<hbm>>) target_semaphore(%run_scoped3A : memref<!tpu.dma_semaphore, #tpu.memory_space<semaphore_mem>>)
          %dma_wait3A = arith.constant 0 : i32
          %dma_wait3A_44 = arith.constant 0 : i32
          %dma_wait3A_45 = tpu.memref_slice %arg7[%dma_wait3A, %dma_wait3A_44] : memref<1024x32xf32, #tpu.memory_space<vmem>> -> memref<576x32xf32, #tpu.memory_space<vmem>>
          %dma_wait3A_46 = arith.constant 0 : i32
          %dma_wait3A_47 = tpu.memref_slice %arg5[%mul3A_20, %dma_wait3A_46] : memref<1000000x32xf32, #tpu.memory_space<hbm>> -> memref<576x32xf32, #tpu.memory_space<hbm>>
          %dma_wait3A_48 = arith.constant 0 : i32
          %dma_wait3A_49 = tpu.memref_slice %arg5[%mul3A_20, %dma_wait3A_48] : memref<1000000x32xf32, #tpu.memory_space<hbm>> -> memref<576x32xf32, #tpu.memory_space<hbm>>
          %dma_wait3A_50 = arith.constant 0 : i32
          %dma_wait3A_51 = arith.constant 0 : i32
          %dma_wait3A_52 = tpu.memref_slice %arg7[%dma_wait3A_50, %dma_wait3A_51] : memref<1024x32xf32, #tpu.memory_space<vmem>> -> memref<576x32xf32, #tpu.memory_space<vmem>>
          tpu.wait_dma2 semaphore(%run_scoped3A : memref<!tpu.dma_semaphore, #tpu.memory_space<semaphore_mem>>) src(%dma_wait3A_52 : memref<576x32xf32, #tpu.memory_space<vmem>>) dst(%dma_wait3A_49 : memref<576x32xf32, #tpu.memory_space<hbm>>)
          tpu.yield
        }) : () -> ()
      } else {
      }
      %scan3A_27 = arith.constant 0 : i32
      scf.yield %scan3A_27 : i32
    }
    %scan3A_13 = arith.constant 31 : i32
    return
  }
}

#map = affine_map<(d0, d1) -> (0, 0, 0)>
#map1 = affine_map<(d0, d1) -> (0, 0)>
#map2 = affine_map<(d0, d1) -> (0)>
module attributes {stable_mosaic.version = 14 : i64} {
  func.func @_bpr_body(%arg0: i32, %arg1: i32, %arg2: memref<32x4x128xi32, #tpu.memory_space<hbm>>, %arg3: memref<32x4x128xi32, #tpu.memory_space<hbm>>, %arg4: memref<32x4x128xi32, #tpu.memory_space<hbm>>, %arg5: memref<32x512xi32, #tpu.memory_space<hbm>>, %arg6: memref<32x512xi32, #tpu.memory_space<hbm>>, %arg7: memref<32x512xi32, #tpu.memory_space<hbm>>, %arg8: memref<1000000x32xf32, #tpu.memory_space<hbm>>, %arg9: memref<1000000x32xf32, #tpu.memory_space<hbm>>, %arg10: memref<16384xf32, #tpu.memory_space<hbm>>, %arg11: memref<4x128xi32, #tpu.memory_space<vmem>>, %arg12: memref<4x128xi32, #tpu.memory_space<vmem>>, %arg13: memref<4x128xi32, #tpu.memory_space<vmem>>, %arg14: memref<512xi32, #tpu.memory_space<vmem>>, %arg15: memref<512xi32, #tpu.memory_space<vmem>>, %arg16: memref<512xi32, #tpu.memory_space<vmem>>, %arg17: memref<512x32xf32, #tpu.memory_space<vmem>>, %arg18: memref<512x32xf32, #tpu.memory_space<vmem>>, %arg19: memref<512x32xf32, #tpu.memory_space<vmem>>, %arg20: memref<512xf32, #tpu.memory_space<vmem>>, %arg21: memref<!tpu.dma_semaphore, #tpu.memory_space<semaphore_mem>>) attributes {dimension_semantics = [#tpu.dimension_semantics<core_parallel>, #tpu.dimension_semantics<subcore_parallel>], iteration_bounds = array<i64: 2, 16>, scalar_prefetch = 0 : i64, scratch_operands = 11 : i64, tpu.core_type = #tpu.core_type<sc_vector_subcore>, window_params = [{transform_indices = #map}, {transform_indices = #map}, {transform_indices = #map}, {transform_indices = #map1}, {transform_indices = #map1}, {transform_indices = #map1}, {transform_indices = #map1}, {transform_indices = #map1}, {transform_indices = #map2}]} {
    %mul3A = arith.constant 2 : i32
    %mul3A_0 = arith.muli %arg1, %mul3A : i32
    %add3A = arith.addi %mul3A_0, %arg0 : i32
    %mul3A_1 = arith.constant 512 : i32
    %mul3A_2 = arith.muli %add3A, %mul3A_1 : i32
    "tpu.region"() ({
      %run_scoped3A = tpu.sem_alloc : memref<!tpu.dma_semaphore, #tpu.memory_space<semaphore_mem>>
      %dma_start3A_247 = arith.constant 0 : i32
      %dma_start3A_248 = arith.constant 0 : i32
      %dma_start3A_249 = tpu.memref_slice %arg2[%add3A, %dma_start3A_247, %dma_start3A_248] : memref<32x4x128xi32, #tpu.memory_space<hbm>> -> memref<1x4x128xi32, #tpu.memory_space<hbm>>
      %dma_start3A_250 = tpu.memref_squeeze %dma_start3A_249 : memref<1x4x128xi32, #tpu.memory_space<hbm>> -> memref<4x128xi32, #tpu.memory_space<hbm>>
      %dma_start3A_251 = arith.constant 0 : i32
      %dma_start3A_252 = arith.constant 0 : i32
      %dma_start3A_253 = tpu.memref_slice %arg2[%add3A, %dma_start3A_251, %dma_start3A_252] : memref<32x4x128xi32, #tpu.memory_space<hbm>> -> memref<1x4x128xi32, #tpu.memory_space<hbm>>
      %dma_start3A_254 = tpu.memref_squeeze %dma_start3A_253 : memref<1x4x128xi32, #tpu.memory_space<hbm>> -> memref<4x128xi32, #tpu.memory_space<hbm>>
      tpu.enqueue_dma source(%dma_start3A_254 : memref<4x128xi32, #tpu.memory_space<hbm>>) target(%arg11 : memref<4x128xi32, #tpu.memory_space<vmem>>) target_semaphore(%run_scoped3A : memref<!tpu.dma_semaphore, #tpu.memory_space<semaphore_mem>>)
      %dma_wait3A_255 = arith.constant 0 : i32
      %dma_wait3A_256 = arith.constant 0 : i32
      %dma_wait3A_257 = tpu.memref_slice %arg2[%add3A, %dma_wait3A_255, %dma_wait3A_256] : memref<32x4x128xi32, #tpu.memory_space<hbm>> -> memref<1x4x128xi32, #tpu.memory_space<hbm>>
      %dma_wait3A_258 = tpu.memref_squeeze %dma_wait3A_257 : memref<1x4x128xi32, #tpu.memory_space<hbm>> -> memref<4x128xi32, #tpu.memory_space<hbm>>
      %dma_wait3A_259 = arith.constant 0 : i32
      %dma_wait3A_260 = arith.constant 0 : i32
      %dma_wait3A_261 = tpu.memref_slice %arg2[%add3A, %dma_wait3A_259, %dma_wait3A_260] : memref<32x4x128xi32, #tpu.memory_space<hbm>> -> memref<1x4x128xi32, #tpu.memory_space<hbm>>
      %dma_wait3A_262 = tpu.memref_squeeze %dma_wait3A_261 : memref<1x4x128xi32, #tpu.memory_space<hbm>> -> memref<4x128xi32, #tpu.memory_space<hbm>>
      tpu.wait_dma2 semaphore(%run_scoped3A : memref<!tpu.dma_semaphore, #tpu.memory_space<semaphore_mem>>) src(%dma_wait3A_262 : memref<4x128xi32, #tpu.memory_space<hbm>>) dst(%arg11 : memref<4x128xi32, #tpu.memory_space<vmem>>)
      tpu.yield
    }) : () -> ()
    "tpu.region"() ({
      %run_scoped3A = tpu.sem_alloc : memref<!tpu.dma_semaphore, #tpu.memory_space<semaphore_mem>>
      %dma_start3A_247 = arith.constant 0 : i32
      %dma_start3A_248 = arith.constant 0 : i32
      %dma_start3A_249 = tpu.memref_slice %arg3[%add3A, %dma_start3A_247, %dma_start3A_248] : memref<32x4x128xi32, #tpu.memory_space<hbm>> -> memref<1x4x128xi32, #tpu.memory_space<hbm>>
      %dma_start3A_250 = tpu.memref_squeeze %dma_start3A_249 : memref<1x4x128xi32, #tpu.memory_space<hbm>> -> memref<4x128xi32, #tpu.memory_space<hbm>>
      %dma_start3A_251 = arith.constant 0 : i32
      %dma_start3A_252 = arith.constant 0 : i32
      %dma_start3A_253 = tpu.memref_slice %arg3[%add3A, %dma_start3A_251, %dma_start3A_252] : memref<32x4x128xi32, #tpu.memory_space<hbm>> -> memref<1x4x128xi32, #tpu.memory_space<hbm>>
      %dma_start3A_254 = tpu.memref_squeeze %dma_start3A_253 : memref<1x4x128xi32, #tpu.memory_space<hbm>> -> memref<4x128xi32, #tpu.memory_space<hbm>>
      tpu.enqueue_dma source(%dma_start3A_254 : memref<4x128xi32, #tpu.memory_space<hbm>>) target(%arg12 : memref<4x128xi32, #tpu.memory_space<vmem>>) target_semaphore(%run_scoped3A : memref<!tpu.dma_semaphore, #tpu.memory_space<semaphore_mem>>)
      %dma_wait3A_255 = arith.constant 0 : i32
      %dma_wait3A_256 = arith.constant 0 : i32
      %dma_wait3A_257 = tpu.memref_slice %arg3[%add3A, %dma_wait3A_255, %dma_wait3A_256] : memref<32x4x128xi32, #tpu.memory_space<hbm>> -> memref<1x4x128xi32, #tpu.memory_space<hbm>>
      %dma_wait3A_258 = tpu.memref_squeeze %dma_wait3A_257 : memref<1x4x128xi32, #tpu.memory_space<hbm>> -> memref<4x128xi32, #tpu.memory_space<hbm>>
      %dma_wait3A_259 = arith.constant 0 : i32
      %dma_wait3A_260 = arith.constant 0 : i32
      %dma_wait3A_261 = tpu.memref_slice %arg3[%add3A, %dma_wait3A_259, %dma_wait3A_260] : memref<32x4x128xi32, #tpu.memory_space<hbm>> -> memref<1x4x128xi32, #tpu.memory_space<hbm>>
      %dma_wait3A_262 = tpu.memref_squeeze %dma_wait3A_261 : memref<1x4x128xi32, #tpu.memory_space<hbm>> -> memref<4x128xi32, #tpu.memory_space<hbm>>
      tpu.wait_dma2 semaphore(%run_scoped3A : memref<!tpu.dma_semaphore, #tpu.memory_space<semaphore_mem>>) src(%dma_wait3A_262 : memref<4x128xi32, #tpu.memory_space<hbm>>) dst(%arg12 : memref<4x128xi32, #tpu.memory_space<vmem>>)
      tpu.yield
    }) : () -> ()
    "tpu.region"() ({
      %run_scoped3A = tpu.sem_alloc : memref<!tpu.dma_semaphore, #tpu.memory_space<semaphore_mem>>
      %dma_start3A_247 = arith.constant 0 : i32
      %dma_start3A_248 = arith.constant 0 : i32
      %dma_start3A_249 = tpu.memref_slice %arg4[%add3A, %dma_start3A_247, %dma_start3A_248] : memref<32x4x128xi32, #tpu.memory_space<hbm>> -> memref<1x4x128xi32, #tpu.memory_space<hbm>>
      %dma_start3A_250 = tpu.memref_squeeze %dma_start3A_249 : memref<1x4x128xi32, #tpu.memory_space<hbm>> -> memref<4x128xi32, #tpu.memory_space<hbm>>
      %dma_start3A_251 = arith.constant 0 : i32
      %dma_start3A_252 = arith.constant 0 : i32
      %dma_start3A_253 = tpu.memref_slice %arg4[%add3A, %dma_start3A_251, %dma_start3A_252] : memref<32x4x128xi32, #tpu.memory_space<hbm>> -> memref<1x4x128xi32, #tpu.memory_space<hbm>>
      %dma_start3A_254 = tpu.memref_squeeze %dma_start3A_253 : memref<1x4x128xi32, #tpu.memory_space<hbm>> -> memref<4x128xi32, #tpu.memory_space<hbm>>
      tpu.enqueue_dma source(%dma_start3A_254 : memref<4x128xi32, #tpu.memory_space<hbm>>) target(%arg13 : memref<4x128xi32, #tpu.memory_space<vmem>>) target_semaphore(%run_scoped3A : memref<!tpu.dma_semaphore, #tpu.memory_space<semaphore_mem>>)
      %dma_wait3A_255 = arith.constant 0 : i32
      %dma_wait3A_256 = arith.constant 0 : i32
      %dma_wait3A_257 = tpu.memref_slice %arg4[%add3A, %dma_wait3A_255, %dma_wait3A_256] : memref<32x4x128xi32, #tpu.memory_space<hbm>> -> memref<1x4x128xi32, #tpu.memory_space<hbm>>
      %dma_wait3A_258 = tpu.memref_squeeze %dma_wait3A_257 : memref<1x4x128xi32, #tpu.memory_space<hbm>> -> memref<4x128xi32, #tpu.memory_space<hbm>>
      %dma_wait3A_259 = arith.constant 0 : i32
      %dma_wait3A_260 = arith.constant 0 : i32
      %dma_wait3A_261 = tpu.memref_slice %arg4[%add3A, %dma_wait3A_259, %dma_wait3A_260] : memref<32x4x128xi32, #tpu.memory_space<hbm>> -> memref<1x4x128xi32, #tpu.memory_space<hbm>>
      %dma_wait3A_262 = tpu.memref_squeeze %dma_wait3A_261 : memref<1x4x128xi32, #tpu.memory_space<hbm>> -> memref<4x128xi32, #tpu.memory_space<hbm>>
      tpu.wait_dma2 semaphore(%run_scoped3A : memref<!tpu.dma_semaphore, #tpu.memory_space<semaphore_mem>>) src(%dma_wait3A_262 : memref<4x128xi32, #tpu.memory_space<hbm>>) dst(%arg13 : memref<4x128xi32, #tpu.memory_space<vmem>>)
      tpu.yield
    }) : () -> ()
    "tpu.region"() ({
      %run_scoped3A = tpu.sem_alloc : memref<!tpu.dma_semaphore, #tpu.memory_space<semaphore_mem>>
      %dma_start3A_247 = arith.constant 0 : i32
      %dma_start3A_248 = tpu.memref_slice %arg5[%add3A, %dma_start3A_247] : memref<32x512xi32, #tpu.memory_space<hbm>> -> memref<1x512xi32, #tpu.memory_space<hbm>>
      %dma_start3A_249 = tpu.memref_squeeze %dma_start3A_248 : memref<1x512xi32, #tpu.memory_space<hbm>> -> memref<512xi32, #tpu.memory_space<hbm>>
      %dma_start3A_250 = arith.constant 0 : i32
      %dma_start3A_251 = tpu.memref_slice %arg5[%add3A, %dma_start3A_250] : memref<32x512xi32, #tpu.memory_space<hbm>> -> memref<1x512xi32, #tpu.memory_space<hbm>>
      %dma_start3A_252 = tpu.memref_squeeze %dma_start3A_251 : memref<1x512xi32, #tpu.memory_space<hbm>> -> memref<512xi32, #tpu.memory_space<hbm>>
      tpu.enqueue_dma source(%dma_start3A_252 : memref<512xi32, #tpu.memory_space<hbm>>) target(%arg14 : memref<512xi32, #tpu.memory_space<vmem>>) target_semaphore(%run_scoped3A : memref<!tpu.dma_semaphore, #tpu.memory_space<semaphore_mem>>)
      %dma_wait3A_253 = arith.constant 0 : i32
      %dma_wait3A_254 = tpu.memref_slice %arg5[%add3A, %dma_wait3A_253] : memref<32x512xi32, #tpu.memory_space<hbm>> -> memref<1x512xi32, #tpu.memory_space<hbm>>
      %dma_wait3A_255 = tpu.memref_squeeze %dma_wait3A_254 : memref<1x512xi32, #tpu.memory_space<hbm>> -> memref<512xi32, #tpu.memory_space<hbm>>
      %dma_wait3A_256 = arith.constant 0 : i32
      %dma_wait3A_257 = tpu.memref_slice %arg5[%add3A, %dma_wait3A_256] : memref<32x512xi32, #tpu.memory_space<hbm>> -> memref<1x512xi32, #tpu.memory_space<hbm>>
      %dma_wait3A_258 = tpu.memref_squeeze %dma_wait3A_257 : memref<1x512xi32, #tpu.memory_space<hbm>> -> memref<512xi32, #tpu.memory_space<hbm>>
      tpu.wait_dma2 semaphore(%run_scoped3A : memref<!tpu.dma_semaphore, #tpu.memory_space<semaphore_mem>>) src(%dma_wait3A_258 : memref<512xi32, #tpu.memory_space<hbm>>) dst(%arg14 : memref<512xi32, #tpu.memory_space<vmem>>)
      tpu.yield
    }) : () -> ()
    "tpu.region"() ({
      %run_scoped3A = tpu.sem_alloc : memref<!tpu.dma_semaphore, #tpu.memory_space<semaphore_mem>>
      %dma_start3A_247 = arith.constant 0 : i32
      %dma_start3A_248 = tpu.memref_slice %arg6[%add3A, %dma_start3A_247] : memref<32x512xi32, #tpu.memory_space<hbm>> -> memref<1x512xi32, #tpu.memory_space<hbm>>
      %dma_start3A_249 = tpu.memref_squeeze %dma_start3A_248 : memref<1x512xi32, #tpu.memory_space<hbm>> -> memref<512xi32, #tpu.memory_space<hbm>>
      %dma_start3A_250 = arith.constant 0 : i32
      %dma_start3A_251 = tpu.memref_slice %arg6[%add3A, %dma_start3A_250] : memref<32x512xi32, #tpu.memory_space<hbm>> -> memref<1x512xi32, #tpu.memory_space<hbm>>
      %dma_start3A_252 = tpu.memref_squeeze %dma_start3A_251 : memref<1x512xi32, #tpu.memory_space<hbm>> -> memref<512xi32, #tpu.memory_space<hbm>>
      tpu.enqueue_dma source(%dma_start3A_252 : memref<512xi32, #tpu.memory_space<hbm>>) target(%arg15 : memref<512xi32, #tpu.memory_space<vmem>>) target_semaphore(%run_scoped3A : memref<!tpu.dma_semaphore, #tpu.memory_space<semaphore_mem>>)
      %dma_wait3A_253 = arith.constant 0 : i32
      %dma_wait3A_254 = tpu.memref_slice %arg6[%add3A, %dma_wait3A_253] : memref<32x512xi32, #tpu.memory_space<hbm>> -> memref<1x512xi32, #tpu.memory_space<hbm>>
      %dma_wait3A_255 = tpu.memref_squeeze %dma_wait3A_254 : memref<1x512xi32, #tpu.memory_space<hbm>> -> memref<512xi32, #tpu.memory_space<hbm>>
      %dma_wait3A_256 = arith.constant 0 : i32
      %dma_wait3A_257 = tpu.memref_slice %arg6[%add3A, %dma_wait3A_256] : memref<32x512xi32, #tpu.memory_space<hbm>> -> memref<1x512xi32, #tpu.memory_space<hbm>>
      %dma_wait3A_258 = tpu.memref_squeeze %dma_wait3A_257 : memref<1x512xi32, #tpu.memory_space<hbm>> -> memref<512xi32, #tpu.memory_space<hbm>>
      tpu.wait_dma2 semaphore(%run_scoped3A : memref<!tpu.dma_semaphore, #tpu.memory_space<semaphore_mem>>) src(%dma_wait3A_258 : memref<512xi32, #tpu.memory_space<hbm>>) dst(%arg15 : memref<512xi32, #tpu.memory_space<vmem>>)
      tpu.yield
    }) : () -> ()
    "tpu.region"() ({
      %run_scoped3A = tpu.sem_alloc : memref<!tpu.dma_semaphore, #tpu.memory_space<semaphore_mem>>
      %dma_start3A_247 = arith.constant 0 : i32
      %dma_start3A_248 = tpu.memref_slice %arg7[%add3A, %dma_start3A_247] : memref<32x512xi32, #tpu.memory_space<hbm>> -> memref<1x512xi32, #tpu.memory_space<hbm>>
      %dma_start3A_249 = tpu.memref_squeeze %dma_start3A_248 : memref<1x512xi32, #tpu.memory_space<hbm>> -> memref<512xi32, #tpu.memory_space<hbm>>
      %dma_start3A_250 = arith.constant 0 : i32
      %dma_start3A_251 = tpu.memref_slice %arg7[%add3A, %dma_start3A_250] : memref<32x512xi32, #tpu.memory_space<hbm>> -> memref<1x512xi32, #tpu.memory_space<hbm>>
      %dma_start3A_252 = tpu.memref_squeeze %dma_start3A_251 : memref<1x512xi32, #tpu.memory_space<hbm>> -> memref<512xi32, #tpu.memory_space<hbm>>
      tpu.enqueue_dma source(%dma_start3A_252 : memref<512xi32, #tpu.memory_space<hbm>>) target(%arg16 : memref<512xi32, #tpu.memory_space<vmem>>) target_semaphore(%run_scoped3A : memref<!tpu.dma_semaphore, #tpu.memory_space<semaphore_mem>>)
      %dma_wait3A_253 = arith.constant 0 : i32
      %dma_wait3A_254 = tpu.memref_slice %arg7[%add3A, %dma_wait3A_253] : memref<32x512xi32, #tpu.memory_space<hbm>> -> memref<1x512xi32, #tpu.memory_space<hbm>>
      %dma_wait3A_255 = tpu.memref_squeeze %dma_wait3A_254 : memref<1x512xi32, #tpu.memory_space<hbm>> -> memref<512xi32, #tpu.memory_space<hbm>>
      %dma_wait3A_256 = arith.constant 0 : i32
      %dma_wait3A_257 = tpu.memref_slice %arg7[%add3A, %dma_wait3A_256] : memref<32x512xi32, #tpu.memory_space<hbm>> -> memref<1x512xi32, #tpu.memory_space<hbm>>
      %dma_wait3A_258 = tpu.memref_squeeze %dma_wait3A_257 : memref<1x512xi32, #tpu.memory_space<hbm>> -> memref<512xi32, #tpu.memory_space<hbm>>
      tpu.wait_dma2 semaphore(%run_scoped3A : memref<!tpu.dma_semaphore, #tpu.memory_space<semaphore_mem>>) src(%dma_wait3A_258 : memref<512xi32, #tpu.memory_space<hbm>>) dst(%arg16 : memref<512xi32, #tpu.memory_space<vmem>>)
      tpu.yield
    }) : () -> ()
    %dma_start3A = arith.constant 0 : i32
    %dma_start3A_3 = arith.constant 0 : i32
    %dma_start3A_4 = arith.constant 0 : i32
    %dma_start3A_5 = tpu.memref_slice %arg17[%dma_start3A_3, %dma_start3A_4] : memref<512x32xf32, #tpu.memory_space<vmem>> -> memref<128x32xf32, #tpu.memory_space<vmem>>
    %dma_start3A_6 = arith.constant 0 : i32
    %dma_start3A_7 = tpu.memref_slice %arg11[%dma_start3A, %dma_start3A_6] : memref<4x128xi32, #tpu.memory_space<vmem>> -> memref<1x128xi32, #tpu.memory_space<vmem>>
    %dma_start3A_8 = tpu.memref_squeeze %dma_start3A_7 : memref<1x128xi32, #tpu.memory_space<vmem>> -> memref<128xi32, #tpu.memory_space<vmem>>
    %dma_start3A_9 = arith.constant 0 : i32
    %dma_start3A_10 = arith.constant 0 : i32
    %dma_start3A_11 = tpu.memref_slice %arg8[%dma_start3A_9, %dma_start3A_10] : memref<1000000x32xf32, #tpu.memory_space<hbm>> -> memref<1000000x32xf32, #tpu.memory_space<hbm>>
    tpu.enqueue_indirect_dma source(%dma_start3A_11 : memref<1000000x32xf32, #tpu.memory_space<hbm>>) target(%dma_start3A_5 : memref<128x32xf32, #tpu.memory_space<vmem>>) offsets(%dma_start3A_8 : memref<128xi32, #tpu.memory_space<vmem>>) semaphore(%arg21 : memref<!tpu.dma_semaphore, #tpu.memory_space<semaphore_mem>>)
    %dma_start3A_12 = arith.constant 0 : i32
    %dma_start3A_13 = arith.constant 0 : i32
    %dma_start3A_14 = arith.constant 0 : i32
    %dma_start3A_15 = tpu.memref_slice %arg18[%dma_start3A_13, %dma_start3A_14] : memref<512x32xf32, #tpu.memory_space<vmem>> -> memref<128x32xf32, #tpu.memory_space<vmem>>
    %dma_start3A_16 = arith.constant 0 : i32
    %dma_start3A_17 = tpu.memref_slice %arg12[%dma_start3A_12, %dma_start3A_16] : memref<4x128xi32, #tpu.memory_space<vmem>> -> memref<1x128xi32, #tpu.memory_space<vmem>>
    %dma_start3A_18 = tpu.memref_squeeze %dma_start3A_17 : memref<1x128xi32, #tpu.memory_space<vmem>> -> memref<128xi32, #tpu.memory_space<vmem>>
    %dma_start3A_19 = arith.constant 0 : i32
    %dma_start3A_20 = arith.constant 0 : i32
    %dma_start3A_21 = tpu.memref_slice %arg9[%dma_start3A_19, %dma_start3A_20] : memref<1000000x32xf32, #tpu.memory_space<hbm>> -> memref<1000000x32xf32, #tpu.memory_space<hbm>>
    tpu.enqueue_indirect_dma source(%dma_start3A_21 : memref<1000000x32xf32, #tpu.memory_space<hbm>>) target(%dma_start3A_15 : memref<128x32xf32, #tpu.memory_space<vmem>>) offsets(%dma_start3A_18 : memref<128xi32, #tpu.memory_space<vmem>>) semaphore(%arg21 : memref<!tpu.dma_semaphore, #tpu.memory_space<semaphore_mem>>)
    %dma_start3A_22 = arith.constant 0 : i32
    %dma_start3A_23 = arith.constant 0 : i32
    %dma_start3A_24 = arith.constant 0 : i32
    %dma_start3A_25 = tpu.memref_slice %arg19[%dma_start3A_23, %dma_start3A_24] : memref<512x32xf32, #tpu.memory_space<vmem>> -> memref<128x32xf32, #tpu.memory_space<vmem>>
    %dma_start3A_26 = arith.constant 0 : i32
    %dma_start3A_27 = tpu.memref_slice %arg13[%dma_start3A_22, %dma_start3A_26] : memref<4x128xi32, #tpu.memory_space<vmem>> -> memref<1x128xi32, #tpu.memory_space<vmem>>
    %dma_start3A_28 = tpu.memref_squeeze %dma_start3A_27 : memref<1x128xi32, #tpu.memory_space<vmem>> -> memref<128xi32, #tpu.memory_space<vmem>>
    %dma_start3A_29 = arith.constant 0 : i32
    %dma_start3A_30 = arith.constant 0 : i32
    %dma_start3A_31 = tpu.memref_slice %arg9[%dma_start3A_29, %dma_start3A_30] : memref<1000000x32xf32, #tpu.memory_space<hbm>> -> memref<1000000x32xf32, #tpu.memory_space<hbm>>
    tpu.enqueue_indirect_dma source(%dma_start3A_31 : memref<1000000x32xf32, #tpu.memory_space<hbm>>) target(%dma_start3A_25 : memref<128x32xf32, #tpu.memory_space<vmem>>) offsets(%dma_start3A_28 : memref<128xi32, #tpu.memory_space<vmem>>) semaphore(%arg21 : memref<!tpu.dma_semaphore, #tpu.memory_space<semaphore_mem>>)
    %dma_start3A_32 = arith.constant 1 : i32
    %dma_start3A_33 = arith.constant 128 : i32
    %dma_start3A_34 = arith.constant 0 : i32
    %dma_start3A_35 = tpu.memref_slice %arg17[%dma_start3A_33, %dma_start3A_34] : memref<512x32xf32, #tpu.memory_space<vmem>> -> memref<128x32xf32, #tpu.memory_space<vmem>>
    %dma_start3A_36 = arith.constant 0 : i32
    %dma_start3A_37 = tpu.memref_slice %arg11[%dma_start3A_32, %dma_start3A_36] : memref<4x128xi32, #tpu.memory_space<vmem>> -> memref<1x128xi32, #tpu.memory_space<vmem>>
    %dma_start3A_38 = tpu.memref_squeeze %dma_start3A_37 : memref<1x128xi32, #tpu.memory_space<vmem>> -> memref<128xi32, #tpu.memory_space<vmem>>
    %dma_start3A_39 = arith.constant 0 : i32
    %dma_start3A_40 = arith.constant 0 : i32
    %dma_start3A_41 = tpu.memref_slice %arg8[%dma_start3A_39, %dma_start3A_40] : memref<1000000x32xf32, #tpu.memory_space<hbm>> -> memref<1000000x32xf32, #tpu.memory_space<hbm>>
    tpu.enqueue_indirect_dma source(%dma_start3A_41 : memref<1000000x32xf32, #tpu.memory_space<hbm>>) target(%dma_start3A_35 : memref<128x32xf32, #tpu.memory_space<vmem>>) offsets(%dma_start3A_38 : memref<128xi32, #tpu.memory_space<vmem>>) semaphore(%arg21 : memref<!tpu.dma_semaphore, #tpu.memory_space<semaphore_mem>>)
    %dma_start3A_42 = arith.constant 1 : i32
    %dma_start3A_43 = arith.constant 128 : i32
    %dma_start3A_44 = arith.constant 0 : i32
    %dma_start3A_45 = tpu.memref_slice %arg18[%dma_start3A_43, %dma_start3A_44] : memref<512x32xf32, #tpu.memory_space<vmem>> -> memref<128x32xf32, #tpu.memory_space<vmem>>
    %dma_start3A_46 = arith.constant 0 : i32
    %dma_start3A_47 = tpu.memref_slice %arg12[%dma_start3A_42, %dma_start3A_46] : memref<4x128xi32, #tpu.memory_space<vmem>> -> memref<1x128xi32, #tpu.memory_space<vmem>>
    %dma_start3A_48 = tpu.memref_squeeze %dma_start3A_47 : memref<1x128xi32, #tpu.memory_space<vmem>> -> memref<128xi32, #tpu.memory_space<vmem>>
    %dma_start3A_49 = arith.constant 0 : i32
    %dma_start3A_50 = arith.constant 0 : i32
    %dma_start3A_51 = tpu.memref_slice %arg9[%dma_start3A_49, %dma_start3A_50] : memref<1000000x32xf32, #tpu.memory_space<hbm>> -> memref<1000000x32xf32, #tpu.memory_space<hbm>>
    tpu.enqueue_indirect_dma source(%dma_start3A_51 : memref<1000000x32xf32, #tpu.memory_space<hbm>>) target(%dma_start3A_45 : memref<128x32xf32, #tpu.memory_space<vmem>>) offsets(%dma_start3A_48 : memref<128xi32, #tpu.memory_space<vmem>>) semaphore(%arg21 : memref<!tpu.dma_semaphore, #tpu.memory_space<semaphore_mem>>)
    %dma_start3A_52 = arith.constant 1 : i32
    %dma_start3A_53 = arith.constant 128 : i32
    %dma_start3A_54 = arith.constant 0 : i32
    %dma_start3A_55 = tpu.memref_slice %arg19[%dma_start3A_53, %dma_start3A_54] : memref<512x32xf32, #tpu.memory_space<vmem>> -> memref<128x32xf32, #tpu.memory_space<vmem>>
    %dma_start3A_56 = arith.constant 0 : i32
    %dma_start3A_57 = tpu.memref_slice %arg13[%dma_start3A_52, %dma_start3A_56] : memref<4x128xi32, #tpu.memory_space<vmem>> -> memref<1x128xi32, #tpu.memory_space<vmem>>
    %dma_start3A_58 = tpu.memref_squeeze %dma_start3A_57 : memref<1x128xi32, #tpu.memory_space<vmem>> -> memref<128xi32, #tpu.memory_space<vmem>>
    %dma_start3A_59 = arith.constant 0 : i32
    %dma_start3A_60 = arith.constant 0 : i32
    %dma_start3A_61 = tpu.memref_slice %arg9[%dma_start3A_59, %dma_start3A_60] : memref<1000000x32xf32, #tpu.memory_space<hbm>> -> memref<1000000x32xf32, #tpu.memory_space<hbm>>
    tpu.enqueue_indirect_dma source(%dma_start3A_61 : memref<1000000x32xf32, #tpu.memory_space<hbm>>) target(%dma_start3A_55 : memref<128x32xf32, #tpu.memory_space<vmem>>) offsets(%dma_start3A_58 : memref<128xi32, #tpu.memory_space<vmem>>) semaphore(%arg21 : memref<!tpu.dma_semaphore, #tpu.memory_space<semaphore_mem>>)
    %dma_start3A_62 = arith.constant 2 : i32
    %dma_start3A_63 = arith.constant 256 : i32
    %dma_start3A_64 = arith.constant 0 : i32
    %dma_start3A_65 = tpu.memref_slice %arg17[%dma_start3A_63, %dma_start3A_64] : memref<512x32xf32, #tpu.memory_space<vmem>> -> memref<128x32xf32, #tpu.memory_space<vmem>>
    %dma_start3A_66 = arith.constant 0 : i32
    %dma_start3A_67 = tpu.memref_slice %arg11[%dma_start3A_62, %dma_start3A_66] : memref<4x128xi32, #tpu.memory_space<vmem>> -> memref<1x128xi32, #tpu.memory_space<vmem>>
    %dma_start3A_68 = tpu.memref_squeeze %dma_start3A_67 : memref<1x128xi32, #tpu.memory_space<vmem>> -> memref<128xi32, #tpu.memory_space<vmem>>
    %dma_start3A_69 = arith.constant 0 : i32
    %dma_start3A_70 = arith.constant 0 : i32
    %dma_start3A_71 = tpu.memref_slice %arg8[%dma_start3A_69, %dma_start3A_70] : memref<1000000x32xf32, #tpu.memory_space<hbm>> -> memref<1000000x32xf32, #tpu.memory_space<hbm>>
    tpu.enqueue_indirect_dma source(%dma_start3A_71 : memref<1000000x32xf32, #tpu.memory_space<hbm>>) target(%dma_start3A_65 : memref<128x32xf32, #tpu.memory_space<vmem>>) offsets(%dma_start3A_68 : memref<128xi32, #tpu.memory_space<vmem>>) semaphore(%arg21 : memref<!tpu.dma_semaphore, #tpu.memory_space<semaphore_mem>>)
    %dma_start3A_72 = arith.constant 2 : i32
    %dma_start3A_73 = arith.constant 256 : i32
    %dma_start3A_74 = arith.constant 0 : i32
    %dma_start3A_75 = tpu.memref_slice %arg18[%dma_start3A_73, %dma_start3A_74] : memref<512x32xf32, #tpu.memory_space<vmem>> -> memref<128x32xf32, #tpu.memory_space<vmem>>
    %dma_start3A_76 = arith.constant 0 : i32
    %dma_start3A_77 = tpu.memref_slice %arg12[%dma_start3A_72, %dma_start3A_76] : memref<4x128xi32, #tpu.memory_space<vmem>> -> memref<1x128xi32, #tpu.memory_space<vmem>>
    %dma_start3A_78 = tpu.memref_squeeze %dma_start3A_77 : memref<1x128xi32, #tpu.memory_space<vmem>> -> memref<128xi32, #tpu.memory_space<vmem>>
    %dma_start3A_79 = arith.constant 0 : i32
    %dma_start3A_80 = arith.constant 0 : i32
    %dma_start3A_81 = tpu.memref_slice %arg9[%dma_start3A_79, %dma_start3A_80] : memref<1000000x32xf32, #tpu.memory_space<hbm>> -> memref<1000000x32xf32, #tpu.memory_space<hbm>>
    tpu.enqueue_indirect_dma source(%dma_start3A_81 : memref<1000000x32xf32, #tpu.memory_space<hbm>>) target(%dma_start3A_75 : memref<128x32xf32, #tpu.memory_space<vmem>>) offsets(%dma_start3A_78 : memref<128xi32, #tpu.memory_space<vmem>>) semaphore(%arg21 : memref<!tpu.dma_semaphore, #tpu.memory_space<semaphore_mem>>)
    %dma_start3A_82 = arith.constant 2 : i32
    %dma_start3A_83 = arith.constant 256 : i32
    %dma_start3A_84 = arith.constant 0 : i32
    %dma_start3A_85 = tpu.memref_slice %arg19[%dma_start3A_83, %dma_start3A_84] : memref<512x32xf32, #tpu.memory_space<vmem>> -> memref<128x32xf32, #tpu.memory_space<vmem>>
    %dma_start3A_86 = arith.constant 0 : i32
    %dma_start3A_87 = tpu.memref_slice %arg13[%dma_start3A_82, %dma_start3A_86] : memref<4x128xi32, #tpu.memory_space<vmem>> -> memref<1x128xi32, #tpu.memory_space<vmem>>
    %dma_start3A_88 = tpu.memref_squeeze %dma_start3A_87 : memref<1x128xi32, #tpu.memory_space<vmem>> -> memref<128xi32, #tpu.memory_space<vmem>>
    %dma_start3A_89 = arith.constant 0 : i32
    %dma_start3A_90 = arith.constant 0 : i32
    %dma_start3A_91 = tpu.memref_slice %arg9[%dma_start3A_89, %dma_start3A_90] : memref<1000000x32xf32, #tpu.memory_space<hbm>> -> memref<1000000x32xf32, #tpu.memory_space<hbm>>
    tpu.enqueue_indirect_dma source(%dma_start3A_91 : memref<1000000x32xf32, #tpu.memory_space<hbm>>) target(%dma_start3A_85 : memref<128x32xf32, #tpu.memory_space<vmem>>) offsets(%dma_start3A_88 : memref<128xi32, #tpu.memory_space<vmem>>) semaphore(%arg21 : memref<!tpu.dma_semaphore, #tpu.memory_space<semaphore_mem>>)
    %dma_start3A_92 = arith.constant 3 : i32
    %dma_start3A_93 = arith.constant 384 : i32
    %dma_start3A_94 = arith.constant 0 : i32
    %dma_start3A_95 = tpu.memref_slice %arg17[%dma_start3A_93, %dma_start3A_94] : memref<512x32xf32, #tpu.memory_space<vmem>> -> memref<128x32xf32, #tpu.memory_space<vmem>>
    %dma_start3A_96 = arith.constant 0 : i32
    %dma_start3A_97 = tpu.memref_slice %arg11[%dma_start3A_92, %dma_start3A_96] : memref<4x128xi32, #tpu.memory_space<vmem>> -> memref<1x128xi32, #tpu.memory_space<vmem>>
    %dma_start3A_98 = tpu.memref_squeeze %dma_start3A_97 : memref<1x128xi32, #tpu.memory_space<vmem>> -> memref<128xi32, #tpu.memory_space<vmem>>
    %dma_start3A_99 = arith.constant 0 : i32
    %dma_start3A_100 = arith.constant 0 : i32
    %dma_start3A_101 = tpu.memref_slice %arg8[%dma_start3A_99, %dma_start3A_100] : memref<1000000x32xf32, #tpu.memory_space<hbm>> -> memref<1000000x32xf32, #tpu.memory_space<hbm>>
    tpu.enqueue_indirect_dma source(%dma_start3A_101 : memref<1000000x32xf32, #tpu.memory_space<hbm>>) target(%dma_start3A_95 : memref<128x32xf32, #tpu.memory_space<vmem>>) offsets(%dma_start3A_98 : memref<128xi32, #tpu.memory_space<vmem>>) semaphore(%arg21 : memref<!tpu.dma_semaphore, #tpu.memory_space<semaphore_mem>>)
    %dma_start3A_102 = arith.constant 3 : i32
    %dma_start3A_103 = arith.constant 384 : i32
    %dma_start3A_104 = arith.constant 0 : i32
    %dma_start3A_105 = tpu.memref_slice %arg18[%dma_start3A_103, %dma_start3A_104] : memref<512x32xf32, #tpu.memory_space<vmem>> -> memref<128x32xf32, #tpu.memory_space<vmem>>
    %dma_start3A_106 = arith.constant 0 : i32
    %dma_start3A_107 = tpu.memref_slice %arg12[%dma_start3A_102, %dma_start3A_106] : memref<4x128xi32, #tpu.memory_space<vmem>> -> memref<1x128xi32, #tpu.memory_space<vmem>>
    %dma_start3A_108 = tpu.memref_squeeze %dma_start3A_107 : memref<1x128xi32, #tpu.memory_space<vmem>> -> memref<128xi32, #tpu.memory_space<vmem>>
    %dma_start3A_109 = arith.constant 0 : i32
    %dma_start3A_110 = arith.constant 0 : i32
    %dma_start3A_111 = tpu.memref_slice %arg9[%dma_start3A_109, %dma_start3A_110] : memref<1000000x32xf32, #tpu.memory_space<hbm>> -> memref<1000000x32xf32, #tpu.memory_space<hbm>>
    tpu.enqueue_indirect_dma source(%dma_start3A_111 : memref<1000000x32xf32, #tpu.memory_space<hbm>>) target(%dma_start3A_105 : memref<128x32xf32, #tpu.memory_space<vmem>>) offsets(%dma_start3A_108 : memref<128xi32, #tpu.memory_space<vmem>>) semaphore(%arg21 : memref<!tpu.dma_semaphore, #tpu.memory_space<semaphore_mem>>)
    %dma_start3A_112 = arith.constant 3 : i32
    %dma_start3A_113 = arith.constant 384 : i32
    %dma_start3A_114 = arith.constant 0 : i32
    %dma_start3A_115 = tpu.memref_slice %arg19[%dma_start3A_113, %dma_start3A_114] : memref<512x32xf32, #tpu.memory_space<vmem>> -> memref<128x32xf32, #tpu.memory_space<vmem>>
    %dma_start3A_116 = arith.constant 0 : i32
    %dma_start3A_117 = tpu.memref_slice %arg13[%dma_start3A_112, %dma_start3A_116] : memref<4x128xi32, #tpu.memory_space<vmem>> -> memref<1x128xi32, #tpu.memory_space<vmem>>
    %dma_start3A_118 = tpu.memref_squeeze %dma_start3A_117 : memref<1x128xi32, #tpu.memory_space<vmem>> -> memref<128xi32, #tpu.memory_space<vmem>>
    %dma_start3A_119 = arith.constant 0 : i32
    %dma_start3A_120 = arith.constant 0 : i32
    %dma_start3A_121 = tpu.memref_slice %arg9[%dma_start3A_119, %dma_start3A_120] : memref<1000000x32xf32, #tpu.memory_space<hbm>> -> memref<1000000x32xf32, #tpu.memory_space<hbm>>
    tpu.enqueue_indirect_dma source(%dma_start3A_121 : memref<1000000x32xf32, #tpu.memory_space<hbm>>) target(%dma_start3A_115 : memref<128x32xf32, #tpu.memory_space<vmem>>) offsets(%dma_start3A_118 : memref<128xi32, #tpu.memory_space<vmem>>) semaphore(%arg21 : memref<!tpu.dma_semaphore, #tpu.memory_space<semaphore_mem>>)
    %dma_wait3A = arith.constant 0 : i32
    %dma_wait3A_122 = arith.constant 0 : i32
    %dma_wait3A_123 = arith.constant 0 : i32
    %dma_wait3A_124 = tpu.memref_slice %arg17[%dma_wait3A_122, %dma_wait3A_123] : memref<512x32xf32, #tpu.memory_space<vmem>> -> memref<128x32xf32, #tpu.memory_space<vmem>>
    %dma_wait3A_125 = arith.constant 0 : i32
    %dma_wait3A_126 = tpu.memref_slice %arg11[%dma_wait3A, %dma_wait3A_125] : memref<4x128xi32, #tpu.memory_space<vmem>> -> memref<1x128xi32, #tpu.memory_space<vmem>>
    %dma_wait3A_127 = tpu.memref_squeeze %dma_wait3A_126 : memref<1x128xi32, #tpu.memory_space<vmem>> -> memref<128xi32, #tpu.memory_space<vmem>>
    %dma_wait3A_128 = arith.constant 0 : i32
    %dma_wait3A_129 = arith.constant 0 : i32
    %dma_wait3A_130 = tpu.memref_slice %arg8[%dma_wait3A_128, %dma_wait3A_129] : memref<1000000x32xf32, #tpu.memory_space<hbm>> -> memref<1000000x32xf32, #tpu.memory_space<hbm>>
    tpu.wait_indirect_dma semaphore(%arg21 : memref<!tpu.dma_semaphore, #tpu.memory_space<semaphore_mem>>) src(%dma_wait3A_130 : memref<1000000x32xf32, #tpu.memory_space<hbm>>) dst(%dma_wait3A_124 : memref<128x32xf32, #tpu.memory_space<vmem>>)
    %dma_wait3A_131 = arith.constant 0 : i32
    %dma_wait3A_132 = arith.constant 0 : i32
    %dma_wait3A_133 = arith.constant 0 : i32
    %dma_wait3A_134 = tpu.memref_slice %arg18[%dma_wait3A_132, %dma_wait3A_133] : memref<512x32xf32, #tpu.memory_space<vmem>> -> memref<128x32xf32, #tpu.memory_space<vmem>>
    %dma_wait3A_135 = arith.constant 0 : i32
    %dma_wait3A_136 = tpu.memref_slice %arg12[%dma_wait3A_131, %dma_wait3A_135] : memref<4x128xi32, #tpu.memory_space<vmem>> -> memref<1x128xi32, #tpu.memory_space<vmem>>
    %dma_wait3A_137 = tpu.memref_squeeze %dma_wait3A_136 : memref<1x128xi32, #tpu.memory_space<vmem>> -> memref<128xi32, #tpu.memory_space<vmem>>
    %dma_wait3A_138 = arith.constant 0 : i32
    %dma_wait3A_139 = arith.constant 0 : i32
    %dma_wait3A_140 = tpu.memref_slice %arg9[%dma_wait3A_138, %dma_wait3A_139] : memref<1000000x32xf32, #tpu.memory_space<hbm>> -> memref<1000000x32xf32, #tpu.memory_space<hbm>>
    tpu.wait_indirect_dma semaphore(%arg21 : memref<!tpu.dma_semaphore, #tpu.memory_space<semaphore_mem>>) src(%dma_wait3A_140 : memref<1000000x32xf32, #tpu.memory_space<hbm>>) dst(%dma_wait3A_134 : memref<128x32xf32, #tpu.memory_space<vmem>>)
    %dma_wait3A_141 = arith.constant 0 : i32
    %dma_wait3A_142 = arith.constant 0 : i32
    %dma_wait3A_143 = arith.constant 0 : i32
    %dma_wait3A_144 = tpu.memref_slice %arg19[%dma_wait3A_142, %dma_wait3A_143] : memref<512x32xf32, #tpu.memory_space<vmem>> -> memref<128x32xf32, #tpu.memory_space<vmem>>
    %dma_wait3A_145 = arith.constant 0 : i32
    %dma_wait3A_146 = tpu.memref_slice %arg13[%dma_wait3A_141, %dma_wait3A_145] : memref<4x128xi32, #tpu.memory_space<vmem>> -> memref<1x128xi32, #tpu.memory_space<vmem>>
    %dma_wait3A_147 = tpu.memref_squeeze %dma_wait3A_146 : memref<1x128xi32, #tpu.memory_space<vmem>> -> memref<128xi32, #tpu.memory_space<vmem>>
    %dma_wait3A_148 = arith.constant 0 : i32
    %dma_wait3A_149 = arith.constant 0 : i32
    %dma_wait3A_150 = tpu.memref_slice %arg9[%dma_wait3A_148, %dma_wait3A_149] : memref<1000000x32xf32, #tpu.memory_space<hbm>> -> memref<1000000x32xf32, #tpu.memory_space<hbm>>
    tpu.wait_indirect_dma semaphore(%arg21 : memref<!tpu.dma_semaphore, #tpu.memory_space<semaphore_mem>>) src(%dma_wait3A_150 : memref<1000000x32xf32, #tpu.memory_space<hbm>>) dst(%dma_wait3A_144 : memref<128x32xf32, #tpu.memory_space<vmem>>)
    %dma_wait3A_151 = arith.constant 1 : i32
    %dma_wait3A_152 = arith.constant 128 : i32
    %dma_wait3A_153 = arith.constant 0 : i32
    %dma_wait3A_154 = tpu.memref_slice %arg17[%dma_wait3A_152, %dma_wait3A_153] : memref<512x32xf32, #tpu.memory_space<vmem>> -> memref<128x32xf32, #tpu.memory_space<vmem>>
    %dma_wait3A_155 = arith.constant 0 : i32
    %dma_wait3A_156 = tpu.memref_slice %arg11[%dma_wait3A_151, %dma_wait3A_155] : memref<4x128xi32, #tpu.memory_space<vmem>> -> memref<1x128xi32, #tpu.memory_space<vmem>>
    %dma_wait3A_157 = tpu.memref_squeeze %dma_wait3A_156 : memref<1x128xi32, #tpu.memory_space<vmem>> -> memref<128xi32, #tpu.memory_space<vmem>>
    %dma_wait3A_158 = arith.constant 0 : i32
    %dma_wait3A_159 = arith.constant 0 : i32
    %dma_wait3A_160 = tpu.memref_slice %arg8[%dma_wait3A_158, %dma_wait3A_159] : memref<1000000x32xf32, #tpu.memory_space<hbm>> -> memref<1000000x32xf32, #tpu.memory_space<hbm>>
    tpu.wait_indirect_dma semaphore(%arg21 : memref<!tpu.dma_semaphore, #tpu.memory_space<semaphore_mem>>) src(%dma_wait3A_160 : memref<1000000x32xf32, #tpu.memory_space<hbm>>) dst(%dma_wait3A_154 : memref<128x32xf32, #tpu.memory_space<vmem>>)
    %dma_wait3A_161 = arith.constant 1 : i32
    %dma_wait3A_162 = arith.constant 128 : i32
    %dma_wait3A_163 = arith.constant 0 : i32
    %dma_wait3A_164 = tpu.memref_slice %arg18[%dma_wait3A_162, %dma_wait3A_163] : memref<512x32xf32, #tpu.memory_space<vmem>> -> memref<128x32xf32, #tpu.memory_space<vmem>>
    %dma_wait3A_165 = arith.constant 0 : i32
    %dma_wait3A_166 = tpu.memref_slice %arg12[%dma_wait3A_161, %dma_wait3A_165] : memref<4x128xi32, #tpu.memory_space<vmem>> -> memref<1x128xi32, #tpu.memory_space<vmem>>
    %dma_wait3A_167 = tpu.memref_squeeze %dma_wait3A_166 : memref<1x128xi32, #tpu.memory_space<vmem>> -> memref<128xi32, #tpu.memory_space<vmem>>
    %dma_wait3A_168 = arith.constant 0 : i32
    %dma_wait3A_169 = arith.constant 0 : i32
    %dma_wait3A_170 = tpu.memref_slice %arg9[%dma_wait3A_168, %dma_wait3A_169] : memref<1000000x32xf32, #tpu.memory_space<hbm>> -> memref<1000000x32xf32, #tpu.memory_space<hbm>>
    tpu.wait_indirect_dma semaphore(%arg21 : memref<!tpu.dma_semaphore, #tpu.memory_space<semaphore_mem>>) src(%dma_wait3A_170 : memref<1000000x32xf32, #tpu.memory_space<hbm>>) dst(%dma_wait3A_164 : memref<128x32xf32, #tpu.memory_space<vmem>>)
    %dma_wait3A_171 = arith.constant 1 : i32
    %dma_wait3A_172 = arith.constant 128 : i32
    %dma_wait3A_173 = arith.constant 0 : i32
    %dma_wait3A_174 = tpu.memref_slice %arg19[%dma_wait3A_172, %dma_wait3A_173] : memref<512x32xf32, #tpu.memory_space<vmem>> -> memref<128x32xf32, #tpu.memory_space<vmem>>
    %dma_wait3A_175 = arith.constant 0 : i32
    %dma_wait3A_176 = tpu.memref_slice %arg13[%dma_wait3A_171, %dma_wait3A_175] : memref<4x128xi32, #tpu.memory_space<vmem>> -> memref<1x128xi32, #tpu.memory_space<vmem>>
    %dma_wait3A_177 = tpu.memref_squeeze %dma_wait3A_176 : memref<1x128xi32, #tpu.memory_space<vmem>> -> memref<128xi32, #tpu.memory_space<vmem>>
    %dma_wait3A_178 = arith.constant 0 : i32
    %dma_wait3A_179 = arith.constant 0 : i32
    %dma_wait3A_180 = tpu.memref_slice %arg9[%dma_wait3A_178, %dma_wait3A_179] : memref<1000000x32xf32, #tpu.memory_space<hbm>> -> memref<1000000x32xf32, #tpu.memory_space<hbm>>
    tpu.wait_indirect_dma semaphore(%arg21 : memref<!tpu.dma_semaphore, #tpu.memory_space<semaphore_mem>>) src(%dma_wait3A_180 : memref<1000000x32xf32, #tpu.memory_space<hbm>>) dst(%dma_wait3A_174 : memref<128x32xf32, #tpu.memory_space<vmem>>)
    %dma_wait3A_181 = arith.constant 2 : i32
    %dma_wait3A_182 = arith.constant 256 : i32
    %dma_wait3A_183 = arith.constant 0 : i32
    %dma_wait3A_184 = tpu.memref_slice %arg17[%dma_wait3A_182, %dma_wait3A_183] : memref<512x32xf32, #tpu.memory_space<vmem>> -> memref<128x32xf32, #tpu.memory_space<vmem>>
    %dma_wait3A_185 = arith.constant 0 : i32
    %dma_wait3A_186 = tpu.memref_slice %arg11[%dma_wait3A_181, %dma_wait3A_185] : memref<4x128xi32, #tpu.memory_space<vmem>> -> memref<1x128xi32, #tpu.memory_space<vmem>>
    %dma_wait3A_187 = tpu.memref_squeeze %dma_wait3A_186 : memref<1x128xi32, #tpu.memory_space<vmem>> -> memref<128xi32, #tpu.memory_space<vmem>>
    %dma_wait3A_188 = arith.constant 0 : i32
    %dma_wait3A_189 = arith.constant 0 : i32
    %dma_wait3A_190 = tpu.memref_slice %arg8[%dma_wait3A_188, %dma_wait3A_189] : memref<1000000x32xf32, #tpu.memory_space<hbm>> -> memref<1000000x32xf32, #tpu.memory_space<hbm>>
    tpu.wait_indirect_dma semaphore(%arg21 : memref<!tpu.dma_semaphore, #tpu.memory_space<semaphore_mem>>) src(%dma_wait3A_190 : memref<1000000x32xf32, #tpu.memory_space<hbm>>) dst(%dma_wait3A_184 : memref<128x32xf32, #tpu.memory_space<vmem>>)
    %dma_wait3A_191 = arith.constant 2 : i32
    %dma_wait3A_192 = arith.constant 256 : i32
    %dma_wait3A_193 = arith.constant 0 : i32
    %dma_wait3A_194 = tpu.memref_slice %arg18[%dma_wait3A_192, %dma_wait3A_193] : memref<512x32xf32, #tpu.memory_space<vmem>> -> memref<128x32xf32, #tpu.memory_space<vmem>>
    %dma_wait3A_195 = arith.constant 0 : i32
    %dma_wait3A_196 = tpu.memref_slice %arg12[%dma_wait3A_191, %dma_wait3A_195] : memref<4x128xi32, #tpu.memory_space<vmem>> -> memref<1x128xi32, #tpu.memory_space<vmem>>
    %dma_wait3A_197 = tpu.memref_squeeze %dma_wait3A_196 : memref<1x128xi32, #tpu.memory_space<vmem>> -> memref<128xi32, #tpu.memory_space<vmem>>
    %dma_wait3A_198 = arith.constant 0 : i32
    %dma_wait3A_199 = arith.constant 0 : i32
    %dma_wait3A_200 = tpu.memref_slice %arg9[%dma_wait3A_198, %dma_wait3A_199] : memref<1000000x32xf32, #tpu.memory_space<hbm>> -> memref<1000000x32xf32, #tpu.memory_space<hbm>>
    tpu.wait_indirect_dma semaphore(%arg21 : memref<!tpu.dma_semaphore, #tpu.memory_space<semaphore_mem>>) src(%dma_wait3A_200 : memref<1000000x32xf32, #tpu.memory_space<hbm>>) dst(%dma_wait3A_194 : memref<128x32xf32, #tpu.memory_space<vmem>>)
    %dma_wait3A_201 = arith.constant 2 : i32
    %dma_wait3A_202 = arith.constant 256 : i32
    %dma_wait3A_203 = arith.constant 0 : i32
    %dma_wait3A_204 = tpu.memref_slice %arg19[%dma_wait3A_202, %dma_wait3A_203] : memref<512x32xf32, #tpu.memory_space<vmem>> -> memref<128x32xf32, #tpu.memory_space<vmem>>
    %dma_wait3A_205 = arith.constant 0 : i32
    %dma_wait3A_206 = tpu.memref_slice %arg13[%dma_wait3A_201, %dma_wait3A_205] : memref<4x128xi32, #tpu.memory_space<vmem>> -> memref<1x128xi32, #tpu.memory_space<vmem>>
    %dma_wait3A_207 = tpu.memref_squeeze %dma_wait3A_206 : memref<1x128xi32, #tpu.memory_space<vmem>> -> memref<128xi32, #tpu.memory_space<vmem>>
    %dma_wait3A_208 = arith.constant 0 : i32
    %dma_wait3A_209 = arith.constant 0 : i32
    %dma_wait3A_210 = tpu.memref_slice %arg9[%dma_wait3A_208, %dma_wait3A_209] : memref<1000000x32xf32, #tpu.memory_space<hbm>> -> memref<1000000x32xf32, #tpu.memory_space<hbm>>
    tpu.wait_indirect_dma semaphore(%arg21 : memref<!tpu.dma_semaphore, #tpu.memory_space<semaphore_mem>>) src(%dma_wait3A_210 : memref<1000000x32xf32, #tpu.memory_space<hbm>>) dst(%dma_wait3A_204 : memref<128x32xf32, #tpu.memory_space<vmem>>)
    %dma_wait3A_211 = arith.constant 3 : i32
    %dma_wait3A_212 = arith.constant 384 : i32
    %dma_wait3A_213 = arith.constant 0 : i32
    %dma_wait3A_214 = tpu.memref_slice %arg17[%dma_wait3A_212, %dma_wait3A_213] : memref<512x32xf32, #tpu.memory_space<vmem>> -> memref<128x32xf32, #tpu.memory_space<vmem>>
    %dma_wait3A_215 = arith.constant 0 : i32
    %dma_wait3A_216 = tpu.memref_slice %arg11[%dma_wait3A_211, %dma_wait3A_215] : memref<4x128xi32, #tpu.memory_space<vmem>> -> memref<1x128xi32, #tpu.memory_space<vmem>>
    %dma_wait3A_217 = tpu.memref_squeeze %dma_wait3A_216 : memref<1x128xi32, #tpu.memory_space<vmem>> -> memref<128xi32, #tpu.memory_space<vmem>>
    %dma_wait3A_218 = arith.constant 0 : i32
    %dma_wait3A_219 = arith.constant 0 : i32
    %dma_wait3A_220 = tpu.memref_slice %arg8[%dma_wait3A_218, %dma_wait3A_219] : memref<1000000x32xf32, #tpu.memory_space<hbm>> -> memref<1000000x32xf32, #tpu.memory_space<hbm>>
    tpu.wait_indirect_dma semaphore(%arg21 : memref<!tpu.dma_semaphore, #tpu.memory_space<semaphore_mem>>) src(%dma_wait3A_220 : memref<1000000x32xf32, #tpu.memory_space<hbm>>) dst(%dma_wait3A_214 : memref<128x32xf32, #tpu.memory_space<vmem>>)
    %dma_wait3A_221 = arith.constant 3 : i32
    %dma_wait3A_222 = arith.constant 384 : i32
    %dma_wait3A_223 = arith.constant 0 : i32
    %dma_wait3A_224 = tpu.memref_slice %arg18[%dma_wait3A_222, %dma_wait3A_223] : memref<512x32xf32, #tpu.memory_space<vmem>> -> memref<128x32xf32, #tpu.memory_space<vmem>>
    %dma_wait3A_225 = arith.constant 0 : i32
    %dma_wait3A_226 = tpu.memref_slice %arg12[%dma_wait3A_221, %dma_wait3A_225] : memref<4x128xi32, #tpu.memory_space<vmem>> -> memref<1x128xi32, #tpu.memory_space<vmem>>
    %dma_wait3A_227 = tpu.memref_squeeze %dma_wait3A_226 : memref<1x128xi32, #tpu.memory_space<vmem>> -> memref<128xi32, #tpu.memory_space<vmem>>
    %dma_wait3A_228 = arith.constant 0 : i32
    %dma_wait3A_229 = arith.constant 0 : i32
    %dma_wait3A_230 = tpu.memref_slice %arg9[%dma_wait3A_228, %dma_wait3A_229] : memref<1000000x32xf32, #tpu.memory_space<hbm>> -> memref<1000000x32xf32, #tpu.memory_space<hbm>>
    tpu.wait_indirect_dma semaphore(%arg21 : memref<!tpu.dma_semaphore, #tpu.memory_space<semaphore_mem>>) src(%dma_wait3A_230 : memref<1000000x32xf32, #tpu.memory_space<hbm>>) dst(%dma_wait3A_224 : memref<128x32xf32, #tpu.memory_space<vmem>>)
    %dma_wait3A_231 = arith.constant 3 : i32
    %dma_wait3A_232 = arith.constant 384 : i32
    %dma_wait3A_233 = arith.constant 0 : i32
    %dma_wait3A_234 = tpu.memref_slice %arg19[%dma_wait3A_232, %dma_wait3A_233] : memref<512x32xf32, #tpu.memory_space<vmem>> -> memref<128x32xf32, #tpu.memory_space<vmem>>
    %dma_wait3A_235 = arith.constant 0 : i32
    %dma_wait3A_236 = tpu.memref_slice %arg13[%dma_wait3A_231, %dma_wait3A_235] : memref<4x128xi32, #tpu.memory_space<vmem>> -> memref<1x128xi32, #tpu.memory_space<vmem>>
    %dma_wait3A_237 = tpu.memref_squeeze %dma_wait3A_236 : memref<1x128xi32, #tpu.memory_space<vmem>> -> memref<128xi32, #tpu.memory_space<vmem>>
    %dma_wait3A_238 = arith.constant 0 : i32
    %dma_wait3A_239 = arith.constant 0 : i32
    %dma_wait3A_240 = tpu.memref_slice %arg9[%dma_wait3A_238, %dma_wait3A_239] : memref<1000000x32xf32, #tpu.memory_space<hbm>> -> memref<1000000x32xf32, #tpu.memory_space<hbm>>
    tpu.wait_indirect_dma semaphore(%arg21 : memref<!tpu.dma_semaphore, #tpu.memory_space<semaphore_mem>>) src(%dma_wait3A_240 : memref<1000000x32xf32, #tpu.memory_space<hbm>>) dst(%dma_wait3A_234 : memref<128x32xf32, #tpu.memory_space<vmem>>)
    %iota3A = tpu.iota {dimensions = array<i32: 0>} : vector<16xi32>
    %scan3A = arith.constant 0 : i32
    %scan3A_241 = arith.constant 0 : i32
    %scan3A_242 = arith.constant 32 : i32
    %scan3A_243 = arith.addi %scan3A_241, %scan3A_242 : i32
    %scan3A_244 = arith.constant 1 : i32
    %scan3A_245 = scf.for %scan3A_247 = %scan3A_241 to %scan3A_243 step %scan3A_244 iter_args(%scan3A_248 = %scan3A) -> (i32)  : i32 {
      %mul3A_249 = arith.constant 16 : i32
      %mul3A_250 = arith.muli %scan3A_247, %mul3A_249 : i32
      %add3A_251 = vector.broadcast %mul3A_250 : i32 to vector<16xi32>
      %add3A_252 = arith.addi %add3A_251, %iota3A : vector<16xi32>
      %mul3A_253 = arith.constant 16 : i32
      %mul3A_254 = arith.muli %scan3A_247, %mul3A_253 : i32
      %get3A = arith.index_cast %mul3A_254 : i32 to index
      %get3A_255 = tpu.vector_load %arg14[%get3A] {strides = array<i32>} : memref<512xi32, #tpu.memory_space<vmem>>, vector<16xi32>,
      %get3A_256 = arith.index_cast %mul3A_254 : i32 to index
      %get3A_257 = tpu.vector_load %arg15[%get3A_256] {strides = array<i32>} : memref<512xi32, #tpu.memory_space<vmem>>, vector<16xi32>,
      %get3A_258 = arith.index_cast %mul3A_254 : i32 to index
      %get3A_259 = tpu.vector_load %arg16[%get3A_258] {strides = array<i32>} : memref<512xi32, #tpu.memory_space<vmem>>, vector<16xi32>,
      %broadcast_in_dim3A = arith.constant 0.000000e+00 : f32
      %broadcast_in_dim3A_260 = vector.broadcast %broadcast_in_dim3A : f32 to vector<16xf32>
      %scan3A_261 = arith.constant 0 : i32
      %scan3A_262 = arith.constant 32 : i32
      %scan3A_263 = arith.addi %scan3A_261, %scan3A_262 : i32
      %scan3A_264 = arith.constant 1 : i32
      %scan3A_265 = scf.for %scan3A_271 = %scan3A_261 to %scan3A_263 step %scan3A_264 iter_args(%scan3A_272 = %broadcast_in_dim3A_260) -> (vector<16xf32>)  : i32 {
        %add3A_273 = vector.broadcast %scan3A_271 : i32 to vector<16xi32>
        %add3A_274 = arith.addi %get3A_255, %add3A_273 : vector<16xi32>
        %and3A = arith.constant 31 : i32
        %and3A_275 = vector.broadcast %and3A : i32 to vector<16xi32>
        %and3A_276 = arith.andi %add3A_274, %and3A_275 : vector<16xi32>
        %gather3A = tpu.vector_load_idx %arg17[%add3A_252, %and3A_276] : memref<512x32xf32, #tpu.memory_space<vmem>>[vector<16xi32>, vector<16xi32>], vector<16xf32>,
        %add3A_277 = vector.broadcast %scan3A_271 : i32 to vector<16xi32>
        %add3A_278 = arith.addi %get3A_257, %add3A_277 : vector<16xi32>
        %and3A_279 = arith.constant 31 : i32
        %and3A_280 = vector.broadcast %and3A_279 : i32 to vector<16xi32>
        %and3A_281 = arith.andi %add3A_278, %and3A_280 : vector<16xi32>
        %gather3A_282 = tpu.vector_load_idx %arg18[%add3A_252, %and3A_281] : memref<512x32xf32, #tpu.memory_space<vmem>>[vector<16xi32>, vector<16xi32>], vector<16xf32>,
        %add3A_283 = vector.broadcast %scan3A_271 : i32 to vector<16xi32>
        %add3A_284 = arith.addi %get3A_259, %add3A_283 : vector<16xi32>
        %and3A_285 = arith.constant 31 : i32
        %and3A_286 = vector.broadcast %and3A_285 : i32 to vector<16xi32>
        %and3A_287 = arith.andi %add3A_284, %and3A_286 : vector<16xi32>
        %gather3A_288 = tpu.vector_load_idx %arg19[%add3A_252, %and3A_287] : memref<512x32xf32, #tpu.memory_space<vmem>>[vector<16xi32>, vector<16xi32>], vector<16xf32>,
        %sub3A = arith.subf %gather3A_282, %gather3A_288 : vector<16xf32>
        %mul3A_289 = arith.mulf %gather3A, %sub3A : vector<16xf32>
        %add3A_290 = arith.addf %scan3A_272, %mul3A_289 : vector<16xf32>
        scf.yield %add3A_290 : vector<16xf32>
      }
      %scan3A_266 = arith.constant 32 : i32
      %mul3A_267 = arith.constant 16 : i32
      %mul3A_268 = arith.muli %scan3A_247, %mul3A_267 : i32
      %swap3A = arith.index_cast %mul3A_268 : i32 to index
      %swap3A_269 = tpu.vector_load %arg20[%swap3A] {strides = array<i32>} : memref<512xf32, #tpu.memory_space<vmem>>, vector<16xf32>,
      tpu.vector_store %arg20[%swap3A], %scan3A_265 {strides = array<i32>} : memref<512xf32, #tpu.memory_space<vmem>>, vector<16xf32>,
      %scan3A_270 = arith.constant 0 : i32
      scf.yield %scan3A_270 : i32
    }
    %scan3A_246 = arith.constant 32 : i32
    "tpu.region"() ({
      %run_scoped3A = tpu.sem_alloc : memref<!tpu.dma_semaphore, #tpu.memory_space<semaphore_mem>>
      %dma_start3A_247 = tpu.memref_slice %arg10[%mul3A_2] : memref<16384xf32, #tpu.memory_space<hbm>> -> memref<512xf32, #tpu.memory_space<hbm>>
      %dma_start3A_248 = tpu.memref_slice %arg10[%mul3A_2] : memref<16384xf32, #tpu.memory_space<hbm>> -> memref<512xf32, #tpu.memory_space<hbm>>
      tpu.enqueue_dma source(%arg20 : memref<512xf32, #tpu.memory_space<vmem>>) target(%dma_start3A_248 : memref<512xf32, #tpu.memory_space<hbm>>) target_semaphore(%run_scoped3A : memref<!tpu.dma_semaphore, #tpu.memory_space<semaphore_mem>>)
      %dma_wait3A_249 = tpu.memref_slice %arg10[%mul3A_2] : memref<16384xf32, #tpu.memory_space<hbm>> -> memref<512xf32, #tpu.memory_space<hbm>>
      %dma_wait3A_250 = tpu.memref_slice %arg10[%mul3A_2] : memref<16384xf32, #tpu.memory_space<hbm>> -> memref<512xf32, #tpu.memory_space<hbm>>
      tpu.wait_dma2 semaphore(%run_scoped3A : memref<!tpu.dma_semaphore, #tpu.memory_space<semaphore_mem>>) src(%arg20 : memref<512xf32, #tpu.memory_space<vmem>>) dst(%dma_wait3A_250 : memref<512xf32, #tpu.memory_space<hbm>>)
      tpu.yield
    }) : () -> ()
    return
  }
}

</mosaic_0001>

<sc_bundles>
// kernel: kernel.4.cloned.1.call-start
scs
__scs_entry_jumppad:
0x0: {  	(pc) =	sbr.rel $0x88, $3  }
0x1: {  	(tag) =	ssettag $0x0;
	lr =	simm.s32 $0x1  }
0x2: {  	[smem:$0x3F9C] =	sst lr;
	_ =	strace $0xD0000000  }
0x3: {  	_ = 	snop  }
0x4: {  	_ = 	snop  }
0x5: {  	_ = 	snop  }
0x6: {  	_ = 	snop  }
0x7: {  	_ = 	snop  }
__scs_overlays_trampoline_lowered:
0x8: {  	[smem:$0x3FAB] =	sst s0  }
0x9: {  	[smem:$0x3FAC] =	sst s1  }
0xa: {  	[smem:$0x3FAD] =	sst s2  }
0xb: {  	[smem:$0x3FAE] =	sst s3  }
0xc: {  	[smem:$0x3FAF] =	sst s4  }
0xd: {  	[smem:$0x3FB0] =	sst s5  }
0xe: {  	[smem:$0x3FB1] =	sst s6  }
0xf: {  	[smem:$0x3FB2] =	sst s7  }
0x10: {  	[smem:$0x3FB3] =	sst s8  }
0x11: {  	[smem:$0x3FB4] =	sst s9;
	s0 =	simm.s32 @!p0 $0x0  }
0x12: {  	s1 =	sld [smem:$0x3F9A];
	s0 =	simm.s32 @p0 $0x1  }
0x13: {  	[smem:$0x3FB5] =	sst s0;
	s0 =	simm.s32 @!p1 $0x0  }
0x14: {  	s2 =	sld [smem:$0x3F99];
	s0 =	simm.s32 @p1 $0x1  }
0x15: {  	[smem:$0x3FB6] =	sst s0;
	s0 =	simm.s32 @!p2 $0x0  }
0x16: {  	s3 =	sld [smem:$0x3FDB];
	s0 =	simm.s32 @p2 $0x1  }
0x17: {  	s4 =	simm.s32 $0x1BF5;
	[smem:$0x3FB8] =	sst s0  }
0x18: {  	s0 =	sld [smem:$0x3F9B];
	_ =	swait.ge [sflag:s4], $0x0  }
0x19: {  	s7 =	sld [smem:$0x3F9C]  }
0x1a: {  	s8 =	sadd.s32 $0xFFFFE003, lr  }
0x1b: {  	s9 =	sadd.s32 $0xFFFFFEF7, lr;
	s5 =	simm.s32 $0xFFFFFFFF;
	p2 =	slt.u32 s8, $0xFFFFF086  }
0x1c: {  	p1 =	slt.u32 s9, $0xF7A;
	s5 =	simm.s32 @!p2 $0x0  }
0x1d: {  	s5 =	simm.s32 @p1 $0x1;
	p0 =	seq.s32 s7, s2  }
0x1e: {  	s7 =	smul.u32 @!p0 $0xF7A, s2;
	p2 =	seq.s32 @!p0 s5, $0x0  }
0x1f: {  	s9 =	smul.u32 $0xF7A, s1;
	s8 =	simm.s32 @!p0 $0x1BF5;
	p2 =	por !p2, p0  }
0x20: {  	[sflag:s8] =	ssyncset.s32 @!p0 $0xFFFFF086;
	s6 =	sadd.s32 @!p0 s3, s7;
	s7 =	simm.s32 @!p0 $0x108  }
0x21: {  	s3 =	sadd.s32 s3, s9;
	s6 =	sadd.s32 @!p0 $0x88, s6;
	s7 =	simm.s32 @p2 $0x1082  }
0x22: {  	[simem:s7], [sflag:s8] =	dma.local @!p0 [hbm:s6], $0xF7A  }
0x23: {  	s9 =	sor.u32 $0xD0000000, s2;
	s6 =	simm.s32 $0x108;
	_ =	swait.ge @!p0 [sflag:s8], $0x0  }
0x24: {  	s3 =	sadd.s32 $0x88, s3;
	s6 =	simm.s32 @!p1 $0x1082;
	[sflag:s4] =	ssyncset.s32 $0xFFFFF086  }
0x25: {  	[simem:s6], [sflag:s4] =	dma.local [hbm:s3], $0xF7A  }
0x26: {  	[smem:$0x3F9C] =	sst s1;
	(tag) =	ssettag s2;
	_ =	strace s9  }
0x27: {  	s1 =	sld [smem:$0x3FAC]  }
0x28: {  	s2 =	sld [smem:$0x3FAD]  }
0x29: {  	s4 =	sld [smem:$0x3FAF]  }
0x2a: {  	p0 =	seq.s32 s5, $0x0;
	s5 =	sld [smem:$0x3FB0]  }
0x2b: {  	s6 =	sld [smem:$0x3FB1]  }
0x2c: {  	s7 =	sld [smem:$0x3FB2]  }
0x2d: {  	s3 =	simm.s32 $0x108;
	s8 =	sld [smem:$0x3FB3]  }
0x2e: {  	s3 =	simm.s32 @!p0 $0x1082;
	s9 =	sld [smem:$0x3FB4]  }
0x2f: {  	lr =	sadd.s32 s0, s3;
	s0 =	sld [smem:$0x3FAB]  }
0x30: {  	s3 =	sld [smem:$0x3FAE]  }
0x31: {  	[smem:$0x3FB7] =	sst s10  }
0x32: {  	s10 =	sld [smem:$0x3FB5];
	_ =	sdelay $0x3  }
0x33: {  	p0 =	seq.s32 s10, $0x1;
	s10 =	sld [smem:$0x3FB7];
	_ =	sdelay $0x3  }
0x34: {  	[smem:$0x3FB7] =	sst s10  }
0x35: {  	s10 =	sld [smem:$0x3FB6];
	_ =	sdelay $0x3  }
0x36: {  	p1 =	seq.s32 s10, $0x1;
	s10 =	sld [smem:$0x3FB7];
	_ =	sdelay $0x3  }
0x37: {  	[smem:$0x3FB7] =	sst s10  }
0x38: {  	s10 =	sld [smem:$0x3FB8]  }
0x39: {  	_ = 	snop;
	(pc) =	sbr.ind lr, $3  }
0x3a: {  	_ = 	snop  }
0x3b: {  	_ = 	snop  }
0x3c: {  	p2 =	seq.s32 s10, $0x1;
	s10 =	sld [smem:$0x3FB7]  }
0x3d: {  	_ =	shalt  }
0x3e: {  	_ =	shalt  }
0x3f: {  	_ =	shalt  }
0x40: {  	_ =	shalt  }
0x41: {  	_ =	shalt  }
0x42: {  	_ =	shalt  }
0x43: {  	_ =	shalt  }
0x44: {  	_ =	shalt  }
0x45: {  	_ =	shalt  }
0x46: {  	_ =	shalt  }
0x47: {  	_ =	shalt  }
0x48: {  	_ =	shalt  }
0x49: {  	_ =	shalt  }
0x4a: {  	_ =	shalt  }
0x4b: {  	_ =	shalt  }
0x4c: {  	_ =	shalt  }
0x4d: {  	_ =	shalt  }
0x4e: {  	_ =	shalt  }
0x4f: {  	_ =	shalt  }
0x50: {  	_ =	shalt  }
0x51: {  	_ =	shalt  }
0x52: {  	_ =	shalt  }
0x53: {  	_ =	shalt  }
0x54: {  	_ =	shalt  }
0x55: {  	_ =	shalt  }
0x56: {  	_ =	shalt  }
0x57: {  	_ =	shalt  }
0x58: {  	_ =	shalt  }
0x59: {  	_ =	shalt  }
0x5a: {  	_ =	shalt  }
0x5b: {  	_ =	shalt  }
0x5c: {  	_ =	shalt  }
0x5d: {  	_ =	shalt  }
0x5e: {  	_ =	shalt  }
0x5f: {  	_ =	shalt  }
0x60: {  	_ =	shalt  }
0x61: {  	_ =	shalt  }
0x62: {  	_ =	shalt  }
0x63: {  	_ =	shalt  }
0x64: {  	_ =	shalt  }
0x65: {  	_ =	shalt  }
0x66: {  	_ =	shalt  }
0x67: {  	_ =	shalt  }
0x68: {  	_ =	shalt  }
0x69: {  	_ =	shalt  }
0x6a: {  	_ =	shalt  }
0x6b: {  	_ =	shalt  }
0x6c: {  	_ =	shalt  }
0x6d: {  	_ =	shalt  }
0x6e: {  	_ =	shalt  }
0x6f: {  	_ =	shalt  }
0x70: {  	_ =	shalt  }
0x71: {  	_ =	shalt  }
0x72: {  	_ =	shalt  }
0x73: {  	_ =	shalt  }
0x74: {  	_ =	shalt  }
0x75: {  	_ =	shalt  }
0x76: {  	_ =	shalt  }
0x77: {  	_ =	shalt  }
0x78: {  	_ =	shalt  }
0x79: {  	_ =	shalt  }
0x7a: {  	_ =	shalt  }
0x7b: {  	_ =	shalt  }
0x7c: {  	_ =	shalt  }
0x7d: {  	_ =	shalt  }
0x7e: {  	_ =	shalt  }
0x7f: {  	_ =	shalt  }
0x80: {  	_ =	shalt  }
0x81: {  	_ =	shalt  }
0x82: {  	_ =	shalt  }
0x83: {  	_ =	shalt  }
0x84: {  	_ =	shalt  }
0x85: {  	_ =	shalt  }
0x86: {  	_ =	shalt  }
0x87: {  	_ =	shalt  }
.Lfunc_end0:
.L_simem_size_0:
called_computation_lowered:
.L_overlay_start_0:
0x88: {  	s2 =	sld [smem:$0x3FD9]  }
0x89: {  	s3 =	sld [smem:$0x3FFE];
	_ =	sdelay $0x1  }
0x8a: {  	s1 =	srdreg.scid  }
0x8b: {  	s0 =	sand.u32 $0x1, s1  }
0x8c: {  	s16 =	sshll.u32 s0, $0xA;
	s2 =	sadd.s32 s3, s2  }
0x8d: {  	s2 =	sadd.s32 s2, s16  }
0x8e: {  	[smem:$0x3FC3] =	sst s2  }
0x8f: {  	_ = 	snop  }
0x90: {  	(tm) =	ssettm $0x1  }
0x91: {  	s17 =	sld [smem:$0x3FFB];
	_ =	sdelay $0x3  }
0x92: {  	_ =	strace s17  }
0x93: {  	s2 =	sld [smem:$0x3FFC];
	_ =	sdelay $0x3  }
0x94: {  	_ =	strace s2  }
0x95: {  	s2 =	sld [smem:$0x3FFD];
	_ =	sdelay $0x3  }
0x96: {  	_ =	strace s2  }
0x97: {  	_ =	strace $0x8FFFFFFF  }
0x98: {  	s18 =	sld [smem:$0x3FDB];
	_ =	sdelay $0x1  }
0x99: {  	s19 =	simm.s32 $_scs_section_size  }
0x9a: {  	s4 =	simm.s32 $_size__tile_overlayer_lowered;
	s5 =	simm.s32 $_tile_overlayer_lowered  }
0x9b: {  	s22 =	simm.s32 $0x1BFF;
	s21 =	sshll.u32 s5, $0x1;
	s2 =	sadd.s32 s19, s18  }
0x9c: {  	s6 =	simm.s32 $0x0;
	s20 =	sshll.u32 s4, $0x1;
	s4 =	sadd.s32 s21, s2  }
0x9d: {  	[timem:s6], [sflag:s22] =	dma.local [hbm:s4], s20  }
0x9e: {  	_ =	swait.ge [sflag:s22], s20  }
0x9f: {  	s3 =	ssub.s32 $0x0, s20;
	[sflag:s22] =	ssyncset.done $0x0  }
0xa0: {  	[sflag:s22] =	ssyncadd.s32 s3;
	_ =	sdelay $0x1  }
0xa1: {  	s23 =	simm.s32 $0x1B8B  }
0xa2: {  	_ =	swait.ge [sflag:s23], $0x1  }
0xa3: {  	[sflag:s23] =	ssyncset.done $0x0  }
0xa4: {  	s25 =	simm.s32 $0x1B8E;
	s24 =	sld [smem:$0x3FFE];
	[sflag:s23] =	ssyncadd.s32 $0xFFFFFFFF  }
0xa5: {  	s26 =	simm.s32 $execute0_lowered;
	[smem:$0x3FD2] =	sst s25  }
0xa6: {  	s4 =	sshll.u32 s26, $0x1;
	_ =	strace $0x80000046;
	[dreg:$0x1] =	wrdreg $0xFFFFFFFF  }
0xa7: {  	s28 =	simm.s32 $_size_execute0_lowered;
	s2 =	sadd.s32 s2, s4;
	[dreg:$0x0] =	wrdreg $0x0  }
0xa8: {  	s4 =	sshll.u32 s28, $0x1;
	[dreg:$0x2] =	wrdreg s2  }
0xa9: {  	[dreg:$0x3] =	wrdreg s4  }
0xaa: {  	[dreg:$0x4] =	wrdreg $0xC0  }
0xab: {  	_ =	task [dreg:s6], $0x5FFFF  }
0xac: {  	[dreg:$0x1] =	wrdreg $0xFFFFFFFF  }
0xad: {  	[dreg:$0x0] =	wrdreg $0x60  }
0xae: {  	[dreg:$0x2] =	wrdreg s24  }
0xaf: {  	[dreg:$0x3] =	wrdreg $0x9  }
0xb0: {  	_ =	task.clear_ibuf [dreg:s6], $0x4FFFF;
	_ =	strace $0x90000046  }
0xb1: {  	s29 =	simm.s32 $0x9;
	_ =	strace $0x80000048  }
0xb2: {  	_ =	swait.ge [sflag:s29], $0x1  }
0xb3: {  	[sflag:s29] =	ssyncadd.s32 $0xFFFFFFFF  }
0xb4: {  	_ =	strace $0x90000048  }
0xb5: {  	_ =	sfence  }
0xb6: {  	s30 =	sld [smem:$0x0];
	_ =	sdelay $0x2  }
0xb7: {  	s31 =	sshll.u32 s1, $0xD;
	s1 =	sshrl.u32 s1, $0x2  }
0xb8: {  	s3 =	sand.u32 $0x4000, s31;
	s1 =	sadd.s32 s1, s30  }
0xb9: {  	s0 =	sor.u32 s3, s0;
	s1 =	sshll.u32 s1, $0x11  }
0xba: {  	s0 =	sor.u32 s1, s0  }
0xbb: {  	s0 =	sadd.s32 $0x8F2B, s0  }
0xbc: {  	[sflag:s0] =	ssyncadd.remote.s32 $0x1  }
0xbd: {  	_ =	sfence.sel $0xFFFF  }
0xbe: {  	[dreg:$0x0] =	wrdreg $0xFFFFFFFF;
	(pc) =	sbr.abs _section_cstart, $3  }
0xbf: {  	[dreg:$0x1] =	wrdreg $0xFFFFFFFF  }
0xc0: {  	_ =	task.clear_ibuf [dreg:s6], $0x2FFFF;
	_ =	strace $0x9FFFFFFF  }
0xc1: {  	(tm) =	ssettm $0x7FFFFFFF  }
tec
execute0_lowered:
.L_overlay_start_1:
0x0: {  	(tag) =	ssettag $0x1  }
0x1: {  	v0 =	vlaneseq.u32;
	v17 =	vimm.s32 $0x14131211;
	v18 =	vimm.s32 $0x18171615  }
0x2: {  	v19 =	vimm.s32 $0x1C1B1A19;
	v21 =	vimm.s32 $0x19181716;
	vm0 =	vcmask $0x1F10  }
0x3: {  	v22 =	vimm.s32 $0x1D1C1B1A;
	v24 =	vimm.s32 $0x16151413;
	v26 =	vimm.s32 $0x1A191817  }
0x4: {  	v29 =	vimm.s32 $0x201001F;
	v30 =	vimm.s32 $0x3020100;
	v31 =	vimm.s32 $0x1F1E1D1C  }
0x5: {  	v32 =	vimm.s32 $0x17161514;
	v33 =	vimm.s32 $0x1B1A1918;
	v53 =	vimm.s32 $0x4030201  }
0x6: {  	v54 =	vimm.s32 $0x5040302;
	v38 =	vimm.s32 $0x6050403;
	v55 =	vimm.s32 $0x98765432  }
0x7: {  	v56 =	vimm.s32 $0xA9876543;
	v57 =	vimm.s32 $0x32107654;
	v59 =	vimm.s32 $0x43218765  }
0x8: {  	v60 =	vimm.s32 $0x54329876;
	v61 =	vimm.s32 $0x6543A987;
	vm15 =	vcmask $0x2F10  }
0x9: {  	vm1 =	vcmask $0x3F30;
	v1 =	vmul.u32 $0x20, v0;
	v2 =	vadd.s32 $0x1, v0  }
0xa: {  	v3 =	vadd.s32 $0x2, v0;
	v4 =	vadd.s32 $0x3, v0;
	v5 =	vadd.s32 $0x4, v0  }
0xb: {  	v6 =	vadd.s32 $0x5, v0;
	v7 =	vadd.s32 $0x6, v0;
	v8 =	vadd.s32 $0x7, v0  }
0xc: {  	v9 =	vadd.s32 $0x8, v0;
	v10 =	vadd.s32 $0x9, v0;
	v11 =	vadd.s32 $0xA, v0  }
0xd: {  	v12 =	vadd.s32 $0xB, v0;
	v13 =	vadd.s32 $0xC, v0;
	v14 =	vadd.s32 $0xD, v0  }
0xe: {  	v15 =	vadd.s32 $0xE, v0;
	v17 =	vunpack.c.0.s8.s32 v17;
	v20 =	vunpack.c.0.s8.s32 v18  }
0xf: {  	v19 =	vunpack.c.0.s8.s32 v19;
	v18 =	vimm.s32 $0x1F1E1D;
	v21 =	vunpack.c.0.s8.s32 v21  }
0x10: {  	v22 =	vunpack.c.0.s8.s32 v22;
	v27 =	vunpack.c.0.s8.s32 v18;
	v18 =	vimm.s32 $0x15141312  }
0x11: {  	v29 =	vunpack.c.0.s8.s32 v29;
	v30 =	vunpack.c.0.s8.s32 v30;
	v18 =	vunpack.c.0.s8.s32 v18  }
0x12: {  	v31 =	vunpack.c.0.s8.s32 v31;
	v32 =	vunpack.c.0.s8.s32 v32;
	v33 =	vunpack.c.0.s8.s32 v33  }
0x13: {  	v17 =	vsel vm0, v20, v17;
	v23 =	vsel vm0, v21, v18;
	v18 =	vimm.s32 $0x1001F1E  }
0x14: {  	v37 =	vsel vm0, v19, v20;
	v25 =	vsel vm0, v27, v19;
	v28 =	vunpack.c.0.s8.s32 v18  }
0x15: {  	v18 =	vunpack.c.0.s8.s32 v24;
	v24 =	vunpack.c.0.s8.s32 v26;
	v26 =	vimm.s32 $0x1E1D1C1B  }
0x16: {  	v17 =	vcombine.low v17, v25;
	v26 =	vunpack.c.0.s8.s32 v26;
	v34 =	vsel vm0, v28, v22  }
0x17: {  	v35 =	vsel vm0, v24, v18;
	v18 =	vsel vm0, v30, v31;
	v30 =	vsel vm0, v33, v32  }
0x18: {  	v32 =	vunpack.c.0.s8.s32 v54;
	v22 =	vsel vm0, v22, v21;
	v36 =	vsel vm0, v29, v26  }
0x19: {  	v18 =	vcombine.low v30, v18;
	v30 =	vunpack.c.0.s8.s32 v53;
	v19 =	vcombine.low v23, v34  }
0x1a: {  	v23 =	vunpack.c.0.s8.s32 v38;
	v24 =	vsel vm0, v26, v24;
	v26 =	vimm.s32 $0x76543210  }
0x1b: {  	v20 =	vcombine.low v35, v36;
	v32 =	vsel vm0, v32, v28;
	v30 =	vsel vm0, v30, v27  }
0x1c: {  	v26 =	vunpack.c.l.s4.s8 v26;
	v21 =	vcombine.low v37, v30;
	v30 =	vimm.s32 $0x87654321  }
0x1d: {  	v22 =	vcombine.low v22, v32;
	v23 =	vsel vm0, v23, v29;
	v30 =	vunpack.c.l.s4.s8 v30  }
0x1e: {  	v32 =	vunpack.c.l.s4.s8 v55;
	v23 =	vcombine.low v24, v23;
	v26 =	vunpack.c.0.s8.s32 v26  }
0x1f: {  	v24 =	vsel vm0, v31, v33;
	v33 =	vunpack.c.l.s4.s8 v56;
	v30 =	vunpack.c.0.s8.s32 v30  }
0x20: {  	v35 =	vunpack.c.l.s4.s8 v61;
	v32 =	vunpack.c.0.s8.s32 v32;
	v24 =	vcombine.low v24, v26  }
0x21: {  	v58 =	vunpack.c.0.s8.s32 v33;
	v26 =	vand.u32 $0xF, v30;
	v30 =	vunpack.c.l.s4.s8 v57  }
0x22: {  	s11 =	rddreg [dreg:$0x0];
	v33 =	vunpack.c.l.s4.s8 v59;
	v25 =	vcombine.low v25, v26;
	v26 =	vand.u32 $0xF, v32  }
0x23: {  	s0 =	rddreg [dreg:$0x1];
	v26 =	vcombine.low v34, v26;
	v30 =	vunpack.c.0.s8.s32 v30;
	v34 =	vunpack.c.l.s4.s8 v60  }
0x24: {  	s1 =	simm.s32 $0x0;
	s5 =	srdreg.scid;
	s14 =	simm.s32 $0xF4240;
	v16 =	vadd.s32 $0xF, v0;
	v35 =	vunpack.c.0.s8.s32 v35;
	v33 =	vunpack.c.0.s8.s32 v33  }
0x25: {  	s15 =	simm.s32 $0x2;
	s16 =	simm.s32 $0x8000;
	s17 =	simm.s32 $0x1;
	v32 =	vand.u32 $0xF, v58;
	v30 =	vand.u32 $0xF, v30;
	v34 =	vunpack.c.0.s8.s32 v34  }
0x26: {  	s18 =	simm.s32 $0x0;
	[smem:$0x7FF] =	sst s1;
	s2 =	sadd.s32 $0x3D1600, s11;
	v33 =	vand.u32 $0xF, v33;
	v30 =	vsel vm15, v30, v31;
	v31 =	vimm.s32 $0xB0A0908  }
0x27: {  	s3 =	sadd.s32 $0xC00, s11;
	s4 =	sadd.s32 $0x7A2000, s11;
	s6 =	sadd.s32 $0xB72A00, s11;
	v33 =	vsel vm15, v33, v27;
	v31 =	vunpack.c.0.s8.s32 v31;
	v27 =	vand.u32 $0xF, v34  }
.Ltmp0:
0x28: {  	s8 =	sand.u32 $0x1, s5;
	s5 =	stileid.u32;
	v34 =	vsel vm15, v27, v28;
	v27 =	vimm.s32 $0xC0B0A09;
	v28 =	vand.u32 $0xF, v35;
	(pc) =	sbr.rel .LBB2_1-.Ltmp0, $4  }
0x29: {  	s7 =	sadd.s32 $0x3EFE00, s11;
	s9 =	ssub.s32 $0x2, s8;
	s12 =	sshll.u32 s5, $0x1;
	v35 =	vsel vm15, v28, v29;
	v28 =	vimm.s32 $0xD0C0B0A;
	v29 =	vimm.s32 $0xE0D0C0B  }
0x2a: {  	_ =	strace $0x80000047;
	s10 =	sshrl.u32 s9, $0x1;
	s8 =	sor.u32 s8, s12;
	v62 =	vunpack.c.0.s8.s32 v27;
	v63 =	vunpack.c.0.s8.s32 v28;
	v39 =	vunpack.c.0.s8.s32 v29  }
0x2b: {  	s13 =	ssub.s32 s9, s10;
	s9 =	sadd.s32 $0xB72000, s11;
	s10 =	sadd.s32 $0x1F400, s11;
	v27 =	vcombine.low v36, v32;
	v28 =	vor.u32 $0x10, v0;
	v29 =	vsel vm1, v31, v30  }
0x2c: {  	s11 =	sadd.s32 $0xF42A00, s11;
	s12 =	smax.u32 s13, $0x1;
	s13 =	simm.s32 $0x400;
	v30 =	vsel vm1, v62, v33;
	v31 =	vsel vm1, v63, v34;
	v32 =	vsel vm1, v39, v35  }
.LBB2_25:
0x2d: {  	s18 =	sadd.s32 $0x1, s18  }
0x2e: {  	p0 =	sne.s32 s18, s12  }
.Ltmp1:
0x2f: {  	_ = 	snop;
	(pc) =	sbr.rel @!p0 .LBB2_26-.Ltmp1, $1  }
0x30: {  	_ =	sdelay $0x3  }
.LBB2_1:
.Ltmp2:
0x31: {  	(pc) =	sbr.rel .LBB2_2-.Ltmp2, $2  }
0x32: {  	_ =	sdelay $0x2  }
0x33: {  	s19 =	simm.s32 $0x0  }
.LBB2_11:
0x34: {  	_ =	sdelay $0x2  }
0x35: {  	v33 =	vshll.u32 v33, $0x5  }
0x36: {  	s20 =	sshra.s32 s21, $0x2;
	[tilespmem:v35+s16+$0x0] =	vst.idx.msk $0xffff, v34;
	v33 =	vor.u32 v1, v33  }
0x37: {  	v34 =	vld [tilespmem:s20+$0x0];
	v61 =	vor.u32 v0, v33;
	_ =	sdelay $0x4  }
0x38: {  	[tilespmem:v61+s16+$0x0] =	vst.idx.msk $0xffff, v34  }
0x39: {  	v62 =	vor.u32 v2, v33;
	v34 =	vld [tilespmem:s20+$0x400];
	_ =	sdelay $0x4  }
0x3a: {  	[tilespmem:v62+s16+$0x0] =	vst.idx.msk $0xffff, v34  }
0x3b: {  	v63 =	vor.u32 v3, v33;
	v34 =	vld [tilespmem:s20+$0x800];
	_ =	sdelay $0x4  }
0x3c: {  	[tilespmem:v63+s16+$0x0] =	vst.idx.msk $0xffff, v34  }
0x3d: {  	v36 =	vor.u32 v4, v33;
	v34 =	vld [tilespmem:s20+$0xC00];
	_ =	sdelay $0x4  }
0x3e: {  	[tilespmem:v36+s16+$0x0] =	vst.idx.msk $0xffff, v34  }
0x3f: {  	v37 =	vor.u32 v5, v33;
	v34 =	vld [tilespmem:s20+$0x1000];
	_ =	sdelay $0x4  }
0x40: {  	[tilespmem:v37+s16+$0x0] =	vst.idx.msk $0xffff, v34  }
0x41: {  	v38 =	vor.u32 v6, v33;
	v34 =	vld [tilespmem:s20+$0x1400];
	_ =	sdelay $0x4  }
0x42: {  	[tilespmem:v38+s16+$0x0] =	vst.idx.msk $0xffff, v34  }
0x43: {  	v39 =	vor.u32 v7, v33;
	v34 =	vld [tilespmem:s20+$0x1800];
	_ =	sdelay $0x4  }
0x44: {  	[tilespmem:v39+s16+$0x0] =	vst.idx.msk $0xffff, v34  }
0x45: {  	v40 =	vor.u32 v8, v33;
	v34 =	vld [tilespmem:s20+$0x1C00];
	_ =	sdelay $0x4  }
0x46: {  	[tilespmem:v40+s16+$0x0] =	vst.idx.msk $0xffff, v34  }
0x47: {  	v41 =	vor.u32 v9, v33;
	v34 =	vld [tilespmem:s20+$0x2000];
	_ =	sdelay $0x4  }
0x48: {  	[tilespmem:v41+s16+$0x0] =	vst.idx.msk $0xffff, v34  }
0x49: {  	v42 =	vor.u32 v10, v33;
	v34 =	vld [tilespmem:s20+$0x2400];
	_ =	sdelay $0x4  }
0x4a: {  	[tilespmem:v42+s16+$0x0] =	vst.idx.msk $0xffff, v34  }
0x4b: {  	v43 =	vor.u32 v11, v33;
	v34 =	vld [tilespmem:s20+$0x2800];
	_ =	sdelay $0x4  }
0x4c: {  	[tilespmem:v43+s16+$0x0] =	vst.idx.msk $0xffff, v34  }
0x4d: {  	v44 =	vor.u32 v12, v33;
	v34 =	vld [tilespmem:s20+$0x2C00];
	_ =	sdelay $0x4  }
0x4e: {  	[tilespmem:v44+s16+$0x0] =	vst.idx.msk $0xffff, v34  }
0x4f: {  	v45 =	vor.u32 v13, v33;
	v34 =	vld [tilespmem:s20+$0x3000];
	_ =	sdelay $0x4  }
0x50: {  	[tilespmem:v45+s16+$0x0] =	vst.idx.msk $0xffff, v34  }
0x51: {  	v46 =	vor.u32 v14, v33;
	v34 =	vld [tilespmem:s20+$0x3400];
	_ =	sdelay $0x4  }
0x52: {  	[tilespmem:v46+s16+$0x0] =	vst.idx.msk $0xffff, v34  }
0x53: {  	v47 =	vor.u32 v15, v33;
	v34 =	vld [tilespmem:s20+$0x3800];
	_ =	sdelay $0x4  }
0x54: {  	[tilespmem:v47+s16+$0x0] =	vst.idx.msk $0xffff, v34  }
0x55: {  	v48 =	vor.u32 v16, v33;
	v34 =	vld [tilespmem:s20+$0x3C00];
	_ =	sdelay $0x4  }
0x56: {  	[tilespmem:v48+s16+$0x0] =	vst.idx.msk $0xffff, v34  }
0x57: {  	v49 =	vor.u32 v28, v33;
	v34 =	vld [tilespmem:s20+$0x4000];
	_ =	sdelay $0x4  }
0x58: {  	[tilespmem:v49+s16+$0x0] =	vst.idx.msk $0xffff, v34  }
0x59: {  	v50 =	vor.u32 v17, v33;
	v34 =	vld [tilespmem:s20+$0x4400];
	_ =	sdelay $0x4  }
0x5a: {  	[tilespmem:v50+s16+$0x0] =	vst.idx.msk $0xffff, v34  }
0x5b: {  	v51 =	vor.u32 v19, v33;
	v34 =	vld [tilespmem:s20+$0x4800];
	_ =	sdelay $0x4  }
0x5c: {  	[tilespmem:v51+s16+$0x0] =	vst.idx.msk $0xffff, v34  }
0x5d: {  	v52 =	vor.u32 v20, v33;
	v34 =	vld [tilespmem:s20+$0x4C00];
	_ =	sdelay $0x4  }
0x5e: {  	[tilespmem:v52+s16+$0x0] =	vst.idx.msk $0xffff, v34  }
0x5f: {  	v53 =	vor.u32 v18, v33;
	v34 =	vld [tilespmem:s20+$0x5000];
	_ =	sdelay $0x4  }
0x60: {  	[tilespmem:v53+s16+$0x0] =	vst.idx.msk $0xffff, v34  }
0x61: {  	v54 =	vor.u32 v21, v33;
	v34 =	vld [tilespmem:s20+$0x5400];
	_ =	sdelay $0x4  }
0x62: {  	[tilespmem:v54+s16+$0x0] =	vst.idx.msk $0xffff, v34  }
0x63: {  	v55 =	vor.u32 v22, v33;
	v34 =	vld [tilespmem:s20+$0x5800];
	_ =	sdelay $0x4  }
0x64: {  	[tilespmem:v55+s16+$0x0] =	vst.idx.msk $0xffff, v34  }
0x65: {  	v56 =	vor.u32 v23, v33;
	v34 =	vld [tilespmem:s20+$0x5C00];
	_ =	sdelay $0x4  }
0x66: {  	[tilespmem:v56+s16+$0x0] =	vst.idx.msk $0xffff, v34  }
0x67: {  	v57 =	vor.u32 v24, v33;
	v34 =	vld [tilespmem:s20+$0x6000];
	_ =	sdelay $0x4  }
0x68: {  	[tilespmem:v57+s16+$0x0] =	vst.idx.msk $0xffff, v34  }
0x69: {  	v58 =	vor.u32 v25, v33;
	v34 =	vld [tilespmem:s20+$0x6400];
	_ =	sdelay $0x4  }
0x6a: {  	[tilespmem:v58+s16+$0x0] =	vst.idx.msk $0xffff, v34  }
0x6b: {  	v59 =	vor.u32 v26, v33;
	v34 =	vld [tilespmem:s20+$0x6800];
	_ =	sdelay $0x4  }
0x6c: {  	[tilespmem:v59+s16+$0x0] =	vst.idx.msk $0xffff, v34  }
0x6d: {  	v60 =	vor.u32 v27, v33;
	v34 =	vld [tilespmem:s20+$0x6C00];
	_ =	sdelay $0x4  }
0x6e: {  	[tilespmem:v60+s16+$0x0] =	vst.idx.msk $0xffff, v34  }
0x6f: {  	v61 =	vor.u32 v29, v33;
	v34 =	vld [tilespmem:s20+$0x7000];
	_ =	sdelay $0x4  }
0x70: {  	[tilespmem:v61+s16+$0x0] =	vst.idx.msk $0xffff, v34  }
0x71: {  	v62 =	vor.u32 v30, v33;
	v34 =	vld [tilespmem:s20+$0x7400];
	_ =	sdelay $0x4  }
0x72: {  	[tilespmem:v62+s16+$0x0] =	vst.idx.msk $0xffff, v34  }
0x73: {  	v63 =	vor.u32 v31, v33;
	v34 =	vld [tilespmem:s20+$0x7800];
	_ =	sdelay $0x4  }
0x74: {  	[tilespmem:v63+s16+$0x0] =	vst.idx.msk $0xffff, v34  }
0x75: {  	v33 =	vor.u32 v32, v33;
	v34 =	vld [tilespmem:s20+$0x7C00];
	_ =	sdelay $0x4  }
0x76: {  	[tilespmem:v33+s16+$0x0] =	vst.idx.msk $0xffff, v34  }
0x77: {  	[hbm4b:s9+s1] =	stream.linear.scatter [tilespmem:s16], [sflag:$0x1], $0x4800, $0x38;
	[tilespmem:$0x10000] =	vst v63  }
0x78: {  	_ =	swait.ge [sflag:s17], $0x4800  }
0x79: {  	[sflag:s17] =	ssyncset.done $0x0  }
0x7a: {  	[sflag:s17] =	ssyncadd.s32 $0xFFFFB800  }
.LBB2_12:
0x7b: {  	s19 =	sadd.s32 $0x1, s19  }
0x7c: {  	p0 =	sne.s32 s19, $0x1F  }
.Ltmp3:
0x7d: {  	_ = 	snop;
	(pc) =	sbr.rel @!p0 .LBB2_13-.Ltmp3, $1  }
0x7e: {  	_ =	sdelay $0x3  }
.LBB2_2:
0x7f: {  	s20 =	sshll.u32 s19, $0x5  }
0x80: {  	s20 =	sor.u32 s8, s20  }
0x81: {  	p0 =	sgt.u32 s20, $0x3CF  }
.Ltmp4:
0x82: {  	_ = 	snop;
	(pc) =	sbr.rel @p0 .LBB2_6-.Ltmp4, $1  }
0x83: {  	_ =	sdelay $0x3  }
0x84: {  	s21 =	sshll.u32 s20, $0x7  }
0x85: {  	s22 =	simm.s32 $0x0;
	s21 =	sadd.s32 s2, s21  }
0x86: {  	[tilespmem:s22], [sflag:$0x2] =	stream.strided.gather [hbm4b:s21+s13], $0x8000, s14, s13, $0x38;
	[tilespmem:$0x10000] =	vst v63  }
0x87: {  	v33 =	vmov s22;
	_ =	swait.ge [sflag:s15], $0x8000  }
0x88: {  	v33 =	vshll.u32 v33, $0x5;
	[sflag:s15] =	ssyncset.done $0x0  }
0x89: {  	s23 =	simm.s32 $0x0;
	v33 =	vor.u32 v1, v33;
	[sflag:s15] =	ssyncadd.s32 $0xFFFF8000  }
0x8a: {  	v35 =	vor.u32 v0, v33;
	v34 =	vld [tilespmem:s23+$0x0];
	_ =	sdelay $0x4  }
0x8b: {  	[tilespmem:v35+s16+$0x0] =	vst.idx.msk $0xffff, v34  }
0x8c: {  	v62 =	vor.u32 v2, v33;
	v34 =	vld [tilespmem:s23+$0x400];
	_ =	sdelay $0x4  }
0x8d: {  	[tilespmem:v62+s16+$0x0] =	vst.idx.msk $0xffff, v34  }
0x8e: {  	v63 =	vor.u32 v3, v33;
	v34 =	vld [tilespmem:s23+$0x800];
	_ =	sdelay $0x4  }
0x8f: {  	[tilespmem:v63+s16+$0x0] =	vst.idx.msk $0xffff, v34  }
0x90: {  	v36 =	vor.u32 v4, v33;
	v34 =	vld [tilespmem:s23+$0xC00];
	_ =	sdelay $0x4  }
0x91: {  	[tilespmem:v36+s16+$0x0] =	vst.idx.msk $0xffff, v34  }
0x92: {  	v37 =	vor.u32 v5, v33;
	v34 =	vld [tilespmem:s23+$0x1000];
	_ =	sdelay $0x4  }
0x93: {  	[tilespmem:v37+s16+$0x0] =	vst.idx.msk $0xffff, v34  }
0x94: {  	v38 =	vor.u32 v6, v33;
	v34 =	vld [tilespmem:s23+$0x1400];
	_ =	sdelay $0x4  }
0x95: {  	[tilespmem:v38+s16+$0x0] =	vst.idx.msk $0xffff, v34  }
0x96: {  	v39 =	vor.u32 v7, v33;
	v34 =	vld [tilespmem:s23+$0x1800];
	_ =	sdelay $0x4  }
0x97: {  	[tilespmem:v39+s16+$0x0] =	vst.idx.msk $0xffff, v34  }
0x98: {  	v40 =	vor.u32 v8, v33;
	v34 =	vld [tilespmem:s23+$0x1C00];
	_ =	sdelay $0x4  }
0x99: {  	[tilespmem:v40+s16+$0x0] =	vst.idx.msk $0xffff, v34  }
0x9a: {  	v41 =	vor.u32 v9, v33;
	v34 =	vld [tilespmem:s23+$0x2000];
	_ =	sdelay $0x4  }
0x9b: {  	[tilespmem:v41+s16+$0x0] =	vst.idx.msk $0xffff, v34  }
0x9c: {  	v42 =	vor.u32 v10, v33;
	v34 =	vld [tilespmem:s23+$0x2400];
	_ =	sdelay $0x4  }
0x9d: {  	[tilespmem:v42+s16+$0x0] =	vst.idx.msk $0xffff, v34  }
0x9e: {  	v43 =	vor.u32 v11, v33;
	v34 =	vld [tilespmem:s23+$0x2800];
	_ =	sdelay $0x4  }
0x9f: {  	[tilespmem:v43+s16+$0x0] =	vst.idx.msk $0xffff, v34  }
0xa0: {  	v44 =	vor.u32 v12, v33;
	v34 =	vld [tilespmem:s23+$0x2C00];
	_ =	sdelay $0x4  }
0xa1: {  	[tilespmem:v44+s16+$0x0] =	vst.idx.msk $0xffff, v34  }
0xa2: {  	v45 =	vor.u32 v13, v33;
	v34 =	vld [tilespmem:s23+$0x3000];
	_ =	sdelay $0x4  }
0xa3: {  	[tilespmem:v45+s16+$0x0] =	vst.idx.msk $0xffff, v34  }
0xa4: {  	v46 =	vor.u32 v14, v33;
	v34 =	vld [tilespmem:s23+$0x3400];
	_ =	sdelay $0x4  }
0xa5: {  	[tilespmem:v46+s16+$0x0] =	vst.idx.msk $0xffff, v34  }
0xa6: {  	v47 =	vor.u32 v15, v33;
	v34 =	vld [tilespmem:s23+$0x3800];
	_ =	sdelay $0x4  }
0xa7: {  	[tilespmem:v47+s16+$0x0] =	vst.idx.msk $0xffff, v34  }
0xa8: {  	v48 =	vor.u32 v16, v33;
	v34 =	vld [tilespmem:s23+$0x3C00];
	_ =	sdelay $0x4  }
0xa9: {  	[tilespmem:v48+s16+$0x0] =	vst.idx.msk $0xffff, v34  }
0xaa: {  	v49 =	vor.u32 v28, v33;
	v34 =	vld [tilespmem:s23+$0x4000];
	_ =	sdelay $0x4  }
0xab: {  	[tilespmem:v49+s16+$0x0] =	vst.idx.msk $0xffff, v34  }
0xac: {  	v50 =	vor.u32 v17, v33;
	v34 =	vld [tilespmem:s23+$0x4400];
	_ =	sdelay $0x4  }
0xad: {  	[tilespmem:v50+s16+$0x0] =	vst.idx.msk $0xffff, v34  }
0xae: {  	v51 =	vor.u32 v19, v33;
	v34 =	vld [tilespmem:s23+$0x4800];
	_ =	sdelay $0x4  }
0xaf: {  	[tilespmem:v51+s16+$0x0] =	vst.idx.msk $0xffff, v34  }
0xb0: {  	v52 =	vor.u32 v20, v33;
	v34 =	vld [tilespmem:s23+$0x4C00];
	_ =	sdelay $0x4  }
0xb1: {  	[tilespmem:v52+s16+$0x0] =	vst.idx.msk $0xffff, v34  }
0xb2: {  	v53 =	vor.u32 v18, v33;
	v34 =	vld [tilespmem:s23+$0x5000];
	_ =	sdelay $0x4  }
0xb3: {  	[tilespmem:v53+s16+$0x0] =	vst.idx.msk $0xffff, v34  }
0xb4: {  	v54 =	vor.u32 v21, v33;
	v34 =	vld [tilespmem:s23+$0x5400];
	_ =	sdelay $0x4  }
0xb5: {  	[tilespmem:v54+s16+$0x0] =	vst.idx.msk $0xffff, v34  }
0xb6: {  	v55 =	vor.u32 v22, v33;
	v34 =	vld [tilespmem:s23+$0x5800];
	_ =	sdelay $0x4  }
0xb7: {  	[tilespmem:v55+s16+$0x0] =	vst.idx.msk $0xffff, v34  }
0xb8: {  	v56 =	vor.u32 v23, v33;
	v34 =	vld [tilespmem:s23+$0x5C00];
	_ =	sdelay $0x4  }
0xb9: {  	[tilespmem:v56+s16+$0x0] =	vst.idx.msk $0xffff, v34  }
0xba: {  	v57 =	vor.u32 v24, v33;
	v34 =	vld [tilespmem:s23+$0x6000];
	_ =	sdelay $0x4  }
0xbb: {  	[tilespmem:v57+s16+$0x0] =	vst.idx.msk $0xffff, v34  }
0xbc: {  	v58 =	vor.u32 v25, v33;
	v34 =	vld [tilespmem:s23+$0x6400];
	_ =	sdelay $0x4  }
0xbd: {  	[tilespmem:v58+s16+$0x0] =	vst.idx.msk $0xffff, v34  }
0xbe: {  	v59 =	vor.u32 v26, v33;
	v34 =	vld [tilespmem:s23+$0x6800];
	_ =	sdelay $0x4  }
0xbf: {  	[tilespmem:v59+s16+$0x0] =	vst.idx.msk $0xffff, v34  }
0xc0: {  	v60 =	vor.u32 v27, v33;
	v34 =	vld [tilespmem:s23+$0x6C00];
	_ =	sdelay $0x4  }
0xc1: {  	[tilespmem:v60+s16+$0x0] =	vst.idx.msk $0xffff, v34  }
0xc2: {  	v61 =	vor.u32 v29, v33;
	v34 =	vld [tilespmem:s23+$0x7000];
	_ =	sdelay $0x4  }
0xc3: {  	[tilespmem:v61+s16+$0x0] =	vst.idx.msk $0xffff, v34  }
0xc4: {  	v62 =	vor.u32 v30, v33;
	v34 =	vld [tilespmem:s23+$0x7400];
	_ =	sdelay $0x4  }
0xc5: {  	[tilespmem:v62+s16+$0x0] =	vst.idx.msk $0xffff, v34  }
0xc6: {  	v63 =	vor.u32 v31, v33;
	v34 =	vld [tilespmem:s23+$0x7800];
	_ =	sdelay $0x4  }
0xc7: {  	[tilespmem:v63+s16+$0x0] =	vst.idx.msk $0xffff, v34  }
0xc8: {  	v35 =	vor.u32 v32, v33;
	v34 =	vld [tilespmem:s23+$0x7C00];
	_ =	sdelay $0x1  }
0xc9: {  	s21 =	simm.s32 $0x10  }
0xca: {  	s22 =	simm.s32 $0x40;
	v33 =	vmov s21;
	s23 =	simm.s32 $0x80  }
.LBB2_4:
0xcb: {  	p0 =	sne.s32 s23, $0xFC0;
	v33 =	vshll.u32 v33, $0x5  }
0xcc: {  	s24 =	sshra.s32 s22, $0x2;
	s22 =	smov.u32 s23;
	v33 =	vor.u32 v1, v33;
	[tilespmem:v35+s16+$0x0] =	vst.idx.msk $0xffff, v34  }
0xcd: {  	v34 =	vld [tilespmem:s24+$0x0];
	v35 =	vor.u32 v0, v33;
	_ =	sdelay $0x4  }
0xce: {  	[tilespmem:v35+s16+$0x0] =	vst.idx.msk $0xffff, v34  }
0xcf: {  	v35 =	vor.u32 v2, v33;
	v34 =	vld [tilespmem:s24+$0x400];
	_ =	sdelay $0x4  }
0xd0: {  	[tilespmem:v35+s16+$0x0] =	vst.idx.msk $0xffff, v34  }
0xd1: {  	v35 =	vor.u32 v3, v33;
	v34 =	vld [tilespmem:s24+$0x800];
	_ =	sdelay $0x4  }
0xd2: {  	[tilespmem:v35+s16+$0x0] =	vst.idx.msk $0xffff, v34  }
0xd3: {  	v35 =	vor.u32 v4, v33;
	v34 =	vld [tilespmem:s24+$0xC00];
	_ =	sdelay $0x4  }
0xd4: {  	[tilespmem:v35+s16+$0x0] =	vst.idx.msk $0xffff, v34  }
0xd5: {  	v35 =	vor.u32 v5, v33;
	v34 =	vld [tilespmem:s24+$0x1000];
	_ =	sdelay $0x4  }
0xd6: {  	[tilespmem:v35+s16+$0x0] =	vst.idx.msk $0xffff, v34  }
0xd7: {  	v35 =	vor.u32 v6, v33;
	v34 =	vld [tilespmem:s24+$0x1400];
	_ =	sdelay $0x4  }
0xd8: {  	[tilespmem:v35+s16+$0x0] =	vst.idx.msk $0xffff, v34  }
0xd9: {  	v35 =	vor.u32 v7, v33;
	v34 =	vld [tilespmem:s24+$0x1800];
	_ =	sdelay $0x4  }
0xda: {  	[tilespmem:v35+s16+$0x0] =	vst.idx.msk $0xffff, v34  }
0xdb: {  	v35 =	vor.u32 v8, v33;
	v34 =	vld [tilespmem:s24+$0x1C00];
	_ =	sdelay $0x4  }
0xdc: {  	[tilespmem:v35+s16+$0x0] =	vst.idx.msk $0xffff, v34  }
0xdd: {  	v35 =	vor.u32 v9, v33;
	v34 =	vld [tilespmem:s24+$0x2000];
	_ =	sdelay $0x4  }
0xde: {  	[tilespmem:v35+s16+$0x0] =	vst.idx.msk $0xffff, v34  }
0xdf: {  	v35 =	vor.u32 v10, v33;
	v34 =	vld [tilespmem:s24+$0x2400];
	_ =	sdelay $0x4  }
0xe0: {  	[tilespmem:v35+s16+$0x0] =	vst.idx.msk $0xffff, v34  }
0xe1: {  	v35 =	vor.u32 v11, v33;
	v34 =	vld [tilespmem:s24+$0x2800];
	_ =	sdelay $0x4  }
0xe2: {  	[tilespmem:v35+s16+$0x0] =	vst.idx.msk $0xffff, v34  }
0xe3: {  	v35 =	vor.u32 v12, v33;
	v34 =	vld [tilespmem:s24+$0x2C00];
	_ =	sdelay $0x4  }
0xe4: {  	[tilespmem:v35+s16+$0x0] =	vst.idx.msk $0xffff, v34  }
0xe5: {  	v35 =	vor.u32 v13, v33;
	v34 =	vld [tilespmem:s24+$0x3000];
	_ =	sdelay $0x4  }
0xe6: {  	[tilespmem:v35+s16+$0x0] =	vst.idx.msk $0xffff, v34  }
0xe7: {  	v35 =	vor.u32 v14, v33;
	v34 =	vld [tilespmem:s24+$0x3400];
	_ =	sdelay $0x4  }
0xe8: {  	[tilespmem:v35+s16+$0x0] =	vst.idx.msk $0xffff, v34  }
0xe9: {  	v35 =	vor.u32 v15, v33;
	v34 =	vld [tilespmem:s24+$0x3800];
	_ =	sdelay $0x4  }
0xea: {  	[tilespmem:v35+s16+$0x0] =	vst.idx.msk $0xffff, v34  }
0xeb: {  	v35 =	vor.u32 v16, v33;
	v34 =	vld [tilespmem:s24+$0x3C00];
	_ =	sdelay $0x4  }
0xec: {  	[tilespmem:v35+s16+$0x0] =	vst.idx.msk $0xffff, v34  }
0xed: {  	v35 =	vor.u32 v28, v33;
	v34 =	vld [tilespmem:s24+$0x4000];
	_ =	sdelay $0x4  }
0xee: {  	[tilespmem:v35+s16+$0x0] =	vst.idx.msk $0xffff, v34  }
0xef: {  	v35 =	vor.u32 v17, v33;
	v34 =	vld [tilespmem:s24+$0x4400];
	_ =	sdelay $0x4  }
0xf0: {  	[tilespmem:v35+s16+$0x0] =	vst.idx.msk $0xffff, v34  }
0xf1: {  	v35 =	vor.u32 v19, v33;
	v34 =	vld [tilespmem:s24+$0x4800];
	_ =	sdelay $0x4  }
0xf2: {  	[tilespmem:v35+s16+$0x0] =	vst.idx.msk $0xffff, v34  }
0xf3: {  	v35 =	vor.u32 v20, v33;
	v34 =	vld [tilespmem:s24+$0x4C00];
	_ =	sdelay $0x4  }
0xf4: {  	[tilespmem:v35+s16+$0x0] =	vst.idx.msk $0xffff, v34  }
0xf5: {  	v35 =	vor.u32 v18, v33;
	v34 =	vld [tilespmem:s24+$0x5000];
	_ =	sdelay $0x4  }
0xf6: {  	[tilespmem:v35+s16+$0x0] =	vst.idx.msk $0xffff, v34  }
0xf7: {  	v35 =	vor.u32 v21, v33;
	v34 =	vld [tilespmem:s24+$0x5400];
	_ =	sdelay $0x4  }
0xf8: {  	[tilespmem:v35+s16+$0x0] =	vst.idx.msk $0xffff, v34  }
0xf9: {  	v35 =	vor.u32 v22, v33;
	v34 =	vld [tilespmem:s24+$0x5800];
	_ =	sdelay $0x4  }
0xfa: {  	[tilespmem:v35+s16+$0x0] =	vst.idx.msk $0xffff, v34  }
0xfb: {  	v35 =	vor.u32 v23, v33;
	v34 =	vld [tilespmem:s24+$0x5C00];
	_ =	sdelay $0x4  }
0xfc: {  	[tilespmem:v35+s16+$0x0] =	vst.idx.msk $0xffff, v34  }
0xfd: {  	v35 =	vor.u32 v24, v33;
	v34 =	vld [tilespmem:s24+$0x6000];
	_ =	sdelay $0x4  }
0xfe: {  	[tilespmem:v35+s16+$0x0] =	vst.idx.msk $0xffff, v34  }
0xff: {  	v35 =	vor.u32 v25, v33;
	v34 =	vld [tilespmem:s24+$0x6400];
	_ =	sdelay $0x4  }
0x100: {  	[tilespmem:v35+s16+$0x0] =	vst.idx.msk $0xffff, v34  }
0x101: {  	v35 =	vor.u32 v26, v33;
	v34 =	vld [tilespmem:s24+$0x6800];
	_ =	sdelay $0x4  }
0x102: {  	[tilespmem:v35+s16+$0x0] =	vst.idx.msk $0xffff, v34  }
0x103: {  	v35 =	vor.u32 v27, v33;
	v34 =	vld [tilespmem:s24+$0x6C00];
	_ =	sdelay $0x4  }
0x104: {  	[tilespmem:v35+s16+$0x0] =	vst.idx.msk $0xffff, v34  }
0x105: {  	v35 =	vor.u32 v29, v33;
	v34 =	vld [tilespmem:s24+$0x7000];
	_ =	sdelay $0x4  }
0x106: {  	[tilespmem:v35+s16+$0x0] =	vst.idx.msk $0xffff, v34  }
0x107: {  	v35 =	vor.u32 v30, v33;
	v34 =	vld [tilespmem:s24+$0x7400];
	_ =	sdelay $0x4  }
0x108: {  	[tilespmem:v35+s16+$0x0] =	vst.idx.msk $0xffff, v34  }
0x109: {  	v35 =	vor.u32 v31, v33;
	v34 =	vld [tilespmem:s24+$0x7800];
	_ =	sdelay $0x4  }
.Ltmp5:
0x10a: {  	[tilespmem:v35+s16+$0x0] =	vst.idx.msk $0xffff, v34;
	(pc) =	sbr.rel @p0 .LBB2_4-.Ltmp5, $3  }
0x10b: {  	v35 =	vor.u32 v32, v33;
	v34 =	vld [tilespmem:s24+$0x7C00];
	_ =	sdelay $0x1  }
0x10c: {  	s21 =	sadd.s32 $0x10, s21  }
0x10d: {  	s23 =	sadd.s32 $0x40, s23;
	v33 =	vmov s21  }
0x10e: {  	_ =	sdelay $0x2  }
0x10f: {  	v33 =	vshll.u32 v33, $0x5  }
0x110: {  	s21 =	sshra.s32 s22, $0x2;
	v33 =	vor.u32 v1, v33;
	[tilespmem:v35+s16+$0x0] =	vst.idx.msk $0xffff, v34  }
0x111: {  	v34 =	vld [tilespmem:s21+$0x0];
	v61 =	vor.u32 v0, v33;
	_ =	sdelay $0x4  }
0x112: {  	[tilespmem:v61+s16+$0x0] =	vst.idx.msk $0xffff, v34  }
0x113: {  	v62 =	vor.u32 v2, v33;
	v34 =	vld [tilespmem:s21+$0x400];
	_ =	sdelay $0x4  }
0x114: {  	[tilespmem:v62+s16+$0x0] =	vst.idx.msk $0xffff, v34  }
0x115: {  	v63 =	vor.u32 v3, v33;
	v34 =	vld [tilespmem:s21+$0x800];
	_ =	sdelay $0x4  }
0x116: {  	[tilespmem:v63+s16+$0x0] =	vst.idx.msk $0xffff, v34  }
0x117: {  	v36 =	vor.u32 v4, v33;
	v34 =	vld [tilespmem:s21+$0xC00];
	_ =	sdelay $0x4  }
0x118: {  	[tilespmem:v36+s16+$0x0] =	vst.idx.msk $0xffff, v34  }
0x119: {  	v37 =	vor.u32 v5, v33;
	v34 =	vld [tilespmem:s21+$0x1000];
	_ =	sdelay $0x4  }
0x11a: {  	[tilespmem:v37+s16+$0x0] =	vst.idx.msk $0xffff, v34  }
0x11b: {  	v38 =	vor.u32 v6, v33;
	v34 =	vld [tilespmem:s21+$0x1400];
	_ =	sdelay $0x4  }
0x11c: {  	[tilespmem:v38+s16+$0x0] =	vst.idx.msk $0xffff, v34  }
0x11d: {  	v39 =	vor.u32 v7, v33;
	v34 =	vld [tilespmem:s21+$0x1800];
	_ =	sdelay $0x4  }
0x11e: {  	[tilespmem:v39+s16+$0x0] =	vst.idx.msk $0xffff, v34  }
0x11f: {  	v40 =	vor.u32 v8, v33;
	v34 =	vld [tilespmem:s21+$0x1C00];
	_ =	sdelay $0x4  }
0x120: {  	[tilespmem:v40+s16+$0x0] =	vst.idx.msk $0xffff, v34  }
0x121: {  	v41 =	vor.u32 v9, v33;
	v34 =	vld [tilespmem:s21+$0x2000];
	_ =	sdelay $0x4  }
0x122: {  	[tilespmem:v41+s16+$0x0] =	vst.idx.msk $0xffff, v34  }
0x123: {  	v42 =	vor.u32 v10, v33;
	v34 =	vld [tilespmem:s21+$0x2400];
	_ =	sdelay $0x4  }
0x124: {  	[tilespmem:v42+s16+$0x0] =	vst.idx.msk $0xffff, v34  }
0x125: {  	v43 =	vor.u32 v11, v33;
	v34 =	vld [tilespmem:s21+$0x2800];
	_ =	sdelay $0x4  }
0x126: {  	[tilespmem:v43+s16+$0x0] =	vst.idx.msk $0xffff, v34  }
0x127: {  	v44 =	vor.u32 v12, v33;
	v34 =	vld [tilespmem:s21+$0x2C00];
	_ =	sdelay $0x4  }
0x128: {  	[tilespmem:v44+s16+$0x0] =	vst.idx.msk $0xffff, v34  }
0x129: {  	v45 =	vor.u32 v13, v33;
	v34 =	vld [tilespmem:s21+$0x3000];
	_ =	sdelay $0x4  }
0x12a: {  	[tilespmem:v45+s16+$0x0] =	vst.idx.msk $0xffff, v34  }
0x12b: {  	v46 =	vor.u32 v14, v33;
	v34 =	vld [tilespmem:s21+$0x3400];
	_ =	sdelay $0x4  }
0x12c: {  	[tilespmem:v46+s16+$0x0] =	vst.idx.msk $0xffff, v34  }
0x12d: {  	v47 =	vor.u32 v15, v33;
	v34 =	vld [tilespmem:s21+$0x3800];
	_ =	sdelay $0x4  }
0x12e: {  	[tilespmem:v47+s16+$0x0] =	vst.idx.msk $0xffff, v34  }
0x12f: {  	v48 =	vor.u32 v16, v33;
	v34 =	vld [tilespmem:s21+$0x3C00];
	_ =	sdelay $0x4  }
0x130: {  	[tilespmem:v48+s16+$0x0] =	vst.idx.msk $0xffff, v34  }
0x131: {  	v49 =	vor.u32 v28, v33;
	v34 =	vld [tilespmem:s21+$0x4000];
	_ =	sdelay $0x4  }
0x132: {  	[tilespmem:v49+s16+$0x0] =	vst.idx.msk $0xffff, v34  }
0x133: {  	v50 =	vor.u32 v17, v33;
	v34 =	vld [tilespmem:s21+$0x4400];
	_ =	sdelay $0x4  }
0x134: {  	[tilespmem:v50+s16+$0x0] =	vst.idx.msk $0xffff, v34  }
0x135: {  	v51 =	vor.u32 v19, v33;
	v34 =	vld [tilespmem:s21+$0x4800];
	_ =	sdelay $0x4  }
0x136: {  	[tilespmem:v51+s16+$0x0] =	vst.idx.msk $0xffff, v34  }
0x137: {  	v52 =	vor.u32 v20, v33;
	v34 =	vld [tilespmem:s21+$0x4C00];
	_ =	sdelay $0x4  }
0x138: {  	[tilespmem:v52+s16+$0x0] =	vst.idx.msk $0xffff, v34  }
0x139: {  	v53 =	vor.u32 v18, v33;
	v34 =	vld [tilespmem:s21+$0x5000];
	_ =	sdelay $0x4  }
0x13a: {  	[tilespmem:v53+s16+$0x0] =	vst.idx.msk $0xffff, v34  }
0x13b: {  	v54 =	vor.u32 v21, v33;
	v34 =	vld [tilespmem:s21+$0x5400];
	_ =	sdelay $0x4  }
0x13c: {  	[tilespmem:v54+s16+$0x0] =	vst.idx.msk $0xffff, v34  }
0x13d: {  	v55 =	vor.u32 v22, v33;
	v34 =	vld [tilespmem:s21+$0x5800];
	_ =	sdelay $0x4  }
0x13e: {  	[tilespmem:v55+s16+$0x0] =	vst.idx.msk $0xffff, v34  }
0x13f: {  	v56 =	vor.u32 v23, v33;
	v34 =	vld [tilespmem:s21+$0x5C00];
	_ =	sdelay $0x4  }
0x140: {  	[tilespmem:v56+s16+$0x0] =	vst.idx.msk $0xffff, v34  }
0x141: {  	v57 =	vor.u32 v24, v33;
	v34 =	vld [tilespmem:s21+$0x6000];
	_ =	sdelay $0x4  }
0x142: {  	[tilespmem:v57+s16+$0x0] =	vst.idx.msk $0xffff, v34  }
0x143: {  	v58 =	vor.u32 v25, v33;
	v34 =	vld [tilespmem:s21+$0x6400];
	_ =	sdelay $0x4  }
0x144: {  	[tilespmem:v58+s16+$0x0] =	vst.idx.msk $0xffff, v34  }
0x145: {  	v59 =	vor.u32 v26, v33;
	v34 =	vld [tilespmem:s21+$0x6800];
	_ =	sdelay $0x4  }
0x146: {  	[tilespmem:v59+s16+$0x0] =	vst.idx.msk $0xffff, v34  }
0x147: {  	v60 =	vor.u32 v27, v33;
	v34 =	vld [tilespmem:s21+$0x6C00];
	_ =	sdelay $0x4  }
0x148: {  	[tilespmem:v60+s16+$0x0] =	vst.idx.msk $0xffff, v34  }
0x149: {  	v61 =	vor.u32 v29, v33;
	v34 =	vld [tilespmem:s21+$0x7000];
	_ =	sdelay $0x4  }
0x14a: {  	[tilespmem:v61+s16+$0x0] =	vst.idx.msk $0xffff, v34  }
0x14b: {  	v62 =	vor.u32 v30, v33;
	v34 =	vld [tilespmem:s21+$0x7400];
	_ =	sdelay $0x4  }
0x14c: {  	[tilespmem:v62+s16+$0x0] =	vst.idx.msk $0xffff, v34  }
0x14d: {  	v63 =	vor.u32 v31, v33;
	v34 =	vld [tilespmem:s21+$0x7800];
	_ =	sdelay $0x4  }
0x14e: {  	[tilespmem:v63+s16+$0x0] =	vst.idx.msk $0xffff, v34  }
0x14f: {  	v33 =	vor.u32 v32, v33;
	v34 =	vld [tilespmem:s21+$0x7C00];
	_ =	sdelay $0x3  }
0x150: {  	s31 =	sshll.u32 s20, $0xC  }
0x151: {  	s21 =	sadd.s32 s4, s31;
	[tilespmem:v33+s16+$0x0] =	vst.idx.msk $0xffff, v34  }
0x152: {  	[hbm4b:s21+s1] =	stream.linear.scatter [tilespmem:s16], [sflag:$0x2], $0x8000, $0x38;
	[tilespmem:$0x10000] =	vst v63  }
0x153: {  	_ =	swait.ge [sflag:s15], $0x8000  }
0x154: {  	[sflag:s15] =	ssyncset.done $0x0  }
0x155: {  	[sflag:s15] =	ssyncadd.s32 $0xFFFF8000  }
.LBB2_6:
0x156: {  	p0 =	sne.s32 s20, $0x3D0  }
.Ltmp6:
0x157: {  	_ = 	snop;
	(pc) =	sbr.rel @p0 .LBB2_12-.Ltmp6, $1  }
0x158: {  	_ =	sdelay $0x3  }
0x159: {  	s20 =	simm.s32 $0x1000  }
0x15a: {  	s23 =	simm.s32 $0x0;
	s21 =	sadd.s32 $0x1E848, s7;
	s22 =	smov.u32 s7  }
.LBB2_8:
0x15b: {  	[tilespmem:s23], [sflag:$0x2] =	stream.linear.gather [hbm4b:s22+s1], $0x240, $0x38;
	[tilespmem:$0x10000] =	vst v63  }
0x15c: {  	s23 =	smov.u32 s20;
	s22 =	smov.u32 s21;
	p0 =	sne.s32 s20, $0x1F000  }
.Ltmp7:
0x15d: {  	s20 =	sadd.s32 $0x1000, s20;
	(pc) =	sbr.rel @p0 .LBB2_8-.Ltmp7, $2  }
0x15e: {  	_ =	sdelay $0x2  }
0x15f: {  	s21 =	sadd.s32 $0x1E848, s21;
	s23 =	sshra.s32 s23, $0x2  }
0x160: {  	[tilespmem:s23], [sflag:$0x2] =	stream.linear.gather [hbm4b:s22+s1], $0x240, $0x38;
	[tilespmem:$0x10000] =	vst v63  }
0x161: {  	s20 =	simm.s32 $0x0  }
0x162: {  	_ =	swait.ge [sflag:s15], $0x4800;
	v33 =	vmov s20  }
0x163: {  	[sflag:s15] =	ssyncset.done $0x0;
	v33 =	vshll.u32 v33, $0x5  }
0x164: {  	s31 =	simm.s32 $0x0;
	[sflag:s15] =	ssyncadd.s32 $0xFFFFB800;
	v33 =	vor.u32 v1, v33  }
0x165: {  	v34 =	vld [tilespmem:s31+$0x0];
	v35 =	vor.u32 v0, v33;
	_ =	sdelay $0x4  }
0x166: {  	[tilespmem:v35+s16+$0x0] =	vst.idx.msk $0xffff, v34  }
0x167: {  	v62 =	vor.u32 v2, v33;
	v34 =	vld [tilespmem:s31+$0x400];
	_ =	sdelay $0x4  }
0x168: {  	[tilespmem:v62+s16+$0x0] =	vst.idx.msk $0xffff, v34  }
0x169: {  	v63 =	vor.u32 v3, v33;
	v34 =	vld [tilespmem:s31+$0x800];
	_ =	sdelay $0x4  }
0x16a: {  	[tilespmem:v63+s16+$0x0] =	vst.idx.msk $0xffff, v34  }
0x16b: {  	v36 =	vor.u32 v4, v33;
	v34 =	vld [tilespmem:s31+$0xC00];
	_ =	sdelay $0x4  }
0x16c: {  	[tilespmem:v36+s16+$0x0] =	vst.idx.msk $0xffff, v34  }
0x16d: {  	v37 =	vor.u32 v5, v33;
	v34 =	vld [tilespmem:s31+$0x1000];
	_ =	sdelay $0x4  }
0x16e: {  	[tilespmem:v37+s16+$0x0] =	vst.idx.msk $0xffff, v34  }
0x16f: {  	v38 =	vor.u32 v6, v33;
	v34 =	vld [tilespmem:s31+$0x1400];
	_ =	sdelay $0x4  }
0x170: {  	[tilespmem:v38+s16+$0x0] =	vst.idx.msk $0xffff, v34  }
0x171: {  	v39 =	vor.u32 v7, v33;
	v34 =	vld [tilespmem:s31+$0x1800];
	_ =	sdelay $0x4  }
0x172: {  	[tilespmem:v39+s16+$0x0] =	vst.idx.msk $0xffff, v34  }
0x173: {  	v40 =	vor.u32 v8, v33;
	v34 =	vld [tilespmem:s31+$0x1C00];
	_ =	sdelay $0x4  }
0x174: {  	[tilespmem:v40+s16+$0x0] =	vst.idx.msk $0xffff, v34  }
0x175: {  	v41 =	vor.u32 v9, v33;
	v34 =	vld [tilespmem:s31+$0x2000];
	_ =	sdelay $0x4  }
0x176: {  	[tilespmem:v41+s16+$0x0] =	vst.idx.msk $0xffff, v34  }
0x177: {  	v42 =	vor.u32 v10, v33;
	v34 =	vld [tilespmem:s31+$0x2400];
	_ =	sdelay $0x4  }
0x178: {  	[tilespmem:v42+s16+$0x0] =	vst.idx.msk $0xffff, v34  }
0x179: {  	v43 =	vor.u32 v11, v33;
	v34 =	vld [tilespmem:s31+$0x2800];
	_ =	sdelay $0x4  }
0x17a: {  	[tilespmem:v43+s16+$0x0] =	vst.idx.msk $0xffff, v34  }
0x17b: {  	v44 =	vor.u32 v12, v33;
	v34 =	vld [tilespmem:s31+$0x2C00];
	_ =	sdelay $0x4  }
0x17c: {  	[tilespmem:v44+s16+$0x0] =	vst.idx.msk $0xffff, v34  }
0x17d: {  	v45 =	vor.u32 v13, v33;
	v34 =	vld [tilespmem:s31+$0x3000];
	_ =	sdelay $0x4  }
0x17e: {  	[tilespmem:v45+s16+$0x0] =	vst.idx.msk $0xffff, v34  }
0x17f: {  	v46 =	vor.u32 v14, v33;
	v34 =	vld [tilespmem:s31+$0x3400];
	_ =	sdelay $0x4  }
0x180: {  	[tilespmem:v46+s16+$0x0] =	vst.idx.msk $0xffff, v34  }
0x181: {  	v47 =	vor.u32 v15, v33;
	v34 =	vld [tilespmem:s31+$0x3800];
	_ =	sdelay $0x4  }
0x182: {  	[tilespmem:v47+s16+$0x0] =	vst.idx.msk $0xffff, v34  }
0x183: {  	v48 =	vor.u32 v16, v33;
	v34 =	vld [tilespmem:s31+$0x3C00];
	_ =	sdelay $0x4  }
0x184: {  	[tilespmem:v48+s16+$0x0] =	vst.idx.msk $0xffff, v34  }
0x185: {  	v49 =	vor.u32 v28, v33;
	v34 =	vld [tilespmem:s31+$0x4000];
	_ =	sdelay $0x4  }
0x186: {  	[tilespmem:v49+s16+$0x0] =	vst.idx.msk $0xffff, v34  }
0x187: {  	v50 =	vor.u32 v17, v33;
	v34 =	vld [tilespmem:s31+$0x4400];
	_ =	sdelay $0x4  }
0x188: {  	[tilespmem:v50+s16+$0x0] =	vst.idx.msk $0xffff, v34  }
0x189: {  	v51 =	vor.u32 v19, v33;
	v34 =	vld [tilespmem:s31+$0x4800];
	_ =	sdelay $0x4  }
0x18a: {  	[tilespmem:v51+s16+$0x0] =	vst.idx.msk $0xffff, v34  }
0x18b: {  	v52 =	vor.u32 v20, v33;
	v34 =	vld [tilespmem:s31+$0x4C00];
	_ =	sdelay $0x4  }
0x18c: {  	[tilespmem:v52+s16+$0x0] =	vst.idx.msk $0xffff, v34  }
0x18d: {  	v53 =	vor.u32 v18, v33;
	v34 =	vld [tilespmem:s31+$0x5000];
	_ =	sdelay $0x4  }
0x18e: {  	[tilespmem:v53+s16+$0x0] =	vst.idx.msk $0xffff, v34  }
0x18f: {  	v54 =	vor.u32 v21, v33;
	v34 =	vld [tilespmem:s31+$0x5400];
	_ =	sdelay $0x4  }
0x190: {  	[tilespmem:v54+s16+$0x0] =	vst.idx.msk $0xffff, v34  }
0x191: {  	v55 =	vor.u32 v22, v33;
	v34 =	vld [tilespmem:s31+$0x5800];
	_ =	sdelay $0x4  }
0x192: {  	[tilespmem:v55+s16+$0x0] =	vst.idx.msk $0xffff, v34  }
0x193: {  	v56 =	vor.u32 v23, v33;
	v34 =	vld [tilespmem:s31+$0x5C00];
	_ =	sdelay $0x4  }
0x194: {  	[tilespmem:v56+s16+$0x0] =	vst.idx.msk $0xffff, v34  }
0x195: {  	v57 =	vor.u32 v24, v33;
	v34 =	vld [tilespmem:s31+$0x6000];
	_ =	sdelay $0x4  }
0x196: {  	[tilespmem:v57+s16+$0x0] =	vst.idx.msk $0xffff, v34  }
0x197: {  	v58 =	vor.u32 v25, v33;
	v34 =	vld [tilespmem:s31+$0x6400];
	_ =	sdelay $0x4  }
0x198: {  	[tilespmem:v58+s16+$0x0] =	vst.idx.msk $0xffff, v34  }
0x199: {  	v59 =	vor.u32 v26, v33;
	v34 =	vld [tilespmem:s31+$0x6800];
	_ =	sdelay $0x4  }
0x19a: {  	[tilespmem:v59+s16+$0x0] =	vst.idx.msk $0xffff, v34  }
0x19b: {  	v60 =	vor.u32 v27, v33;
	v34 =	vld [tilespmem:s31+$0x6C00];
	_ =	sdelay $0x4  }
0x19c: {  	[tilespmem:v60+s16+$0x0] =	vst.idx.msk $0xffff, v34  }
0x19d: {  	v61 =	vor.u32 v29, v33;
	v34 =	vld [tilespmem:s31+$0x7000];
	_ =	sdelay $0x4  }
0x19e: {  	[tilespmem:v61+s16+$0x0] =	vst.idx.msk $0xffff, v34  }
0x19f: {  	v62 =	vor.u32 v30, v33;
	v34 =	vld [tilespmem:s31+$0x7400];
	_ =	sdelay $0x4  }
0x1a0: {  	[tilespmem:v62+s16+$0x0] =	vst.idx.msk $0xffff, v34  }
0x1a1: {  	v63 =	vor.u32 v31, v33;
	v34 =	vld [tilespmem:s31+$0x7800];
	_ =	sdelay $0x4  }
0x1a2: {  	[tilespmem:v63+s16+$0x0] =	vst.idx.msk $0xffff, v34  }
0x1a3: {  	v35 =	vor.u32 v32, v33;
	v34 =	vld [tilespmem:s31+$0x7C00];
	_ =	sdelay $0x1  }
0x1a4: {  	s20 =	simm.s32 $0x10  }
0x1a5: {  	s21 =	simm.s32 $0x40;
	s22 =	simm.s32 $0x80;
	v33 =	vmov s20  }
.LBB2_10:
0x1a6: {  	p0 =	sne.s32 s22, $0x8C0;
	v33 =	vshll.u32 v33, $0x5  }
0x1a7: {  	s23 =	sshra.s32 s21, $0x2;
	s21 =	smov.u32 s22;
	v33 =	vor.u32 v1, v33;
	[tilespmem:v35+s16+$0x0] =	vst.idx.msk $0xffff, v34  }
0x1a8: {  	v34 =	vld [tilespmem:s23+$0x0];
	v35 =	vor.u32 v0, v33;
	_ =	sdelay $0x4  }
0x1a9: {  	[tilespmem:v35+s16+$0x0] =	vst.idx.msk $0xffff, v34  }
0x1aa: {  	v35 =	vor.u32 v2, v33;
	v34 =	vld [tilespmem:s23+$0x400];
	_ =	sdelay $0x4  }
0x1ab: {  	[tilespmem:v35+s16+$0x0] =	vst.idx.msk $0xffff, v34  }
0x1ac: {  	v35 =	vor.u32 v3, v33;
	v34 =	vld [tilespmem:s23+$0x800];
	_ =	sdelay $0x4  }
0x1ad: {  	[tilespmem:v35+s16+$0x0] =	vst.idx.msk $0xffff, v34  }
0x1ae: {  	v35 =	vor.u32 v4, v33;
	v34 =	vld [tilespmem:s23+$0xC00];
	_ =	sdelay $0x4  }
0x1af: {  	[tilespmem:v35+s16+$0x0] =	vst.idx.msk $0xffff, v34  }
0x1b0: {  	v35 =	vor.u32 v5, v33;
	v34 =	vld [tilespmem:s23+$0x1000];
	_ =	sdelay $0x4  }
0x1b1: {  	[tilespmem:v35+s16+$0x0] =	vst.idx.msk $0xffff, v34  }
0x1b2: {  	v35 =	vor.u32 v6, v33;
	v34 =	vld [tilespmem:s23+$0x1400];
	_ =	sdelay $0x4  }
0x1b3: {  	[tilespmem:v35+s16+$0x0] =	vst.idx.msk $0xffff, v34  }
0x1b4: {  	v35 =	vor.u32 v7, v33;
	v34 =	vld [tilespmem:s23+$0x1800];
	_ =	sdelay $0x4  }
0x1b5: {  	[tilespmem:v35+s16+$0x0] =	vst.idx.msk $0xffff, v34  }
0x1b6: {  	v35 =	vor.u32 v8, v33;
	v34 =	vld [tilespmem:s23+$0x1C00];
	_ =	sdelay $0x4  }
0x1b7: {  	[tilespmem:v35+s16+$0x0] =	vst.idx.msk $0xffff, v34  }
0x1b8: {  	v35 =	vor.u32 v9, v33;
	v34 =	vld [tilespmem:s23+$0x2000];
	_ =	sdelay $0x4  }
0x1b9: {  	[tilespmem:v35+s16+$0x0] =	vst.idx.msk $0xffff, v34  }
0x1ba: {  	v35 =	vor.u32 v10, v33;
	v34 =	vld [tilespmem:s23+$0x2400];
	_ =	sdelay $0x4  }
0x1bb: {  	[tilespmem:v35+s16+$0x0] =	vst.idx.msk $0xffff, v34  }
0x1bc: {  	v35 =	vor.u32 v11, v33;
	v34 =	vld [tilespmem:s23+$0x2800];
	_ =	sdelay $0x4  }
0x1bd: {  	[tilespmem:v35+s16+$0x0] =	vst.idx.msk $0xffff, v34  }
0x1be: {  	v35 =	vor.u32 v12, v33;
	v34 =	vld [tilespmem:s23+$0x2C00];
	_ =	sdelay $0x4  }
0x1bf: {  	[tilespmem:v35+s16+$0x0] =	vst.idx.msk $0xffff, v34  }
0x1c0: {  	v35 =	vor.u32 v13, v33;
	v34 =	vld [tilespmem:s23+$0x3000];
	_ =	sdelay $0x4  }
0x1c1: {  	[tilespmem:v35+s16+$0x0] =	vst.idx.msk $0xffff, v34  }
0x1c2: {  	v35 =	vor.u32 v14, v33;
	v34 =	vld [tilespmem:s23+$0x3400];
	_ =	sdelay $0x4  }
0x1c3: {  	[tilespmem:v35+s16+$0x0] =	vst.idx.msk $0xffff, v34  }
0x1c4: {  	v35 =	vor.u32 v15, v33;
	v34 =	vld [tilespmem:s23+$0x3800];
	_ =	sdelay $0x4  }
0x1c5: {  	[tilespmem:v35+s16+$0x0] =	vst.idx.msk $0xffff, v34  }
0x1c6: {  	v35 =	vor.u32 v16, v33;
	v34 =	vld [tilespmem:s23+$0x3C00];
	_ =	sdelay $0x4  }
0x1c7: {  	[tilespmem:v35+s16+$0x0] =	vst.idx.msk $0xffff, v34  }
0x1c8: {  	v35 =	vor.u32 v28, v33;
	v34 =	vld [tilespmem:s23+$0x4000];
	_ =	sdelay $0x4  }
0x1c9: {  	[tilespmem:v35+s16+$0x0] =	vst.idx.msk $0xffff, v34  }
0x1ca: {  	v35 =	vor.u32 v17, v33;
	v34 =	vld [tilespmem:s23+$0x4400];
	_ =	sdelay $0x4  }
0x1cb: {  	[tilespmem:v35+s16+$0x0] =	vst.idx.msk $0xffff, v34  }
0x1cc: {  	v35 =	vor.u32 v19, v33;
	v34 =	vld [tilespmem:s23+$0x4800];
	_ =	sdelay $0x4  }
0x1cd: {  	[tilespmem:v35+s16+$0x0] =	vst.idx.msk $0xffff, v34  }
0x1ce: {  	v35 =	vor.u32 v20, v33;
	v34 =	vld [tilespmem:s23+$0x4C00];
	_ =	sdelay $0x4  }
0x1cf: {  	[tilespmem:v35+s16+$0x0] =	vst.idx.msk $0xffff, v34  }
0x1d0: {  	v35 =	vor.u32 v18, v33;
	v34 =	vld [tilespmem:s23+$0x5000];
	_ =	sdelay $0x4  }
0x1d1: {  	[tilespmem:v35+s16+$0x0] =	vst.idx.msk $0xffff, v34  }
0x1d2: {  	v35 =	vor.u32 v21, v33;
	v34 =	vld [tilespmem:s23+$0x5400];
	_ =	sdelay $0x4  }
0x1d3: {  	[tilespmem:v35+s16+$0x0] =	vst.idx.msk $0xffff, v34  }
0x1d4: {  	v35 =	vor.u32 v22, v33;
	v34 =	vld [tilespmem:s23+$0x5800];
	_ =	sdelay $0x4  }
0x1d5: {  	[tilespmem:v35+s16+$0x0] =	vst.idx.msk $0xffff, v34  }
0x1d6: {  	v35 =	vor.u32 v23, v33;
	v34 =	vld [tilespmem:s23+$0x5C00];
	_ =	sdelay $0x4  }
0x1d7: {  	[tilespmem:v35+s16+$0x0] =	vst.idx.msk $0xffff, v34  }
0x1d8: {  	v35 =	vor.u32 v24, v33;
	v34 =	vld [tilespmem:s23+$0x6000];
	_ =	sdelay $0x4  }
0x1d9: {  	[tilespmem:v35+s16+$0x0] =	vst.idx.msk $0xffff, v34  }
0x1da: {  	v35 =	vor.u32 v25, v33;
	v34 =	vld [tilespmem:s23+$0x6400];
	_ =	sdelay $0x4  }
0x1db: {  	[tilespmem:v35+s16+$0x0] =	vst.idx.msk $0xffff, v34  }
0x1dc: {  	v35 =	vor.u32 v26, v33;
	v34 =	vld [tilespmem:s23+$0x6800];
	_ =	sdelay $0x4  }
0x1dd: {  	[tilespmem:v35+s16+$0x0] =	vst.idx.msk $0xffff, v34  }
0x1de: {  	v35 =	vor.u32 v27, v33;
	v34 =	vld [tilespmem:s23+$0x6C00];
	_ =	sdelay $0x4  }
0x1df: {  	[tilespmem:v35+s16+$0x0] =	vst.idx.msk $0xffff, v34  }
0x1e0: {  	v35 =	vor.u32 v29, v33;
	v34 =	vld [tilespmem:s23+$0x7000];
	_ =	sdelay $0x4  }
0x1e1: {  	[tilespmem:v35+s16+$0x0] =	vst.idx.msk $0xffff, v34  }
0x1e2: {  	v35 =	vor.u32 v30, v33;
	v34 =	vld [tilespmem:s23+$0x7400];
	_ =	sdelay $0x4  }
0x1e3: {  	[tilespmem:v35+s16+$0x0] =	vst.idx.msk $0xffff, v34  }
0x1e4: {  	v35 =	vor.u32 v31, v33;
	v34 =	vld [tilespmem:s23+$0x7800];
	_ =	sdelay $0x4  }
.Ltmp8:
0x1e5: {  	[tilespmem:v35+s16+$0x0] =	vst.idx.msk $0xffff, v34;
	(pc) =	sbr.rel @p0 .LBB2_10-.Ltmp8, $3  }
0x1e6: {  	v35 =	vor.u32 v32, v33;
	v34 =	vld [tilespmem:s23+$0x7C00];
	_ =	sdelay $0x1  }
0x1e7: {  	s20 =	sadd.s32 $0x10, s20  }
0x1e8: {  	s22 =	sadd.s32 $0x40, s22;
	v33 =	vmov s20  }
.Ltmp9:
0x1e9: {  	_ = 	snop;
	(pc) =	sbr.rel .LBB2_11-.Ltmp9, $1  }
0x1ea: {  	_ =	sdelay $0x3  }
.LBB2_13:
.Ltmp10:
0x1eb: {  	(pc) =	sbr.rel .LBB2_14-.Ltmp10, $2  }
0x1ec: {  	_ =	sdelay $0x2  }
0x1ed: {  	s19 =	simm.s32 $0x0  }
.LBB2_23:
0x1ee: {  	_ =	sdelay $0x2  }
0x1ef: {  	v33 =	vshll.u32 v33, $0x5  }
0x1f0: {  	s20 =	sshra.s32 s21, $0x2;
	[tilespmem:v35+s16+$0x0] =	vst.idx.msk $0xffff, v34;
	v33 =	vor.u32 v1, v33  }
0x1f1: {  	v34 =	vld [tilespmem:s20+$0x0];
	v61 =	vor.u32 v0, v33;
	_ =	sdelay $0x4  }
0x1f2: {  	[tilespmem:v61+s16+$0x0] =	vst.idx.msk $0xffff, v34  }
0x1f3: {  	v62 =	vor.u32 v2, v33;
	v34 =	vld [tilespmem:s20+$0x400];
	_ =	sdelay $0x4  }
0x1f4: {  	[tilespmem:v62+s16+$0x0] =	vst.idx.msk $0xffff, v34  }
0x1f5: {  	v63 =	vor.u32 v3, v33;
	v34 =	vld [tilespmem:s20+$0x800];
	_ =	sdelay $0x4  }
0x1f6: {  	[tilespmem:v63+s16+$0x0] =	vst.idx.msk $0xffff, v34  }
0x1f7: {  	v36 =	vor.u32 v4, v33;
	v34 =	vld [tilespmem:s20+$0xC00];
	_ =	sdelay $0x4  }
0x1f8: {  	[tilespmem:v36+s16+$0x0] =	vst.idx.msk $0xffff, v34  }
0x1f9: {  	v37 =	vor.u32 v5, v33;
	v34 =	vld [tilespmem:s20+$0x1000];
	_ =	sdelay $0x4  }
0x1fa: {  	[tilespmem:v37+s16+$0x0] =	vst.idx.msk $0xffff, v34  }
0x1fb: {  	v38 =	vor.u32 v6, v33;
	v34 =	vld [tilespmem:s20+$0x1400];
	_ =	sdelay $0x4  }
0x1fc: {  	[tilespmem:v38+s16+$0x0] =	vst.idx.msk $0xffff, v34  }
0x1fd: {  	v39 =	vor.u32 v7, v33;
	v34 =	vld [tilespmem:s20+$0x1800];
	_ =	sdelay $0x4  }
0x1fe: {  	[tilespmem:v39+s16+$0x0] =	vst.idx.msk $0xffff, v34  }
0x1ff: {  	v40 =	vor.u32 v8, v33;
	v34 =	vld [tilespmem:s20+$0x1C00];
	_ =	sdelay $0x4  }
0x200: {  	[tilespmem:v40+s16+$0x0] =	vst.idx.msk $0xffff, v34  }
0x201: {  	v41 =	vor.u32 v9, v33;
	v34 =	vld [tilespmem:s20+$0x2000];
	_ =	sdelay $0x4  }
0x202: {  	[tilespmem:v41+s16+$0x0] =	vst.idx.msk $0xffff, v34  }
0x203: {  	v42 =	vor.u32 v10, v33;
	v34 =	vld [tilespmem:s20+$0x2400];
	_ =	sdelay $0x4  }
0x204: {  	[tilespmem:v42+s16+$0x0] =	vst.idx.msk $0xffff, v34  }
0x205: {  	v43 =	vor.u32 v11, v33;
	v34 =	vld [tilespmem:s20+$0x2800];
	_ =	sdelay $0x4  }
0x206: {  	[tilespmem:v43+s16+$0x0] =	vst.idx.msk $0xffff, v34  }
0x207: {  	v44 =	vor.u32 v12, v33;
	v34 =	vld [tilespmem:s20+$0x2C00];
	_ =	sdelay $0x4  }
0x208: {  	[tilespmem:v44+s16+$0x0] =	vst.idx.msk $0xffff, v34  }
0x209: {  	v45 =	vor.u32 v13, v33;
	v34 =	vld [tilespmem:s20+$0x3000];
	_ =	sdelay $0x4  }
0x20a: {  	[tilespmem:v45+s16+$0x0] =	vst.idx.msk $0xffff, v34  }
0x20b: {  	v46 =	vor.u32 v14, v33;
	v34 =	vld [tilespmem:s20+$0x3400];
	_ =	sdelay $0x4  }
0x20c: {  	[tilespmem:v46+s16+$0x0] =	vst.idx.msk $0xffff, v34  }
0x20d: {  	v47 =	vor.u32 v15, v33;
	v34 =	vld [tilespmem:s20+$0x3800];
	_ =	sdelay $0x4  }
0x20e: {  	[tilespmem:v47+s16+$0x0] =	vst.idx.msk $0xffff, v34  }
0x20f: {  	v48 =	vor.u32 v16, v33;
	v34 =	vld [tilespmem:s20+$0x3C00];
	_ =	sdelay $0x4  }
0x210: {  	[tilespmem:v48+s16+$0x0] =	vst.idx.msk $0xffff, v34  }
0x211: {  	v49 =	vor.u32 v28, v33;
	v34 =	vld [tilespmem:s20+$0x4000];
	_ =	sdelay $0x4  }
0x212: {  	[tilespmem:v49+s16+$0x0] =	vst.idx.msk $0xffff, v34  }
0x213: {  	v50 =	vor.u32 v17, v33;
	v34 =	vld [tilespmem:s20+$0x4400];
	_ =	sdelay $0x4  }
0x214: {  	[tilespmem:v50+s16+$0x0] =	vst.idx.msk $0xffff, v34  }
0x215: {  	v51 =	vor.u32 v19, v33;
	v34 =	vld [tilespmem:s20+$0x4800];
	_ =	sdelay $0x4  }
0x216: {  	[tilespmem:v51+s16+$0x0] =	vst.idx.msk $0xffff, v34  }
0x217: {  	v52 =	vor.u32 v20, v33;
	v34 =	vld [tilespmem:s20+$0x4C00];
	_ =	sdelay $0x4  }
0x218: {  	[tilespmem:v52+s16+$0x0] =	vst.idx.msk $0xffff, v34  }
0x219: {  	v53 =	vor.u32 v18, v33;
	v34 =	vld [tilespmem:s20+$0x5000];
	_ =	sdelay $0x4  }
0x21a: {  	[tilespmem:v53+s16+$0x0] =	vst.idx.msk $0xffff, v34  }
0x21b: {  	v54 =	vor.u32 v21, v33;
	v34 =	vld [tilespmem:s20+$0x5400];
	_ =	sdelay $0x4  }
0x21c: {  	[tilespmem:v54+s16+$0x0] =	vst.idx.msk $0xffff, v34  }
0x21d: {  	v55 =	vor.u32 v22, v33;
	v34 =	vld [tilespmem:s20+$0x5800];
	_ =	sdelay $0x4  }
0x21e: {  	[tilespmem:v55+s16+$0x0] =	vst.idx.msk $0xffff, v34  }
0x21f: {  	v56 =	vor.u32 v23, v33;
	v34 =	vld [tilespmem:s20+$0x5C00];
	_ =	sdelay $0x4  }
0x220: {  	[tilespmem:v56+s16+$0x0] =	vst.idx.msk $0xffff, v34  }
0x221: {  	v57 =	vor.u32 v24, v33;
	v34 =	vld [tilespmem:s20+$0x6000];
	_ =	sdelay $0x4  }
0x222: {  	[tilespmem:v57+s16+$0x0] =	vst.idx.msk $0xffff, v34  }
0x223: {  	v58 =	vor.u32 v25, v33;
	v34 =	vld [tilespmem:s20+$0x6400];
	_ =	sdelay $0x4  }
0x224: {  	[tilespmem:v58+s16+$0x0] =	vst.idx.msk $0xffff, v34  }
0x225: {  	v59 =	vor.u32 v26, v33;
	v34 =	vld [tilespmem:s20+$0x6800];
	_ =	sdelay $0x4  }
0x226: {  	[tilespmem:v59+s16+$0x0] =	vst.idx.msk $0xffff, v34  }
0x227: {  	v60 =	vor.u32 v27, v33;
	v34 =	vld [tilespmem:s20+$0x6C00];
	_ =	sdelay $0x4  }
0x228: {  	[tilespmem:v60+s16+$0x0] =	vst.idx.msk $0xffff, v34  }
0x229: {  	v61 =	vor.u32 v29, v33;
	v34 =	vld [tilespmem:s20+$0x7000];
	_ =	sdelay $0x4  }
0x22a: {  	[tilespmem:v61+s16+$0x0] =	vst.idx.msk $0xffff, v34  }
0x22b: {  	v62 =	vor.u32 v30, v33;
	v34 =	vld [tilespmem:s20+$0x7400];
	_ =	sdelay $0x4  }
0x22c: {  	[tilespmem:v62+s16+$0x0] =	vst.idx.msk $0xffff, v34  }
0x22d: {  	v63 =	vor.u32 v31, v33;
	v34 =	vld [tilespmem:s20+$0x7800];
	_ =	sdelay $0x4  }
0x22e: {  	[tilespmem:v63+s16+$0x0] =	vst.idx.msk $0xffff, v34  }
0x22f: {  	v33 =	vor.u32 v32, v33;
	v34 =	vld [tilespmem:s20+$0x7C00];
	_ =	sdelay $0x4  }
0x230: {  	[tilespmem:v33+s16+$0x0] =	vst.idx.msk $0xffff, v34  }
0x231: {  	[hbm4b:s11+s1] =	stream.linear.scatter [tilespmem:s16], [sflag:$0x1], $0x4800, $0x38;
	[tilespmem:$0x10000] =	vst v63  }
0x232: {  	_ =	swait.ge [sflag:s17], $0x4800  }
0x233: {  	[sflag:s17] =	ssyncset.done $0x0  }
0x234: {  	[sflag:s17] =	ssyncadd.s32 $0xFFFFB800  }
.LBB2_24:
0x235: {  	s19 =	sadd.s32 $0x1, s19  }
0x236: {  	p0 =	sne.s32 s19, $0x1F  }
.Ltmp11:
0x237: {  	_ = 	snop;
	(pc) =	sbr.rel @!p0 .LBB2_25-.Ltmp11, $1  }
0x238: {  	_ =	sdelay $0x3  }
.LBB2_14:
0x239: {  	s20 =	sshll.u32 s19, $0x5  }
0x23a: {  	s20 =	sor.u32 s8, s20  }
0x23b: {  	p0 =	sgt.u32 s20, $0x3CF  }
.Ltmp12:
0x23c: {  	_ = 	snop;
	(pc) =	sbr.rel @p0 .LBB2_18-.Ltmp12, $1  }
0x23d: {  	_ =	sdelay $0x3  }
0x23e: {  	s21 =	sshll.u32 s20, $0x7  }
0x23f: {  	s22 =	simm.s32 $0x0;
	s21 =	sadd.s32 s3, s21  }
0x240: {  	[tilespmem:s22], [sflag:$0x2] =	stream.strided.gather [hbm4b:s21+s13], $0x8000, s14, s13, $0x38;
	[tilespmem:$0x10000] =	vst v63  }
0x241: {  	v33 =	vmov s22;
	_ =	swait.ge [sflag:s15], $0x8000  }
0x242: {  	v33 =	vshll.u32 v33, $0x5;
	[sflag:s15] =	ssyncset.done $0x0  }
0x243: {  	s23 =	simm.s32 $0x0;
	v33 =	vor.u32 v1, v33;
	[sflag:s15] =	ssyncadd.s32 $0xFFFF8000  }
0x244: {  	v35 =	vor.u32 v0, v33;
	v34 =	vld [tilespmem:s23+$0x0];
	_ =	sdelay $0x4  }
0x245: {  	[tilespmem:v35+s16+$0x0] =	vst.idx.msk $0xffff, v34  }
0x246: {  	v62 =	vor.u32 v2, v33;
	v34 =	vld [tilespmem:s23+$0x400];
	_ =	sdelay $0x4  }
0x247: {  	[tilespmem:v62+s16+$0x0] =	vst.idx.msk $0xffff, v34  }
0x248: {  	v63 =	vor.u32 v3, v33;
	v34 =	vld [tilespmem:s23+$0x800];
	_ =	sdelay $0x4  }
0x249: {  	[tilespmem:v63+s16+$0x0] =	vst.idx.msk $0xffff, v34  }
0x24a: {  	v36 =	vor.u32 v4, v33;
	v34 =	vld [tilespmem:s23+$0xC00];
	_ =	sdelay $0x4  }
0x24b: {  	[tilespmem:v36+s16+$0x0] =	vst.idx.msk $0xffff, v34  }
0x24c: {  	v37 =	vor.u32 v5, v33;
	v34 =	vld [tilespmem:s23+$0x1000];
	_ =	sdelay $0x4  }
0x24d: {  	[tilespmem:v37+s16+$0x0] =	vst.idx.msk $0xffff, v34  }
0x24e: {  	v38 =	vor.u32 v6, v33;
	v34 =	vld [tilespmem:s23+$0x1400];
	_ =	sdelay $0x4  }
0x24f: {  	[tilespmem:v38+s16+$0x0] =	vst.idx.msk $0xffff, v34  }
0x250: {  	v39 =	vor.u32 v7, v33;
	v34 =	vld [tilespmem:s23+$0x1800];
	_ =	sdelay $0x4  }
0x251: {  	[tilespmem:v39+s16+$0x0] =	vst.idx.msk $0xffff, v34  }
0x252: {  	v40 =	vor.u32 v8, v33;
	v34 =	vld [tilespmem:s23+$0x1C00];
	_ =	sdelay $0x4  }
0x253: {  	[tilespmem:v40+s16+$0x0] =	vst.idx.msk $0xffff, v34  }
0x254: {  	v41 =	vor.u32 v9, v33;
	v34 =	vld [tilespmem:s23+$0x2000];
	_ =	sdelay $0x4  }
0x255: {  	[tilespmem:v41+s16+$0x0] =	vst.idx.msk $0xffff, v34  }
0x256: {  	v42 =	vor.u32 v10, v33;
	v34 =	vld [tilespmem:s23+$0x2400];
	_ =	sdelay $0x4  }
0x257: {  	[tilespmem:v42+s16+$0x0] =	vst.idx.msk $0xffff, v34  }
0x258: {  	v43 =	vor.u32 v11, v33;
	v34 =	vld [tilespmem:s23+$0x2800];
	_ =	sdelay $0x4  }
0x259: {  	[tilespmem:v43+s16+$0x0] =	vst.idx.msk $0xffff, v34  }
0x25a: {  	v44 =	vor.u32 v12, v33;
	v34 =	vld [tilespmem:s23+$0x2C00];
	_ =	sdelay $0x4  }
0x25b: {  	[tilespmem:v44+s16+$0x0] =	vst.idx.msk $0xffff, v34  }
0x25c: {  	v45 =	vor.u32 v13, v33;
	v34 =	vld [tilespmem:s23+$0x3000];
	_ =	sdelay $0x4  }
0x25d: {  	[tilespmem:v45+s16+$0x0] =	vst.idx.msk $0xffff, v34  }
0x25e: {  	v46 =	vor.u32 v14, v33;
	v34 =	vld [tilespmem:s23+$0x3400];
	_ =	sdelay $0x4  }
0x25f: {  	[tilespmem:v46+s16+$0x0] =	vst.idx.msk $0xffff, v34  }
0x260: {  	v47 =	vor.u32 v15, v33;
	v34 =	vld [tilespmem:s23+$0x3800];
	_ =	sdelay $0x4  }
0x261: {  	[tilespmem:v47+s16+$0x0] =	vst.idx.msk $0xffff, v34  }
0x262: {  	v48 =	vor.u32 v16, v33;
	v34 =	vld [tilespmem:s23+$0x3C00];
	_ =	sdelay $0x4  }
0x263: {  	[tilespmem:v48+s16+$0x0] =	vst.idx.msk $0xffff, v34  }
0x264: {  	v49 =	vor.u32 v28, v33;
	v34 =	vld [tilespmem:s23+$0x4000];
	_ =	sdelay $0x4  }
0x265: {  	[tilespmem:v49+s16+$0x0] =	vst.idx.msk $0xffff, v34  }
0x266: {  	v50 =	vor.u32 v17, v33;
	v34 =	vld [tilespmem:s23+$0x4400];
	_ =	sdelay $0x4  }
0x267: {  	[tilespmem:v50+s16+$0x0] =	vst.idx.msk $0xffff, v34  }
0x268: {  	v51 =	vor.u32 v19, v33;
	v34 =	vld [tilespmem:s23+$0x4800];
	_ =	sdelay $0x4  }
0x269: {  	[tilespmem:v51+s16+$0x0] =	vst.idx.msk $0xffff, v34  }
0x26a: {  	v52 =	vor.u32 v20, v33;
	v34 =	vld [tilespmem:s23+$0x4C00];
	_ =	sdelay $0x4  }
0x26b: {  	[tilespmem:v52+s16+$0x0] =	vst.idx.msk $0xffff, v34  }
0x26c: {  	v53 =	vor.u32 v18, v33;
	v34 =	vld [tilespmem:s23+$0x5000];
	_ =	sdelay $0x4  }
0x26d: {  	[tilespmem:v53+s16+$0x0] =	vst.idx.msk $0xffff, v34  }
0x26e: {  	v54 =	vor.u32 v21, v33;
	v34 =	vld [tilespmem:s23+$0x5400];
	_ =	sdelay $0x4  }
0x26f: {  	[tilespmem:v54+s16+$0x0] =	vst.idx.msk $0xffff, v34  }
0x270: {  	v55 =	vor.u32 v22, v33;
	v34 =	vld [tilespmem:s23+$0x5800];
	_ =	sdelay $0x4  }
0x271: {  	[tilespmem:v55+s16+$0x0] =	vst.idx.msk $0xffff, v34  }
0x272: {  	v56 =	vor.u32 v23, v33;
	v34 =	vld [tilespmem:s23+$0x5C00];
	_ =	sdelay $0x4  }
0x273: {  	[tilespmem:v56+s16+$0x0] =	vst.idx.msk $0xffff, v34  }
0x274: {  	v57 =	vor.u32 v24, v33;
	v34 =	vld [tilespmem:s23+$0x6000];
	_ =	sdelay $0x4  }
0x275: {  	[tilespmem:v57+s16+$0x0] =	vst.idx.msk $0xffff, v34  }
0x276: {  	v58 =	vor.u32 v25, v33;
	v34 =	vld [tilespmem:s23+$0x6400];
	_ =	sdelay $0x4  }
0x277: {  	[tilespmem:v58+s16+$0x0] =	vst.idx.msk $0xffff, v34  }
0x278: {  	v59 =	vor.u32 v26, v33;
	v34 =	vld [tilespmem:s23+$0x6800];
	_ =	sdelay $0x4  }
0x279: {  	[tilespmem:v59+s16+$0x0] =	vst.idx.msk $0xffff, v34  }
0x27a: {  	v60 =	vor.u32 v27, v33;
	v34 =	vld [tilespmem:s23+$0x6C00];
	_ =	sdelay $0x4  }
0x27b: {  	[tilespmem:v60+s16+$0x0] =	vst.idx.msk $0xffff, v34  }
0x27c: {  	v61 =	vor.u32 v29, v33;
	v34 =	vld [tilespmem:s23+$0x7000];
	_ =	sdelay $0x4  }
0x27d: {  	[tilespmem:v61+s16+$0x0] =	vst.idx.msk $0xffff, v34  }
0x27e: {  	v62 =	vor.u32 v30, v33;
	v34 =	vld [tilespmem:s23+$0x7400];
	_ =	sdelay $0x4  }
0x27f: {  	[tilespmem:v62+s16+$0x0] =	vst.idx.msk $0xffff, v34  }
0x280: {  	v63 =	vor.u32 v31, v33;
	v34 =	vld [tilespmem:s23+$0x7800];
	_ =	sdelay $0x4  }
0x281: {  	[tilespmem:v63+s16+$0x0] =	vst.idx.msk $0xffff, v34  }
0x282: {  	v35 =	vor.u32 v32, v33;
	v34 =	vld [tilespmem:s23+$0x7C00];
	_ =	sdelay $0x1  }
0x283: {  	s21 =	simm.s32 $0x10  }
0x284: {  	s22 =	simm.s32 $0x40;
	v33 =	vmov s21;
	s23 =	simm.s32 $0x80  }
.LBB2_16:
0x285: {  	p0 =	sne.s32 s23, $0xFC0;
	v33 =	vshll.u32 v33, $0x5  }
0x286: {  	s24 =	sshra.s32 s22, $0x2;
	s22 =	smov.u32 s23;
	v33 =	vor.u32 v1, v33;
	[tilespmem:v35+s16+$0x0] =	vst.idx.msk $0xffff, v34  }
0x287: {  	v34 =	vld [tilespmem:s24+$0x0];
	v35 =	vor.u32 v0, v33;
	_ =	sdelay $0x4  }
0x288: {  	[tilespmem:v35+s16+$0x0] =	vst.idx.msk $0xffff, v34  }
0x289: {  	v35 =	vor.u32 v2, v33;
	v34 =	vld [tilespmem:s24+$0x400];
	_ =	sdelay $0x4  }
0x28a: {  	[tilespmem:v35+s16+$0x0] =	vst.idx.msk $0xffff, v34  }
0x28b: {  	v35 =	vor.u32 v3, v33;
	v34 =	vld [tilespmem:s24+$0x800];
	_ =	sdelay $0x4  }
0x28c: {  	[tilespmem:v35+s16+$0x0] =	vst.idx.msk $0xffff, v34  }
0x28d: {  	v35 =	vor.u32 v4, v33;
	v34 =	vld [tilespmem:s24+$0xC00];
	_ =	sdelay $0x4  }
0x28e: {  	[tilespmem:v35+s16+$0x0] =	vst.idx.msk $0xffff, v34  }
0x28f: {  	v35 =	vor.u32 v5, v33;
	v34 =	vld [tilespmem:s24+$0x1000];
	_ =	sdelay $0x4  }
0x290: {  	[tilespmem:v35+s16+$0x0] =	vst.idx.msk $0xffff, v34  }
0x291: {  	v35 =	vor.u32 v6, v33;
	v34 =	vld [tilespmem:s24+$0x1400];
	_ =	sdelay $0x4  }
0x292: {  	[tilespmem:v35+s16+$0x0] =	vst.idx.msk $0xffff, v34  }
0x293: {  	v35 =	vor.u32 v7, v33;
	v34 =	vld [tilespmem:s24+$0x1800];
	_ =	sdelay $0x4  }
0x294: {  	[tilespmem:v35+s16+$0x0] =	vst.idx.msk $0xffff, v34  }
0x295: {  	v35 =	vor.u32 v8, v33;
	v34 =	vld [tilespmem:s24+$0x1C00];
	_ =	sdelay $0x4  }
0x296: {  	[tilespmem:v35+s16+$0x0] =	vst.idx.msk $0xffff, v34  }
0x297: {  	v35 =	vor.u32 v9, v33;
	v34 =	vld [tilespmem:s24+$0x2000];
	_ =	sdelay $0x4  }
0x298: {  	[tilespmem:v35+s16+$0x0] =	vst.idx.msk $0xffff, v34  }
0x299: {  	v35 =	vor.u32 v10, v33;
	v34 =	vld [tilespmem:s24+$0x2400];
	_ =	sdelay $0x4  }
0x29a: {  	[tilespmem:v35+s16+$0x0] =	vst.idx.msk $0xffff, v34  }
0x29b: {  	v35 =	vor.u32 v11, v33;
	v34 =	vld [tilespmem:s24+$0x2800];
	_ =	sdelay $0x4  }
0x29c: {  	[tilespmem:v35+s16+$0x0] =	vst.idx.msk $0xffff, v34  }
0x29d: {  	v35 =	vor.u32 v12, v33;
	v34 =	vld [tilespmem:s24+$0x2C00];
	_ =	sdelay $0x4  }
0x29e: {  	[tilespmem:v35+s16+$0x0] =	vst.idx.msk $0xffff, v34  }
0x29f: {  	v35 =	vor.u32 v13, v33;
	v34 =	vld [tilespmem:s24+$0x3000];
	_ =	sdelay $0x4  }
0x2a0: {  	[tilespmem:v35+s16+$0x0] =	vst.idx.msk $0xffff, v34  }
0x2a1: {  	v35 =	vor.u32 v14, v33;
	v34 =	vld [tilespmem:s24+$0x3400];
	_ =	sdelay $0x4  }
0x2a2: {  	[tilespmem:v35+s16+$0x0] =	vst.idx.msk $0xffff, v34  }
0x2a3: {  	v35 =	vor.u32 v15, v33;
	v34 =	vld [tilespmem:s24+$0x3800];
	_ =	sdelay $0x4  }
0x2a4: {  	[tilespmem:v35+s16+$0x0] =	vst.idx.msk $0xffff, v34  }
0x2a5: {  	v35 =	vor.u32 v16, v33;
	v34 =	vld [tilespmem:s24+$0x3C00];
	_ =	sdelay $0x4  }
0x2a6: {  	[tilespmem:v35+s16+$0x0] =	vst.idx.msk $0xffff, v34  }
0x2a7: {  	v35 =	vor.u32 v28, v33;
	v34 =	vld [tilespmem:s24+$0x4000];
	_ =	sdelay $0x4  }
0x2a8: {  	[tilespmem:v35+s16+$0x0] =	vst.idx.msk $0xffff, v34  }
0x2a9: {  	v35 =	vor.u32 v17, v33;
	v34 =	vld [tilespmem:s24+$0x4400];
	_ =	sdelay $0x4  }
0x2aa: {  	[tilespmem:v35+s16+$0x0] =	vst.idx.msk $0xffff, v34  }
0x2ab: {  	v35 =	vor.u32 v19, v33;
	v34 =	vld [tilespmem:s24+$0x4800];
	_ =	sdelay $0x4  }
0x2ac: {  	[tilespmem:v35+s16+$0x0] =	vst.idx.msk $0xffff, v34  }
0x2ad: {  	v35 =	vor.u32 v20, v33;
	v34 =	vld [tilespmem:s24+$0x4C00];
	_ =	sdelay $0x4  }
0x2ae: {  	[tilespmem:v35+s16+$0x0] =	vst.idx.msk $0xffff, v34  }
0x2af: {  	v35 =	vor.u32 v18, v33;
	v34 =	vld [tilespmem:s24+$0x5000];
	_ =	sdelay $0x4  }
0x2b0: {  	[tilespmem:v35+s16+$0x0] =	vst.idx.msk $0xffff, v34  }
0x2b1: {  	v35 =	vor.u32 v21, v33;
	v34 =	vld [tilespmem:s24+$0x5400];
	_ =	sdelay $0x4  }
0x2b2: {  	[tilespmem:v35+s16+$0x0] =	vst.idx.msk $0xffff, v34  }
0x2b3: {  	v35 =	vor.u32 v22, v33;
	v34 =	vld [tilespmem:s24+$0x5800];
	_ =	sdelay $0x4  }
0x2b4: {  	[tilespmem:v35+s16+$0x0] =	vst.idx.msk $0xffff, v34  }
0x2b5: {  	v35 =	vor.u32 v23, v33;
	v34 =	vld [tilespmem:s24+$0x5C00];
	_ =	sdelay $0x4  }
0x2b6: {  	[tilespmem:v35+s16+$0x0] =	vst.idx.msk $0xffff, v34  }
0x2b7: {  	v35 =	vor.u32 v24, v33;
	v34 =	vld [tilespmem:s24+$0x6000];
	_ =	sdelay $0x4  }
0x2b8: {  	[tilespmem:v35+s16+$0x0] =	vst.idx.msk $0xffff, v34  }
0x2b9: {  	v35 =	vor.u32 v25, v33;
	v34 =	vld [tilespmem:s24+$0x6400];
	_ =	sdelay $0x4  }
0x2ba: {  	[tilespmem:v35+s16+$0x0] =	vst.idx.msk $0xffff, v34  }
0x2bb: {  	v35 =	vor.u32 v26, v33;
	v34 =	vld [tilespmem:s24+$0x6800];
	_ =	sdelay $0x4  }
0x2bc: {  	[tilespmem:v35+s16+$0x0] =	vst.idx.msk $0xffff, v34  }
0x2bd: {  	v35 =	vor.u32 v27, v33;
	v34 =	vld [tilespmem:s24+$0x6C00];
	_ =	sdelay $0x4  }
0x2be: {  	[tilespmem:v35+s16+$0x0] =	vst.idx.msk $0xffff, v34  }
0x2bf: {  	v35 =	vor.u32 v29, v33;
	v34 =	vld [tilespmem:s24+$0x7000];
	_ =	sdelay $0x4  }
0x2c0: {  	[tilespmem:v35+s16+$0x0] =	vst.idx.msk $0xffff, v34  }
0x2c1: {  	v35 =	vor.u32 v30, v33;
	v34 =	vld [tilespmem:s24+$0x7400];
	_ =	sdelay $0x4  }
0x2c2: {  	[tilespmem:v35+s16+$0x0] =	vst.idx.msk $0xffff, v34  }
0x2c3: {  	v35 =	vor.u32 v31, v33;
	v34 =	vld [tilespmem:s24+$0x7800];
	_ =	sdelay $0x4  }
.Ltmp13:
0x2c4: {  	[tilespmem:v35+s16+$0x0] =	vst.idx.msk $0xffff, v34;
	(pc) =	sbr.rel @p0 .LBB2_16-.Ltmp13, $3  }
0x2c5: {  	v35 =	vor.u32 v32, v33;
	v34 =	vld [tilespmem:s24+$0x7C00];
	_ =	sdelay $0x1  }
0x2c6: {  	s21 =	sadd.s32 $0x10, s21  }
0x2c7: {  	s23 =	sadd.s32 $0x40, s23;
	v33 =	vmov s21  }
0x2c8: {  	_ =	sdelay $0x2  }
0x2c9: {  	v33 =	vshll.u32 v33, $0x5  }
0x2ca: {  	s21 =	sshra.s32 s22, $0x2;
	v33 =	vor.u32 v1, v33;
	[tilespmem:v35+s16+$0x0] =	vst.idx.msk $0xffff, v34  }
0x2cb: {  	v34 =	vld [tilespmem:s21+$0x0];
	v61 =	vor.u32 v0, v33;
	_ =	sdelay $0x4  }
0x2cc: {  	[tilespmem:v61+s16+$0x0] =	vst.idx.msk $0xffff, v34  }
0x2cd: {  	v62 =	vor.u32 v2, v33;
	v34 =	vld [tilespmem:s21+$0x400];
	_ =	sdelay $0x4  }
0x2ce: {  	[tilespmem:v62+s16+$0x0] =	vst.idx.msk $0xffff, v34  }
0x2cf: {  	v63 =	vor.u32 v3, v33;
	v34 =	vld [tilespmem:s21+$0x800];
	_ =	sdelay $0x4  }
0x2d0: {  	[tilespmem:v63+s16+$0x0] =	vst.idx.msk $0xffff, v34  }
0x2d1: {  	v36 =	vor.u32 v4, v33;
	v34 =	vld [tilespmem:s21+$0xC00];
	_ =	sdelay $0x4  }
0x2d2: {  	[tilespmem:v36+s16+$0x0] =	vst.idx.msk $0xffff, v34  }
0x2d3: {  	v37 =	vor.u32 v5, v33;
	v34 =	vld [tilespmem:s21+$0x1000];
	_ =	sdelay $0x4  }
0x2d4: {  	[tilespmem:v37+s16+$0x0] =	vst.idx.msk $0xffff, v34  }
0x2d5: {  	v38 =	vor.u32 v6, v33;
	v34 =	vld [tilespmem:s21+$0x1400];
	_ =	sdelay $0x4  }
0x2d6: {  	[tilespmem:v38+s16+$0x0] =	vst.idx.msk $0xffff, v34  }
0x2d7: {  	v39 =	vor.u32 v7, v33;
	v34 =	vld [tilespmem:s21+$0x1800];
	_ =	sdelay $0x4  }
0x2d8: {  	[tilespmem:v39+s16+$0x0] =	vst.idx.msk $0xffff, v34  }
0x2d9: {  	v40 =	vor.u32 v8, v33;
	v34 =	vld [tilespmem:s21+$0x1C00];
	_ =	sdelay $0x4  }
0x2da: {  	[tilespmem:v40+s16+$0x0] =	vst.idx.msk $0xffff, v34  }
0x2db: {  	v41 =	vor.u32 v9, v33;
	v34 =	vld [tilespmem:s21+$0x2000];
	_ =	sdelay $0x4  }
0x2dc: {  	[tilespmem:v41+s16+$0x0] =	vst.idx.msk $0xffff, v34  }
0x2dd: {  	v42 =	vor.u32 v10, v33;
	v34 =	vld [tilespmem:s21+$0x2400];
	_ =	sdelay $0x4  }
0x2de: {  	[tilespmem:v42+s16+$0x0] =	vst.idx.msk $0xffff, v34  }
0x2df: {  	v43 =	vor.u32 v11, v33;
	v34 =	vld [tilespmem:s21+$0x2800];
	_ =	sdelay $0x4  }
0x2e0: {  	[tilespmem:v43+s16+$0x0] =	vst.idx.msk $0xffff, v34  }
0x2e1: {  	v44 =	vor.u32 v12, v33;
	v34 =	vld [tilespmem:s21+$0x2C00];
	_ =	sdelay $0x4  }
0x2e2: {  	[tilespmem:v44+s16+$0x0] =	vst.idx.msk $0xffff, v34  }
0x2e3: {  	v45 =	vor.u32 v13, v33;
	v34 =	vld [tilespmem:s21+$0x3000];
	_ =	sdelay $0x4  }
0x2e4: {  	[tilespmem:v45+s16+$0x0] =	vst.idx.msk $0xffff, v34  }
0x2e5: {  	v46 =	vor.u32 v14, v33;
	v34 =	vld [tilespmem:s21+$0x3400];
	_ =	sdelay $0x4  }
0x2e6: {  	[tilespmem:v46+s16+$0x0] =	vst.idx.msk $0xffff, v34  }
0x2e7: {  	v47 =	vor.u32 v15, v33;
	v34 =	vld [tilespmem:s21+$0x3800];
	_ =	sdelay $0x4  }
0x2e8: {  	[tilespmem:v47+s16+$0x0] =	vst.idx.msk $0xffff, v34  }
0x2e9: {  	v48 =	vor.u32 v16, v33;
	v34 =	vld [tilespmem:s21+$0x3C00];
	_ =	sdelay $0x4  }
0x2ea: {  	[tilespmem:v48+s16+$0x0] =	vst.idx.msk $0xffff, v34  }
0x2eb: {  	v49 =	vor.u32 v28, v33;
	v34 =	vld [tilespmem:s21+$0x4000];
	_ =	sdelay $0x4  }
0x2ec: {  	[tilespmem:v49+s16+$0x0] =	vst.idx.msk $0xffff, v34  }
0x2ed: {  	v50 =	vor.u32 v17, v33;
	v34 =	vld [tilespmem:s21+$0x4400];
	_ =	sdelay $0x4  }
0x2ee: {  	[tilespmem:v50+s16+$0x0] =	vst.idx.msk $0xffff, v34  }
0x2ef: {  	v51 =	vor.u32 v19, v33;
	v34 =	vld [tilespmem:s21+$0x4800];
	_ =	sdelay $0x4  }
0x2f0: {  	[tilespmem:v51+s16+$0x0] =	vst.idx.msk $0xffff, v34  }
0x2f1: {  	v52 =	vor.u32 v20, v33;
	v34 =	vld [tilespmem:s21+$0x4C00];
	_ =	sdelay $0x4  }
0x2f2: {  	[tilespmem:v52+s16+$0x0] =	vst.idx.msk $0xffff, v34  }
0x2f3: {  	v53 =	vor.u32 v18, v33;
	v34 =	vld [tilespmem:s21+$0x5000];
	_ =	sdelay $0x4  }
0x2f4: {  	[tilespmem:v53+s16+$0x0] =	vst.idx.msk $0xffff, v34  }
0x2f5: {  	v54 =	vor.u32 v21, v33;
	v34 =	vld [tilespmem:s21+$0x5400];
	_ =	sdelay $0x4  }
0x2f6: {  	[tilespmem:v54+s16+$0x0] =	vst.idx.msk $0xffff, v34  }
0x2f7: {  	v55 =	vor.u32 v22, v33;
	v34 =	vld [tilespmem:s21+$0x5800];
	_ =	sdelay $0x4  }
0x2f8: {  	[tilespmem:v55+s16+$0x0] =	vst.idx.msk $0xffff, v34  }
0x2f9: {  	v56 =	vor.u32 v23, v33;
	v34 =	vld [tilespmem:s21+$0x5C00];
	_ =	sdelay $0x4  }
0x2fa: {  	[tilespmem:v56+s16+$0x0] =	vst.idx.msk $0xffff, v34  }
0x2fb: {  	v57 =	vor.u32 v24, v33;
	v34 =	vld [tilespmem:s21+$0x6000];
	_ =	sdelay $0x4  }
0x2fc: {  	[tilespmem:v57+s16+$0x0] =	vst.idx.msk $0xffff, v34  }
0x2fd: {  	v58 =	vor.u32 v25, v33;
	v34 =	vld [tilespmem:s21+$0x6400];
	_ =	sdelay $0x4  }
0x2fe: {  	[tilespmem:v58+s16+$0x0] =	vst.idx.msk $0xffff, v34  }
0x2ff: {  	v59 =	vor.u32 v26, v33;
	v34 =	vld [tilespmem:s21+$0x6800];
	_ =	sdelay $0x4  }
0x300: {  	[tilespmem:v59+s16+$0x0] =	vst.idx.msk $0xffff, v34  }
0x301: {  	v60 =	vor.u32 v27, v33;
	v34 =	vld [tilespmem:s21+$0x6C00];
	_ =	sdelay $0x4  }
0x302: {  	[tilespmem:v60+s16+$0x0] =	vst.idx.msk $0xffff, v34  }
0x303: {  	v61 =	vor.u32 v29, v33;
	v34 =	vld [tilespmem:s21+$0x7000];
	_ =	sdelay $0x4  }
0x304: {  	[tilespmem:v61+s16+$0x0] =	vst.idx.msk $0xffff, v34  }
0x305: {  	v62 =	vor.u32 v30, v33;
	v34 =	vld [tilespmem:s21+$0x7400];
	_ =	sdelay $0x4  }
0x306: {  	[tilespmem:v62+s16+$0x0] =	vst.idx.msk $0xffff, v34  }
0x307: {  	v63 =	vor.u32 v31, v33;
	v34 =	vld [tilespmem:s21+$0x7800];
	_ =	sdelay $0x4  }
0x308: {  	[tilespmem:v63+s16+$0x0] =	vst.idx.msk $0xffff, v34  }
0x309: {  	v33 =	vor.u32 v32, v33;
	v34 =	vld [tilespmem:s21+$0x7C00];
	_ =	sdelay $0x3  }
0x30a: {  	s20 =	sshll.u32 s20, $0xC  }
.Ltmp14:
0x30b: {  	s20 =	sadd.s32 s6, s20;
	[tilespmem:v33+s16+$0x0] =	vst.idx.msk $0xffff, v34;
	(pc) =	sbr.rel .LBB2_24-.Ltmp14, $4  }
0x30c: {  	[hbm4b:s20+s1] =	stream.linear.scatter [tilespmem:s16], [sflag:$0x2], $0x8000, $0x38;
	[tilespmem:$0x10000] =	vst v63  }
0x30d: {  	_ =	swait.ge [sflag:s15], $0x8000  }
0x30e: {  	[sflag:s15] =	ssyncset.done $0x0  }
0x30f: {  	[sflag:s15] =	ssyncadd.s32 $0xFFFF8000  }
.LBB2_18:
0x310: {  	p0 =	sne.s32 s20, $0x3D0  }
.Ltmp15:
0x311: {  	_ = 	snop;
	(pc) =	sbr.rel @p0 .LBB2_24-.Ltmp15, $1  }
0x312: {  	_ =	sdelay $0x3  }
0x313: {  	s20 =	simm.s32 $0x1000  }
0x314: {  	s23 =	simm.s32 $0x0;
	s21 =	sadd.s32 $0x1E848, s10;
	s22 =	smov.u32 s10  }
.LBB2_20:
0x315: {  	[tilespmem:s23], [sflag:$0x2] =	stream.linear.gather [hbm4b:s22+s1], $0x240, $0x38;
	[tilespmem:$0x10000] =	vst v63  }
0x316: {  	s23 =	smov.u32 s20;
	s22 =	smov.u32 s21;
	p0 =	sne.s32 s20, $0x1F000  }
.Ltmp16:
0x317: {  	s20 =	sadd.s32 $0x1000, s20;
	(pc) =	sbr.rel @p0 .LBB2_20-.Ltmp16, $2  }
0x318: {  	_ =	sdelay $0x2  }
0x319: {  	s21 =	sadd.s32 $0x1E848, s21;
	s23 =	sshra.s32 s23, $0x2  }
0x31a: {  	[tilespmem:s23], [sflag:$0x2] =	stream.linear.gather [hbm4b:s22+s1], $0x240, $0x38;
	[tilespmem:$0x10000] =	vst v63  }
0x31b: {  	s20 =	simm.s32 $0x0  }
0x31c: {  	_ =	swait.ge [sflag:s15], $0x4800;
	v33 =	vmov s20  }
0x31d: {  	[sflag:s15] =	ssyncset.done $0x0;
	v33 =	vshll.u32 v33, $0x5  }
0x31e: {  	s31 =	simm.s32 $0x0;
	[sflag:s15] =	ssyncadd.s32 $0xFFFFB800;
	v33 =	vor.u32 v1, v33  }
0x31f: {  	v34 =	vld [tilespmem:s31+$0x0];
	v35 =	vor.u32 v0, v33;
	_ =	sdelay $0x4  }
0x320: {  	[tilespmem:v35+s16+$0x0] =	vst.idx.msk $0xffff, v34  }
0x321: {  	v62 =	vor.u32 v2, v33;
	v34 =	vld [tilespmem:s31+$0x400];
	_ =	sdelay $0x4  }
0x322: {  	[tilespmem:v62+s16+$0x0] =	vst.idx.msk $0xffff, v34  }
0x323: {  	v63 =	vor.u32 v3, v33;
	v34 =	vld [tilespmem:s31+$0x800];
	_ =	sdelay $0x4  }
0x324: {  	[tilespmem:v63+s16+$0x0] =	vst.idx.msk $0xffff, v34  }
0x325: {  	v36 =	vor.u32 v4, v33;
	v34 =	vld [tilespmem:s31+$0xC00];
	_ =	sdelay $0x4  }
0x326: {  	[tilespmem:v36+s16+$0x0] =	vst.idx.msk $0xffff, v34  }
0x327: {  	v37 =	vor.u32 v5, v33;
	v34 =	vld [tilespmem:s31+$0x1000];
	_ =	sdelay $0x4  }
0x328: {  	[tilespmem:v37+s16+$0x0] =	vst.idx.msk $0xffff, v34  }
0x329: {  	v38 =	vor.u32 v6, v33;
	v34 =	vld [tilespmem:s31+$0x1400];
	_ =	sdelay $0x4  }
0x32a: {  	[tilespmem:v38+s16+$0x0] =	vst.idx.msk $0xffff, v34  }
0x32b: {  	v39 =	vor.u32 v7, v33;
	v34 =	vld [tilespmem:s31+$0x1800];
	_ =	sdelay $0x4  }
0x32c: {  	[tilespmem:v39+s16+$0x0] =	vst.idx.msk $0xffff, v34  }
0x32d: {  	v40 =	vor.u32 v8, v33;
	v34 =	vld [tilespmem:s31+$0x1C00];
	_ =	sdelay $0x4  }
0x32e: {  	[tilespmem:v40+s16+$0x0] =	vst.idx.msk $0xffff, v34  }
0x32f: {  	v41 =	vor.u32 v9, v33;
	v34 =	vld [tilespmem:s31+$0x2000];
	_ =	sdelay $0x4  }
0x330: {  	[tilespmem:v41+s16+$0x0] =	vst.idx.msk $0xffff, v34  }
0x331: {  	v42 =	vor.u32 v10, v33;
	v34 =	vld [tilespmem:s31+$0x2400];
	_ =	sdelay $0x4  }
0x332: {  	[tilespmem:v42+s16+$0x0] =	vst.idx.msk $0xffff, v34  }
0x333: {  	v43 =	vor.u32 v11, v33;
	v34 =	vld [tilespmem:s31+$0x2800];
	_ =	sdelay $0x4  }
0x334: {  	[tilespmem:v43+s16+$0x0] =	vst.idx.msk $0xffff, v34  }
0x335: {  	v44 =	vor.u32 v12, v33;
	v34 =	vld [tilespmem:s31+$0x2C00];
	_ =	sdelay $0x4  }
0x336: {  	[tilespmem:v44+s16+$0x0] =	vst.idx.msk $0xffff, v34  }
0x337: {  	v45 =	vor.u32 v13, v33;
	v34 =	vld [tilespmem:s31+$0x3000];
	_ =	sdelay $0x4  }
0x338: {  	[tilespmem:v45+s16+$0x0] =	vst.idx.msk $0xffff, v34  }
0x339: {  	v46 =	vor.u32 v14, v33;
	v34 =	vld [tilespmem:s31+$0x3400];
	_ =	sdelay $0x4  }
0x33a: {  	[tilespmem:v46+s16+$0x0] =	vst.idx.msk $0xffff, v34  }
0x33b: {  	v47 =	vor.u32 v15, v33;
	v34 =	vld [tilespmem:s31+$0x3800];
	_ =	sdelay $0x4  }
0x33c: {  	[tilespmem:v47+s16+$0x0] =	vst.idx.msk $0xffff, v34  }
0x33d: {  	v48 =	vor.u32 v16, v33;
	v34 =	vld [tilespmem:s31+$0x3C00];
	_ =	sdelay $0x4  }
0x33e: {  	[tilespmem:v48+s16+$0x0] =	vst.idx.msk $0xffff, v34  }
0x33f: {  	v49 =	vor.u32 v28, v33;
	v34 =	vld [tilespmem:s31+$0x4000];
	_ =	sdelay $0x4  }
0x340: {  	[tilespmem:v49+s16+$0x0] =	vst.idx.msk $0xffff, v34  }
0x341: {  	v50 =	vor.u32 v17, v33;
	v34 =	vld [tilespmem:s31+$0x4400];
	_ =	sdelay $0x4  }
0x342: {  	[tilespmem:v50+s16+$0x0] =	vst.idx.msk $0xffff, v34  }
0x343: {  	v51 =	vor.u32 v19, v33;
	v34 =	vld [tilespmem:s31+$0x4800];
	_ =	sdelay $0x4  }
0x344: {  	[tilespmem:v51+s16+$0x0] =	vst.idx.msk $0xffff, v34  }
0x345: {  	v52 =	vor.u32 v20, v33;
	v34 =	vld [tilespmem:s31+$0x4C00];
	_ =	sdelay $0x4  }
0x346: {  	[tilespmem:v52+s16+$0x0] =	vst.idx.msk $0xffff, v34  }
0x347: {  	v53 =	vor.u32 v18, v33;
	v34 =	vld [tilespmem:s31+$0x5000];
	_ =	sdelay $0x4  }
0x348: {  	[tilespmem:v53+s16+$0x0] =	vst.idx.msk $0xffff, v34  }
0x349: {  	v54 =	vor.u32 v21, v33;
	v34 =	vld [tilespmem:s31+$0x5400];
	_ =	sdelay $0x4  }
0x34a: {  	[tilespmem:v54+s16+$0x0] =	vst.idx.msk $0xffff, v34  }
0x34b: {  	v55 =	vor.u32 v22, v33;
	v34 =	vld [tilespmem:s31+$0x5800];
	_ =	sdelay $0x4  }
0x34c: {  	[tilespmem:v55+s16+$0x0] =	vst.idx.msk $0xffff, v34  }
0x34d: {  	v56 =	vor.u32 v23, v33;
	v34 =	vld [tilespmem:s31+$0x5C00];
	_ =	sdelay $0x4  }
0x34e: {  	[tilespmem:v56+s16+$0x0] =	vst.idx.msk $0xffff, v34  }
0x34f: {  	v57 =	vor.u32 v24, v33;
	v34 =	vld [tilespmem:s31+$0x6000];
	_ =	sdelay $0x4  }
0x350: {  	[tilespmem:v57+s16+$0x0] =	vst.idx.msk $0xffff, v34  }
0x351: {  	v58 =	vor.u32 v25, v33;
	v34 =	vld [tilespmem:s31+$0x6400];
	_ =	sdelay $0x4  }
0x352: {  	[tilespmem:v58+s16+$0x0] =	vst.idx.msk $0xffff, v34  }
0x353: {  	v59 =	vor.u32 v26, v33;
	v34 =	vld [tilespmem:s31+$0x6800];
	_ =	sdelay $0x4  }
0x354: {  	[tilespmem:v59+s16+$0x0] =	vst.idx.msk $0xffff, v34  }
0x355: {  	v60 =	vor.u32 v27, v33;
	v34 =	vld [tilespmem:s31+$0x6C00];
	_ =	sdelay $0x4  }
0x356: {  	[tilespmem:v60+s16+$0x0] =	vst.idx.msk $0xffff, v34  }
0x357: {  	v61 =	vor.u32 v29, v33;
	v34 =	vld [tilespmem:s31+$0x7000];
	_ =	sdelay $0x4  }
0x358: {  	[tilespmem:v61+s16+$0x0] =	vst.idx.msk $0xffff, v34  }
0x359: {  	v62 =	vor.u32 v30, v33;
	v34 =	vld [tilespmem:s31+$0x7400];
	_ =	sdelay $0x4  }
0x35a: {  	[tilespmem:v62+s16+$0x0] =	vst.idx.msk $0xffff, v34  }
0x35b: {  	v63 =	vor.u32 v31, v33;
	v34 =	vld [tilespmem:s31+$0x7800];
	_ =	sdelay $0x4  }
0x35c: {  	[tilespmem:v63+s16+$0x0] =	vst.idx.msk $0xffff, v34  }
0x35d: {  	v35 =	vor.u32 v32, v33;
	v34 =	vld [tilespmem:s31+$0x7C00];
	_ =	sdelay $0x1  }
0x35e: {  	s20 =	simm.s32 $0x10  }
0x35f: {  	s21 =	simm.s32 $0x40;
	s22 =	simm.s32 $0x80;
	v33 =	vmov s20  }
.LBB2_22:
0x360: {  	p0 =	sne.s32 s22, $0x8C0;
	v33 =	vshll.u32 v33, $0x5  }
0x361: {  	s23 =	sshra.s32 s21, $0x2;
	s21 =	smov.u32 s22;
	v33 =	vor.u32 v1, v33;
	[tilespmem:v35+s16+$0x0] =	vst.idx.msk $0xffff, v34  }
0x362: {  	v34 =	vld [tilespmem:s23+$0x0];
	v35 =	vor.u32 v0, v33;
	_ =	sdelay $0x4  }
0x363: {  	[tilespmem:v35+s16+$0x0] =	vst.idx.msk $0xffff, v34  }
0x364: {  	v35 =	vor.u32 v2, v33;
	v34 =	vld [tilespmem:s23+$0x400];
	_ =	sdelay $0x4  }
0x365: {  	[tilespmem:v35+s16+$0x0] =	vst.idx.msk $0xffff, v34  }
0x366: {  	v35 =	vor.u32 v3, v33;
	v34 =	vld [tilespmem:s23+$0x800];
	_ =	sdelay $0x4  }
0x367: {  	[tilespmem:v35+s16+$0x0] =	vst.idx.msk $0xffff, v34  }
0x368: {  	v35 =	vor.u32 v4, v33;
	v34 =	vld [tilespmem:s23+$0xC00];
	_ =	sdelay $0x4  }
0x369: {  	[tilespmem:v35+s16+$0x0] =	vst.idx.msk $0xffff, v34  }
0x36a: {  	v35 =	vor.u32 v5, v33;
	v34 =	vld [tilespmem:s23+$0x1000];
	_ =	sdelay $0x4  }
0x36b: {  	[tilespmem:v35+s16+$0x0] =	vst.idx.msk $0xffff, v34  }
0x36c: {  	v35 =	vor.u32 v6, v33;
	v34 =	vld [tilespmem:s23+$0x1400];
	_ =	sdelay $0x4  }
0x36d: {  	[tilespmem:v35+s16+$0x0] =	vst.idx.msk $0xffff, v34  }
0x36e: {  	v35 =	vor.u32 v7, v33;
	v34 =	vld [tilespmem:s23+$0x1800];
	_ =	sdelay $0x4  }
0x36f: {  	[tilespmem:v35+s16+$0x0] =	vst.idx.msk $0xffff, v34  }
0x370: {  	v35 =	vor.u32 v8, v33;
	v34 =	vld [tilespmem:s23+$0x1C00];
	_ =	sdelay $0x4  }
0x371: {  	[tilespmem:v35+s16+$0x0] =	vst.idx.msk $0xffff, v34  }
0x372: {  	v35 =	vor.u32 v9, v33;
	v34 =	vld [tilespmem:s23+$0x2000];
	_ =	sdelay $0x4  }
0x373: {  	[tilespmem:v35+s16+$0x0] =	vst.idx.msk $0xffff, v34  }
0x374: {  	v35 =	vor.u32 v10, v33;
	v34 =	vld [tilespmem:s23+$0x2400];
	_ =	sdelay $0x4  }
0x375: {  	[tilespmem:v35+s16+$0x0] =	vst.idx.msk $0xffff, v34  }
0x376: {  	v35 =	vor.u32 v11, v33;
	v34 =	vld [tilespmem:s23+$0x2800];
	_ =	sdelay $0x4  }
0x377: {  	[tilespmem:v35+s16+$0x0] =	vst.idx.msk $0xffff, v34  }
0x378: {  	v35 =	vor.u32 v12, v33;
	v34 =	vld [tilespmem:s23+$0x2C00];
	_ =	sdelay $0x4  }
0x379: {  	[tilespmem:v35+s16+$0x0] =	vst.idx.msk $0xffff, v34  }
0x37a: {  	v35 =	vor.u32 v13, v33;
	v34 =	vld [tilespmem:s23+$0x3000];
	_ =	sdelay $0x4  }
0x37b: {  	[tilespmem:v35+s16+$0x0] =	vst.idx.msk $0xffff, v34  }
0x37c: {  	v35 =	vor.u32 v14, v33;
	v34 =	vld [tilespmem:s23+$0x3400];
	_ =	sdelay $0x4  }
0x37d: {  	[tilespmem:v35+s16+$0x0] =	vst.idx.msk $0xffff, v34  }
0x37e: {  	v35 =	vor.u32 v15, v33;
	v34 =	vld [tilespmem:s23+$0x3800];
	_ =	sdelay $0x4  }
0x37f: {  	[tilespmem:v35+s16+$0x0] =	vst.idx.msk $0xffff, v34  }
0x380: {  	v35 =	vor.u32 v16, v33;
	v34 =	vld [tilespmem:s23+$0x3C00];
	_ =	sdelay $0x4  }
0x381: {  	[tilespmem:v35+s16+$0x0] =	vst.idx.msk $0xffff, v34  }
0x382: {  	v35 =	vor.u32 v28, v33;
	v34 =	vld [tilespmem:s23+$0x4000];
	_ =	sdelay $0x4  }
0x383: {  	[tilespmem:v35+s16+$0x0] =	vst.idx.msk $0xffff, v34  }
0x384: {  	v35 =	vor.u32 v17, v33;
	v34 =	vld [tilespmem:s23+$0x4400];
	_ =	sdelay $0x4  }
0x385: {  	[tilespmem:v35+s16+$0x0] =	vst.idx.msk $0xffff, v34  }
0x386: {  	v35 =	vor.u32 v19, v33;
	v34 =	vld [tilespmem:s23+$0x4800];
	_ =	sdelay $0x4  }
0x387: {  	[tilespmem:v35+s16+$0x0] =	vst.idx.msk $0xffff, v34  }
0x388: {  	v35 =	vor.u32 v20, v33;
	v34 =	vld [tilespmem:s23+$0x4C00];
	_ =	sdelay $0x4  }
0x389: {  	[tilespmem:v35+s16+$0x0] =	vst.idx.msk $0xffff, v34  }
0x38a: {  	v35 =	vor.u32 v18, v33;
	v34 =	vld [tilespmem:s23+$0x5000];
	_ =	sdelay $0x4  }
0x38b: {  	[tilespmem:v35+s16+$0x0] =	vst.idx.msk $0xffff, v34  }
0x38c: {  	v35 =	vor.u32 v21, v33;
	v34 =	vld [tilespmem:s23+$0x5400];
	_ =	sdelay $0x4  }
0x38d: {  	[tilespmem:v35+s16+$0x0] =	vst.idx.msk $0xffff, v34  }
0x38e: {  	v35 =	vor.u32 v22, v33;
	v34 =	vld [tilespmem:s23+$0x5800];
	_ =	sdelay $0x4  }
0x38f: {  	[tilespmem:v35+s16+$0x0] =	vst.idx.msk $0xffff, v34  }
0x390: {  	v35 =	vor.u32 v23, v33;
	v34 =	vld [tilespmem:s23+$0x5C00];
	_ =	sdelay $0x4  }
0x391: {  	[tilespmem:v35+s16+$0x0] =	vst.idx.msk $0xffff, v34  }
0x392: {  	v35 =	vor.u32 v24, v33;
	v34 =	vld [tilespmem:s23+$0x6000];
	_ =	sdelay $0x4  }
0x393: {  	[tilespmem:v35+s16+$0x0] =	vst.idx.msk $0xffff, v34  }
0x394: {  	v35 =	vor.u32 v25, v33;
	v34 =	vld [tilespmem:s23+$0x6400];
	_ =	sdelay $0x4  }
0x395: {  	[tilespmem:v35+s16+$0x0] =	vst.idx.msk $0xffff, v34  }
0x396: {  	v35 =	vor.u32 v26, v33;
	v34 =	vld [tilespmem:s23+$0x6800];
	_ =	sdelay $0x4  }
0x397: {  	[tilespmem:v35+s16+$0x0] =	vst.idx.msk $0xffff, v34  }
0x398: {  	v35 =	vor.u32 v27, v33;
	v34 =	vld [tilespmem:s23+$0x6C00];
	_ =	sdelay $0x4  }
0x399: {  	[tilespmem:v35+s16+$0x0] =	vst.idx.msk $0xffff, v34  }
0x39a: {  	v35 =	vor.u32 v29, v33;
	v34 =	vld [tilespmem:s23+$0x7000];
	_ =	sdelay $0x4  }
0x39b: {  	[tilespmem:v35+s16+$0x0] =	vst.idx.msk $0xffff, v34  }
0x39c: {  	v35 =	vor.u32 v30, v33;
	v34 =	vld [tilespmem:s23+$0x7400];
	_ =	sdelay $0x4  }
0x39d: {  	[tilespmem:v35+s16+$0x0] =	vst.idx.msk $0xffff, v34  }
0x39e: {  	v35 =	vor.u32 v31, v33;
	v34 =	vld [tilespmem:s23+$0x7800];
	_ =	sdelay $0x4  }
.Ltmp17:
0x39f: {  	[tilespmem:v35+s16+$0x0] =	vst.idx.msk $0xffff, v34;
	(pc) =	sbr.rel @p0 .LBB2_22-.Ltmp17, $3  }
0x3a0: {  	v35 =	vor.u32 v32, v33;
	v34 =	vld [tilespmem:s23+$0x7C00];
	_ =	sdelay $0x1  }
0x3a1: {  	s20 =	sadd.s32 $0x10, s20  }
0x3a2: {  	s22 =	sadd.s32 $0x40, s22;
	v33 =	vmov s20  }
.Ltmp18:
0x3a3: {  	_ = 	snop;
	(pc) =	sbr.rel .LBB2_23-.Ltmp18, $1  }
0x3a4: {  	_ =	sdelay $0x3  }
.LBB2_26:
0x3a5: {  	_ =	sfence.sel $0x180000  }
0x3a6: {  	[bflag:$0x0] =	sbarrier.arrive $0xFFFF  }
0x3a7: {  	p0 =	sne.s32 s5, $0x0;
	_ =	strace $0x90000047  }
0x3a8: {  	s0 =	sadd.s32 @!p0 $0x100000, s0;
	[bflag:$0x2] =	sbarrier.arrive $0xFFFF  }
0x3a9: {  	[sflag:s0] =	ssyncadd.tile.s32 @!p0 $0x1;
	_ =	shalt  }
.Lfunc_end2:
_tile_overlayer_lowered:
.L_overlay_start_2:
0x3aa: {  	(tag) =	ssettag $0x2  }
0x3ab: {  	s0 =	rddreg [dreg:$0x0];
	s2 =	stileid.u32  }
0x3ac: {  	s1 =	rddreg [dreg:$0x1];
	p0 =	sne.s32 s2, $0x0  }
0x3ad: {  	s3 =	rddreg [dreg:$0x2];
	[bflag:$0x3] =	sbarrier.arrive $0xFFFF;
	s2 =	simm.s32 @!p0 $0x1C01  }
0x3ae: {  	[timem:s3], [sflag:s2] =	dma.local @!p0 [hbm:s0], s1  }
0x3af: {  	s0 =	simm.s32 @!p0 $0x1  }
0x3b0: {  	_ =	swait.ge @!p0 [sflag:s0], s1  }
0x3b1: {  	s1 =	ssub.s32 @!p0 $0x0, s1;
	[sflag:s0] =	ssyncset.done @!p0 $0x0  }
0x3b2: {  	[sflag:s0] =	ssyncadd.s32 @!p0 s1  }
0x3b3: {  	[bflag:$0x3] =	sbarrier.arrive $0xFFFF  }
0x3b4: {  	_ =	shalt  }

// kernel: kernel.7.cloned.1.call-start
scs
__scs_entry_jumppad:
0x0: {  	(pc) =	sbr.rel $0x88, $3  }
0x1: {  	(tag) =	ssettag $0x0;
	lr =	simm.s32 $0x1  }
0x2: {  	[smem:$0x3F9C] =	sst lr;
	_ =	strace $0xD0000000  }
0x3: {  	_ = 	snop  }
0x4: {  	_ = 	snop  }
0x5: {  	_ = 	snop  }
0x6: {  	_ = 	snop  }
0x7: {  	_ = 	snop  }
__scs_overlays_trampoline_lowered:
0x8: {  	[smem:$0x3FAB] =	sst s0  }
0x9: {  	[smem:$0x3FAC] =	sst s1  }
0xa: {  	[smem:$0x3FAD] =	sst s2  }
0xb: {  	[smem:$0x3FAE] =	sst s3  }
0xc: {  	[smem:$0x3FAF] =	sst s4  }
0xd: {  	[smem:$0x3FB0] =	sst s5  }
0xe: {  	[smem:$0x3FB1] =	sst s6  }
0xf: {  	[smem:$0x3FB2] =	sst s7  }
0x10: {  	[smem:$0x3FB3] =	sst s8  }
0x11: {  	[smem:$0x3FB4] =	sst s9;
	s0 =	simm.s32 @!p0 $0x0  }
0x12: {  	s1 =	sld [smem:$0x3F9A];
	s0 =	simm.s32 @p0 $0x1  }
0x13: {  	[smem:$0x3FB5] =	sst s0;
	s0 =	simm.s32 @!p1 $0x0  }
0x14: {  	s2 =	sld [smem:$0x3F99];
	s0 =	simm.s32 @p1 $0x1  }
0x15: {  	[smem:$0x3FB6] =	sst s0;
	s0 =	simm.s32 @!p2 $0x0  }
0x16: {  	s3 =	sld [smem:$0x3FDB];
	s0 =	simm.s32 @p2 $0x1  }
0x17: {  	s4 =	simm.s32 $0x1BF5;
	[smem:$0x3FB8] =	sst s0  }
0x18: {  	s0 =	sld [smem:$0x3F9B];
	_ =	swait.ge [sflag:s4], $0x0  }
0x19: {  	s7 =	sld [smem:$0x3F9C]  }
0x1a: {  	s8 =	sadd.s32 $0xFFFFE003, lr  }
0x1b: {  	s9 =	sadd.s32 $0xFFFFFEF7, lr;
	s5 =	simm.s32 $0xFFFFFFFF;
	p2 =	slt.u32 s8, $0xFFFFF086  }
0x1c: {  	p1 =	slt.u32 s9, $0xF7A;
	s5 =	simm.s32 @!p2 $0x0  }
0x1d: {  	s5 =	simm.s32 @p1 $0x1;
	p0 =	seq.s32 s7, s2  }
0x1e: {  	s7 =	smul.u32 @!p0 $0xF7A, s2;
	p2 =	seq.s32 @!p0 s5, $0x0  }
0x1f: {  	s9 =	smul.u32 $0xF7A, s1;
	s8 =	simm.s32 @!p0 $0x1BF5;
	p2 =	por !p2, p0  }
0x20: {  	[sflag:s8] =	ssyncset.s32 @!p0 $0xFFFFF086;
	s6 =	sadd.s32 @!p0 s3, s7;
	s7 =	simm.s32 @!p0 $0x108  }
0x21: {  	s3 =	sadd.s32 s3, s9;
	s6 =	sadd.s32 @!p0 $0x88, s6;
	s7 =	simm.s32 @p2 $0x1082  }
0x22: {  	[simem:s7], [sflag:s8] =	dma.local @!p0 [hbm:s6], $0xF7A  }
0x23: {  	s9 =	sor.u32 $0xD0000000, s2;
	s6 =	simm.s32 $0x108;
	_ =	swait.ge @!p0 [sflag:s8], $0x0  }
0x24: {  	s3 =	sadd.s32 $0x88, s3;
	s6 =	simm.s32 @!p1 $0x1082;
	[sflag:s4] =	ssyncset.s32 $0xFFFFF086  }
0x25: {  	[simem:s6], [sflag:s4] =	dma.local [hbm:s3], $0xF7A  }
0x26: {  	[smem:$0x3F9C] =	sst s1;
	(tag) =	ssettag s2;
	_ =	strace s9  }
0x27: {  	s1 =	sld [smem:$0x3FAC]  }
0x28: {  	s2 =	sld [smem:$0x3FAD]  }
0x29: {  	s4 =	sld [smem:$0x3FAF]  }
0x2a: {  	p0 =	seq.s32 s5, $0x0;
	s5 =	sld [smem:$0x3FB0]  }
0x2b: {  	s6 =	sld [smem:$0x3FB1]  }
0x2c: {  	s7 =	sld [smem:$0x3FB2]  }
0x2d: {  	s3 =	simm.s32 $0x108;
	s8 =	sld [smem:$0x3FB3]  }
0x2e: {  	s3 =	simm.s32 @!p0 $0x1082;
	s9 =	sld [smem:$0x3FB4]  }
0x2f: {  	lr =	sadd.s32 s0, s3;
	s0 =	sld [smem:$0x3FAB]  }
0x30: {  	s3 =	sld [smem:$0x3FAE]  }
0x31: {  	[smem:$0x3FB7] =	sst s10  }
0x32: {  	s10 =	sld [smem:$0x3FB5];
	_ =	sdelay $0x3  }
0x33: {  	p0 =	seq.s32 s10, $0x1;
	s10 =	sld [smem:$0x3FB7];
	_ =	sdelay $0x3  }
0x34: {  	[smem:$0x3FB7] =	sst s10  }
0x35: {  	s10 =	sld [smem:$0x3FB6];
	_ =	sdelay $0x3  }
0x36: {  	p1 =	seq.s32 s10, $0x1;
	s10 =	sld [smem:$0x3FB7];
	_ =	sdelay $0x3  }
0x37: {  	[smem:$0x3FB7] =	sst s10  }
0x38: {  	s10 =	sld [smem:$0x3FB8]  }
0x39: {  	_ = 	snop;
	(pc) =	sbr.ind lr, $3  }
0x3a: {  	_ = 	snop  }
0x3b: {  	_ = 	snop  }
0x3c: {  	p2 =	seq.s32 s10, $0x1;
	s10 =	sld [smem:$0x3FB7]  }
0x3d: {  	_ =	shalt  }
0x3e: {  	_ =	shalt  }
0x3f: {  	_ =	shalt  }
0x40: {  	_ =	shalt  }
0x41: {  	_ =	shalt  }
0x42: {  	_ =	shalt  }
0x43: {  	_ =	shalt  }
0x44: {  	_ =	shalt  }
0x45: {  	_ =	shalt  }
0x46: {  	_ =	shalt  }
0x47: {  	_ =	shalt  }
0x48: {  	_ =	shalt  }
0x49: {  	_ =	shalt  }
0x4a: {  	_ =	shalt  }
0x4b: {  	_ =	shalt  }
0x4c: {  	_ =	shalt  }
0x4d: {  	_ =	shalt  }
0x4e: {  	_ =	shalt  }
0x4f: {  	_ =	shalt  }
0x50: {  	_ =	shalt  }
0x51: {  	_ =	shalt  }
0x52: {  	_ =	shalt  }
0x53: {  	_ =	shalt  }
0x54: {  	_ =	shalt  }
0x55: {  	_ =	shalt  }
0x56: {  	_ =	shalt  }
0x57: {  	_ =	shalt  }
0x58: {  	_ =	shalt  }
0x59: {  	_ =	shalt  }
0x5a: {  	_ =	shalt  }
0x5b: {  	_ =	shalt  }
0x5c: {  	_ =	shalt  }
0x5d: {  	_ =	shalt  }
0x5e: {  	_ =	shalt  }
0x5f: {  	_ =	shalt  }
0x60: {  	_ =	shalt  }
0x61: {  	_ =	shalt  }
0x62: {  	_ =	shalt  }
0x63: {  	_ =	shalt  }
0x64: {  	_ =	shalt  }
0x65: {  	_ =	shalt  }
0x66: {  	_ =	shalt  }
0x67: {  	_ =	shalt  }
0x68: {  	_ =	shalt  }
0x69: {  	_ =	shalt  }
0x6a: {  	_ =	shalt  }
0x6b: {  	_ =	shalt  }
0x6c: {  	_ =	shalt  }
0x6d: {  	_ =	shalt  }
0x6e: {  	_ =	shalt  }
0x6f: {  	_ =	shalt  }
0x70: {  	_ =	shalt  }
0x71: {  	_ =	shalt  }
0x72: {  	_ =	shalt  }
0x73: {  	_ =	shalt  }
0x74: {  	_ =	shalt  }
0x75: {  	_ =	shalt  }
0x76: {  	_ =	shalt  }
0x77: {  	_ =	shalt  }
0x78: {  	_ =	shalt  }
0x79: {  	_ =	shalt  }
0x7a: {  	_ =	shalt  }
0x7b: {  	_ =	shalt  }
0x7c: {  	_ =	shalt  }
0x7d: {  	_ =	shalt  }
0x7e: {  	_ =	shalt  }
0x7f: {  	_ =	shalt  }
0x80: {  	_ =	shalt  }
0x81: {  	_ =	shalt  }
0x82: {  	_ =	shalt  }
0x83: {  	_ =	shalt  }
0x84: {  	_ =	shalt  }
0x85: {  	_ =	shalt  }
0x86: {  	_ =	shalt  }
0x87: {  	_ =	shalt  }
.Lfunc_end0:
.L_simem_size_0:
called_computation.1_lowered:
.L_overlay_start_0:
0x88: {  	s2 =	sld [smem:$0x3FD9]  }
0x89: {  	s3 =	sld [smem:$0x3FFE];
	_ =	sdelay $0x1  }
0x8a: {  	s1 =	srdreg.scid  }
0x8b: {  	s0 =	sand.u32 $0x1, s1  }
0x8c: {  	s17 =	sshll.u32 s0, $0xA;
	s2 =	sadd.s32 s3, s2  }
0x8d: {  	s2 =	sadd.s32 s2, s17  }
0x8e: {  	[smem:$0x3FC3] =	sst s2  }
0x8f: {  	_ = 	snop  }
0x90: {  	s2 =	sld [smem:$0x3FC9]  }
0x91: {  	s18 =	sld [smem:$0x3FC8]  }
0x92: {  	s4 =	sld [smem:$0x3FC7]  }
0x93: {  	s5 =	sld [smem:$0x3FD0];
	(tm) =	ssettm $0x1  }
0x94: {  	s6 =	sld [smem:$0x3FFB];
	_ =	sdelay $0x3  }
0x95: {  	_ =	strace s6  }
0x96: {  	s6 =	sld [smem:$0x3FFC];
	_ =	sdelay $0x3  }
0x97: {  	_ =	strace s6  }
0x98: {  	s6 =	sld [smem:$0x3FFD];
	_ =	sdelay $0x3  }
0x99: {  	_ =	strace s6  }
0x9a: {  	_ =	strace $0x8FFFFFFF  }
0x9b: {  	s19 =	sld [smem:$0x3FDB];
	_ =	sdelay $0x1  }
0x9c: {  	s7 =	simm.s32 $_scs_section_size  }
0x9d: {  	s8 =	simm.s32 $_size__tile_overlayer_lowered;
	s9 =	simm.s32 $_tile_overlayer_lowered  }
0x9e: {  	s22 =	simm.s32 $0x1BFF;
	s21 =	sshll.u32 s9, $0x1;
	s6 =	sadd.s32 s7, s19  }
0x9f: {  	s10 =	simm.s32 $0x0;
	s20 =	sshll.u32 s8, $0x1;
	s8 =	sadd.s32 s21, s6  }
0xa0: {  	[timem:s10], [sflag:s22] =	dma.local [hbm:s8], s20  }
0xa1: {  	_ =	swait.ge [sflag:s22], s20  }
0xa2: {  	s7 =	ssub.s32 $0x0, s20;
	[sflag:s22] =	ssyncset.done $0x0  }
0xa3: {  	[sflag:s22] =	ssyncadd.s32 s7;
	_ =	sdelay $0x1  }
0xa4: {  	s23 =	simm.s32 $0x1B8B  }
0xa5: {  	_ =	swait.ge [sflag:s23], $0x1  }
0xa6: {  	[sflag:s23] =	ssyncset.done $0x0  }
0xa7: {  	s25 =	simm.s32 $0x1B8E;
	s24 =	sld [smem:$0x3FFE];
	[sflag:s23] =	ssyncadd.s32 $0xFFFFFFFF  }
0xa8: {  	s26 =	simm.s32 $execute0_lowered;
	[smem:$0x3FD2] =	sst s25  }
0xa9: {  	s8 =	sshll.u32 s26, $0x1;
	_ =	strace $0x80000049;
	[dreg:$0x1] =	wrdreg $0xFFFFFFFF  }
0xaa: {  	s28 =	simm.s32 $_size_execute0_lowered;
	s6 =	sadd.s32 s6, s8;
	[dreg:$0x0] =	wrdreg $0x0  }
0xab: {  	s8 =	sshll.u32 s28, $0x1;
	[dreg:$0x2] =	wrdreg s6  }
0xac: {  	[dreg:$0x3] =	wrdreg s8  }
0xad: {  	[dreg:$0x4] =	wrdreg $0xC0  }
0xae: {  	_ =	task [dreg:s10], $0x5FFFF  }
0xaf: {  	[dreg:$0x1] =	wrdreg $0xFFFFFFFF  }
0xb0: {  	[dreg:$0x0] =	wrdreg $0x60  }
0xb1: {  	[dreg:$0x2] =	wrdreg s2  }
0xb2: {  	[dreg:$0x3] =	wrdreg s18  }
0xb3: {  	[dreg:$0x4] =	wrdreg s4  }
0xb4: {  	[dreg:$0x5] =	wrdreg s24  }
0xb5: {  	[dreg:$0x6] =	wrdreg s5  }
0xb6: {  	[dreg:$0x7] =	wrdreg $0x9  }
0xb7: {  	_ =	task.clear_ibuf [dreg:s10], $0x8FFFF;
	_ =	strace $0x90000049  }
0xb8: {  	s29 =	simm.s32 $0x9;
	_ =	strace $0x8000004B  }
0xb9: {  	_ =	swait.ge [sflag:s29], $0x1  }
0xba: {  	[sflag:s29] =	ssyncadd.s32 $0xFFFFFFFF  }
0xbb: {  	_ =	strace $0x9000004B  }
0xbc: {  	_ =	sfence  }
0xbd: {  	s30 =	sld [smem:$0x0];
	_ =	sdelay $0x2  }
0xbe: {  	s31 =	sshll.u32 s1, $0xD;
	s1 =	sshrl.u32 s1, $0x2  }
0xbf: {  	s3 =	sand.u32 $0x4000, s31;
	s1 =	sadd.s32 s1, s30  }
0xc0: {  	s0 =	sor.u32 s3, s0;
	s1 =	sshll.u32 s1, $0x11  }
0xc1: {  	s0 =	sor.u32 s1, s0  }
0xc2: {  	s0 =	sadd.s32 $0x8F2B, s0  }
0xc3: {  	[sflag:s0] =	ssyncadd.remote.s32 $0x1  }
0xc4: {  	_ =	sfence.sel $0xFFFF  }
0xc5: {  	[dreg:$0x0] =	wrdreg $0xFFFFFFFF;
	(pc) =	sbr.abs _section_cstart, $3  }
0xc6: {  	[dreg:$0x1] =	wrdreg $0xFFFFFFFF  }
0xc7: {  	_ =	task.clear_ibuf [dreg:s10], $0x2FFFF;
	_ =	strace $0x9FFFFFFF  }
0xc8: {  	(tm) =	ssettm $0x7FFFFFFF  }
0xc9: {  	_ =	shalt  }
tec
execute0_lowered:
.L_overlay_start_1:
0x0: {  	(tag) =	ssettag $0x1  }
0x1: {  	s0 =	rddreg [dreg:$0x0]  }
0x2: {  	s1 =	rddreg [dreg:$0x1]  }
0x3: {  	s7 =	rddreg [dreg:$0x2]  }
0x4: {  	s4 =	rddreg [dreg:$0x3]  }
0x5: {  	s11 =	rddreg [dreg:$0x4]  }
0x6: {  	s2 =	srdreg.scid;
	s5 =	stileid.u32;
	s14 =	simm.s32 $0x200  }
0x7: {  	s15 =	simm.s32 $0x400;
	s19 =	simm.s32 $0x80;
	s20 =	simm.s32 $0xC00  }
0x8: {  	s21 =	simm.s32 $0x4C00;
	s22 =	simm.s32 $0x8C00;
	s17 =	simm.s32 $0x180  }
0x9: {  	s18 =	simm.s32 $0x3C00;
	s23 =	simm.s32 $0x380;
	s24 =	simm.s32 $0x7C00  }
0xa: {  	s25 =	simm.s32 $0x580;
	s28 =	simm.s32 $0x1;
	s29 =	simm.s32 $0xCC00  }
0xb: {  	s30 =	simm.s32 $0x0;
	s3 =	sand.u32 $0x1, s2;
	s2 =	simm.s32 $0x0  }
0xc: {  	s5 =	sshll.u32 s5, $0x7;
	s6 =	sshll.u32 s3, $0x6;
	[smem:$0x7FF] =	sst s2  }
0xd: {  	s26 =	ssub.s32 $0x2, s3;
	s3 =	sadd.s32 $0x7A2000, s4;
	s12 =	sor.u32 s6, s5  }
0xe: {  	_ =	strace $0x8000004A;
	s31 =	sshrl.u32 s26, $0x1;
	s10 =	sadd.s32 s12, s4  }
0xf: {  	s4 =	sadd.s32 $0xB72A00, s4;
	s13 =	ssub.s32 s26, s31;
	s5 =	sadd.s32 s0, s12  }
0x10: {  	s6 =	sadd.s32 s1, s12;
	s7 =	sadd.s32 s7, s12;
	s26 =	simm.s32 $0xBC00  }
0x11: {  	v0 =	vlaneseq.u32;
	s11 =	sadd.s32 s11, s12;
	s8 =	sadd.s32 $0xF44400, s10;
	s9 =	sadd.s32 $0xF43C00, s10  }
0x12: {  	v0 =	vmul.u32 $0x20, v0;
	s10 =	sadd.s32 $0xF43400, s10;
	s12 =	smax.u32 s13, $0x1;
	s13 =	simm.s32 $0x2  }
.LBB2_1:
0x13: {  	[tilespmem:s2], [sflag:$0x2] =	stream.linear.gather [hbm4b:s5+s2], $0x200, $0x38;
	[tilespmem:$0xCE00] =	vst v63  }
0x14: {  	_ =	swait.ge [sflag:s13], $0x200  }
0x15: {  	[sflag:s13] =	ssyncset.done $0x0  }
0x16: {  	[sflag:s13] =	ssyncadd.s32 $0xFFFFFE00  }
0x17: {  	[tilespmem:s14], [sflag:$0x2] =	stream.linear.gather [hbm4b:s6+s2], $0x200, $0x38;
	[tilespmem:$0xCE00] =	vst v63  }
0x18: {  	_ =	swait.ge [sflag:s13], $0x200  }
0x19: {  	[sflag:s13] =	ssyncset.done $0x0  }
0x1a: {  	[sflag:s13] =	ssyncadd.s32 $0xFFFFFE00  }
0x1b: {  	[tilespmem:s15], [sflag:$0x2] =	stream.linear.gather [hbm4b:s7+s2], $0x200, $0x38;
	[tilespmem:$0xCE00] =	vst v63  }
0x1c: {  	_ =	swait.ge [sflag:s13], $0x200  }
0x1d: {  	[sflag:s13] =	ssyncset.done $0x0  }
0x1e: {  	s0 =	simm.s32 $0x600;
	[sflag:s13] =	ssyncadd.s32 $0xFFFFFE00  }
0x1f: {  	[tilespmem:s0], [sflag:$0x2] =	stream.linear.gather [hbm4b:s8+s2], $0x200, $0x38;
	[tilespmem:$0xCE00] =	vst v63  }
0x20: {  	_ =	swait.ge [sflag:s13], $0x200  }
0x21: {  	[sflag:s13] =	ssyncset.done $0x0  }
0x22: {  	s1 =	simm.s32 $0x800;
	[sflag:s13] =	ssyncadd.s32 $0xFFFFFE00  }
0x23: {  	[tilespmem:s1], [sflag:$0x2] =	stream.linear.gather [hbm4b:s9+s2], $0x200, $0x38;
	[tilespmem:$0xCE00] =	vst v63  }
0x24: {  	_ =	swait.ge [sflag:s13], $0x200  }
0x25: {  	[sflag:s13] =	ssyncset.done $0x0  }
0x26: {  	s16 =	simm.s32 $0xA00;
	[sflag:s13] =	ssyncadd.s32 $0xFFFFFE00  }
0x27: {  	[tilespmem:s16], [sflag:$0x2] =	stream.linear.gather [hbm4b:s10+s2], $0x200, $0x38;
	[tilespmem:$0xCE00] =	vst v63  }
0x28: {  	_ =	swait.ge [sflag:s13], $0x200  }
0x29: {  	[sflag:s13] =	ssyncset.done $0x0  }
0x2a: {  	[sflag:s13] =	ssyncadd.s32 $0xFFFFFE00  }
0x2b: {  	[tilespmem:s20], [sflag:$0x1] =	stream.indirect.gather [hbm4b:s3+s19], $0x20, s2, s19, $0xb8;
	[tilespmem:$0xCE00] =	vst v63  }
0x2c: {  	_ = 	snop  }
0x2d: {  	[tilespmem:s21], [sflag:$0x1] =	stream.indirect.gather [hbm4b:s4+s19], $0x20, s14, s19, $0xb8;
	[tilespmem:$0xCE00] =	vst v63  }
0x2e: {  	_ = 	snop  }
0x2f: {  	[tilespmem:s22], [sflag:$0x1] =	stream.indirect.gather [hbm4b:s4+s19], $0x20, s15, s19, $0xb8;
	[tilespmem:$0xCE00] =	vst v63  }
0x30: {  	s1 =	simm.s32 $0x1C00  }
0x31: {  	[tilespmem:s1], [sflag:$0x1] =	stream.indirect.gather [hbm4b:s3+s19], $0x20, s19, s19, $0xb8;
	[tilespmem:$0xCE00] =	vst v63  }
0x32: {  	s16 =	simm.s32 $0x280;
	s1 =	simm.s32 $0x5C00  }
0x33: {  	[tilespmem:s1], [sflag:$0x1] =	stream.indirect.gather [hbm4b:s4+s19], $0x20, s16, s19, $0xb8;
	[tilespmem:$0xCE00] =	vst v63  }
0x34: {  	s1 =	simm.s32 $0x480;
	s16 =	simm.s32 $0x9C00  }
0x35: {  	[tilespmem:s16], [sflag:$0x1] =	stream.indirect.gather [hbm4b:s4+s19], $0x20, s1, s19, $0xb8;
	[tilespmem:$0xCE00] =	vst v63  }
0x36: {  	s1 =	simm.s32 $0x100;
	s16 =	simm.s32 $0x2C00  }
0x37: {  	[tilespmem:s16], [sflag:$0x1] =	stream.indirect.gather [hbm4b:s3+s19], $0x20, s1, s19, $0xb8;
	[tilespmem:$0xCE00] =	vst v63  }
0x38: {  	s1 =	simm.s32 $0x300;
	s16 =	simm.s32 $0x6C00  }
0x39: {  	[tilespmem:s16], [sflag:$0x1] =	stream.indirect.gather [hbm4b:s4+s19], $0x20, s1, s19, $0xb8;
	[tilespmem:$0xCE00] =	vst v63  }
0x3a: {  	s1 =	simm.s32 $0x500;
	s16 =	simm.s32 $0xAC00  }
0x3b: {  	[tilespmem:s16], [sflag:$0x1] =	stream.indirect.gather [hbm4b:s4+s19], $0x20, s1, s19, $0xb8;
	[tilespmem:$0xCE00] =	vst v63  }
0x3c: {  	_ = 	snop  }
0x3d: {  	[tilespmem:s18], [sflag:$0x1] =	stream.indirect.gather [hbm4b:s3+s19], $0x20, s17, s19, $0xb8;
	[tilespmem:$0xCE00] =	vst v63  }
0x3e: {  	_ = 	snop  }
0x3f: {  	[tilespmem:s24], [sflag:$0x1] =	stream.indirect.gather [hbm4b:s4+s19], $0x20, s23, s19, $0xb8;
	[tilespmem:$0xCE00] =	vst v63  }
0x40: {  	_ = 	snop  }
0x41: {  	[tilespmem:s26], [sflag:$0x1] =	stream.indirect.gather [hbm4b:s4+s19], $0x20, s25, s19, $0xb8;
	[tilespmem:$0xCE00] =	vst v63  }
0x42: {  	_ =	swait.ge [sflag:s28], $0x1000  }
0x43: {  	[sflag:s28] =	ssyncset.done $0x0  }
0x44: {  	[sflag:s28] =	ssyncadd.s32 $0xFFFFF000  }
0x45: {  	_ =	swait.ge [sflag:s28], $0x1000  }
0x46: {  	[sflag:s28] =	ssyncset.done $0x0  }
0x47: {  	[sflag:s28] =	ssyncadd.s32 $0xFFFFF000  }
0x48: {  	_ =	swait.ge [sflag:s28], $0x1000  }
0x49: {  	[sflag:s28] =	ssyncset.done $0x0  }
0x4a: {  	[sflag:s28] =	ssyncadd.s32 $0xFFFFF000  }
0x4b: {  	_ =	swait.ge [sflag:s28], $0x1000  }
0x4c: {  	[sflag:s28] =	ssyncset.done $0x0  }
0x4d: {  	[sflag:s28] =	ssyncadd.s32 $0xFFFFF000  }
0x4e: {  	_ =	swait.ge [sflag:s28], $0x1000  }
0x4f: {  	[sflag:s28] =	ssyncset.done $0x0  }
0x50: {  	[sflag:s28] =	ssyncadd.s32 $0xFFFFF000  }
0x51: {  	_ =	swait.ge [sflag:s28], $0x1000  }
0x52: {  	[sflag:s28] =	ssyncset.done $0x0  }
0x53: {  	[sflag:s28] =	ssyncadd.s32 $0xFFFFF000  }
0x54: {  	_ =	swait.ge [sflag:s28], $0x1000  }
0x55: {  	[sflag:s28] =	ssyncset.done $0x0  }
0x56: {  	[sflag:s28] =	ssyncadd.s32 $0xFFFFF000  }
0x57: {  	_ =	swait.ge [sflag:s28], $0x1000  }
0x58: {  	[sflag:s28] =	ssyncset.done $0x0  }
0x59: {  	[sflag:s28] =	ssyncadd.s32 $0xFFFFF000  }
0x5a: {  	_ =	swait.ge [sflag:s28], $0x1000  }
0x5b: {  	[sflag:s28] =	ssyncset.done $0x0  }
0x5c: {  	[sflag:s28] =	ssyncadd.s32 $0xFFFFF000  }
0x5d: {  	_ =	swait.ge [sflag:s28], $0x1000  }
0x5e: {  	[sflag:s28] =	ssyncset.done $0x0  }
0x5f: {  	[sflag:s28] =	ssyncadd.s32 $0xFFFFF000  }
0x60: {  	_ =	swait.ge [sflag:s28], $0x1000  }
0x61: {  	[sflag:s28] =	ssyncset.done $0x0  }
0x62: {  	[sflag:s28] =	ssyncadd.s32 $0xFFFFF000  }
0x63: {  	_ =	swait.ge [sflag:s28], $0x1000  }
0x64: {  	[sflag:s28] =	ssyncset.done $0x0  }
0x65: {  	s31 =	simm.s32 $0x0;
	[sflag:s28] =	ssyncadd.s32 $0xFFFFF000  }
.LBB2_2:
0x66: {  	s0 =	sshll.u32 s31, $0x4  }
0x67: {  	v1 =	vld [tilespmem:s0+$0x800]  }
0x68: {  	v2 =	vld [tilespmem:s0+$0xA00];
	_ =	sdelay $0x1  }
0x69: {  	v3 =	vld [tilespmem:s0+$0x600]  }
0x6a: {  	s1 =	simm.s32 $0x0;
	v4 =	vmov s0  }
0x6b: {  	v4 =	vshll.u32 v4, $0x5;
	v5 =	vadd.s32 s1, v1  }
0x6c: {  	v4 =	vor.u32 v0, v4;
	v6 =	vadd.s32 s1, v2;
	v5 =	vand.u32 $0x1F, v5  }
0x6d: {  	v6 =	vand.u32 $0x1F, v6;
	v5 =	vor.u32 v4, v5  }
0x6e: {  	v7 =	vadd.s32 s1, v3;
	v6 =	vor.u32 v4, v6  }
0x6f: {  	v7 =	vand.u32 $0x1F, v7  }
0x70: {  	s16 =	simm.s32 $0x1;
	v7 =	vor.u32 v4, v7  }
0x71: {  	v8 =	vadd.s32 s16, v1  }
0x72: {  	v9 =	vadd.s32 s16, v2;
	v8 =	vand.u32 $0x1F, v8;
	v10 =	vld.idx.msk [tilespmem:v5+s21+$0x0], $0xffff  }
0x73: {  	v8 =	vor.u32 v4, v8;
	v5 =	vand.u32 $0x1F, v9;
	v9 =	vld.idx.msk [tilespmem:v6+s22+$0x0], $0xffff  }
0x74: {  	v6 =	vadd.s32 s16, v3;
	v11 =	vor.u32 v4, v5  }
0x75: {  	s16 =	simm.s32 $0x2;
	v12 =	vld.idx.msk [tilespmem:v7+s20+$0x0], $0xffff;
	v5 =	vand.u32 $0x1F, v6  }
0x76: {  	v6 =	vadd.s32 s16, v1;
	v13 =	vor.u32 v4, v5  }
0x77: {  	v14 =	vadd.s32 s16, v2;
	v7 =	vand.u32 $0x1F, v6  }
0x78: {  	v6 =	vld.idx.msk [tilespmem:v8+s21+$0x0], $0xffff;
	v8 =	vor.u32 v4, v7;
	v15 =	vsub.f32 v10, v9;
	v10 =	vand.u32 $0x1F, v14  }
0x79: {  	v9 =	vadd.s32 s16, v3;
	v7 =	vld.idx.msk [tilespmem:v11+s22+$0x0], $0xffff;
	v10 =	vor.u32 v4, v10  }
0x7a: {  	v11 =	vand.u32 $0x1F, v9;
	v12 =	vmul.f32 v15, v12  }
0x7b: {  	s1 =	simm.s32 $0x3;
	v5 =	vimm.f32 $0.0e+00;
	v9 =	vld.idx.msk [tilespmem:v13+s20+$0x0], $0xffff;
	v11 =	vor.u32 v4, v11  }
.LBB2_3:
0x7c: {  	v13 =	vadd.s32 s1, v1;
	v5 =	vadd.f32 v12, v5;
	s16 =	smov.u32 s1;
	p0 =	sne.s32 s1, $0x1F  }
.Ltmp0:
0x7d: {  	s1 =	sadd.s32 $0x1, s1;
	v14 =	vmov v6;
	v12 =	vand.u32 $0x1F, v13;
	v13 =	vadd.s32 s16, v2;
	v6 =	vld.idx.msk [tilespmem:v8+s21+$0x0], $0xffff;
	(pc) =	sbr.rel @p0 .LBB2_3-.Ltmp0, $4  }
0x7e: {  	v8 =	vor.u32 v4, v12;
	v12 =	vand.u32 $0x1F, v13;
	v13 =	vsub.f32 v14, v7;
	v7 =	vld.idx.msk [tilespmem:v10+s22+$0x0], $0xffff  }
0x7f: {  	v14 =	vadd.s32 s16, v3;
	v10 =	vor.u32 v4, v12  }
0x80: {  	v14 =	vand.u32 $0x1F, v14;
	v12 =	vmul.f32 v13, v9;
	v9 =	vld.idx.msk [tilespmem:v11+s20+$0x0], $0xffff  }
0x81: {  	v11 =	vor.u32 v4, v14  }
0x82: {  	_ =	sdelay $0x3  }
0x83: {  	v1 =	vld.idx.msk [tilespmem:v8+s21+$0x0], $0xffff  }
0x84: {  	v2 =	vld.idx.msk [tilespmem:v10+s22+$0x0], $0xffff;
	_ =	sdelay $0x1  }
0x85: {  	v3 =	vld.idx.msk [tilespmem:v11+s20+$0x0], $0xffff  }
0x86: {  	v4 =	vsub.f32 v6, v7;
	_ =	sdelay $0x1  }
0x87: {  	v5 =	vadd.f32 v12, v5;
	s31 =	sadd.s32 $0x1, s31;
	v4 =	vmul.f32 v4, v9;
	v1 =	vsub.f32 v1, v2  }
0x88: {  	p0 =	sne.s32 s31, $0x20  }
.Ltmp1:
0x89: {  	v2 =	vadd.f32 v4, v5;
	v1 =	vmul.f32 v1, v3;
	(pc) =	sbr.rel @p0 .LBB2_2-.Ltmp1, $3  }
0x8a: {  	_ = 	snop  }
0x8b: {  	v1 =	vadd.f32 v1, v2;
	_ =	sdelay $0x1  }
0x8c: {  	[tilespmem:s0+$0xCC00] =	vst v1  }
0x8d: {  	s30 =	sadd.s32 $0x1, s30  }
0x8e: {  	p0 =	sne.s32 s30, s12  }
.Ltmp2:
0x8f: {  	_ = 	snop;
	(pc) =	sbr.rel @p0 .LBB2_1-.Ltmp2, $4  }
0x90: {  	[hbm4b:s11+s2] =	stream.linear.scatter [tilespmem:s29], [sflag:$0x2], $0x200, $0x38;
	[tilespmem:$0xCE00] =	vst v63  }
0x91: {  	_ =	swait.ge [sflag:s13], $0x200  }
0x92: {  	[sflag:s13] =	ssyncset.done $0x0  }
0x93: {  	[sflag:s13] =	ssyncadd.s32 $0xFFFFFE00  }
0x94: {  	_ =	sfence.sel $0x180000  }
0x95: {  	[bflag:$0x0] =	sbarrier.arrive $0xFFFF  }
0x96: {  	_ =	strace $0x9000004A  }
0x97: {  	s0 =	stileid.u32;
	[bflag:$0x2] =	sbarrier.arrive $0xFFFF  }
0x98: {  	p0 =	sne.s32 s0, $0x0;
	s0 =	rddreg [dreg:$0x5]  }
0x99: {  	s0 =	sadd.s32 @!p0 $0x100000, s0  }
0x9a: {  	[sflag:s0] =	ssyncadd.tile.s32 @!p0 $0x1;
	_ =	shalt  }
.Lfunc_end2:
_tile_overlayer_lowered:
.L_overlay_start_2:
0x9b: {  	(tag) =	ssettag $0x2  }
0x9c: {  	s0 =	rddreg [dreg:$0x0];
	s2 =	stileid.u32  }
0x9d: {  	s1 =	rddreg [dreg:$0x1];
	p0 =	sne.s32 s2, $0x0  }
0x9e: {  	s3 =	rddreg [dreg:$0x2];
	[bflag:$0x3] =	sbarrier.arrive $0xFFFF;
	s2 =	simm.s32 @!p0 $0x1C02  }
0x9f: {  	[timem:s3], [sflag:s2] =	dma.local @!p0 [hbm:s0], s1  }
0xa0: {  	s0 =	simm.s32 @!p0 $0x2  }
0xa1: {  	_ =	swait.ge @!p0 [sflag:s0], s1  }
0xa2: {  	s1 =	ssub.s32 @!p0 $0x0, s1;
	[sflag:s0] =	ssyncset.done @!p0 $0x0  }
0xa3: {  	[sflag:s0] =	ssyncadd.s32 @!p0 s1  }
0xa4: {  	[bflag:$0x3] =	sbarrier.arrive $0xFFFF  }
0xa5: {  	_ =	shalt  }

</sc_bundles>
